<compile_context>
chip_gen: v7x
topology: tpu7x:2x2x1
jax: 0.10.2.dev20260603
libtpu: 0.0.44.dev20260713+nightly
codegen_flags: <defaults>
</compile_context>

<pallas_src>
import jax
import jax.numpy as jnp
from jax import lax
from jax.experimental import pallas as pl
from jax.experimental.pallas import tpu as pltpu
from jax.experimental.pallas import tpu_sc as plsc

TOPK = 5
IGN = -100
V = 100000
N = 1024
L = 16
NW = 32
G = 4
OSC = 52480
CWA = 5888
NA = 8
ORG = OSC + CWA * NA
CRG = 384
OTL = ORG + CRG
CTL = V - OTL
CVA = CWA // L
CVR = CRG // L
CVT = CTL // L
UNROLL = 8


def _gather_body(mat_hbm, targ_hbm, tv_hbm, targv, wbuf, stage, sem_w):
    wid = lax.axis_index("s") * 2 + lax.axis_index("c")
    base = wid * (8 * G)
    pltpu.sync_copy(targ_hbm.at[pl.ds(base, 8 * G)], targv)

    for j in range(8 * G):
        v16 = targv[pl.ds((j // L) * L, L)]
        tj = jnp.clip(v16[j % L], 0, V - 1)
        a128 = pl.multiple_of((tj // 128) * 128, 128)
        rs = pl.multiple_of(base + (j // 8) * 8, 8)
        pltpu.async_copy(mat_hbm.at[pl.ds(rs, 8), pl.ds(a128, 128)],
                         wbuf.at[j], sem_w)
    for j in range(8 * G):
        pltpu.make_async_copy(mat_hbm.at[pl.ds(0, 8), pl.ds(0, 128)],
                              wbuf.at[j], sem_w).wait()
    for j in range(8 * G):
        tidx16 = plsc.load_gather(targv, [jnp.full((L,), j, jnp.int32)])
        tcv = jnp.clip(tidx16, 0, V - 1)
        tval16 = plsc.load_gather(
            wbuf, [jnp.full((L,), j, jnp.int32),
                   jnp.full((L,), j % 8, jnp.int32), tcv % 128])
        stage[pl.ds(j * L, L)] = tval16
    pltpu.sync_copy(stage, tv_hbm.at[pl.ds(base * L, 8 * G * L)])


def _count_body(mat_hbm, targ_hbm, tv_hbm, out_hbm, targv, tvv, accb, pcntb,
                bufa0, bufa1, bufr, buft, rblock, sem_c):
    wid = lax.axis_index("s") * 2 + lax.axis_index("c")
    base = wid * (8 * G)

    pltpu.sync_copy(targ_hbm.at[pl.ds(base, 8 * G)], targv)
    pltpu.sync_copy(tv_hbm.at[pl.ds(base * L, 8 * G * L)], tvv)

    lane = lax.iota(jnp.int32, L)
    zero16 = jnp.zeros((L,), jnp.int32)
    bufs = (bufa0, bufa1)
    for j in range(8 * G):
        accb[pl.ds(j * L, L)] = zero16
        pcntb[pl.ds(j * L, L)] = zero16

    pltpu.async_copy(mat_hbm.at[pl.ds(base, 8), pl.ds(OSC, CWA)], bufa0, sem_c)

    def wait_dma(buf, w):
        pltpu.make_async_copy(mat_hbm.at[pl.ds(0, 8), pl.ds(0, w)],
                              buf, sem_c).wait()

    def count_segment(buf, r, j, o, cv):
        tval16 = tvv[pl.ds(j * L, L)]
        tidx16 = plsc.load_gather(targv, [jnp.full((L,), j, jnp.int32)])
        tc = jnp.max(jnp.clip(tidx16, 0, V - 1))
        s = jnp.clip(tc - o, 0, cv * L)
        fs = s // L
        pcnt = pcntb[pl.ds(j * L, L)]
        acc = accb[pl.ds(j * L, L)]

        @plsc.parallel_loop(0, fs, unroll=UNROLL, carry=pcnt)
        def ge_loop(i, a):
            x = buf[r, pl.ds(i * L, L)]
            return a + plsc.all_reduce_population_count(x >= tval16)
        pcnt = ge_loop

        fm = jnp.minimum(fs, cv - 1)
        x = buf[r, pl.ds(fm * L, L)]
        posv = jnp.full((L,), o + fm * L, jnp.int32) + lane
        m = (x > tval16) | ((x == tval16) & (posv < tidx16))
        m = m & (jnp.full((L,), fs, jnp.int32) < cv)
        acc = acc + jnp.where(m, 1, 0).astype(jnp.int32)

        @plsc.parallel_loop(fs + 1, cv, unroll=UNROLL, carry=pcnt)
        def gt_loop(i, a):
            x = buf[r, pl.ds(i * L, L)]
            return a + plsc.all_reduce_population_count(x > tval16)
        pcnt = gt_loop

        pcntb[pl.ds(j * L, L)] = pcnt
        accb[pl.ds(j * L, L)] = acc

    def group_body(g, _):
        rs_g = pl.multiple_of(base + g * 8, 8)

        def pair_body(p, _2):
            for k in range(2):
                c = 2 * p + k
                wait_dma(bufs[k], CWA)
                o_next = pl.multiple_of(OSC + (c + 1) * CWA, 128)

                @pl.when(c < NA - 1)
                def _3():
                    pltpu.async_copy(
                        mat_hbm.at[pl.ds(rs_g, 8), pl.ds(o_next, CWA)],
                        bufs[1 - k], sem_c)

                @pl.when(c == NA - 1)
                def _3b():
                    pltpu.async_copy(
                        mat_hbm.at[pl.ds(rs_g, 8), pl.ds(ORG, CRG)],
                        bufr, sem_c)
                    pltpu.async_copy(
                        mat_hbm.at[pl.ds(rs_g, 8), pl.ds(OTL, CTL)],
                        buft.at[0], sem_c)

                o = pl.multiple_of(OSC + c * CWA, 128)

                def rows_body(r, _4):
                    count_segment(bufs[k], r, g * 8 + r, o, CVA)
                    return 0
                lax.fori_loop(0, 8, rows_body, 0)
            return 0
        lax.fori_loop(0, NA // 2, pair_body, 0)

        wait_dma(bufr, CRG)
        pltpu.make_async_copy(mat_hbm.at[pl.ds(0, 8), pl.ds(OTL, CTL)],
                              buft.at[0], sem_c).wait()
        rs_n = pl.multiple_of(jnp.minimum(base + (g + 1) * 8, N - 8), 8)
        pltpu.async_copy(mat_hbm.at[pl.ds(rs_n, 8), pl.ds(OSC, CWA)],
                         bufa0, sem_c)

        def rows_bodyr(r, _6):
            count_segment(bufr, r, g * 8 + r, ORG, CVR)
            count_segment(buft.at[0], r, g * 8 + r, OTL, CVT)
            return 0
        lax.fori_loop(0, 8, rows_bodyr, 0)

        def fin_body(r, _7):
            j = g * 8 + r
            rank = (jnp.sum(accb[pl.ds(j * L, L)])
                    + jnp.max(pcntb[pl.ds(j * L, L)]))
            rblock[j, pl.ds(0, L)] = jnp.full((L,), rank, jnp.int32)
            return 0
        lax.fori_loop(0, 8, fin_body, 0)
        return 0

    lax.fori_loop(0, G, group_body, 0)
    wait_dma(bufa0, CWA)
    pltpu.sync_copy(rblock, out_hbm.at[pl.ds(base, 8 * G), :])


def _tc_body(x_ref, tv_ref, tg_ref, o_ref):
    x = x_ref[...]
    tv = tv_ref[...]
    tg = tg_ref[...]
    ci = lax.broadcasted_iota(jnp.int32, x.shape, 1)
    m = (x > tv) | ((x == tv) & (ci < tg))
    o_ref[...] = jnp.sum(m.astype(jnp.int32), axis=1, keepdims=True)


@jax.jit
def kernel(logits, targets):
    mat = logits.reshape(N, V)
    tflat = targets.reshape(-1).astype(jnp.int32)
    mesh = plsc.VectorSubcoreMesh(core_axis_name="c", subcore_axis_name="s")
    scp = pltpu.CompilerParams(needs_layout_passes=False)

    tvals = pl.kernel(
        _gather_body,
        out_type=jax.ShapeDtypeStruct((N * L,), jnp.float32),
        mesh=mesh,
        scratch_types=[
            pltpu.VMEM((8 * G,), jnp.int32),
            pltpu.VMEM((8 * G, 8, 128), jnp.float32),
            pltpu.VMEM((8 * G * L,), jnp.float32),
            pltpu.SemaphoreType.DMA,
        ],
        compiler_params=scp,
    )(mat, tflat)

    rank_sc = pl.kernel(
        _count_body,
        out_type=jax.ShapeDtypeStruct((N, L), jnp.int32),
        mesh=mesh,
        scratch_types=[
            pltpu.VMEM((8 * G,), jnp.int32),
            pltpu.VMEM((8 * G * L,), jnp.float32),
            pltpu.VMEM((8 * G * L,), jnp.int32),
            pltpu.VMEM((8 * G * L,), jnp.int32),
            pltpu.VMEM((8, CWA), jnp.float32),
            pltpu.VMEM((8, CWA), jnp.float32),
            pltpu.VMEM((8, CRG), jnp.float32),
            pltpu.VMEM((1, 8, CTL), jnp.float32),
            pltpu.VMEM((8 * G, L), jnp.int32),
            pltpu.SemaphoreType.DMA,
        ],
        compiler_params=scp,
    )(mat, tflat, tvals)

    tv2 = tvals.reshape(N, L)[:, :1]
    tg2 = tflat[:, None]
    rank_tc = pl.pallas_call(
        _tc_body,
        grid=(N // 64,),
        in_specs=[
            pl.BlockSpec((64, OSC), lambda i: (i, 0)),
            pl.BlockSpec((64, 1), lambda i: (i, 0)),
            pl.BlockSpec((64, 1), lambda i: (i, 0)),
        ],
        out_specs=pl.BlockSpec((64, 1), lambda i: (i, 0)),
        out_shape=jax.ShapeDtypeStruct((N, 1), jnp.int32),
    )(mat, tv2, tg2)

    rank = rank_sc[:, 0] + rank_tc[:, 0]
    valid = tflat != IGN
    hit = (rank < TOPK) & valid
    correct = hit.sum().astype(jnp.float32)
    vcnt = valid.sum().astype(jnp.float32)
    acc = correct / jnp.maximum(vcnt, 1.0)
    return jnp.where(vcnt == 0, jnp.float32(0.0), acc).astype(jnp.float32)

# --- scband reference (transcript-rebuilt; emitter-appended) ---
"""Pipeline reference for scband-simple-top-kaccuracy-28338194219137 (READ-ONLY COPY).

The authoritative reference and input builder live on the scoring server;
editing this copy changes nothing except your own understanding.
"""

import jax, jax.numpy as jnp
import numpy as np

TOP_K = 5
IGNORE_INDEX = -100

def setup_inputs(seed: int = 0) -> dict:
    key = jax.random.key(seed)
    k1, k2 = jax.random.split(key)
    logits = jax.random.normal(k1, (64, 16, 100000), dtype=jnp.float32)
    targets = jax.random.randint(k2, (64, 16), 0, 100000, dtype=jnp.int32)
    return {"logits": logits, "targets": targets}

def reference(logits, targets):
    # flatten [B, L, V] -> [N, V]
    if logits.ndim > 2:
        logits = logits.reshape(-1, logits.shape[-1])
        targets = targets.reshape(-1)
    mask = targets != IGNORE_INDEX
    valid_count = mask.sum()
    if TOP_K == 1:
        preds = jnp.argmax(logits, axis=-1)
        correct = (preds == targets) & mask
        acc = correct.sum().astype(jnp.float32) / jnp.maximum(valid_count, 1).astype(jnp.float32)
    else:
        _, preds = jax.lax.top_k(logits, TOP_K)
        targets_expanded = targets[:, None]
        correct_matrix = preds == targets_expanded
        correct_row = jnp.any(correct_matrix, axis=-1) & mask
        acc = correct_row.sum().astype(jnp.float32) / jnp.maximum(valid_count, 1).astype(jnp.float32)
    return jnp.where(valid_count == 0, jnp.float32(0.0), acc)

if __name__ == "__main__":
    import jax
    _d = setup_inputs()
    print(jax.jit(kernel)(*tuple(_d.values())))

</pallas_src>

<mosaic_0001>
#map = affine_map<(d0, d1) -> (0, 0)>
#map1 = affine_map<(d0, d1) -> (0)>
module attributes {stable_mosaic.version = 14 : i64} {
  func.func @_count_body(%arg0: i32, %arg1: i32, %arg2: memref<1024x100000xf32, #tpu.memory_space<hbm>>, %arg3: memref<1024xi32, #tpu.memory_space<hbm>>, %arg4: memref<16384xf32, #tpu.memory_space<hbm>>, %arg5: memref<1024x16xi32, #tpu.memory_space<hbm>>, %arg6: memref<32xi32, #tpu.memory_space<vmem>>, %arg7: memref<512xf32, #tpu.memory_space<vmem>>, %arg8: memref<512xi32, #tpu.memory_space<vmem>>, %arg9: memref<512xi32, #tpu.memory_space<vmem>>, %arg10: memref<8x5888xf32, #tpu.memory_space<vmem>>, %arg11: memref<8x5888xf32, #tpu.memory_space<vmem>>, %arg12: memref<8x384xf32, #tpu.memory_space<vmem>>, %arg13: memref<1x8x32xf32, #tpu.memory_space<vmem>>, %arg14: memref<32x16xi32, #tpu.memory_space<vmem>>, %arg15: memref<!tpu.dma_semaphore, #tpu.memory_space<semaphore_mem>>) attributes {dimension_semantics = [#tpu.dimension_semantics<core_parallel>, #tpu.dimension_semantics<subcore_parallel>], iteration_bounds = array<i64: 2, 16>, scalar_prefetch = 0 : i64, scratch_operands = 10 : i64, tpu.core_type = #tpu.core_type<sc_vector_subcore>, window_params = [{transform_indices = #map}, {transform_indices = #map1}, {transform_indices = #map1}, {transform_indices = #map}]} {
    %mul3A = arith.constant 2 : i32
    %mul3A_0 = arith.muli %arg1, %mul3A : i32
    %add3A = arith.addi %mul3A_0, %arg0 : i32
    %mul3A_1 = arith.constant 32 : i32
    %mul3A_2 = arith.muli %add3A, %mul3A_1 : i32
    "tpu.region"() ({
      %run_scoped3A = tpu.sem_alloc : memref<!tpu.dma_semaphore, #tpu.memory_space<semaphore_mem>>
      %dma_start3A_147 = tpu.memref_slice %arg3[%mul3A_2] : memref<1024xi32, #tpu.memory_space<hbm>> -> memref<32xi32, #tpu.memory_space<hbm>>
      %dma_start3A_148 = tpu.memref_slice %arg3[%mul3A_2] : memref<1024xi32, #tpu.memory_space<hbm>> -> memref<32xi32, #tpu.memory_space<hbm>>
      tpu.enqueue_dma source(%dma_start3A_148 : memref<32xi32, #tpu.memory_space<hbm>>) target(%arg6 : memref<32xi32, #tpu.memory_space<vmem>>) target_semaphore(%run_scoped3A : memref<!tpu.dma_semaphore, #tpu.memory_space<semaphore_mem>>)
      %dma_wait3A_149 = tpu.memref_slice %arg3[%mul3A_2] : memref<1024xi32, #tpu.memory_space<hbm>> -> memref<32xi32, #tpu.memory_space<hbm>>
      %dma_wait3A_150 = tpu.memref_slice %arg3[%mul3A_2] : memref<1024xi32, #tpu.memory_space<hbm>> -> memref<32xi32, #tpu.memory_space<hbm>>
      tpu.wait_dma2 semaphore(%run_scoped3A : memref<!tpu.dma_semaphore, #tpu.memory_space<semaphore_mem>>) src(%dma_wait3A_150 : memref<32xi32, #tpu.memory_space<hbm>>) dst(%arg6 : memref<32xi32, #tpu.memory_space<vmem>>)
      tpu.yield
    }) : () -> ()
    %mul3A_3 = arith.constant 16 : i32
    %mul3A_4 = arith.muli %mul3A_2, %mul3A_3 : i32
    "tpu.region"() ({
      %run_scoped3A = tpu.sem_alloc : memref<!tpu.dma_semaphore, #tpu.memory_space<semaphore_mem>>
      %dma_start3A_147 = tpu.memref_slice %arg4[%mul3A_4] : memref<16384xf32, #tpu.memory_space<hbm>> -> memref<512xf32, #tpu.memory_space<hbm>>
      %dma_start3A_148 = tpu.memref_slice %arg4[%mul3A_4] : memref<16384xf32, #tpu.memory_space<hbm>> -> memref<512xf32, #tpu.memory_space<hbm>>
      tpu.enqueue_dma source(%dma_start3A_148 : memref<512xf32, #tpu.memory_space<hbm>>) target(%arg7 : memref<512xf32, #tpu.memory_space<vmem>>) target_semaphore(%run_scoped3A : memref<!tpu.dma_semaphore, #tpu.memory_space<semaphore_mem>>)
      %dma_wait3A_149 = tpu.memref_slice %arg4[%mul3A_4] : memref<16384xf32, #tpu.memory_space<hbm>> -> memref<512xf32, #tpu.memory_space<hbm>>
      %dma_wait3A_150 = tpu.memref_slice %arg4[%mul3A_4] : memref<16384xf32, #tpu.memory_space<hbm>> -> memref<512xf32, #tpu.memory_space<hbm>>
      tpu.wait_dma2 semaphore(%run_scoped3A : memref<!tpu.dma_semaphore, #tpu.memory_space<semaphore_mem>>) src(%dma_wait3A_150 : memref<512xf32, #tpu.memory_space<hbm>>) dst(%arg7 : memref<512xf32, #tpu.memory_space<vmem>>)
      tpu.yield
    }) : () -> ()
    %iota3A = tpu.iota {dimensions = array<i32: 0>} : vector<16xi32>
    %broadcast_in_dim3A = arith.constant 0 : i32
    %broadcast_in_dim3A_5 = vector.broadcast %broadcast_in_dim3A : i32 to vector<16xi32>
    %swap3A = arith.constant 0 : index
    %swap3A_6 = tpu.vector_load %arg8[%swap3A] {strides = array<i32>} : memref<512xi32, #tpu.memory_space<vmem>>, vector<16xi32>,
    tpu.vector_store %arg8[%swap3A], %broadcast_in_dim3A_5 {strides = array<i32>} : memref<512xi32, #tpu.memory_space<vmem>>, vector<16xi32>,
    %swap3A_7 = arith.constant 0 : index
    %swap3A_8 = tpu.vector_load %arg9[%swap3A_7] {strides = array<i32>} : memref<512xi32, #tpu.memory_space<vmem>>, vector<16xi32>,
    tpu.vector_store %arg9[%swap3A_7], %broadcast_in_dim3A_5 {strides = array<i32>} : memref<512xi32, #tpu.memory_space<vmem>>, vector<16xi32>,
    %swap3A_9 = arith.constant 16 : index
    %swap3A_10 = tpu.vector_load %arg8[%swap3A_9] {strides = array<i32>} : memref<512xi32, #tpu.memory_space<vmem>>, vector<16xi32>,
    tpu.vector_store %arg8[%swap3A_9], %broadcast_in_dim3A_5 {strides = array<i32>} : memref<512xi32, #tpu.memory_space<vmem>>, vector<16xi32>,
    %swap3A_11 = arith.constant 16 : index
    %swap3A_12 = tpu.vector_load %arg9[%swap3A_11] {strides = array<i32>} : memref<512xi32, #tpu.memory_space<vmem>>, vector<16xi32>,
    tpu.vector_store %arg9[%swap3A_11], %broadcast_in_dim3A_5 {strides = array<i32>} : memref<512xi32, #tpu.memory_space<vmem>>, vector<16xi32>,
    %swap3A_13 = arith.constant 32 : index
    %swap3A_14 = tpu.vector_load %arg8[%swap3A_13] {strides = array<i32>} : memref<512xi32, #tpu.memory_space<vmem>>, vector<16xi32>,
    tpu.vector_store %arg8[%swap3A_13], %broadcast_in_dim3A_5 {strides = array<i32>} : memref<512xi32, #tpu.memory_space<vmem>>, vector<16xi32>,
    %swap3A_15 = arith.constant 32 : index
    %swap3A_16 = tpu.vector_load %arg9[%swap3A_15] {strides = array<i32>} : memref<512xi32, #tpu.memory_space<vmem>>, vector<16xi32>,
    tpu.vector_store %arg9[%swap3A_15], %broadcast_in_dim3A_5 {strides = array<i32>} : memref<512xi32, #tpu.memory_space<vmem>>, vector<16xi32>,
    %swap3A_17 = arith.constant 48 : index
    %swap3A_18 = tpu.vector_load %arg8[%swap3A_17] {strides = array<i32>} : memref<512xi32, #tpu.memory_space<vmem>>, vector<16xi32>,
    tpu.vector_store %arg8[%swap3A_17], %broadcast_in_dim3A_5 {strides = array<i32>} : memref<512xi32, #tpu.memory_space<vmem>>, vector<16xi32>,
    %swap3A_19 = arith.constant 48 : index
    %swap3A_20 = tpu.vector_load %arg9[%swap3A_19] {strides = array<i32>} : memref<512xi32, #tpu.memory_space<vmem>>, vector<16xi32>,
    tpu.vector_store %arg9[%swap3A_19], %broadcast_in_dim3A_5 {strides = array<i32>} : memref<512xi32, #tpu.memory_space<vmem>>, vector<16xi32>,
    %swap3A_21 = arith.constant 64 : index
    %swap3A_22 = tpu.vector_load %arg8[%swap3A_21] {strides = array<i32>} : memref<512xi32, #tpu.memory_space<vmem>>, vector<16xi32>,
    tpu.vector_store %arg8[%swap3A_21], %broadcast_in_dim3A_5 {strides = array<i32>} : memref<512xi32, #tpu.memory_space<vmem>>, vector<16xi32>,
    %swap3A_23 = arith.constant 64 : index
    %swap3A_24 = tpu.vector_load %arg9[%swap3A_23] {strides = array<i32>} : memref<512xi32, #tpu.memory_space<vmem>>, vector<16xi32>,
    tpu.vector_store %arg9[%swap3A_23], %broadcast_in_dim3A_5 {strides = array<i32>} : memref<512xi32, #tpu.memory_space<vmem>>, vector<16xi32>,
    %swap3A_25 = arith.constant 80 : index
    %swap3A_26 = tpu.vector_load %arg8[%swap3A_25] {strides = array<i32>} : memref<512xi32, #tpu.memory_space<vmem>>, vector<16xi32>,
    tpu.vector_store %arg8[%swap3A_25], %broadcast_in_dim3A_5 {strides = array<i32>} : memref<512xi32, #tpu.memory_space<vmem>>, vector<16xi32>,
    %swap3A_27 = arith.constant 80 : index
    %swap3A_28 = tpu.vector_load %arg9[%swap3A_27] {strides = array<i32>} : memref<512xi32, #tpu.memory_space<vmem>>, vector<16xi32>,
    tpu.vector_store %arg9[%swap3A_27], %broadcast_in_dim3A_5 {strides = array<i32>} : memref<512xi32, #tpu.memory_space<vmem>>, vector<16xi32>,
    %swap3A_29 = arith.constant 96 : index
    %swap3A_30 = tpu.vector_load %arg8[%swap3A_29] {strides = array<i32>} : memref<512xi32, #tpu.memory_space<vmem>>, vector<16xi32>,
    tpu.vector_store %arg8[%swap3A_29], %broadcast_in_dim3A_5 {strides = array<i32>} : memref<512xi32, #tpu.memory_space<vmem>>, vector<16xi32>,
    %swap3A_31 = arith.constant 96 : index
    %swap3A_32 = tpu.vector_load %arg9[%swap3A_31] {strides = array<i32>} : memref<512xi32, #tpu.memory_space<vmem>>, vector<16xi32>,
    tpu.vector_store %arg9[%swap3A_31], %broadcast_in_dim3A_5 {strides = array<i32>} : memref<512xi32, #tpu.memory_space<vmem>>, vector<16xi32>,
    %swap3A_33 = arith.constant 112 : index
    %swap3A_34 = tpu.vector_load %arg8[%swap3A_33] {strides = array<i32>} : memref<512xi32, #tpu.memory_space<vmem>>, vector<16xi32>,
    tpu.vector_store %arg8[%swap3A_33], %broadcast_in_dim3A_5 {strides = array<i32>} : memref<512xi32, #tpu.memory_space<vmem>>, vector<16xi32>,
    %swap3A_35 = arith.constant 112 : index
    %swap3A_36 = tpu.vector_load %arg9[%swap3A_35] {strides = array<i32>} : memref<512xi32, #tpu.memory_space<vmem>>, vector<16xi32>,
    tpu.vector_store %arg9[%swap3A_35], %broadcast_in_dim3A_5 {strides = array<i32>} : memref<512xi32, #tpu.memory_space<vmem>>, vector<16xi32>,
    %swap3A_37 = arith.constant 128 : index
    %swap3A_38 = tpu.vector_load %arg8[%swap3A_37] {strides = array<i32>} : memref<512xi32, #tpu.memory_space<vmem>>, vector<16xi32>,
    tpu.vector_store %arg8[%swap3A_37], %broadcast_in_dim3A_5 {strides = array<i32>} : memref<512xi32, #tpu.memory_space<vmem>>, vector<16xi32>,
    %swap3A_39 = arith.constant 128 : index
    %swap3A_40 = tpu.vector_load %arg9[%swap3A_39] {strides = array<i32>} : memref<512xi32, #tpu.memory_space<vmem>>, vector<16xi32>,
    tpu.vector_store %arg9[%swap3A_39], %broadcast_in_dim3A_5 {strides = array<i32>} : memref<512xi32, #tpu.memory_space<vmem>>, vector<16xi32>,
    %swap3A_41 = arith.constant 144 : index
    %swap3A_42 = tpu.vector_load %arg8[%swap3A_41] {strides = array<i32>} : memref<512xi32, #tpu.memory_space<vmem>>, vector<16xi32>,
    tpu.vector_store %arg8[%swap3A_41], %broadcast_in_dim3A_5 {strides = array<i32>} : memref<512xi32, #tpu.memory_space<vmem>>, vector<16xi32>,
    %swap3A_43 = arith.constant 144 : index
    %swap3A_44 = tpu.vector_load %arg9[%swap3A_43] {strides = array<i32>} : memref<512xi32, #tpu.memory_space<vmem>>, vector<16xi32>,
    tpu.vector_store %arg9[%swap3A_43], %broadcast_in_dim3A_5 {strides = array<i32>} : memref<512xi32, #tpu.memory_space<vmem>>, vector<16xi32>,
    %swap3A_45 = arith.constant 160 : index
    %swap3A_46 = tpu.vector_load %arg8[%swap3A_45] {strides = array<i32>} : memref<512xi32, #tpu.memory_space<vmem>>, vector<16xi32>,
    tpu.vector_store %arg8[%swap3A_45], %broadcast_in_dim3A_5 {strides = array<i32>} : memref<512xi32, #tpu.memory_space<vmem>>, vector<16xi32>,
    %swap3A_47 = arith.constant 160 : index
    %swap3A_48 = tpu.vector_load %arg9[%swap3A_47] {strides = array<i32>} : memref<512xi32, #tpu.memory_space<vmem>>, vector<16xi32>,
    tpu.vector_store %arg9[%swap3A_47], %broadcast_in_dim3A_5 {strides = array<i32>} : memref<512xi32, #tpu.memory_space<vmem>>, vector<16xi32>,
    %swap3A_49 = arith.constant 176 : index
    %swap3A_50 = tpu.vector_load %arg8[%swap3A_49] {strides = array<i32>} : memref<512xi32, #tpu.memory_space<vmem>>, vector<16xi32>,
    tpu.vector_store %arg8[%swap3A_49], %broadcast_in_dim3A_5 {strides = array<i32>} : memref<512xi32, #tpu.memory_space<vmem>>, vector<16xi32>,
    %swap3A_51 = arith.constant 176 : index
    %swap3A_52 = tpu.vector_load %arg9[%swap3A_51] {strides = array<i32>} : memref<512xi32, #tpu.memory_space<vmem>>, vector<16xi32>,
    tpu.vector_store %arg9[%swap3A_51], %broadcast_in_dim3A_5 {strides = array<i32>} : memref<512xi32, #tpu.memory_space<vmem>>, vector<16xi32>,
    %swap3A_53 = arith.constant 192 : index
    %swap3A_54 = tpu.vector_load %arg8[%swap3A_53] {strides = array<i32>} : memref<512xi32, #tpu.memory_space<vmem>>, vector<16xi32>,
    tpu.vector_store %arg8[%swap3A_53], %broadcast_in_dim3A_5 {strides = array<i32>} : memref<512xi32, #tpu.memory_space<vmem>>, vector<16xi32>,
    %swap3A_55 = arith.constant 192 : index
    %swap3A_56 = tpu.vector_load %arg9[%swap3A_55] {strides = array<i32>} : memref<512xi32, #tpu.memory_space<vmem>>, vector<16xi32>,
    tpu.vector_store %arg9[%swap3A_55], %broadcast_in_dim3A_5 {strides = array<i32>} : memref<512xi32, #tpu.memory_space<vmem>>, vector<16xi32>,
    %swap3A_57 = arith.constant 208 : index
    %swap3A_58 = tpu.vector_load %arg8[%swap3A_57] {strides = array<i32>} : memref<512xi32, #tpu.memory_space<vmem>>, vector<16xi32>,
    tpu.vector_store %arg8[%swap3A_57], %broadcast_in_dim3A_5 {strides = array<i32>} : memref<512xi32, #tpu.memory_space<vmem>>, vector<16xi32>,
    %swap3A_59 = arith.constant 208 : index
    %swap3A_60 = tpu.vector_load %arg9[%swap3A_59] {strides = array<i32>} : memref<512xi32, #tpu.memory_space<vmem>>, vector<16xi32>,
    tpu.vector_store %arg9[%swap3A_59], %broadcast_in_dim3A_5 {strides = array<i32>} : memref<512xi32, #tpu.memory_space<vmem>>, vector<16xi32>,
    %swap3A_61 = arith.constant 224 : index
    %swap3A_62 = tpu.vector_load %arg8[%swap3A_61] {strides = array<i32>} : memref<512xi32, #tpu.memory_space<vmem>>, vector<16xi32>,
    tpu.vector_store %arg8[%swap3A_61], %broadcast_in_dim3A_5 {strides = array<i32>} : memref<512xi32, #tpu.memory_space<vmem>>, vector<16xi32>,
    %swap3A_63 = arith.constant 224 : index
    %swap3A_64 = tpu.vector_load %arg9[%swap3A_63] {strides = array<i32>} : memref<512xi32, #tpu.memory_space<vmem>>, vector<16xi32>,
    tpu.vector_store %arg9[%swap3A_63], %broadcast_in_dim3A_5 {strides = array<i32>} : memref<512xi32, #tpu.memory_space<vmem>>, vector<16xi32>,
    %swap3A_65 = arith.constant 240 : index
    %swap3A_66 = tpu.vector_load %arg8[%swap3A_65] {strides = array<i32>} : memref<512xi32, #tpu.memory_space<vmem>>, vector<16xi32>,
    tpu.vector_store %arg8[%swap3A_65], %broadcast_in_dim3A_5 {strides = array<i32>} : memref<512xi32, #tpu.memory_space<vmem>>, vector<16xi32>,
    %swap3A_67 = arith.constant 240 : index
    %swap3A_68 = tpu.vector_load %arg9[%swap3A_67] {strides = array<i32>} : memref<512xi32, #tpu.memory_space<vmem>>, vector<16xi32>,
    tpu.vector_store %arg9[%swap3A_67], %broadcast_in_dim3A_5 {strides = array<i32>} : memref<512xi32, #tpu.memory_space<vmem>>, vector<16xi32>,
    %swap3A_69 = arith.constant 256 : index
    %swap3A_70 = tpu.vector_load %arg8[%swap3A_69] {strides = array<i32>} : memref<512xi32, #tpu.memory_space<vmem>>, vector<16xi32>,
    tpu.vector_store %arg8[%swap3A_69], %broadcast_in_dim3A_5 {strides = array<i32>} : memref<512xi32, #tpu.memory_space<vmem>>, vector<16xi32>,
    %swap3A_71 = arith.constant 256 : index
    %swap3A_72 = tpu.vector_load %arg9[%swap3A_71] {strides = array<i32>} : memref<512xi32, #tpu.memory_space<vmem>>, vector<16xi32>,
    tpu.vector_store %arg9[%swap3A_71], %broadcast_in_dim3A_5 {strides = array<i32>} : memref<512xi32, #tpu.memory_space<vmem>>, vector<16xi32>,
    %swap3A_73 = arith.constant 272 : index
    %swap3A_74 = tpu.vector_load %arg8[%swap3A_73] {strides = array<i32>} : memref<512xi32, #tpu.memory_space<vmem>>, vector<16xi32>,
    tpu.vector_store %arg8[%swap3A_73], %broadcast_in_dim3A_5 {strides = array<i32>} : memref<512xi32, #tpu.memory_space<vmem>>, vector<16xi32>,
    %swap3A_75 = arith.constant 272 : index
    %swap3A_76 = tpu.vector_load %arg9[%swap3A_75] {strides = array<i32>} : memref<512xi32, #tpu.memory_space<vmem>>, vector<16xi32>,
    tpu.vector_store %arg9[%swap3A_75], %broadcast_in_dim3A_5 {strides = array<i32>} : memref<512xi32, #tpu.memory_space<vmem>>, vector<16xi32>,
    %swap3A_77 = arith.constant 288 : index
    %swap3A_78 = tpu.vector_load %arg8[%swap3A_77] {strides = array<i32>} : memref<512xi32, #tpu.memory_space<vmem>>, vector<16xi32>,
    tpu.vector_store %arg8[%swap3A_77], %broadcast_in_dim3A_5 {strides = array<i32>} : memref<512xi32, #tpu.memory_space<vmem>>, vector<16xi32>,
    %swap3A_79 = arith.constant 288 : index
    %swap3A_80 = tpu.vector_load %arg9[%swap3A_79] {strides = array<i32>} : memref<512xi32, #tpu.memory_space<vmem>>, vector<16xi32>,
    tpu.vector_store %arg9[%swap3A_79], %broadcast_in_dim3A_5 {strides = array<i32>} : memref<512xi32, #tpu.memory_space<vmem>>, vector<16xi32>,
    %swap3A_81 = arith.constant 304 : index
    %swap3A_82 = tpu.vector_load %arg8[%swap3A_81] {strides = array<i32>} : memref<512xi32, #tpu.memory_space<vmem>>, vector<16xi32>,
    tpu.vector_store %arg8[%swap3A_81], %broadcast_in_dim3A_5 {strides = array<i32>} : memref<512xi32, #tpu.memory_space<vmem>>, vector<16xi32>,
    %swap3A_83 = arith.constant 304 : index
    %swap3A_84 = tpu.vector_load %arg9[%swap3A_83] {strides = array<i32>} : memref<512xi32, #tpu.memory_space<vmem>>, vector<16xi32>,
    tpu.vector_store %arg9[%swap3A_83], %broadcast_in_dim3A_5 {strides = array<i32>} : memref<512xi32, #tpu.memory_space<vmem>>, vector<16xi32>,
    %swap3A_85 = arith.constant 320 : index
    %swap3A_86 = tpu.vector_load %arg8[%swap3A_85] {strides = array<i32>} : memref<512xi32, #tpu.memory_space<vmem>>, vector<16xi32>,
    tpu.vector_store %arg8[%swap3A_85], %broadcast_in_dim3A_5 {strides = array<i32>} : memref<512xi32, #tpu.memory_space<vmem>>, vector<16xi32>,
    %swap3A_87 = arith.constant 320 : index
    %swap3A_88 = tpu.vector_load %arg9[%swap3A_87] {strides = array<i32>} : memref<512xi32, #tpu.memory_space<vmem>>, vector<16xi32>,
    tpu.vector_store %arg9[%swap3A_87], %broadcast_in_dim3A_5 {strides = array<i32>} : memref<512xi32, #tpu.memory_space<vmem>>, vector<16xi32>,
    %swap3A_89 = arith.constant 336 : index
    %swap3A_90 = tpu.vector_load %arg8[%swap3A_89] {strides = array<i32>} : memref<512xi32, #tpu.memory_space<vmem>>, vector<16xi32>,
    tpu.vector_store %arg8[%swap3A_89], %broadcast_in_dim3A_5 {strides = array<i32>} : memref<512xi32, #tpu.memory_space<vmem>>, vector<16xi32>,
    %swap3A_91 = arith.constant 336 : index
    %swap3A_92 = tpu.vector_load %arg9[%swap3A_91] {strides = array<i32>} : memref<512xi32, #tpu.memory_space<vmem>>, vector<16xi32>,
    tpu.vector_store %arg9[%swap3A_91], %broadcast_in_dim3A_5 {strides = array<i32>} : memref<512xi32, #tpu.memory_space<vmem>>, vector<16xi32>,
    %swap3A_93 = arith.constant 352 : index
    %swap3A_94 = tpu.vector_load %arg8[%swap3A_93] {strides = array<i32>} : memref<512xi32, #tpu.memory_space<vmem>>, vector<16xi32>,
    tpu.vector_store %arg8[%swap3A_93], %broadcast_in_dim3A_5 {strides = array<i32>} : memref<512xi32, #tpu.memory_space<vmem>>, vector<16xi32>,
    %swap3A_95 = arith.constant 352 : index
    %swap3A_96 = tpu.vector_load %arg9[%swap3A_95] {strides = array<i32>} : memref<512xi32, #tpu.memory_space<vmem>>, vector<16xi32>,
    tpu.vector_store %arg9[%swap3A_95], %broadcast_in_dim3A_5 {strides = array<i32>} : memref<512xi32, #tpu.memory_space<vmem>>, vector<16xi32>,
    %swap3A_97 = arith.constant 368 : index
    %swap3A_98 = tpu.vector_load %arg8[%swap3A_97] {strides = array<i32>} : memref<512xi32, #tpu.memory_space<vmem>>, vector<16xi32>,
    tpu.vector_store %arg8[%swap3A_97], %broadcast_in_dim3A_5 {strides = array<i32>} : memref<512xi32, #tpu.memory_space<vmem>>, vector<16xi32>,
    %swap3A_99 = arith.constant 368 : index
    %swap3A_100 = tpu.vector_load %arg9[%swap3A_99] {strides = array<i32>} : memref<512xi32, #tpu.memory_space<vmem>>, vector<16xi32>,
    tpu.vector_store %arg9[%swap3A_99], %broadcast_in_dim3A_5 {strides = array<i32>} : memref<512xi32, #tpu.memory_space<vmem>>, vector<16xi32>,
    %swap3A_101 = arith.constant 384 : index
    %swap3A_102 = tpu.vector_load %arg8[%swap3A_101] {strides = array<i32>} : memref<512xi32, #tpu.memory_space<vmem>>, vector<16xi32>,
    tpu.vector_store %arg8[%swap3A_101], %broadcast_in_dim3A_5 {strides = array<i32>} : memref<512xi32, #tpu.memory_space<vmem>>, vector<16xi32>,
    %swap3A_103 = arith.constant 384 : index
    %swap3A_104 = tpu.vector_load %arg9[%swap3A_103] {strides = array<i32>} : memref<512xi32, #tpu.memory_space<vmem>>, vector<16xi32>,
    tpu.vector_store %arg9[%swap3A_103], %broadcast_in_dim3A_5 {strides = array<i32>} : memref<512xi32, #tpu.memory_space<vmem>>, vector<16xi32>,
    %swap3A_105 = arith.constant 400 : index
    %swap3A_106 = tpu.vector_load %arg8[%swap3A_105] {strides = array<i32>} : memref<512xi32, #tpu.memory_space<vmem>>, vector<16xi32>,
    tpu.vector_store %arg8[%swap3A_105], %broadcast_in_dim3A_5 {strides = array<i32>} : memref<512xi32, #tpu.memory_space<vmem>>, vector<16xi32>,
    %swap3A_107 = arith.constant 400 : index
    %swap3A_108 = tpu.vector_load %arg9[%swap3A_107] {strides = array<i32>} : memref<512xi32, #tpu.memory_space<vmem>>, vector<16xi32>,
    tpu.vector_store %arg9[%swap3A_107], %broadcast_in_dim3A_5 {strides = array<i32>} : memref<512xi32, #tpu.memory_space<vmem>>, vector<16xi32>,
    %swap3A_109 = arith.constant 416 : index
    %swap3A_110 = tpu.vector_load %arg8[%swap3A_109] {strides = array<i32>} : memref<512xi32, #tpu.memory_space<vmem>>, vector<16xi32>,
    tpu.vector_store %arg8[%swap3A_109], %broadcast_in_dim3A_5 {strides = array<i32>} : memref<512xi32, #tpu.memory_space<vmem>>, vector<16xi32>,
    %swap3A_111 = arith.constant 416 : index
    %swap3A_112 = tpu.vector_load %arg9[%swap3A_111] {strides = array<i32>} : memref<512xi32, #tpu.memory_space<vmem>>, vector<16xi32>,
    tpu.vector_store %arg9[%swap3A_111], %broadcast_in_dim3A_5 {strides = array<i32>} : memref<512xi32, #tpu.memory_space<vmem>>, vector<16xi32>,
    %swap3A_113 = arith.constant 432 : index
    %swap3A_114 = tpu.vector_load %arg8[%swap3A_113] {strides = array<i32>} : memref<512xi32, #tpu.memory_space<vmem>>, vector<16xi32>,
    tpu.vector_store %arg8[%swap3A_113], %broadcast_in_dim3A_5 {strides = array<i32>} : memref<512xi32, #tpu.memory_space<vmem>>, vector<16xi32>,
    %swap3A_115 = arith.constant 432 : index
    %swap3A_116 = tpu.vector_load %arg9[%swap3A_115] {strides = array<i32>} : memref<512xi32, #tpu.memory_space<vmem>>, vector<16xi32>,
    tpu.vector_store %arg9[%swap3A_115], %broadcast_in_dim3A_5 {strides = array<i32>} : memref<512xi32, #tpu.memory_space<vmem>>, vector<16xi32>,
    %swap3A_117 = arith.constant 448 : index
    %swap3A_118 = tpu.vector_load %arg8[%swap3A_117] {strides = array<i32>} : memref<512xi32, #tpu.memory_space<vmem>>, vector<16xi32>,
    tpu.vector_store %arg8[%swap3A_117], %broadcast_in_dim3A_5 {strides = array<i32>} : memref<512xi32, #tpu.memory_space<vmem>>, vector<16xi32>,
    %swap3A_119 = arith.constant 448 : index
    %swap3A_120 = tpu.vector_load %arg9[%swap3A_119] {strides = array<i32>} : memref<512xi32, #tpu.memory_space<vmem>>, vector<16xi32>,
    tpu.vector_store %arg9[%swap3A_119], %broadcast_in_dim3A_5 {strides = array<i32>} : memref<512xi32, #tpu.memory_space<vmem>>, vector<16xi32>,
    %swap3A_121 = arith.constant 464 : index
    %swap3A_122 = tpu.vector_load %arg8[%swap3A_121] {strides = array<i32>} : memref<512xi32, #tpu.memory_space<vmem>>, vector<16xi32>,
    tpu.vector_store %arg8[%swap3A_121], %broadcast_in_dim3A_5 {strides = array<i32>} : memref<512xi32, #tpu.memory_space<vmem>>, vector<16xi32>,
    %swap3A_123 = arith.constant 464 : index
    %swap3A_124 = tpu.vector_load %arg9[%swap3A_123] {strides = array<i32>} : memref<512xi32, #tpu.memory_space<vmem>>, vector<16xi32>,
    tpu.vector_store %arg9[%swap3A_123], %broadcast_in_dim3A_5 {strides = array<i32>} : memref<512xi32, #tpu.memory_space<vmem>>, vector<16xi32>,
    %swap3A_125 = arith.constant 480 : index
    %swap3A_126 = tpu.vector_load %arg8[%swap3A_125] {strides = array<i32>} : memref<512xi32, #tpu.memory_space<vmem>>, vector<16xi32>,
    tpu.vector_store %arg8[%swap3A_125], %broadcast_in_dim3A_5 {strides = array<i32>} : memref<512xi32, #tpu.memory_space<vmem>>, vector<16xi32>,
    %swap3A_127 = arith.constant 480 : index
    %swap3A_128 = tpu.vector_load %arg9[%swap3A_127] {strides = array<i32>} : memref<512xi32, #tpu.memory_space<vmem>>, vector<16xi32>,
    tpu.vector_store %arg9[%swap3A_127], %broadcast_in_dim3A_5 {strides = array<i32>} : memref<512xi32, #tpu.memory_space<vmem>>, vector<16xi32>,
    %swap3A_129 = arith.constant 496 : index
    %swap3A_130 = tpu.vector_load %arg8[%swap3A_129] {strides = array<i32>} : memref<512xi32, #tpu.memory_space<vmem>>, vector<16xi32>,
    tpu.vector_store %arg8[%swap3A_129], %broadcast_in_dim3A_5 {strides = array<i32>} : memref<512xi32, #tpu.memory_space<vmem>>, vector<16xi32>,
    %swap3A_131 = arith.constant 496 : index
    %swap3A_132 = tpu.vector_load %arg9[%swap3A_131] {strides = array<i32>} : memref<512xi32, #tpu.memory_space<vmem>>, vector<16xi32>,
    tpu.vector_store %arg9[%swap3A_131], %broadcast_in_dim3A_5 {strides = array<i32>} : memref<512xi32, #tpu.memory_space<vmem>>, vector<16xi32>,
    %dma_start3A = arith.constant 52480 : i32
    %dma_start3A_133 = tpu.memref_slice %arg2[%mul3A_2, %dma_start3A] : memref<1024x100000xf32, #tpu.memory_space<hbm>> -> memref<8x5888xf32, #tpu.memory_space<hbm>>
    %dma_start3A_134 = arith.constant 52480 : i32
    %dma_start3A_135 = tpu.memref_slice %arg2[%mul3A_2, %dma_start3A_134] : memref<1024x100000xf32, #tpu.memory_space<hbm>> -> memref<8x5888xf32, #tpu.memory_space<hbm>>
    tpu.enqueue_dma source(%dma_start3A_135 : memref<8x5888xf32, #tpu.memory_space<hbm>>) target(%arg10 : memref<8x5888xf32, #tpu.memory_space<vmem>>) target_semaphore(%arg15 : memref<!tpu.dma_semaphore, #tpu.memory_space<semaphore_mem>>)
    %scan3A = arith.constant 0 : i32
    %scan3A_136 = arith.constant 0 : i32
    %scan3A_137 = arith.constant 4 : i32
    %scan3A_138 = arith.addi %scan3A_136, %scan3A_137 : i32
    %scan3A_139 = arith.constant 1 : i32
    %scan3A_140 = scf.for %scan3A_147 = %scan3A_136 to %scan3A_138 step %scan3A_139 iter_args(%scan3A_148 = %scan3A) -> (i32)  : i32 {
      %mul3A_149 = arith.constant 8 : i32
      %mul3A_150 = arith.muli %scan3A_147, %mul3A_149 : i32
      %add3A_151 = arith.addi %mul3A_2, %mul3A_150 : i32
      %multiple_of3A = tpu.assume_multiple %add3A_151, 8 : i32
      %scan3A_152 = arith.constant 0 : i32
      %scan3A_153 = arith.constant 0 : i32
      %scan3A_154 = arith.constant 4 : i32
      %scan3A_155 = arith.addi %scan3A_153, %scan3A_154 : i32
      %scan3A_156 = arith.constant 1 : i32
      %scan3A_157 = scf.for %scan3A_206 = %scan3A_153 to %scan3A_155 step %scan3A_156 iter_args(%scan3A_207 = %scan3A_152) -> (i32)  : i32 {
        %mul3A_208 = arith.constant 2 : i32
        %mul3A_209 = arith.muli %mul3A_208, %scan3A_206 : i32
        %add3A_210 = arith.constant 0 : i32
        %add3A_211 = arith.addi %mul3A_209, %add3A_210 : i32
        %dma_wait3A_212 = arith.constant 0 : i32
        %dma_wait3A_213 = arith.constant 0 : i32
        %dma_wait3A_214 = tpu.memref_slice %arg2[%dma_wait3A_212, %dma_wait3A_213] : memref<1024x100000xf32, #tpu.memory_space<hbm>> -> memref<8x5888xf32, #tpu.memory_space<hbm>>
        %dma_wait3A_215 = arith.constant 0 : i32
        %dma_wait3A_216 = arith.constant 0 : i32
        %dma_wait3A_217 = tpu.memref_slice %arg2[%dma_wait3A_215, %dma_wait3A_216] : memref<1024x100000xf32, #tpu.memory_space<hbm>> -> memref<8x5888xf32, #tpu.memory_space<hbm>>
        tpu.wait_dma2 semaphore(%arg15 : memref<!tpu.dma_semaphore, #tpu.memory_space<semaphore_mem>>) src(%dma_wait3A_217 : memref<8x5888xf32, #tpu.memory_space<hbm>>) dst(%arg10 : memref<8x5888xf32, #tpu.memory_space<vmem>>)
        %add3A_218 = arith.constant 1 : i32
        %add3A_219 = arith.addi %add3A_211, %add3A_218 : i32
        %mul3A_220 = arith.constant 5888 : i32
        %mul3A_221 = arith.muli %add3A_219, %mul3A_220 : i32
        %add3A_222 = arith.constant 52480 : i32
        %add3A_223 = arith.addi %add3A_222, %mul3A_221 : i32
        %multiple_of3A_224 = tpu.assume_multiple %add3A_223, 128 : i32
        %lt3A = arith.constant 7 : i32
        %lt3A_225 = arith.cmpi slt, %add3A_211, %lt3A : i32
        %convert_element_type3A = arith.extui %lt3A_225 : i1 to i32
        %cond3A = arith.constant 0 : i32
        %cond3A_226 = arith.cmpi ne, %convert_element_type3A, %cond3A : i32
        scf.if %cond3A_226 {
          %dma_start3A_283 = tpu.memref_slice %arg2[%multiple_of3A, %multiple_of3A_224] : memref<1024x100000xf32, #tpu.memory_space<hbm>> -> memref<8x5888xf32, #tpu.memory_space<hbm>>
          %dma_start3A_284 = tpu.memref_slice %arg2[%multiple_of3A, %multiple_of3A_224] : memref<1024x100000xf32, #tpu.memory_space<hbm>> -> memref<8x5888xf32, #tpu.memory_space<hbm>>
          tpu.enqueue_dma source(%dma_start3A_284 : memref<8x5888xf32, #tpu.memory_space<hbm>>) target(%arg11 : memref<8x5888xf32, #tpu.memory_space<vmem>>) target_semaphore(%arg15 : memref<!tpu.dma_semaphore, #tpu.memory_space<semaphore_mem>>)
        } else {
        }
        %eq3A = arith.constant 7 : i32
        %eq3A_227 = arith.cmpi eq, %add3A_211, %eq3A : i32
        %convert_element_type3A_228 = arith.extui %eq3A_227 : i1 to i32
        %cond3A_229 = arith.constant 0 : i32
        %cond3A_230 = arith.cmpi ne, %convert_element_type3A_228, %cond3A_229 : i32
        scf.if %cond3A_230 {
          %dma_start3A_283 = arith.constant 99584 : i32
          %dma_start3A_284 = tpu.memref_slice %arg2[%multiple_of3A, %dma_start3A_283] : memref<1024x100000xf32, #tpu.memory_space<hbm>> -> memref<8x384xf32, #tpu.memory_space<hbm>>
          %dma_start3A_285 = arith.constant 99584 : i32
          %dma_start3A_286 = tpu.memref_slice %arg2[%multiple_of3A, %dma_start3A_285] : memref<1024x100000xf32, #tpu.memory_space<hbm>> -> memref<8x384xf32, #tpu.memory_space<hbm>>
          tpu.enqueue_dma source(%dma_start3A_286 : memref<8x384xf32, #tpu.memory_space<hbm>>) target(%arg12 : memref<8x384xf32, #tpu.memory_space<vmem>>) target_semaphore(%arg15 : memref<!tpu.dma_semaphore, #tpu.memory_space<semaphore_mem>>)
          %dma_start3A_287 = arith.constant 0 : i32
          %dma_start3A_288 = arith.constant 0 : i32
          %dma_start3A_289 = arith.constant 0 : i32
          %dma_start3A_290 = tpu.memref_slice %arg13[%dma_start3A_287, %dma_start3A_288, %dma_start3A_289] : memref<1x8x32xf32, #tpu.memory_space<vmem>> -> memref<1x8x32xf32, #tpu.memory_space<vmem>>
          %dma_start3A_291 = tpu.memref_squeeze %dma_start3A_290 : memref<1x8x32xf32, #tpu.memory_space<vmem>> -> memref<8x32xf32, #tpu.memory_space<vmem>>
          %dma_start3A_292 = arith.constant 99968 : i32
          %dma_start3A_293 = tpu.memref_slice %arg2[%multiple_of3A, %dma_start3A_292] : memref<1024x100000xf32, #tpu.memory_space<hbm>> -> memref<8x32xf32, #tpu.memory_space<hbm>>
          %dma_start3A_294 = arith.constant 0 : i32
          %dma_start3A_295 = arith.constant 0 : i32
          %dma_start3A_296 = tpu.memref_slice %arg13[%dma_start3A_287, %dma_start3A_294, %dma_start3A_295] : memref<1x8x32xf32, #tpu.memory_space<vmem>> -> memref<1x8x32xf32, #tpu.memory_space<vmem>>
          %dma_start3A_297 = tpu.memref_squeeze %dma_start3A_296 : memref<1x8x32xf32, #tpu.memory_space<vmem>> -> memref<8x32xf32, #tpu.memory_space<vmem>>
          %dma_start3A_298 = arith.constant 99968 : i32
          %dma_start3A_299 = tpu.memref_slice %arg2[%multiple_of3A, %dma_start3A_298] : memref<1024x100000xf32, #tpu.memory_space<hbm>> -> memref<8x32xf32, #tpu.memory_space<hbm>>
          tpu.enqueue_dma source(%dma_start3A_299 : memref<8x32xf32, #tpu.memory_space<hbm>>) target(%dma_start3A_297 : memref<8x32xf32, #tpu.memory_space<vmem>>) target_semaphore(%arg15 : memref<!tpu.dma_semaphore, #tpu.memory_space<semaphore_mem>>)
        } else {
        }
        %mul3A_231 = arith.constant 5888 : i32
        %mul3A_232 = arith.muli %add3A_211, %mul3A_231 : i32
        %add3A_233 = arith.constant 52480 : i32
        %add3A_234 = arith.addi %add3A_233, %mul3A_232 : i32
        %multiple_of3A_235 = tpu.assume_multiple %add3A_234, 128 : i32
        %scan3A_236 = arith.constant 0 : i32
        %scan3A_237 = arith.constant 0 : i32
        %scan3A_238 = arith.constant 8 : i32
        %scan3A_239 = arith.addi %scan3A_237, %scan3A_238 : i32
        %scan3A_240 = arith.constant 1 : i32
        %scan3A_241 = scf.for %scan3A_283 = %scan3A_237 to %scan3A_239 step %scan3A_240 iter_args(%scan3A_284 = %scan3A_236) -> (i32)  : i32 {
          %mul3A_285 = arith.constant 8 : i32
          %mul3A_286 = arith.muli %scan3A_147, %mul3A_285 : i32
          %add3A_287 = arith.addi %mul3A_286, %scan3A_283 : i32
          %mul3A_288 = arith.constant 16 : i32
          %mul3A_289 = arith.muli %add3A_287, %mul3A_288 : i32
          %get3A = arith.index_cast %mul3A_289 : i32 to index
          %get3A_290 = tpu.vector_load %arg7[%get3A] {strides = array<i32>} : memref<512xf32, #tpu.memory_space<vmem>>, vector<16xf32>,
          %broadcast_in_dim3A_291 = vector.broadcast %add3A_287 : i32 to vector<16xi32>
          %gather3A = tpu.vector_load_idx %arg6[%broadcast_in_dim3A_291] : memref<32xi32, #tpu.memory_space<vmem>>[vector<16xi32>], vector<16xi32>,
          %jit3A = arith.constant 0 : i32
          %jit3A_292 = arith.constant 99999 : i32
          %max3A = vector.broadcast %jit3A : i32 to vector<16xi32>
          %max3A_293 = arith.maxsi %max3A, %gather3A : vector<16xi32>
          %min3A_294 = vector.broadcast %jit3A_292 : i32 to vector<16xi32>
          %min3A_295 = arith.minsi %min3A_294, %max3A_293 : vector<16xi32>
          %reduce_max3A = arith.constant true
          %reduce_max3A_296 = vector.broadcast %reduce_max3A : i1 to vector<16xi1>
          %reduce_max3A_297 = arith.constant -2147483648 : i32
          %reduce_max3A_298 = vector.broadcast %reduce_max3A_297 : i32 to vector<16xi32>
          %reduce_max3A_299 = arith.xori %min3A_295, %reduce_max3A_298 : vector<16xi32>
          %reduce_max3A_300 = tpu.scan <max>, %reduce_max3A_299 masked %reduce_max3A_296 : vector<16xi32>, vector<16xi1> -> vector<16xi32>
          %reduce_max3A_301 = arith.xori %reduce_max3A_300, %reduce_max3A_298 : vector<16xi32>
          %reduce_max3A_302 = vector.extract %reduce_max3A_301[15] : i32 from vector<16xi32>
          %sub3A = arith.subi %reduce_max3A_302, %multiple_of3A_235 : i32
          %jit3A_303 = arith.constant 0 : i32
          %jit3A_304 = arith.constant 5888 : i32
          %max3A_305 = arith.maxsi %jit3A_303, %sub3A : i32
          %min3A_306 = arith.minsi %jit3A_304, %max3A_305 : i32
          %jit3A_307 = arith.constant 16 : i32
          %div3A = arith.divsi %min3A_306, %jit3A_307 : i32
          %sign3A = arith.constant 0 : i32
          %sign3A_308 = arith.cmpi sgt, %min3A_306, %sign3A : i32
          %sign3A_309 = arith.extui %sign3A_308 : i1 to i32
          %sign3A_310 = arith.constant 0 : i32
          %sign3A_311 = arith.cmpi slt, %min3A_306, %sign3A_310 : i32
          %sign3A_312 = arith.extui %sign3A_311 : i1 to i32
          %sign3A_313 = arith.subi %sign3A_309, %sign3A_312 : i32
          %sign3A_314 = arith.constant 0 : i32
          %sign3A_315 = arith.cmpi sgt, %jit3A_307, %sign3A_314 : i32
          %sign3A_316 = arith.extui %sign3A_315 : i1 to i32
          %sign3A_317 = arith.constant 0 : i32
          %sign3A_318 = arith.cmpi slt, %jit3A_307, %sign3A_317 : i32
          %sign3A_319 = arith.extui %sign3A_318 : i1 to i32
          %sign3A_320 = arith.subi %sign3A_316, %sign3A_319 : i32
          %ne3A = arith.cmpi ne, %sign3A_313, %sign3A_320 : i32
          %rem3A = arith.remsi %min3A_306, %jit3A_307 : i32
          %ne3A_321 = arith.constant 0 : i32
          %ne3A_322 = arith.cmpi ne, %rem3A, %ne3A_321 : i32
          %and3A = arith.andi %ne3A, %ne3A_322 : i1
          %sub3A_323 = arith.constant 1 : i32
          %sub3A_324 = arith.subi %div3A, %sub3A_323 : i32
          %select_n3A = arith.select %and3A, %sub3A_324, %div3A : i32
          %mul3A_325 = arith.constant 16 : i32
          %mul3A_326 = arith.muli %add3A_287, %mul3A_325 : i32
          %get3A_327 = arith.index_cast %mul3A_326 : i32 to index
          %get3A_328 = tpu.vector_load %arg9[%get3A_327] {strides = array<i32>} : memref<512xi32, #tpu.memory_space<vmem>>, vector<16xi32>,
          %mul3A_329 = arith.constant 16 : i32
          %mul3A_330 = arith.muli %add3A_287, %mul3A_329 : i32
          %get3A_331 = arith.index_cast %mul3A_330 : i32 to index
          %get3A_332 = tpu.vector_load %arg8[%get3A_331] {strides = array<i32>} : memref<512xi32, #tpu.memory_space<vmem>>, vector<16xi32>,
          %parallel_loop3A = arith.constant 0 : i32
          %parallel_loop3A_333 = arith.constant 1 : i32
          %parallel_loop3A_334 = scf.for %parallel_loop3A_375 = %parallel_loop3A to %select_n3A step %parallel_loop3A_333 iter_args(%parallel_loop3A_376 = %get3A_328) -> (vector<16xi32>)  : i32 {
            %parallel_loop3A_377 = arith.constant 16 : i32
            %parallel_loop3A_378 = arith.muli %parallel_loop3A_375, %parallel_loop3A_377 : i32
            %parallel_loop3A_379 = arith.index_cast %scan3A_283 : i32 to index
            %parallel_loop3A_380 = arith.index_cast %parallel_loop3A_378 : i32 to index
            %parallel_loop3A_381 = tpu.vector_load %arg10[%parallel_loop3A_379, %parallel_loop3A_380] {strides = array<i32>} : memref<8x5888xf32, #tpu.memory_space<vmem>>, vector<16xf32>,
            %parallel_loop3A_382 = arith.cmpf oge, %parallel_loop3A_381, %get3A_290 : vector<16xf32>
            %parallel_loop3A_383 = tpu.all_reduce %parallel_loop3A_382 {dim = 0 : i64, kind = #tpu.reduction_kind<sum>} : vector<16xi1> -> vector<16xi32>
            %parallel_loop3A_384 = arith.addi %parallel_loop3A_376, %parallel_loop3A_383 : vector<16xi32>
            scf.yield %parallel_loop3A_384 : vector<16xi32>
          } {sc.loop_unroll_factor = 8 : i64, sc.parallel_access}
          %min3A_335 = arith.constant 367 : i32
          %min3A_336 = arith.minsi %select_n3A, %min3A_335 : i32
          %mul3A_337 = arith.constant 16 : i32
          %mul3A_338 = arith.muli %min3A_336, %mul3A_337 : i32
          %get3A_339 = arith.index_cast %scan3A_283 : i32 to index
          %get3A_340 = arith.index_cast %mul3A_338 : i32 to index
          %get3A_341 = tpu.vector_load %arg10[%get3A_339, %get3A_340] {strides = array<i32>} : memref<8x5888xf32, #tpu.memory_space<vmem>>, vector<16xf32>,
          %mul3A_342 = arith.constant 16 : i32
          %mul3A_343 = arith.muli %min3A_336, %mul3A_342 : i32
          %add3A_344 = arith.addi %multiple_of3A_235, %mul3A_343 : i32
          %broadcast_in_dim3A_345 = vector.broadcast %add3A_344 : i32 to vector<16xi32>
          %add3A_346 = arith.addi %broadcast_in_dim3A_345, %iota3A : vector<16xi32>
          %gt3A = arith.cmpf ogt, %get3A_341, %get3A_290 : vector<16xf32>
          %eq3A_347 = arith.cmpf oeq, %get3A_341, %get3A_290 : vector<16xf32>
          %lt3A_348 = arith.cmpi slt, %add3A_346, %gather3A : vector<16xi32>
          %and3A_349 = arith.andi %eq3A_347, %lt3A_348 : vector<16xi1>
          %or3A = arith.ori %gt3A, %and3A_349 : vector<16xi1>
          %broadcast_in_dim3A_350 = vector.broadcast %select_n3A : i32 to vector<16xi32>
          %lt3A_351 = arith.constant 368 : i32
          %lt3A_352 = vector.broadcast %lt3A_351 : i32 to vector<16xi32>
          %lt3A_353 = arith.cmpi slt, %broadcast_in_dim3A_350, %lt3A_352 : vector<16xi32>
          %and3A_354 = arith.andi %or3A, %lt3A_353 : vector<16xi1>
          %jit3A_355 = arith.constant 1 : i32
          %jit3A_356 = arith.constant 0 : i32
          %broadcast_in_dim3A_357 = vector.broadcast %jit3A_355 : i32 to vector<16xi32>
          %broadcast_in_dim3A_358 = vector.broadcast %jit3A_356 : i32 to vector<16xi32>
          %select_n3A_359 = arith.select %and3A_354, %broadcast_in_dim3A_357, %broadcast_in_dim3A_358 : vector<16xi1>, vector<16xi32>
          %add3A_360 = arith.addi %get3A_332, %select_n3A_359 : vector<16xi32>
          %add3A_361 = arith.constant 1 : i32
          %add3A_362 = arith.addi %select_n3A, %add3A_361 : i32
          %parallel_loop3A_363 = arith.constant 368 : i32
          %parallel_loop3A_364 = arith.constant 1 : i32
          %parallel_loop3A_365 = scf.for %parallel_loop3A_375 = %add3A_362 to %parallel_loop3A_363 step %parallel_loop3A_364 iter_args(%parallel_loop3A_376 = %parallel_loop3A_334) -> (vector<16xi32>)  : i32 {
            %parallel_loop3A_377 = arith.constant 16 : i32
            %parallel_loop3A_378 = arith.muli %parallel_loop3A_375, %parallel_loop3A_377 : i32
            %parallel_loop3A_379 = arith.index_cast %scan3A_283 : i32 to index
            %parallel_loop3A_380 = arith.index_cast %parallel_loop3A_378 : i32 to index
            %parallel_loop3A_381 = tpu.vector_load %arg10[%parallel_loop3A_379, %parallel_loop3A_380] {strides = array<i32>} : memref<8x5888xf32, #tpu.memory_space<vmem>>, vector<16xf32>,
            %parallel_loop3A_382 = arith.cmpf ogt, %parallel_loop3A_381, %get3A_290 : vector<16xf32>
            %parallel_loop3A_383 = tpu.all_reduce %parallel_loop3A_382 {dim = 0 : i64, kind = #tpu.reduction_kind<sum>} : vector<16xi1> -> vector<16xi32>
            %parallel_loop3A_384 = arith.addi %parallel_loop3A_376, %parallel_loop3A_383 : vector<16xi32>
            scf.yield %parallel_loop3A_384 : vector<16xi32>
          } {sc.loop_unroll_factor = 8 : i64, sc.parallel_access}
          %mul3A_366 = arith.constant 16 : i32
          %mul3A_367 = arith.muli %add3A_287, %mul3A_366 : i32
          %swap3A_368 = arith.index_cast %mul3A_367 : i32 to index
          %swap3A_369 = tpu.vector_load %arg9[%swap3A_368] {strides = array<i32>} : memref<512xi32, #tpu.memory_space<vmem>>, vector<16xi32>,
          tpu.vector_store %arg9[%swap3A_368], %parallel_loop3A_365 {strides = array<i32>} : memref<512xi32, #tpu.memory_space<vmem>>, vector<16xi32>,
          %mul3A_370 = arith.constant 16 : i32
          %mul3A_371 = arith.muli %add3A_287, %mul3A_370 : i32
          %swap3A_372 = arith.index_cast %mul3A_371 : i32 to index
          %swap3A_373 = tpu.vector_load %arg8[%swap3A_372] {strides = array<i32>} : memref<512xi32, #tpu.memory_space<vmem>>, vector<16xi32>,
          tpu.vector_store %arg8[%swap3A_372], %add3A_360 {strides = array<i32>} : memref<512xi32, #tpu.memory_space<vmem>>, vector<16xi32>,
          %scan3A_374 = arith.constant 0 : i32
          scf.yield %scan3A_374 : i32
        }
        %scan3A_242 = arith.constant 8 : i32
        %mul3A_243 = arith.constant 2 : i32
        %mul3A_244 = arith.muli %mul3A_243, %scan3A_206 : i32
        %add3A_245 = arith.constant 1 : i32
        %add3A_246 = arith.addi %mul3A_244, %add3A_245 : i32
        %dma_wait3A_247 = arith.constant 0 : i32
        %dma_wait3A_248 = arith.constant 0 : i32
        %dma_wait3A_249 = tpu.memref_slice %arg2[%dma_wait3A_247, %dma_wait3A_248] : memref<1024x100000xf32, #tpu.memory_space<hbm>> -> memref<8x5888xf32, #tpu.memory_space<hbm>>
        %dma_wait3A_250 = arith.constant 0 : i32
        %dma_wait3A_251 = arith.constant 0 : i32
        %dma_wait3A_252 = tpu.memref_slice %arg2[%dma_wait3A_250, %dma_wait3A_251] : memref<1024x100000xf32, #tpu.memory_space<hbm>> -> memref<8x5888xf32, #tpu.memory_space<hbm>>
        tpu.wait_dma2 semaphore(%arg15 : memref<!tpu.dma_semaphore, #tpu.memory_space<semaphore_mem>>) src(%dma_wait3A_252 : memref<8x5888xf32, #tpu.memory_space<hbm>>) dst(%arg11 : memref<8x5888xf32, #tpu.memory_space<vmem>>)
        %add3A_253 = arith.constant 1 : i32
        %add3A_254 = arith.addi %add3A_246, %add3A_253 : i32
        %mul3A_255 = arith.constant 5888 : i32
        %mul3A_256 = arith.muli %add3A_254, %mul3A_255 : i32
        %add3A_257 = arith.constant 52480 : i32
        %add3A_258 = arith.addi %add3A_257, %mul3A_256 : i32
        %multiple_of3A_259 = tpu.assume_multiple %add3A_258, 128 : i32
        %lt3A_260 = arith.constant 7 : i32
        %lt3A_261 = arith.cmpi slt, %add3A_246, %lt3A_260 : i32
        %convert_element_type3A_262 = arith.extui %lt3A_261 : i1 to i32
        %cond3A_263 = arith.constant 0 : i32
        %cond3A_264 = arith.cmpi ne, %convert_element_type3A_262, %cond3A_263 : i32
        scf.if %cond3A_264 {
          %dma_start3A_283 = tpu.memref_slice %arg2[%multiple_of3A, %multiple_of3A_259] : memref<1024x100000xf32, #tpu.memory_space<hbm>> -> memref<8x5888xf32, #tpu.memory_space<hbm>>
          %dma_start3A_284 = tpu.memref_slice %arg2[%multiple_of3A, %multiple_of3A_259] : memref<1024x100000xf32, #tpu.memory_space<hbm>> -> memref<8x5888xf32, #tpu.memory_space<hbm>>
          tpu.enqueue_dma source(%dma_start3A_284 : memref<8x5888xf32, #tpu.memory_space<hbm>>) target(%arg10 : memref<8x5888xf32, #tpu.memory_space<vmem>>) target_semaphore(%arg15 : memref<!tpu.dma_semaphore, #tpu.memory_space<semaphore_mem>>)
        } else {
        }
        %eq3A_265 = arith.constant 7 : i32
        %eq3A_266 = arith.cmpi eq, %add3A_246, %eq3A_265 : i32
        %convert_element_type3A_267 = arith.extui %eq3A_266 : i1 to i32
        %cond3A_268 = arith.constant 0 : i32
        %cond3A_269 = arith.cmpi ne, %convert_element_type3A_267, %cond3A_268 : i32
        scf.if %cond3A_269 {
          %dma_start3A_283 = arith.constant 99584 : i32
          %dma_start3A_284 = tpu.memref_slice %arg2[%multiple_of3A, %dma_start3A_283] : memref<1024x100000xf32, #tpu.memory_space<hbm>> -> memref<8x384xf32, #tpu.memory_space<hbm>>
          %dma_start3A_285 = arith.constant 99584 : i32
          %dma_start3A_286 = tpu.memref_slice %arg2[%multiple_of3A, %dma_start3A_285] : memref<1024x100000xf32, #tpu.memory_space<hbm>> -> memref<8x384xf32, #tpu.memory_space<hbm>>
          tpu.enqueue_dma source(%dma_start3A_286 : memref<8x384xf32, #tpu.memory_space<hbm>>) target(%arg12 : memref<8x384xf32, #tpu.memory_space<vmem>>) target_semaphore(%arg15 : memref<!tpu.dma_semaphore, #tpu.memory_space<semaphore_mem>>)
          %dma_start3A_287 = arith.constant 0 : i32
          %dma_start3A_288 = arith.constant 0 : i32
          %dma_start3A_289 = arith.constant 0 : i32
          %dma_start3A_290 = tpu.memref_slice %arg13[%dma_start3A_287, %dma_start3A_288, %dma_start3A_289] : memref<1x8x32xf32, #tpu.memory_space<vmem>> -> memref<1x8x32xf32, #tpu.memory_space<vmem>>
          %dma_start3A_291 = tpu.memref_squeeze %dma_start3A_290 : memref<1x8x32xf32, #tpu.memory_space<vmem>> -> memref<8x32xf32, #tpu.memory_space<vmem>>
          %dma_start3A_292 = arith.constant 99968 : i32
          %dma_start3A_293 = tpu.memref_slice %arg2[%multiple_of3A, %dma_start3A_292] : memref<1024x100000xf32, #tpu.memory_space<hbm>> -> memref<8x32xf32, #tpu.memory_space<hbm>>
          %dma_start3A_294 = arith.constant 0 : i32
          %dma_start3A_295 = arith.constant 0 : i32
          %dma_start3A_296 = tpu.memref_slice %arg13[%dma_start3A_287, %dma_start3A_294, %dma_start3A_295] : memref<1x8x32xf32, #tpu.memory_space<vmem>> -> memref<1x8x32xf32, #tpu.memory_space<vmem>>
          %dma_start3A_297 = tpu.memref_squeeze %dma_start3A_296 : memref<1x8x32xf32, #tpu.memory_space<vmem>> -> memref<8x32xf32, #tpu.memory_space<vmem>>
          %dma_start3A_298 = arith.constant 99968 : i32
          %dma_start3A_299 = tpu.memref_slice %arg2[%multiple_of3A, %dma_start3A_298] : memref<1024x100000xf32, #tpu.memory_space<hbm>> -> memref<8x32xf32, #tpu.memory_space<hbm>>
          tpu.enqueue_dma source(%dma_start3A_299 : memref<8x32xf32, #tpu.memory_space<hbm>>) target(%dma_start3A_297 : memref<8x32xf32, #tpu.memory_space<vmem>>) target_semaphore(%arg15 : memref<!tpu.dma_semaphore, #tpu.memory_space<semaphore_mem>>)
        } else {
        }
        %mul3A_270 = arith.constant 5888 : i32
        %mul3A_271 = arith.muli %add3A_246, %mul3A_270 : i32
        %add3A_272 = arith.constant 52480 : i32
        %add3A_273 = arith.addi %add3A_272, %mul3A_271 : i32
        %multiple_of3A_274 = tpu.assume_multiple %add3A_273, 128 : i32
        %scan3A_275 = arith.constant 0 : i32
        %scan3A_276 = arith.constant 0 : i32
        %scan3A_277 = arith.constant 8 : i32
        %scan3A_278 = arith.addi %scan3A_276, %scan3A_277 : i32
        %scan3A_279 = arith.constant 1 : i32
        %scan3A_280 = scf.for %scan3A_283 = %scan3A_276 to %scan3A_278 step %scan3A_279 iter_args(%scan3A_284 = %scan3A_275) -> (i32)  : i32 {
          %mul3A_285 = arith.constant 8 : i32
          %mul3A_286 = arith.muli %scan3A_147, %mul3A_285 : i32
          %add3A_287 = arith.addi %mul3A_286, %scan3A_283 : i32
          %mul3A_288 = arith.constant 16 : i32
          %mul3A_289 = arith.muli %add3A_287, %mul3A_288 : i32
          %get3A = arith.index_cast %mul3A_289 : i32 to index
          %get3A_290 = tpu.vector_load %arg7[%get3A] {strides = array<i32>} : memref<512xf32, #tpu.memory_space<vmem>>, vector<16xf32>,
          %broadcast_in_dim3A_291 = vector.broadcast %add3A_287 : i32 to vector<16xi32>
          %gather3A = tpu.vector_load_idx %arg6[%broadcast_in_dim3A_291] : memref<32xi32, #tpu.memory_space<vmem>>[vector<16xi32>], vector<16xi32>,
          %jit3A = arith.constant 0 : i32
          %jit3A_292 = arith.constant 99999 : i32
          %max3A = vector.broadcast %jit3A : i32 to vector<16xi32>
          %max3A_293 = arith.maxsi %max3A, %gather3A : vector<16xi32>
          %min3A_294 = vector.broadcast %jit3A_292 : i32 to vector<16xi32>
          %min3A_295 = arith.minsi %min3A_294, %max3A_293 : vector<16xi32>
          %reduce_max3A = arith.constant true
          %reduce_max3A_296 = vector.broadcast %reduce_max3A : i1 to vector<16xi1>
          %reduce_max3A_297 = arith.constant -2147483648 : i32
          %reduce_max3A_298 = vector.broadcast %reduce_max3A_297 : i32 to vector<16xi32>
          %reduce_max3A_299 = arith.xori %min3A_295, %reduce_max3A_298 : vector<16xi32>
          %reduce_max3A_300 = tpu.scan <max>, %reduce_max3A_299 masked %reduce_max3A_296 : vector<16xi32>, vector<16xi1> -> vector<16xi32>
          %reduce_max3A_301 = arith.xori %reduce_max3A_300, %reduce_max3A_298 : vector<16xi32>
          %reduce_max3A_302 = vector.extract %reduce_max3A_301[15] : i32 from vector<16xi32>
          %sub3A = arith.subi %reduce_max3A_302, %multiple_of3A_274 : i32
          %jit3A_303 = arith.constant 0 : i32
          %jit3A_304 = arith.constant 5888 : i32
          %max3A_305 = arith.maxsi %jit3A_303, %sub3A : i32
          %min3A_306 = arith.minsi %jit3A_304, %max3A_305 : i32
          %jit3A_307 = arith.constant 16 : i32
          %div3A = arith.divsi %min3A_306, %jit3A_307 : i32
          %sign3A = arith.constant 0 : i32
          %sign3A_308 = arith.cmpi sgt, %min3A_306, %sign3A : i32
          %sign3A_309 = arith.extui %sign3A_308 : i1 to i32
          %sign3A_310 = arith.constant 0 : i32
          %sign3A_311 = arith.cmpi slt, %min3A_306, %sign3A_310 : i32
          %sign3A_312 = arith.extui %sign3A_311 : i1 to i32
          %sign3A_313 = arith.subi %sign3A_309, %sign3A_312 : i32
          %sign3A_314 = arith.constant 0 : i32
          %sign3A_315 = arith.cmpi sgt, %jit3A_307, %sign3A_314 : i32
          %sign3A_316 = arith.extui %sign3A_315 : i1 to i32
          %sign3A_317 = arith.constant 0 : i32
          %sign3A_318 = arith.cmpi slt, %jit3A_307, %sign3A_317 : i32
          %sign3A_319 = arith.extui %sign3A_318 : i1 to i32
          %sign3A_320 = arith.subi %sign3A_316, %sign3A_319 : i32
          %ne3A = arith.cmpi ne, %sign3A_313, %sign3A_320 : i32
          %rem3A = arith.remsi %min3A_306, %jit3A_307 : i32
          %ne3A_321 = arith.constant 0 : i32
          %ne3A_322 = arith.cmpi ne, %rem3A, %ne3A_321 : i32
          %and3A = arith.andi %ne3A, %ne3A_322 : i1
          %sub3A_323 = arith.constant 1 : i32
          %sub3A_324 = arith.subi %div3A, %sub3A_323 : i32
          %select_n3A = arith.select %and3A, %sub3A_324, %div3A : i32
          %mul3A_325 = arith.constant 16 : i32
          %mul3A_326 = arith.muli %add3A_287, %mul3A_325 : i32
          %get3A_327 = arith.index_cast %mul3A_326 : i32 to index
          %get3A_328 = tpu.vector_load %arg9[%get3A_327] {strides = array<i32>} : memref<512xi32, #tpu.memory_space<vmem>>, vector<16xi32>,
          %mul3A_329 = arith.constant 16 : i32
          %mul3A_330 = arith.muli %add3A_287, %mul3A_329 : i32
          %get3A_331 = arith.index_cast %mul3A_330 : i32 to index
          %get3A_332 = tpu.vector_load %arg8[%get3A_331] {strides = array<i32>} : memref<512xi32, #tpu.memory_space<vmem>>, vector<16xi32>,
          %parallel_loop3A = arith.constant 0 : i32
          %parallel_loop3A_333 = arith.constant 1 : i32
          %parallel_loop3A_334 = scf.for %parallel_loop3A_375 = %parallel_loop3A to %select_n3A step %parallel_loop3A_333 iter_args(%parallel_loop3A_376 = %get3A_328) -> (vector<16xi32>)  : i32 {
            %parallel_loop3A_377 = arith.constant 16 : i32
            %parallel_loop3A_378 = arith.muli %parallel_loop3A_375, %parallel_loop3A_377 : i32
            %parallel_loop3A_379 = arith.index_cast %scan3A_283 : i32 to index
            %parallel_loop3A_380 = arith.index_cast %parallel_loop3A_378 : i32 to index
            %parallel_loop3A_381 = tpu.vector_load %arg11[%parallel_loop3A_379, %parallel_loop3A_380] {strides = array<i32>} : memref<8x5888xf32, #tpu.memory_space<vmem>>, vector<16xf32>,
            %parallel_loop3A_382 = arith.cmpf oge, %parallel_loop3A_381, %get3A_290 : vector<16xf32>
            %parallel_loop3A_383 = tpu.all_reduce %parallel_loop3A_382 {dim = 0 : i64, kind = #tpu.reduction_kind<sum>} : vector<16xi1> -> vector<16xi32>
            %parallel_loop3A_384 = arith.addi %parallel_loop3A_376, %parallel_loop3A_383 : vector<16xi32>
            scf.yield %parallel_loop3A_384 : vector<16xi32>
          } {sc.loop_unroll_factor = 8 : i64, sc.parallel_access}
          %min3A_335 = arith.constant 367 : i32
          %min3A_336 = arith.minsi %select_n3A, %min3A_335 : i32
          %mul3A_337 = arith.constant 16 : i32
          %mul3A_338 = arith.muli %min3A_336, %mul3A_337 : i32
          %get3A_339 = arith.index_cast %scan3A_283 : i32 to index
          %get3A_340 = arith.index_cast %mul3A_338 : i32 to index
          %get3A_341 = tpu.vector_load %arg11[%get3A_339, %get3A_340] {strides = array<i32>} : memref<8x5888xf32, #tpu.memory_space<vmem>>, vector<16xf32>,
          %mul3A_342 = arith.constant 16 : i32
          %mul3A_343 = arith.muli %min3A_336, %mul3A_342 : i32
          %add3A_344 = arith.addi %multiple_of3A_274, %mul3A_343 : i32
          %broadcast_in_dim3A_345 = vector.broadcast %add3A_344 : i32 to vector<16xi32>
          %add3A_346 = arith.addi %broadcast_in_dim3A_345, %iota3A : vector<16xi32>
          %gt3A = arith.cmpf ogt, %get3A_341, %get3A_290 : vector<16xf32>
          %eq3A_347 = arith.cmpf oeq, %get3A_341, %get3A_290 : vector<16xf32>
          %lt3A_348 = arith.cmpi slt, %add3A_346, %gather3A : vector<16xi32>
          %and3A_349 = arith.andi %eq3A_347, %lt3A_348 : vector<16xi1>
          %or3A = arith.ori %gt3A, %and3A_349 : vector<16xi1>
          %broadcast_in_dim3A_350 = vector.broadcast %select_n3A : i32 to vector<16xi32>
          %lt3A_351 = arith.constant 368 : i32
          %lt3A_352 = vector.broadcast %lt3A_351 : i32 to vector<16xi32>
          %lt3A_353 = arith.cmpi slt, %broadcast_in_dim3A_350, %lt3A_352 : vector<16xi32>
          %and3A_354 = arith.andi %or3A, %lt3A_353 : vector<16xi1>
          %jit3A_355 = arith.constant 1 : i32
          %jit3A_356 = arith.constant 0 : i32
          %broadcast_in_dim3A_357 = vector.broadcast %jit3A_355 : i32 to vector<16xi32>
          %broadcast_in_dim3A_358 = vector.broadcast %jit3A_356 : i32 to vector<16xi32>
          %select_n3A_359 = arith.select %and3A_354, %broadcast_in_dim3A_357, %broadcast_in_dim3A_358 : vector<16xi1>, vector<16xi32>
          %add3A_360 = arith.addi %get3A_332, %select_n3A_359 : vector<16xi32>
          %add3A_361 = arith.constant 1 : i32
          %add3A_362 = arith.addi %select_n3A, %add3A_361 : i32
          %parallel_loop3A_363 = arith.constant 368 : i32
          %parallel_loop3A_364 = arith.constant 1 : i32
          %parallel_loop3A_365 = scf.for %parallel_loop3A_375 = %add3A_362 to %parallel_loop3A_363 step %parallel_loop3A_364 iter_args(%parallel_loop3A_376 = %parallel_loop3A_334) -> (vector<16xi32>)  : i32 {
            %parallel_loop3A_377 = arith.constant 16 : i32
            %parallel_loop3A_378 = arith.muli %parallel_loop3A_375, %parallel_loop3A_377 : i32
            %parallel_loop3A_379 = arith.index_cast %scan3A_283 : i32 to index
            %parallel_loop3A_380 = arith.index_cast %parallel_loop3A_378 : i32 to index
            %parallel_loop3A_381 = tpu.vector_load %arg11[%parallel_loop3A_379, %parallel_loop3A_380] {strides = array<i32>} : memref<8x5888xf32, #tpu.memory_space<vmem>>, vector<16xf32>,
            %parallel_loop3A_382 = arith.cmpf ogt, %parallel_loop3A_381, %get3A_290 : vector<16xf32>
            %parallel_loop3A_383 = tpu.all_reduce %parallel_loop3A_382 {dim = 0 : i64, kind = #tpu.reduction_kind<sum>} : vector<16xi1> -> vector<16xi32>
            %parallel_loop3A_384 = arith.addi %parallel_loop3A_376, %parallel_loop3A_383 : vector<16xi32>
            scf.yield %parallel_loop3A_384 : vector<16xi32>
          } {sc.loop_unroll_factor = 8 : i64, sc.parallel_access}
          %mul3A_366 = arith.constant 16 : i32
          %mul3A_367 = arith.muli %add3A_287, %mul3A_366 : i32
          %swap3A_368 = arith.index_cast %mul3A_367 : i32 to index
          %swap3A_369 = tpu.vector_load %arg9[%swap3A_368] {strides = array<i32>} : memref<512xi32, #tpu.memory_space<vmem>>, vector<16xi32>,
          tpu.vector_store %arg9[%swap3A_368], %parallel_loop3A_365 {strides = array<i32>} : memref<512xi32, #tpu.memory_space<vmem>>, vector<16xi32>,
          %mul3A_370 = arith.constant 16 : i32
          %mul3A_371 = arith.muli %add3A_287, %mul3A_370 : i32
          %swap3A_372 = arith.index_cast %mul3A_371 : i32 to index
          %swap3A_373 = tpu.vector_load %arg8[%swap3A_372] {strides = array<i32>} : memref<512xi32, #tpu.memory_space<vmem>>, vector<16xi32>,
          tpu.vector_store %arg8[%swap3A_372], %add3A_360 {strides = array<i32>} : memref<512xi32, #tpu.memory_space<vmem>>, vector<16xi32>,
          %scan3A_374 = arith.constant 0 : i32
          scf.yield %scan3A_374 : i32
        }
        %scan3A_281 = arith.constant 8 : i32
        %scan3A_282 = arith.constant 0 : i32
        scf.yield %scan3A_282 : i32
      }
      %scan3A_158 = arith.constant 4 : i32
      %dma_wait3A_159 = arith.constant 0 : i32
      %dma_wait3A_160 = arith.constant 0 : i32
      %dma_wait3A_161 = tpu.memref_slice %arg2[%dma_wait3A_159, %dma_wait3A_160] : memref<1024x100000xf32, #tpu.memory_space<hbm>> -> memref<8x384xf32, #tpu.memory_space<hbm>>
      %dma_wait3A_162 = arith.constant 0 : i32
      %dma_wait3A_163 = arith.constant 0 : i32
      %dma_wait3A_164 = tpu.memref_slice %arg2[%dma_wait3A_162, %dma_wait3A_163] : memref<1024x100000xf32, #tpu.memory_space<hbm>> -> memref<8x384xf32, #tpu.memory_space<hbm>>
      tpu.wait_dma2 semaphore(%arg15 : memref<!tpu.dma_semaphore, #tpu.memory_space<semaphore_mem>>) src(%dma_wait3A_164 : memref<8x384xf32, #tpu.memory_space<hbm>>) dst(%arg12 : memref<8x384xf32, #tpu.memory_space<vmem>>)
      %dma_wait3A_165 = arith.constant 0 : i32
      %dma_wait3A_166 = arith.constant 0 : i32
      %dma_wait3A_167 = arith.constant 0 : i32
      %dma_wait3A_168 = tpu.memref_slice %arg13[%dma_wait3A_165, %dma_wait3A_166, %dma_wait3A_167] : memref<1x8x32xf32, #tpu.memory_space<vmem>> -> memref<1x8x32xf32, #tpu.memory_space<vmem>>
      %dma_wait3A_169 = tpu.memref_squeeze %dma_wait3A_168 : memref<1x8x32xf32, #tpu.memory_space<vmem>> -> memref<8x32xf32, #tpu.memory_space<vmem>>
      %dma_wait3A_170 = arith.constant 0 : i32
      %dma_wait3A_171 = arith.constant 99968 : i32
      %dma_wait3A_172 = tpu.memref_slice %arg2[%dma_wait3A_170, %dma_wait3A_171] : memref<1024x100000xf32, #tpu.memory_space<hbm>> -> memref<8x32xf32, #tpu.memory_space<hbm>>
      %dma_wait3A_173 = arith.constant 0 : i32
      %dma_wait3A_174 = arith.constant 0 : i32
      %dma_wait3A_175 = tpu.memref_slice %arg13[%dma_wait3A_165, %dma_wait3A_173, %dma_wait3A_174] : memref<1x8x32xf32, #tpu.memory_space<vmem>> -> memref<1x8x32xf32, #tpu.memory_space<vmem>>
      %dma_wait3A_176 = tpu.memref_squeeze %dma_wait3A_175 : memref<1x8x32xf32, #tpu.memory_space<vmem>> -> memref<8x32xf32, #tpu.memory_space<vmem>>
      %dma_wait3A_177 = arith.constant 0 : i32
      %dma_wait3A_178 = arith.constant 99968 : i32
      %dma_wait3A_179 = tpu.memref_slice %arg2[%dma_wait3A_177, %dma_wait3A_178] : memref<1024x100000xf32, #tpu.memory_space<hbm>> -> memref<8x32xf32, #tpu.memory_space<hbm>>
      tpu.wait_dma2 semaphore(%arg15 : memref<!tpu.dma_semaphore, #tpu.memory_space<semaphore_mem>>) src(%dma_wait3A_179 : memref<8x32xf32, #tpu.memory_space<hbm>>) dst(%dma_wait3A_176 : memref<8x32xf32, #tpu.memory_space<vmem>>)
      %add3A_180 = arith.constant 1 : i32
      %add3A_181 = arith.addi %scan3A_147, %add3A_180 : i32
      %mul3A_182 = arith.constant 8 : i32
      %mul3A_183 = arith.muli %add3A_181, %mul3A_182 : i32
      %add3A_184 = arith.addi %mul3A_2, %mul3A_183 : i32
      %min3A = arith.constant 1016 : i32
      %min3A_185 = arith.minsi %add3A_184, %min3A : i32
      %multiple_of3A_186 = tpu.assume_multiple %min3A_185, 8 : i32
      %dma_start3A_187 = arith.constant 52480 : i32
      %dma_start3A_188 = tpu.memref_slice %arg2[%multiple_of3A_186, %dma_start3A_187] : memref<1024x100000xf32, #tpu.memory_space<hbm>> -> memref<8x5888xf32, #tpu.memory_space<hbm>>
      %dma_start3A_189 = arith.constant 52480 : i32
      %dma_start3A_190 = tpu.memref_slice %arg2[%multiple_of3A_186, %dma_start3A_189] : memref<1024x100000xf32, #tpu.memory_space<hbm>> -> memref<8x5888xf32, #tpu.memory_space<hbm>>
      tpu.enqueue_dma source(%dma_start3A_190 : memref<8x5888xf32, #tpu.memory_space<hbm>>) target(%arg10 : memref<8x5888xf32, #tpu.memory_space<vmem>>) target_semaphore(%arg15 : memref<!tpu.dma_semaphore, #tpu.memory_space<semaphore_mem>>)
      %scan3A_191 = arith.constant 0 : i32
      %scan3A_192 = arith.constant 0 : i32
      %scan3A_193 = arith.constant 8 : i32
      %scan3A_194 = arith.addi %scan3A_192, %scan3A_193 : i32
      %scan3A_195 = arith.constant 1 : i32
      %scan3A_196 = scf.for %scan3A_206 = %scan3A_192 to %scan3A_194 step %scan3A_195 iter_args(%scan3A_207 = %scan3A_191) -> (i32)  : i32 {
        %mul3A_208 = arith.constant 8 : i32
        %mul3A_209 = arith.muli %scan3A_147, %mul3A_208 : i32
        %add3A_210 = arith.addi %mul3A_209, %scan3A_206 : i32
        %mul3A_211 = arith.constant 16 : i32
        %mul3A_212 = arith.muli %add3A_210, %mul3A_211 : i32
        %get3A = arith.index_cast %mul3A_212 : i32 to index
        %get3A_213 = tpu.vector_load %arg7[%get3A] {strides = array<i32>} : memref<512xf32, #tpu.memory_space<vmem>>, vector<16xf32>,
        %broadcast_in_dim3A_214 = vector.broadcast %add3A_210 : i32 to vector<16xi32>
        %gather3A = tpu.vector_load_idx %arg6[%broadcast_in_dim3A_214] : memref<32xi32, #tpu.memory_space<vmem>>[vector<16xi32>], vector<16xi32>,
        %jit3A = arith.constant 0 : i32
        %jit3A_215 = arith.constant 99999 : i32
        %max3A = vector.broadcast %jit3A : i32 to vector<16xi32>
        %max3A_216 = arith.maxsi %max3A, %gather3A : vector<16xi32>
        %min3A_217 = vector.broadcast %jit3A_215 : i32 to vector<16xi32>
        %min3A_218 = arith.minsi %min3A_217, %max3A_216 : vector<16xi32>
        %reduce_max3A = arith.constant true
        %reduce_max3A_219 = vector.broadcast %reduce_max3A : i1 to vector<16xi1>
        %reduce_max3A_220 = arith.constant -2147483648 : i32
        %reduce_max3A_221 = vector.broadcast %reduce_max3A_220 : i32 to vector<16xi32>
        %reduce_max3A_222 = arith.xori %min3A_218, %reduce_max3A_221 : vector<16xi32>
        %reduce_max3A_223 = tpu.scan <max>, %reduce_max3A_222 masked %reduce_max3A_219 : vector<16xi32>, vector<16xi1> -> vector<16xi32>
        %reduce_max3A_224 = arith.xori %reduce_max3A_223, %reduce_max3A_221 : vector<16xi32>
        %reduce_max3A_225 = vector.extract %reduce_max3A_224[15] : i32 from vector<16xi32>
        %sub3A = arith.constant 99584 : i32
        %sub3A_226 = arith.subi %reduce_max3A_225, %sub3A : i32
        %jit3A_227 = arith.constant 0 : i32
        %jit3A_228 = arith.constant 384 : i32
        %max3A_229 = arith.maxsi %jit3A_227, %sub3A_226 : i32
        %min3A_230 = arith.minsi %jit3A_228, %max3A_229 : i32
        %jit3A_231 = arith.constant 16 : i32
        %div3A = arith.divsi %min3A_230, %jit3A_231 : i32
        %sign3A = arith.constant 0 : i32
        %sign3A_232 = arith.cmpi sgt, %min3A_230, %sign3A : i32
        %sign3A_233 = arith.extui %sign3A_232 : i1 to i32
        %sign3A_234 = arith.constant 0 : i32
        %sign3A_235 = arith.cmpi slt, %min3A_230, %sign3A_234 : i32
        %sign3A_236 = arith.extui %sign3A_235 : i1 to i32
        %sign3A_237 = arith.subi %sign3A_233, %sign3A_236 : i32
        %sign3A_238 = arith.constant 0 : i32
        %sign3A_239 = arith.cmpi sgt, %jit3A_231, %sign3A_238 : i32
        %sign3A_240 = arith.extui %sign3A_239 : i1 to i32
        %sign3A_241 = arith.constant 0 : i32
        %sign3A_242 = arith.cmpi slt, %jit3A_231, %sign3A_241 : i32
        %sign3A_243 = arith.extui %sign3A_242 : i1 to i32
        %sign3A_244 = arith.subi %sign3A_240, %sign3A_243 : i32
        %ne3A = arith.cmpi ne, %sign3A_237, %sign3A_244 : i32
        %rem3A = arith.remsi %min3A_230, %jit3A_231 : i32
        %ne3A_245 = arith.constant 0 : i32
        %ne3A_246 = arith.cmpi ne, %rem3A, %ne3A_245 : i32
        %and3A = arith.andi %ne3A, %ne3A_246 : i1
        %sub3A_247 = arith.constant 1 : i32
        %sub3A_248 = arith.subi %div3A, %sub3A_247 : i32
        %select_n3A = arith.select %and3A, %sub3A_248, %div3A : i32
        %mul3A_249 = arith.constant 16 : i32
        %mul3A_250 = arith.muli %add3A_210, %mul3A_249 : i32
        %get3A_251 = arith.index_cast %mul3A_250 : i32 to index
        %get3A_252 = tpu.vector_load %arg9[%get3A_251] {strides = array<i32>} : memref<512xi32, #tpu.memory_space<vmem>>, vector<16xi32>,
        %mul3A_253 = arith.constant 16 : i32
        %mul3A_254 = arith.muli %add3A_210, %mul3A_253 : i32
        %get3A_255 = arith.index_cast %mul3A_254 : i32 to index
        %get3A_256 = tpu.vector_load %arg8[%get3A_255] {strides = array<i32>} : memref<512xi32, #tpu.memory_space<vmem>>, vector<16xi32>,
        %parallel_loop3A = arith.constant 0 : i32
        %parallel_loop3A_257 = arith.constant 1 : i32
        %parallel_loop3A_258 = scf.for %parallel_loop3A_411 = %parallel_loop3A to %select_n3A step %parallel_loop3A_257 iter_args(%parallel_loop3A_412 = %get3A_252) -> (vector<16xi32>)  : i32 {
          %parallel_loop3A_413 = arith.constant 16 : i32
          %parallel_loop3A_414 = arith.muli %parallel_loop3A_411, %parallel_loop3A_413 : i32
          %parallel_loop3A_415 = arith.index_cast %scan3A_206 : i32 to index
          %parallel_loop3A_416 = arith.index_cast %parallel_loop3A_414 : i32 to index
          %parallel_loop3A_417 = tpu.vector_load %arg12[%parallel_loop3A_415, %parallel_loop3A_416] {strides = array<i32>} : memref<8x384xf32, #tpu.memory_space<vmem>>, vector<16xf32>,
          %parallel_loop3A_418 = arith.cmpf oge, %parallel_loop3A_417, %get3A_213 : vector<16xf32>
          %parallel_loop3A_419 = tpu.all_reduce %parallel_loop3A_418 {dim = 0 : i64, kind = #tpu.reduction_kind<sum>} : vector<16xi1> -> vector<16xi32>
          %parallel_loop3A_420 = arith.addi %parallel_loop3A_412, %parallel_loop3A_419 : vector<16xi32>
          scf.yield %parallel_loop3A_420 : vector<16xi32>
        } {sc.loop_unroll_factor = 8 : i64, sc.parallel_access}
        %min3A_259 = arith.constant 23 : i32
        %min3A_260 = arith.minsi %select_n3A, %min3A_259 : i32
        %mul3A_261 = arith.constant 16 : i32
        %mul3A_262 = arith.muli %min3A_260, %mul3A_261 : i32
        %get3A_263 = arith.index_cast %scan3A_206 : i32 to index
        %get3A_264 = arith.index_cast %mul3A_262 : i32 to index
        %get3A_265 = tpu.vector_load %arg12[%get3A_263, %get3A_264] {strides = array<i32>} : memref<8x384xf32, #tpu.memory_space<vmem>>, vector<16xf32>,
        %mul3A_266 = arith.constant 16 : i32
        %mul3A_267 = arith.muli %min3A_260, %mul3A_266 : i32
        %add3A_268 = arith.constant 99584 : i32
        %add3A_269 = arith.addi %add3A_268, %mul3A_267 : i32
        %broadcast_in_dim3A_270 = vector.broadcast %add3A_269 : i32 to vector<16xi32>
        %add3A_271 = arith.addi %broadcast_in_dim3A_270, %iota3A : vector<16xi32>
        %gt3A = arith.cmpf ogt, %get3A_265, %get3A_213 : vector<16xf32>
        %eq3A = arith.cmpf oeq, %get3A_265, %get3A_213 : vector<16xf32>
        %lt3A = arith.cmpi slt, %add3A_271, %gather3A : vector<16xi32>
        %and3A_272 = arith.andi %eq3A, %lt3A : vector<16xi1>
        %or3A = arith.ori %gt3A, %and3A_272 : vector<16xi1>
        %broadcast_in_dim3A_273 = vector.broadcast %select_n3A : i32 to vector<16xi32>
        %lt3A_274 = arith.constant 24 : i32
        %lt3A_275 = vector.broadcast %lt3A_274 : i32 to vector<16xi32>
        %lt3A_276 = arith.cmpi slt, %broadcast_in_dim3A_273, %lt3A_275 : vector<16xi32>
        %and3A_277 = arith.andi %or3A, %lt3A_276 : vector<16xi1>
        %jit3A_278 = arith.constant 1 : i32
        %jit3A_279 = arith.constant 0 : i32
        %broadcast_in_dim3A_280 = vector.broadcast %jit3A_278 : i32 to vector<16xi32>
        %broadcast_in_dim3A_281 = vector.broadcast %jit3A_279 : i32 to vector<16xi32>
        %select_n3A_282 = arith.select %and3A_277, %broadcast_in_dim3A_280, %broadcast_in_dim3A_281 : vector<16xi1>, vector<16xi32>
        %add3A_283 = arith.addi %get3A_256, %select_n3A_282 : vector<16xi32>
        %add3A_284 = arith.constant 1 : i32
        %add3A_285 = arith.addi %select_n3A, %add3A_284 : i32
        %parallel_loop3A_286 = arith.constant 24 : i32
        %parallel_loop3A_287 = arith.constant 1 : i32
        %parallel_loop3A_288 = scf.for %parallel_loop3A_411 = %add3A_285 to %parallel_loop3A_286 step %parallel_loop3A_287 iter_args(%parallel_loop3A_412 = %parallel_loop3A_258) -> (vector<16xi32>)  : i32 {
          %parallel_loop3A_413 = arith.constant 16 : i32
          %parallel_loop3A_414 = arith.muli %parallel_loop3A_411, %parallel_loop3A_413 : i32
          %parallel_loop3A_415 = arith.index_cast %scan3A_206 : i32 to index
          %parallel_loop3A_416 = arith.index_cast %parallel_loop3A_414 : i32 to index
          %parallel_loop3A_417 = tpu.vector_load %arg12[%parallel_loop3A_415, %parallel_loop3A_416] {strides = array<i32>} : memref<8x384xf32, #tpu.memory_space<vmem>>, vector<16xf32>,
          %parallel_loop3A_418 = arith.cmpf ogt, %parallel_loop3A_417, %get3A_213 : vector<16xf32>
          %parallel_loop3A_419 = tpu.all_reduce %parallel_loop3A_418 {dim = 0 : i64, kind = #tpu.reduction_kind<sum>} : vector<16xi1> -> vector<16xi32>
          %parallel_loop3A_420 = arith.addi %parallel_loop3A_412, %parallel_loop3A_419 : vector<16xi32>
          scf.yield %parallel_loop3A_420 : vector<16xi32>
        } {sc.loop_unroll_factor = 8 : i64, sc.parallel_access}
        %mul3A_289 = arith.constant 16 : i32
        %mul3A_290 = arith.muli %add3A_210, %mul3A_289 : i32
        %swap3A_291 = arith.index_cast %mul3A_290 : i32 to index
        %swap3A_292 = tpu.vector_load %arg9[%swap3A_291] {strides = array<i32>} : memref<512xi32, #tpu.memory_space<vmem>>, vector<16xi32>,
        tpu.vector_store %arg9[%swap3A_291], %parallel_loop3A_288 {strides = array<i32>} : memref<512xi32, #tpu.memory_space<vmem>>, vector<16xi32>,
        %mul3A_293 = arith.constant 16 : i32
        %mul3A_294 = arith.muli %add3A_210, %mul3A_293 : i32
        %swap3A_295 = arith.index_cast %mul3A_294 : i32 to index
        %swap3A_296 = tpu.vector_load %arg8[%swap3A_295] {strides = array<i32>} : memref<512xi32, #tpu.memory_space<vmem>>, vector<16xi32>,
        tpu.vector_store %arg8[%swap3A_295], %add3A_283 {strides = array<i32>} : memref<512xi32, #tpu.memory_space<vmem>>, vector<16xi32>,
        %mul3A_297 = arith.constant 8 : i32
        %mul3A_298 = arith.muli %scan3A_147, %mul3A_297 : i32
        %add3A_299 = arith.addi %mul3A_298, %scan3A_206 : i32
        %mul3A_300 = arith.constant 16 : i32
        %mul3A_301 = arith.muli %add3A_299, %mul3A_300 : i32
        %get3A_302 = arith.index_cast %mul3A_301 : i32 to index
        %get3A_303 = tpu.vector_load %arg7[%get3A_302] {strides = array<i32>} : memref<512xf32, #tpu.memory_space<vmem>>, vector<16xf32>,
        %broadcast_in_dim3A_304 = vector.broadcast %add3A_299 : i32 to vector<16xi32>
        %gather3A_305 = tpu.vector_load_idx %arg6[%broadcast_in_dim3A_304] : memref<32xi32, #tpu.memory_space<vmem>>[vector<16xi32>], vector<16xi32>,
        %jit3A_306 = arith.constant 0 : i32
        %jit3A_307 = arith.constant 99999 : i32
        %max3A_308 = vector.broadcast %jit3A_306 : i32 to vector<16xi32>
        %max3A_309 = arith.maxsi %max3A_308, %gather3A_305 : vector<16xi32>
        %min3A_310 = vector.broadcast %jit3A_307 : i32 to vector<16xi32>
        %min3A_311 = arith.minsi %min3A_310, %max3A_309 : vector<16xi32>
        %reduce_max3A_312 = arith.constant true
        %reduce_max3A_313 = vector.broadcast %reduce_max3A_312 : i1 to vector<16xi1>
        %reduce_max3A_314 = arith.constant -2147483648 : i32
        %reduce_max3A_315 = vector.broadcast %reduce_max3A_314 : i32 to vector<16xi32>
        %reduce_max3A_316 = arith.xori %min3A_311, %reduce_max3A_315 : vector<16xi32>
        %reduce_max3A_317 = tpu.scan <max>, %reduce_max3A_316 masked %reduce_max3A_313 : vector<16xi32>, vector<16xi1> -> vector<16xi32>
        %reduce_max3A_318 = arith.xori %reduce_max3A_317, %reduce_max3A_315 : vector<16xi32>
        %reduce_max3A_319 = vector.extract %reduce_max3A_318[15] : i32 from vector<16xi32>
        %sub3A_320 = arith.constant 99968 : i32
        %sub3A_321 = arith.subi %reduce_max3A_319, %sub3A_320 : i32
        %jit3A_322 = arith.constant 0 : i32
        %jit3A_323 = arith.constant 32 : i32
        %max3A_324 = arith.maxsi %jit3A_322, %sub3A_321 : i32
        %min3A_325 = arith.minsi %jit3A_323, %max3A_324 : i32
        %jit3A_326 = arith.constant 16 : i32
        %div3A_327 = arith.divsi %min3A_325, %jit3A_326 : i32
        %sign3A_328 = arith.constant 0 : i32
        %sign3A_329 = arith.cmpi sgt, %min3A_325, %sign3A_328 : i32
        %sign3A_330 = arith.extui %sign3A_329 : i1 to i32
        %sign3A_331 = arith.constant 0 : i32
        %sign3A_332 = arith.cmpi slt, %min3A_325, %sign3A_331 : i32
        %sign3A_333 = arith.extui %sign3A_332 : i1 to i32
        %sign3A_334 = arith.subi %sign3A_330, %sign3A_333 : i32
        %sign3A_335 = arith.constant 0 : i32
        %sign3A_336 = arith.cmpi sgt, %jit3A_326, %sign3A_335 : i32
        %sign3A_337 = arith.extui %sign3A_336 : i1 to i32
        %sign3A_338 = arith.constant 0 : i32
        %sign3A_339 = arith.cmpi slt, %jit3A_326, %sign3A_338 : i32
        %sign3A_340 = arith.extui %sign3A_339 : i1 to i32
        %sign3A_341 = arith.subi %sign3A_337, %sign3A_340 : i32
        %ne3A_342 = arith.cmpi ne, %sign3A_334, %sign3A_341 : i32
        %rem3A_343 = arith.remsi %min3A_325, %jit3A_326 : i32
        %ne3A_344 = arith.constant 0 : i32
        %ne3A_345 = arith.cmpi ne, %rem3A_343, %ne3A_344 : i32
        %and3A_346 = arith.andi %ne3A_342, %ne3A_345 : i1
        %sub3A_347 = arith.constant 1 : i32
        %sub3A_348 = arith.subi %div3A_327, %sub3A_347 : i32
        %select_n3A_349 = arith.select %and3A_346, %sub3A_348, %div3A_327 : i32
        %mul3A_350 = arith.constant 16 : i32
        %mul3A_351 = arith.muli %add3A_299, %mul3A_350 : i32
        %get3A_352 = arith.index_cast %mul3A_351 : i32 to index
        %get3A_353 = tpu.vector_load %arg9[%get3A_352] {strides = array<i32>} : memref<512xi32, #tpu.memory_space<vmem>>, vector<16xi32>,
        %mul3A_354 = arith.constant 16 : i32
        %mul3A_355 = arith.muli %add3A_299, %mul3A_354 : i32
        %get3A_356 = arith.index_cast %mul3A_355 : i32 to index
        %get3A_357 = tpu.vector_load %arg8[%get3A_356] {strides = array<i32>} : memref<512xi32, #tpu.memory_space<vmem>>, vector<16xi32>,
        %parallel_loop3A_358 = arith.constant 0 : i32
        %parallel_loop3A_359 = arith.constant 1 : i32
        %parallel_loop3A_360 = arith.constant 0 : i32
        %parallel_loop3A_361 = scf.for %parallel_loop3A_411 = %parallel_loop3A_358 to %select_n3A_349 step %parallel_loop3A_359 iter_args(%parallel_loop3A_412 = %get3A_353) -> (vector<16xi32>)  : i32 {
          %parallel_loop3A_413 = arith.constant 16 : i32
          %parallel_loop3A_414 = arith.muli %parallel_loop3A_411, %parallel_loop3A_413 : i32
          %parallel_loop3A_415 = arith.constant 0 : i32
          %parallel_loop3A_416 = arith.constant 0 : i32
          %parallel_loop3A_417 = tpu.memref_slice %arg13[%parallel_loop3A_360, %parallel_loop3A_415, %parallel_loop3A_416] : memref<1x8x32xf32, #tpu.memory_space<vmem>> -> memref<1x8x32xf32, #tpu.memory_space<vmem>>
          %parallel_loop3A_418 = tpu.memref_squeeze %parallel_loop3A_417 : memref<1x8x32xf32, #tpu.memory_space<vmem>> -> memref<8x32xf32, #tpu.memory_space<vmem>>
          %parallel_loop3A_419 = arith.index_cast %scan3A_206 : i32 to index
          %parallel_loop3A_420 = arith.index_cast %parallel_loop3A_414 : i32 to index
          %parallel_loop3A_421 = tpu.vector_load %parallel_loop3A_418[%parallel_loop3A_419, %parallel_loop3A_420] {strides = array<i32>} : memref<8x32xf32, #tpu.memory_space<vmem>>, vector<16xf32>,
          %parallel_loop3A_422 = arith.cmpf oge, %parallel_loop3A_421, %get3A_303 : vector<16xf32>
          %parallel_loop3A_423 = tpu.all_reduce %parallel_loop3A_422 {dim = 0 : i64, kind = #tpu.reduction_kind<sum>} : vector<16xi1> -> vector<16xi32>
          %parallel_loop3A_424 = arith.addi %parallel_loop3A_412, %parallel_loop3A_423 : vector<16xi32>
          scf.yield %parallel_loop3A_424 : vector<16xi32>
        } {sc.loop_unroll_factor = 8 : i64, sc.parallel_access}
        %min3A_362 = arith.constant 1 : i32
        %min3A_363 = arith.minsi %select_n3A_349, %min3A_362 : i32
        %mul3A_364 = arith.constant 16 : i32
        %mul3A_365 = arith.muli %min3A_363, %mul3A_364 : i32
        %get3A_366 = arith.constant 0 : i32
        %get3A_367 = arith.constant 0 : i32
        %get3A_368 = arith.constant 0 : i32
        %get3A_369 = tpu.memref_slice %arg13[%get3A_366, %get3A_367, %get3A_368] : memref<1x8x32xf32, #tpu.memory_space<vmem>> -> memref<1x8x32xf32, #tpu.memory_space<vmem>>
        %get3A_370 = tpu.memref_squeeze %get3A_369 : memref<1x8x32xf32, #tpu.memory_space<vmem>> -> memref<8x32xf32, #tpu.memory_space<vmem>>
        %get3A_371 = arith.index_cast %scan3A_206 : i32 to index
        %get3A_372 = arith.index_cast %mul3A_365 : i32 to index
        %get3A_373 = tpu.vector_load %get3A_370[%get3A_371, %get3A_372] {strides = array<i32>} : memref<8x32xf32, #tpu.memory_space<vmem>>, vector<16xf32>,
        %mul3A_374 = arith.constant 16 : i32
        %mul3A_375 = arith.muli %min3A_363, %mul3A_374 : i32
        %add3A_376 = arith.constant 99968 : i32
        %add3A_377 = arith.addi %add3A_376, %mul3A_375 : i32
        %broadcast_in_dim3A_378 = vector.broadcast %add3A_377 : i32 to vector<16xi32>
        %add3A_379 = arith.addi %broadcast_in_dim3A_378, %iota3A : vector<16xi32>
        %gt3A_380 = arith.cmpf ogt, %get3A_373, %get3A_303 : vector<16xf32>
        %eq3A_381 = arith.cmpf oeq, %get3A_373, %get3A_303 : vector<16xf32>
        %lt3A_382 = arith.cmpi slt, %add3A_379, %gather3A_305 : vector<16xi32>
        %and3A_383 = arith.andi %eq3A_381, %lt3A_382 : vector<16xi1>
        %or3A_384 = arith.ori %gt3A_380, %and3A_383 : vector<16xi1>
        %broadcast_in_dim3A_385 = vector.broadcast %select_n3A_349 : i32 to vector<16xi32>
        %lt3A_386 = arith.constant 2 : i32
        %lt3A_387 = vector.broadcast %lt3A_386 : i32 to vector<16xi32>
        %lt3A_388 = arith.cmpi slt, %broadcast_in_dim3A_385, %lt3A_387 : vector<16xi32>
        %and3A_389 = arith.andi %or3A_384, %lt3A_388 : vector<16xi1>
        %jit3A_390 = arith.constant 1 : i32
        %jit3A_391 = arith.constant 0 : i32
        %broadcast_in_dim3A_392 = vector.broadcast %jit3A_390 : i32 to vector<16xi32>
        %broadcast_in_dim3A_393 = vector.broadcast %jit3A_391 : i32 to vector<16xi32>
        %select_n3A_394 = arith.select %and3A_389, %broadcast_in_dim3A_392, %broadcast_in_dim3A_393 : vector<16xi1>, vector<16xi32>
        %add3A_395 = arith.addi %get3A_357, %select_n3A_394 : vector<16xi32>
        %add3A_396 = arith.constant 1 : i32
        %add3A_397 = arith.addi %select_n3A_349, %add3A_396 : i32
        %parallel_loop3A_398 = arith.constant 2 : i32
        %parallel_loop3A_399 = arith.constant 1 : i32
        %parallel_loop3A_400 = arith.constant 0 : i32
        %parallel_loop3A_401 = scf.for %parallel_loop3A_411 = %add3A_397 to %parallel_loop3A_398 step %parallel_loop3A_399 iter_args(%parallel_loop3A_412 = %parallel_loop3A_361) -> (vector<16xi32>)  : i32 {
          %parallel_loop3A_413 = arith.constant 16 : i32
          %parallel_loop3A_414 = arith.muli %parallel_loop3A_411, %parallel_loop3A_413 : i32
          %parallel_loop3A_415 = arith.constant 0 : i32
          %parallel_loop3A_416 = arith.constant 0 : i32
          %parallel_loop3A_417 = tpu.memref_slice %arg13[%parallel_loop3A_400, %parallel_loop3A_415, %parallel_loop3A_416] : memref<1x8x32xf32, #tpu.memory_space<vmem>> -> memref<1x8x32xf32, #tpu.memory_space<vmem>>
          %parallel_loop3A_418 = tpu.memref_squeeze %parallel_loop3A_417 : memref<1x8x32xf32, #tpu.memory_space<vmem>> -> memref<8x32xf32, #tpu.memory_space<vmem>>
          %parallel_loop3A_419 = arith.index_cast %scan3A_206 : i32 to index
          %parallel_loop3A_420 = arith.index_cast %parallel_loop3A_414 : i32 to index
          %parallel_loop3A_421 = tpu.vector_load %parallel_loop3A_418[%parallel_loop3A_419, %parallel_loop3A_420] {strides = array<i32>} : memref<8x32xf32, #tpu.memory_space<vmem>>, vector<16xf32>,
          %parallel_loop3A_422 = arith.cmpf ogt, %parallel_loop3A_421, %get3A_303 : vector<16xf32>
          %parallel_loop3A_423 = tpu.all_reduce %parallel_loop3A_422 {dim = 0 : i64, kind = #tpu.reduction_kind<sum>} : vector<16xi1> -> vector<16xi32>
          %parallel_loop3A_424 = arith.addi %parallel_loop3A_412, %parallel_loop3A_423 : vector<16xi32>
          scf.yield %parallel_loop3A_424 : vector<16xi32>
        } {sc.loop_unroll_factor = 8 : i64, sc.parallel_access}
        %mul3A_402 = arith.constant 16 : i32
        %mul3A_403 = arith.muli %add3A_299, %mul3A_402 : i32
        %swap3A_404 = arith.index_cast %mul3A_403 : i32 to index
        %swap3A_405 = tpu.vector_load %arg9[%swap3A_404] {strides = array<i32>} : memref<512xi32, #tpu.memory_space<vmem>>, vector<16xi32>,
        tpu.vector_store %arg9[%swap3A_404], %parallel_loop3A_401 {strides = array<i32>} : memref<512xi32, #tpu.memory_space<vmem>>, vector<16xi32>,
        %mul3A_406 = arith.constant 16 : i32
        %mul3A_407 = arith.muli %add3A_299, %mul3A_406 : i32
        %swap3A_408 = arith.index_cast %mul3A_407 : i32 to index
        %swap3A_409 = tpu.vector_load %arg8[%swap3A_408] {strides = array<i32>} : memref<512xi32, #tpu.memory_space<vmem>>, vector<16xi32>,
        tpu.vector_store %arg8[%swap3A_408], %add3A_395 {strides = array<i32>} : memref<512xi32, #tpu.memory_space<vmem>>, vector<16xi32>,
        %scan3A_410 = arith.constant 0 : i32
        scf.yield %scan3A_410 : i32
      }
      %scan3A_197 = arith.constant 8 : i32
      %scan3A_198 = arith.constant 0 : i32
      %scan3A_199 = arith.constant 0 : i32
      %scan3A_200 = arith.constant 8 : i32
      %scan3A_201 = arith.addi %scan3A_199, %scan3A_200 : i32
      %scan3A_202 = arith.constant 1 : i32
      %scan3A_203 = scf.for %scan3A_206 = %scan3A_199 to %scan3A_201 step %scan3A_202 iter_args(%scan3A_207 = %scan3A_198) -> (i32)  : i32 {
        %mul3A_208 = arith.constant 8 : i32
        %mul3A_209 = arith.muli %scan3A_147, %mul3A_208 : i32
        %add3A_210 = arith.addi %mul3A_209, %scan3A_206 : i32
        %mul3A_211 = arith.constant 16 : i32
        %mul3A_212 = arith.muli %add3A_210, %mul3A_211 : i32
        %get3A = arith.index_cast %mul3A_212 : i32 to index
        %get3A_213 = tpu.vector_load %arg8[%get3A] {strides = array<i32>} : memref<512xi32, #tpu.memory_space<vmem>>, vector<16xi32>,
        %reduce_sum3A = arith.constant true
        %reduce_sum3A_214 = vector.broadcast %reduce_sum3A : i1 to vector<16xi1>
        %reduce_sum3A_215 = tpu.scan <sum>, %get3A_213 masked %reduce_sum3A_214 : vector<16xi32>, vector<16xi1> -> vector<16xi32>
        %reduce_sum3A_216 = vector.extract %reduce_sum3A_215[15] : i32 from vector<16xi32>
        %mul3A_217 = arith.constant 16 : i32
        %mul3A_218 = arith.muli %add3A_210, %mul3A_217 : i32
        %get3A_219 = arith.index_cast %mul3A_218 : i32 to index
        %get3A_220 = tpu.vector_load %arg9[%get3A_219] {strides = array<i32>} : memref<512xi32, #tpu.memory_space<vmem>>, vector<16xi32>,
        %reduce_max3A = arith.constant true
        %reduce_max3A_221 = vector.broadcast %reduce_max3A : i1 to vector<16xi1>
        %reduce_max3A_222 = arith.constant -2147483648 : i32
        %reduce_max3A_223 = vector.broadcast %reduce_max3A_222 : i32 to vector<16xi32>
        %reduce_max3A_224 = arith.xori %get3A_220, %reduce_max3A_223 : vector<16xi32>
        %reduce_max3A_225 = tpu.scan <max>, %reduce_max3A_224 masked %reduce_max3A_221 : vector<16xi32>, vector<16xi1> -> vector<16xi32>
        %reduce_max3A_226 = arith.xori %reduce_max3A_225, %reduce_max3A_223 : vector<16xi32>
        %reduce_max3A_227 = vector.extract %reduce_max3A_226[15] : i32 from vector<16xi32>
        %add3A_228 = arith.addi %reduce_sum3A_216, %reduce_max3A_227 : i32
        %broadcast_in_dim3A_229 = vector.broadcast %add3A_228 : i32 to vector<16xi32>
        %swap3A_230 = arith.index_cast %add3A_210 : i32 to index
        %swap3A_231 = arith.constant 0 : index
        %swap3A_232 = tpu.vector_load %arg14[%swap3A_230, %swap3A_231] {strides = array<i32>} : memref<32x16xi32, #tpu.memory_space<vmem>>, vector<16xi32>,
        tpu.vector_store %arg14[%swap3A_230, %swap3A_231], %broadcast_in_dim3A_229 {strides = array<i32>} : memref<32x16xi32, #tpu.memory_space<vmem>>, vector<16xi32>,
        %scan3A_233 = arith.constant 0 : i32
        scf.yield %scan3A_233 : i32
      }
      %scan3A_204 = arith.constant 8 : i32
      %scan3A_205 = arith.constant 0 : i32
      scf.yield %scan3A_205 : i32
    }
    %scan3A_141 = arith.constant 4 : i32
    %dma_wait3A = arith.constant 0 : i32
    %dma_wait3A_142 = arith.constant 0 : i32
    %dma_wait3A_143 = tpu.memref_slice %arg2[%dma_wait3A, %dma_wait3A_142] : memref<1024x100000xf32, #tpu.memory_space<hbm>> -> memref<8x5888xf32, #tpu.memory_space<hbm>>
    %dma_wait3A_144 = arith.constant 0 : i32
    %dma_wait3A_145 = arith.constant 0 : i32
    %dma_wait3A_146 = tpu.memref_slice %arg2[%dma_wait3A_144, %dma_wait3A_145] : memref<1024x100000xf32, #tpu.memory_space<hbm>> -> memref<8x5888xf32, #tpu.memory_space<hbm>>
    tpu.wait_dma2 semaphore(%arg15 : memref<!tpu.dma_semaphore, #tpu.memory_space<semaphore_mem>>) src(%dma_wait3A_146 : memref<8x5888xf32, #tpu.memory_space<hbm>>) dst(%arg10 : memref<8x5888xf32, #tpu.memory_space<vmem>>)
    "tpu.region"() ({
      %run_scoped3A = tpu.sem_alloc : memref<!tpu.dma_semaphore, #tpu.memory_space<semaphore_mem>>
      %dma_start3A_147 = arith.constant 0 : i32
      %dma_start3A_148 = tpu.memref_slice %arg5[%mul3A_2, %dma_start3A_147] : memref<1024x16xi32, #tpu.memory_space<hbm>> -> memref<32x16xi32, #tpu.memory_space<hbm>>
      %dma_start3A_149 = arith.constant 0 : i32
      %dma_start3A_150 = tpu.memref_slice %arg5[%mul3A_2, %dma_start3A_149] : memref<1024x16xi32, #tpu.memory_space<hbm>> -> memref<32x16xi32, #tpu.memory_space<hbm>>
      tpu.enqueue_dma source(%arg14 : memref<32x16xi32, #tpu.memory_space<vmem>>) target(%dma_start3A_150 : memref<32x16xi32, #tpu.memory_space<hbm>>) target_semaphore(%run_scoped3A : memref<!tpu.dma_semaphore, #tpu.memory_space<semaphore_mem>>)
      %dma_wait3A_151 = arith.constant 0 : i32
      %dma_wait3A_152 = tpu.memref_slice %arg5[%mul3A_2, %dma_wait3A_151] : memref<1024x16xi32, #tpu.memory_space<hbm>> -> memref<32x16xi32, #tpu.memory_space<hbm>>
      %dma_wait3A_153 = arith.constant 0 : i32
      %dma_wait3A_154 = tpu.memref_slice %arg5[%mul3A_2, %dma_wait3A_153] : memref<1024x16xi32, #tpu.memory_space<hbm>> -> memref<32x16xi32, #tpu.memory_space<hbm>>
      tpu.wait_dma2 semaphore(%run_scoped3A : memref<!tpu.dma_semaphore, #tpu.memory_space<semaphore_mem>>) src(%arg14 : memref<32x16xi32, #tpu.memory_space<vmem>>) dst(%dma_wait3A_154 : memref<32x16xi32, #tpu.memory_space<hbm>>)
      tpu.yield
    }) : () -> ()
    return
  }
}

#map = affine_map<(d0, d1) -> (0, 0)>
#map1 = affine_map<(d0, d1) -> (0)>
module attributes {stable_mosaic.version = 14 : i64} {
  func.func @_gather_body(%arg0: i32, %arg1: i32, %arg2: memref<1024x100000xf32, #tpu.memory_space<hbm>>, %arg3: memref<1024xi32, #tpu.memory_space<hbm>>, %arg4: memref<16384xf32, #tpu.memory_space<hbm>>, %arg5: memref<32xi32, #tpu.memory_space<vmem>>, %arg6: memref<32x8x128xf32, #tpu.memory_space<vmem>>, %arg7: memref<512xf32, #tpu.memory_space<vmem>>, %arg8: memref<!tpu.dma_semaphore, #tpu.memory_space<semaphore_mem>>) attributes {dimension_semantics = [#tpu.dimension_semantics<core_parallel>, #tpu.dimension_semantics<subcore_parallel>], iteration_bounds = array<i64: 2, 16>, scalar_prefetch = 0 : i64, scratch_operands = 4 : i64, tpu.core_type = #tpu.core_type<sc_vector_subcore>, window_params = [{transform_indices = #map}, {transform_indices = #map1}, {transform_indices = #map1}]} {
    %mul3A = arith.constant 2 : i32
    %mul3A_0 = arith.muli %arg1, %mul3A : i32
    %add3A = arith.addi %mul3A_0, %arg0 : i32
    %mul3A_1 = arith.constant 32 : i32
    %mul3A_2 = arith.muli %add3A, %mul3A_1 : i32
    "tpu.region"() ({
      %run_scoped3A = tpu.sem_alloc : memref<!tpu.dma_semaphore, #tpu.memory_space<semaphore_mem>>
      %dma_start3A_3248 = tpu.memref_slice %arg3[%mul3A_2] : memref<1024xi32, #tpu.memory_space<hbm>> -> memref<32xi32, #tpu.memory_space<hbm>>
      %dma_start3A_3249 = tpu.memref_slice %arg3[%mul3A_2] : memref<1024xi32, #tpu.memory_space<hbm>> -> memref<32xi32, #tpu.memory_space<hbm>>
      tpu.enqueue_dma source(%dma_start3A_3249 : memref<32xi32, #tpu.memory_space<hbm>>) target(%arg5 : memref<32xi32, #tpu.memory_space<vmem>>) target_semaphore(%run_scoped3A : memref<!tpu.dma_semaphore, #tpu.memory_space<semaphore_mem>>)
      %dma_wait3A_3250 = tpu.memref_slice %arg3[%mul3A_2] : memref<1024xi32, #tpu.memory_space<hbm>> -> memref<32xi32, #tpu.memory_space<hbm>>
      %dma_wait3A_3251 = tpu.memref_slice %arg3[%mul3A_2] : memref<1024xi32, #tpu.memory_space<hbm>> -> memref<32xi32, #tpu.memory_space<hbm>>
      tpu.wait_dma2 semaphore(%run_scoped3A : memref<!tpu.dma_semaphore, #tpu.memory_space<semaphore_mem>>) src(%dma_wait3A_3251 : memref<32xi32, #tpu.memory_space<hbm>>) dst(%arg5 : memref<32xi32, #tpu.memory_space<vmem>>)
      tpu.yield
    }) : () -> ()
    %get3A = arith.constant 0 : index
    %get3A_3 = tpu.vector_load %arg5[%get3A] {strides = array<i32>} : memref<32xi32, #tpu.memory_space<vmem>>, vector<16xi32>,
    %slice3A = vector.extract_strided_slice %get3A_3 {offsets = [0], sizes = [1], strides = [1]} : vector<16xi32> to vector<1xi32>
    %squeeze3A = vector.extract %slice3A[0] : i32 from vector<1xi32>
    %jit3A = arith.constant 0 : i32
    %jit3A_4 = arith.constant 99999 : i32
    %max3A = arith.maxsi %jit3A, %squeeze3A : i32
    %min3A = arith.minsi %jit3A_4, %max3A : i32
    %jit3A_5 = arith.constant 128 : i32
    %div3A = arith.divsi %min3A, %jit3A_5 : i32
    %sign3A = arith.constant 0 : i32
    %sign3A_6 = arith.cmpi sgt, %min3A, %sign3A : i32
    %sign3A_7 = arith.extui %sign3A_6 : i1 to i32
    %sign3A_8 = arith.constant 0 : i32
    %sign3A_9 = arith.cmpi slt, %min3A, %sign3A_8 : i32
    %sign3A_10 = arith.extui %sign3A_9 : i1 to i32
    %sign3A_11 = arith.subi %sign3A_7, %sign3A_10 : i32
    %sign3A_12 = arith.constant 0 : i32
    %sign3A_13 = arith.cmpi sgt, %jit3A_5, %sign3A_12 : i32
    %sign3A_14 = arith.extui %sign3A_13 : i1 to i32
    %sign3A_15 = arith.constant 0 : i32
    %sign3A_16 = arith.cmpi slt, %jit3A_5, %sign3A_15 : i32
    %sign3A_17 = arith.extui %sign3A_16 : i1 to i32
    %sign3A_18 = arith.subi %sign3A_14, %sign3A_17 : i32
    %ne3A = arith.cmpi ne, %sign3A_11, %sign3A_18 : i32
    %rem3A = arith.remsi %min3A, %jit3A_5 : i32
    %ne3A_19 = arith.constant 0 : i32
    %ne3A_20 = arith.cmpi ne, %rem3A, %ne3A_19 : i32
    %and3A = arith.andi %ne3A, %ne3A_20 : i1
    %sub3A = arith.constant 1 : i32
    %sub3A_21 = arith.subi %div3A, %sub3A : i32
    %select_n3A = arith.select %and3A, %sub3A_21, %div3A : i32
    %mul3A_22 = arith.constant 128 : i32
    %mul3A_23 = arith.muli %select_n3A, %mul3A_22 : i32
    %multiple_of3A = tpu.assume_multiple %mul3A_23, 128 : i32
    %add3A_24 = arith.constant 0 : i32
    %add3A_25 = arith.addi %mul3A_2, %add3A_24 : i32
    %multiple_of3A_26 = tpu.assume_multiple %add3A_25, 8 : i32
    %dma_start3A = arith.constant 0 : i32
    %dma_start3A_27 = arith.constant 0 : i32
    %dma_start3A_28 = arith.constant 0 : i32
    %dma_start3A_29 = tpu.memref_slice %arg6[%dma_start3A, %dma_start3A_27, %dma_start3A_28] : memref<32x8x128xf32, #tpu.memory_space<vmem>> -> memref<1x8x128xf32, #tpu.memory_space<vmem>>
    %dma_start3A_30 = tpu.memref_squeeze %dma_start3A_29 : memref<1x8x128xf32, #tpu.memory_space<vmem>> -> memref<8x128xf32, #tpu.memory_space<vmem>>
    %dma_start3A_31 = tpu.memref_slice %arg2[%multiple_of3A_26, %multiple_of3A] : memref<1024x100000xf32, #tpu.memory_space<hbm>> -> memref<8x128xf32, #tpu.memory_space<hbm>>
    %dma_start3A_32 = arith.constant 0 : i32
    %dma_start3A_33 = arith.constant 0 : i32
    %dma_start3A_34 = tpu.memref_slice %arg6[%dma_start3A, %dma_start3A_32, %dma_start3A_33] : memref<32x8x128xf32, #tpu.memory_space<vmem>> -> memref<1x8x128xf32, #tpu.memory_space<vmem>>
    %dma_start3A_35 = tpu.memref_squeeze %dma_start3A_34 : memref<1x8x128xf32, #tpu.memory_space<vmem>> -> memref<8x128xf32, #tpu.memory_space<vmem>>
    %dma_start3A_36 = tpu.memref_slice %arg2[%multiple_of3A_26, %multiple_of3A] : memref<1024x100000xf32, #tpu.memory_space<hbm>> -> memref<8x128xf32, #tpu.memory_space<hbm>>
    tpu.enqueue_dma source(%dma_start3A_36 : memref<8x128xf32, #tpu.memory_space<hbm>>) target(%dma_start3A_35 : memref<8x128xf32, #tpu.memory_space<vmem>>) target_semaphore(%arg8 : memref<!tpu.dma_semaphore, #tpu.memory_space<semaphore_mem>>)
    %get3A_37 = arith.constant 0 : index
    %get3A_38 = tpu.vector_load %arg5[%get3A_37] {strides = array<i32>} : memref<32xi32, #tpu.memory_space<vmem>>, vector<16xi32>,
    %slice3A_39 = vector.extract_strided_slice %get3A_38 {offsets = [1], sizes = [1], strides = [1]} : vector<16xi32> to vector<1xi32>
    %squeeze3A_40 = vector.extract %slice3A_39[0] : i32 from vector<1xi32>
    %jit3A_41 = arith.constant 0 : i32
    %jit3A_42 = arith.constant 99999 : i32
    %max3A_43 = arith.maxsi %jit3A_41, %squeeze3A_40 : i32
    %min3A_44 = arith.minsi %jit3A_42, %max3A_43 : i32
    %jit3A_45 = arith.constant 128 : i32
    %div3A_46 = arith.divsi %min3A_44, %jit3A_45 : i32
    %sign3A_47 = arith.constant 0 : i32
    %sign3A_48 = arith.cmpi sgt, %min3A_44, %sign3A_47 : i32
    %sign3A_49 = arith.extui %sign3A_48 : i1 to i32
    %sign3A_50 = arith.constant 0 : i32
    %sign3A_51 = arith.cmpi slt, %min3A_44, %sign3A_50 : i32
    %sign3A_52 = arith.extui %sign3A_51 : i1 to i32
    %sign3A_53 = arith.subi %sign3A_49, %sign3A_52 : i32
    %sign3A_54 = arith.constant 0 : i32
    %sign3A_55 = arith.cmpi sgt, %jit3A_45, %sign3A_54 : i32
    %sign3A_56 = arith.extui %sign3A_55 : i1 to i32
    %sign3A_57 = arith.constant 0 : i32
    %sign3A_58 = arith.cmpi slt, %jit3A_45, %sign3A_57 : i32
    %sign3A_59 = arith.extui %sign3A_58 : i1 to i32
    %sign3A_60 = arith.subi %sign3A_56, %sign3A_59 : i32
    %ne3A_61 = arith.cmpi ne, %sign3A_53, %sign3A_60 : i32
    %rem3A_62 = arith.remsi %min3A_44, %jit3A_45 : i32
    %ne3A_63 = arith.constant 0 : i32
    %ne3A_64 = arith.cmpi ne, %rem3A_62, %ne3A_63 : i32
    %and3A_65 = arith.andi %ne3A_61, %ne3A_64 : i1
    %sub3A_66 = arith.constant 1 : i32
    %sub3A_67 = arith.subi %div3A_46, %sub3A_66 : i32
    %select_n3A_68 = arith.select %and3A_65, %sub3A_67, %div3A_46 : i32
    %mul3A_69 = arith.constant 128 : i32
    %mul3A_70 = arith.muli %select_n3A_68, %mul3A_69 : i32
    %multiple_of3A_71 = tpu.assume_multiple %mul3A_70, 128 : i32
    %add3A_72 = arith.constant 0 : i32
    %add3A_73 = arith.addi %mul3A_2, %add3A_72 : i32
    %multiple_of3A_74 = tpu.assume_multiple %add3A_73, 8 : i32
    %dma_start3A_75 = arith.constant 1 : i32
    %dma_start3A_76 = arith.constant 0 : i32
    %dma_start3A_77 = arith.constant 0 : i32
    %dma_start3A_78 = tpu.memref_slice %arg6[%dma_start3A_75, %dma_start3A_76, %dma_start3A_77] : memref<32x8x128xf32, #tpu.memory_space<vmem>> -> memref<1x8x128xf32, #tpu.memory_space<vmem>>
    %dma_start3A_79 = tpu.memref_squeeze %dma_start3A_78 : memref<1x8x128xf32, #tpu.memory_space<vmem>> -> memref<8x128xf32, #tpu.memory_space<vmem>>
    %dma_start3A_80 = tpu.memref_slice %arg2[%multiple_of3A_74, %multiple_of3A_71] : memref<1024x100000xf32, #tpu.memory_space<hbm>> -> memref<8x128xf32, #tpu.memory_space<hbm>>
    %dma_start3A_81 = arith.constant 0 : i32
    %dma_start3A_82 = arith.constant 0 : i32
    %dma_start3A_83 = tpu.memref_slice %arg6[%dma_start3A_75, %dma_start3A_81, %dma_start3A_82] : memref<32x8x128xf32, #tpu.memory_space<vmem>> -> memref<1x8x128xf32, #tpu.memory_space<vmem>>
    %dma_start3A_84 = tpu.memref_squeeze %dma_start3A_83 : memref<1x8x128xf32, #tpu.memory_space<vmem>> -> memref<8x128xf32, #tpu.memory_space<vmem>>
    %dma_start3A_85 = tpu.memref_slice %arg2[%multiple_of3A_74, %multiple_of3A_71] : memref<1024x100000xf32, #tpu.memory_space<hbm>> -> memref<8x128xf32, #tpu.memory_space<hbm>>
    tpu.enqueue_dma source(%dma_start3A_85 : memref<8x128xf32, #tpu.memory_space<hbm>>) target(%dma_start3A_84 : memref<8x128xf32, #tpu.memory_space<vmem>>) target_semaphore(%arg8 : memref<!tpu.dma_semaphore, #tpu.memory_space<semaphore_mem>>)
    %get3A_86 = arith.constant 0 : index
    %get3A_87 = tpu.vector_load %arg5[%get3A_86] {strides = array<i32>} : memref<32xi32, #tpu.memory_space<vmem>>, vector<16xi32>,
    %slice3A_88 = vector.extract_strided_slice %get3A_87 {offsets = [2], sizes = [1], strides = [1]} : vector<16xi32> to vector<1xi32>
    %squeeze3A_89 = vector.extract %slice3A_88[0] : i32 from vector<1xi32>
    %jit3A_90 = arith.constant 0 : i32
    %jit3A_91 = arith.constant 99999 : i32
    %max3A_92 = arith.maxsi %jit3A_90, %squeeze3A_89 : i32
    %min3A_93 = arith.minsi %jit3A_91, %max3A_92 : i32
    %jit3A_94 = arith.constant 128 : i32
    %div3A_95 = arith.divsi %min3A_93, %jit3A_94 : i32
    %sign3A_96 = arith.constant 0 : i32
    %sign3A_97 = arith.cmpi sgt, %min3A_93, %sign3A_96 : i32
    %sign3A_98 = arith.extui %sign3A_97 : i1 to i32
    %sign3A_99 = arith.constant 0 : i32
    %sign3A_100 = arith.cmpi slt, %min3A_93, %sign3A_99 : i32
    %sign3A_101 = arith.extui %sign3A_100 : i1 to i32
    %sign3A_102 = arith.subi %sign3A_98, %sign3A_101 : i32
    %sign3A_103 = arith.constant 0 : i32
    %sign3A_104 = arith.cmpi sgt, %jit3A_94, %sign3A_103 : i32
    %sign3A_105 = arith.extui %sign3A_104 : i1 to i32
    %sign3A_106 = arith.constant 0 : i32
    %sign3A_107 = arith.cmpi slt, %jit3A_94, %sign3A_106 : i32
    %sign3A_108 = arith.extui %sign3A_107 : i1 to i32
    %sign3A_109 = arith.subi %sign3A_105, %sign3A_108 : i32
    %ne3A_110 = arith.cmpi ne, %sign3A_102, %sign3A_109 : i32
    %rem3A_111 = arith.remsi %min3A_93, %jit3A_94 : i32
    %ne3A_112 = arith.constant 0 : i32
    %ne3A_113 = arith.cmpi ne, %rem3A_111, %ne3A_112 : i32
    %and3A_114 = arith.andi %ne3A_110, %ne3A_113 : i1
    %sub3A_115 = arith.constant 1 : i32
    %sub3A_116 = arith.subi %div3A_95, %sub3A_115 : i32
    %select_n3A_117 = arith.select %and3A_114, %sub3A_116, %div3A_95 : i32
    %mul3A_118 = arith.constant 128 : i32
    %mul3A_119 = arith.muli %select_n3A_117, %mul3A_118 : i32
    %multiple_of3A_120 = tpu.assume_multiple %mul3A_119, 128 : i32
    %add3A_121 = arith.constant 0 : i32
    %add3A_122 = arith.addi %mul3A_2, %add3A_121 : i32
    %multiple_of3A_123 = tpu.assume_multiple %add3A_122, 8 : i32
    %dma_start3A_124 = arith.constant 2 : i32
    %dma_start3A_125 = arith.constant 0 : i32
    %dma_start3A_126 = arith.constant 0 : i32
    %dma_start3A_127 = tpu.memref_slice %arg6[%dma_start3A_124, %dma_start3A_125, %dma_start3A_126] : memref<32x8x128xf32, #tpu.memory_space<vmem>> -> memref<1x8x128xf32, #tpu.memory_space<vmem>>
    %dma_start3A_128 = tpu.memref_squeeze %dma_start3A_127 : memref<1x8x128xf32, #tpu.memory_space<vmem>> -> memref<8x128xf32, #tpu.memory_space<vmem>>
    %dma_start3A_129 = tpu.memref_slice %arg2[%multiple_of3A_123, %multiple_of3A_120] : memref<1024x100000xf32, #tpu.memory_space<hbm>> -> memref<8x128xf32, #tpu.memory_space<hbm>>
    %dma_start3A_130 = arith.constant 0 : i32
    %dma_start3A_131 = arith.constant 0 : i32
    %dma_start3A_132 = tpu.memref_slice %arg6[%dma_start3A_124, %dma_start3A_130, %dma_start3A_131] : memref<32x8x128xf32, #tpu.memory_space<vmem>> -> memref<1x8x128xf32, #tpu.memory_space<vmem>>
    %dma_start3A_133 = tpu.memref_squeeze %dma_start3A_132 : memref<1x8x128xf32, #tpu.memory_space<vmem>> -> memref<8x128xf32, #tpu.memory_space<vmem>>
    %dma_start3A_134 = tpu.memref_slice %arg2[%multiple_of3A_123, %multiple_of3A_120] : memref<1024x100000xf32, #tpu.memory_space<hbm>> -> memref<8x128xf32, #tpu.memory_space<hbm>>
    tpu.enqueue_dma source(%dma_start3A_134 : memref<8x128xf32, #tpu.memory_space<hbm>>) target(%dma_start3A_133 : memref<8x128xf32, #tpu.memory_space<vmem>>) target_semaphore(%arg8 : memref<!tpu.dma_semaphore, #tpu.memory_space<semaphore_mem>>)
    %get3A_135 = arith.constant 0 : index
    %get3A_136 = tpu.vector_load %arg5[%get3A_135] {strides = array<i32>} : memref<32xi32, #tpu.memory_space<vmem>>, vector<16xi32>,
    %slice3A_137 = vector.extract_strided_slice %get3A_136 {offsets = [3], sizes = [1], strides = [1]} : vector<16xi32> to vector<1xi32>
    %squeeze3A_138 = vector.extract %slice3A_137[0] : i32 from vector<1xi32>
    %jit3A_139 = arith.constant 0 : i32
    %jit3A_140 = arith.constant 99999 : i32
    %max3A_141 = arith.maxsi %jit3A_139, %squeeze3A_138 : i32
    %min3A_142 = arith.minsi %jit3A_140, %max3A_141 : i32
    %jit3A_143 = arith.constant 128 : i32
    %div3A_144 = arith.divsi %min3A_142, %jit3A_143 : i32
    %sign3A_145 = arith.constant 0 : i32
    %sign3A_146 = arith.cmpi sgt, %min3A_142, %sign3A_145 : i32
    %sign3A_147 = arith.extui %sign3A_146 : i1 to i32
    %sign3A_148 = arith.constant 0 : i32
    %sign3A_149 = arith.cmpi slt, %min3A_142, %sign3A_148 : i32
    %sign3A_150 = arith.extui %sign3A_149 : i1 to i32
    %sign3A_151 = arith.subi %sign3A_147, %sign3A_150 : i32
    %sign3A_152 = arith.constant 0 : i32
    %sign3A_153 = arith.cmpi sgt, %jit3A_143, %sign3A_152 : i32
    %sign3A_154 = arith.extui %sign3A_153 : i1 to i32
    %sign3A_155 = arith.constant 0 : i32
    %sign3A_156 = arith.cmpi slt, %jit3A_143, %sign3A_155 : i32
    %sign3A_157 = arith.extui %sign3A_156 : i1 to i32
    %sign3A_158 = arith.subi %sign3A_154, %sign3A_157 : i32
    %ne3A_159 = arith.cmpi ne, %sign3A_151, %sign3A_158 : i32
    %rem3A_160 = arith.remsi %min3A_142, %jit3A_143 : i32
    %ne3A_161 = arith.constant 0 : i32
    %ne3A_162 = arith.cmpi ne, %rem3A_160, %ne3A_161 : i32
    %and3A_163 = arith.andi %ne3A_159, %ne3A_162 : i1
    %sub3A_164 = arith.constant 1 : i32
    %sub3A_165 = arith.subi %div3A_144, %sub3A_164 : i32
    %select_n3A_166 = arith.select %and3A_163, %sub3A_165, %div3A_144 : i32
    %mul3A_167 = arith.constant 128 : i32
    %mul3A_168 = arith.muli %select_n3A_166, %mul3A_167 : i32
    %multiple_of3A_169 = tpu.assume_multiple %mul3A_168, 128 : i32
    %add3A_170 = arith.constant 0 : i32
    %add3A_171 = arith.addi %mul3A_2, %add3A_170 : i32
    %multiple_of3A_172 = tpu.assume_multiple %add3A_171, 8 : i32
    %dma_start3A_173 = arith.constant 3 : i32
    %dma_start3A_174 = arith.constant 0 : i32
    %dma_start3A_175 = arith.constant 0 : i32
    %dma_start3A_176 = tpu.memref_slice %arg6[%dma_start3A_173, %dma_start3A_174, %dma_start3A_175] : memref<32x8x128xf32, #tpu.memory_space<vmem>> -> memref<1x8x128xf32, #tpu.memory_space<vmem>>
    %dma_start3A_177 = tpu.memref_squeeze %dma_start3A_176 : memref<1x8x128xf32, #tpu.memory_space<vmem>> -> memref<8x128xf32, #tpu.memory_space<vmem>>
    %dma_start3A_178 = tpu.memref_slice %arg2[%multiple_of3A_172, %multiple_of3A_169] : memref<1024x100000xf32, #tpu.memory_space<hbm>> -> memref<8x128xf32, #tpu.memory_space<hbm>>
    %dma_start3A_179 = arith.constant 0 : i32
    %dma_start3A_180 = arith.constant 0 : i32
    %dma_start3A_181 = tpu.memref_slice %arg6[%dma_start3A_173, %dma_start3A_179, %dma_start3A_180] : memref<32x8x128xf32, #tpu.memory_space<vmem>> -> memref<1x8x128xf32, #tpu.memory_space<vmem>>
    %dma_start3A_182 = tpu.memref_squeeze %dma_start3A_181 : memref<1x8x128xf32, #tpu.memory_space<vmem>> -> memref<8x128xf32, #tpu.memory_space<vmem>>
    %dma_start3A_183 = tpu.memref_slice %arg2[%multiple_of3A_172, %multiple_of3A_169] : memref<1024x100000xf32, #tpu.memory_space<hbm>> -> memref<8x128xf32, #tpu.memory_space<hbm>>
    tpu.enqueue_dma source(%dma_start3A_183 : memref<8x128xf32, #tpu.memory_space<hbm>>) target(%dma_start3A_182 : memref<8x128xf32, #tpu.memory_space<vmem>>) target_semaphore(%arg8 : memref<!tpu.dma_semaphore, #tpu.memory_space<semaphore_mem>>)
    %get3A_184 = arith.constant 0 : index
    %get3A_185 = tpu.vector_load %arg5[%get3A_184] {strides = array<i32>} : memref<32xi32, #tpu.memory_space<vmem>>, vector<16xi32>,
    %slice3A_186 = vector.extract_strided_slice %get3A_185 {offsets = [4], sizes = [1], strides = [1]} : vector<16xi32> to vector<1xi32>
    %squeeze3A_187 = vector.extract %slice3A_186[0] : i32 from vector<1xi32>
    %jit3A_188 = arith.constant 0 : i32
    %jit3A_189 = arith.constant 99999 : i32
    %max3A_190 = arith.maxsi %jit3A_188, %squeeze3A_187 : i32
    %min3A_191 = arith.minsi %jit3A_189, %max3A_190 : i32
    %jit3A_192 = arith.constant 128 : i32
    %div3A_193 = arith.divsi %min3A_191, %jit3A_192 : i32
    %sign3A_194 = arith.constant 0 : i32
    %sign3A_195 = arith.cmpi sgt, %min3A_191, %sign3A_194 : i32
    %sign3A_196 = arith.extui %sign3A_195 : i1 to i32
    %sign3A_197 = arith.constant 0 : i32
    %sign3A_198 = arith.cmpi slt, %min3A_191, %sign3A_197 : i32
    %sign3A_199 = arith.extui %sign3A_198 : i1 to i32
    %sign3A_200 = arith.subi %sign3A_196, %sign3A_199 : i32
    %sign3A_201 = arith.constant 0 : i32
    %sign3A_202 = arith.cmpi sgt, %jit3A_192, %sign3A_201 : i32
    %sign3A_203 = arith.extui %sign3A_202 : i1 to i32
    %sign3A_204 = arith.constant 0 : i32
    %sign3A_205 = arith.cmpi slt, %jit3A_192, %sign3A_204 : i32
    %sign3A_206 = arith.extui %sign3A_205 : i1 to i32
    %sign3A_207 = arith.subi %sign3A_203, %sign3A_206 : i32
    %ne3A_208 = arith.cmpi ne, %sign3A_200, %sign3A_207 : i32
    %rem3A_209 = arith.remsi %min3A_191, %jit3A_192 : i32
    %ne3A_210 = arith.constant 0 : i32
    %ne3A_211 = arith.cmpi ne, %rem3A_209, %ne3A_210 : i32
    %and3A_212 = arith.andi %ne3A_208, %ne3A_211 : i1
    %sub3A_213 = arith.constant 1 : i32
    %sub3A_214 = arith.subi %div3A_193, %sub3A_213 : i32
    %select_n3A_215 = arith.select %and3A_212, %sub3A_214, %div3A_193 : i32
    %mul3A_216 = arith.constant 128 : i32
    %mul3A_217 = arith.muli %select_n3A_215, %mul3A_216 : i32
    %multiple_of3A_218 = tpu.assume_multiple %mul3A_217, 128 : i32
    %add3A_219 = arith.constant 0 : i32
    %add3A_220 = arith.addi %mul3A_2, %add3A_219 : i32
    %multiple_of3A_221 = tpu.assume_multiple %add3A_220, 8 : i32
    %dma_start3A_222 = arith.constant 4 : i32
    %dma_start3A_223 = arith.constant 0 : i32
    %dma_start3A_224 = arith.constant 0 : i32
    %dma_start3A_225 = tpu.memref_slice %arg6[%dma_start3A_222, %dma_start3A_223, %dma_start3A_224] : memref<32x8x128xf32, #tpu.memory_space<vmem>> -> memref<1x8x128xf32, #tpu.memory_space<vmem>>
    %dma_start3A_226 = tpu.memref_squeeze %dma_start3A_225 : memref<1x8x128xf32, #tpu.memory_space<vmem>> -> memref<8x128xf32, #tpu.memory_space<vmem>>
    %dma_start3A_227 = tpu.memref_slice %arg2[%multiple_of3A_221, %multiple_of3A_218] : memref<1024x100000xf32, #tpu.memory_space<hbm>> -> memref<8x128xf32, #tpu.memory_space<hbm>>
    %dma_start3A_228 = arith.constant 0 : i32
    %dma_start3A_229 = arith.constant 0 : i32
    %dma_start3A_230 = tpu.memref_slice %arg6[%dma_start3A_222, %dma_start3A_228, %dma_start3A_229] : memref<32x8x128xf32, #tpu.memory_space<vmem>> -> memref<1x8x128xf32, #tpu.memory_space<vmem>>
    %dma_start3A_231 = tpu.memref_squeeze %dma_start3A_230 : memref<1x8x128xf32, #tpu.memory_space<vmem>> -> memref<8x128xf32, #tpu.memory_space<vmem>>
    %dma_start3A_232 = tpu.memref_slice %arg2[%multiple_of3A_221, %multiple_of3A_218] : memref<1024x100000xf32, #tpu.memory_space<hbm>> -> memref<8x128xf32, #tpu.memory_space<hbm>>
    tpu.enqueue_dma source(%dma_start3A_232 : memref<8x128xf32, #tpu.memory_space<hbm>>) target(%dma_start3A_231 : memref<8x128xf32, #tpu.memory_space<vmem>>) target_semaphore(%arg8 : memref<!tpu.dma_semaphore, #tpu.memory_space<semaphore_mem>>)
    %get3A_233 = arith.constant 0 : index
    %get3A_234 = tpu.vector_load %arg5[%get3A_233] {strides = array<i32>} : memref<32xi32, #tpu.memory_space<vmem>>, vector<16xi32>,
    %slice3A_235 = vector.extract_strided_slice %get3A_234 {offsets = [5], sizes = [1], strides = [1]} : vector<16xi32> to vector<1xi32>
    %squeeze3A_236 = vector.extract %slice3A_235[0] : i32 from vector<1xi32>
    %jit3A_237 = arith.constant 0 : i32
    %jit3A_238 = arith.constant 99999 : i32
    %max3A_239 = arith.maxsi %jit3A_237, %squeeze3A_236 : i32
    %min3A_240 = arith.minsi %jit3A_238, %max3A_239 : i32
    %jit3A_241 = arith.constant 128 : i32
    %div3A_242 = arith.divsi %min3A_240, %jit3A_241 : i32
    %sign3A_243 = arith.constant 0 : i32
    %sign3A_244 = arith.cmpi sgt, %min3A_240, %sign3A_243 : i32
    %sign3A_245 = arith.extui %sign3A_244 : i1 to i32
    %sign3A_246 = arith.constant 0 : i32
    %sign3A_247 = arith.cmpi slt, %min3A_240, %sign3A_246 : i32
    %sign3A_248 = arith.extui %sign3A_247 : i1 to i32
    %sign3A_249 = arith.subi %sign3A_245, %sign3A_248 : i32
    %sign3A_250 = arith.constant 0 : i32
    %sign3A_251 = arith.cmpi sgt, %jit3A_241, %sign3A_250 : i32
    %sign3A_252 = arith.extui %sign3A_251 : i1 to i32
    %sign3A_253 = arith.constant 0 : i32
    %sign3A_254 = arith.cmpi slt, %jit3A_241, %sign3A_253 : i32
    %sign3A_255 = arith.extui %sign3A_254 : i1 to i32
    %sign3A_256 = arith.subi %sign3A_252, %sign3A_255 : i32
    %ne3A_257 = arith.cmpi ne, %sign3A_249, %sign3A_256 : i32
    %rem3A_258 = arith.remsi %min3A_240, %jit3A_241 : i32
    %ne3A_259 = arith.constant 0 : i32
    %ne3A_260 = arith.cmpi ne, %rem3A_258, %ne3A_259 : i32
    %and3A_261 = arith.andi %ne3A_257, %ne3A_260 : i1
    %sub3A_262 = arith.constant 1 : i32
    %sub3A_263 = arith.subi %div3A_242, %sub3A_262 : i32
    %select_n3A_264 = arith.select %and3A_261, %sub3A_263, %div3A_242 : i32
    %mul3A_265 = arith.constant 128 : i32
    %mul3A_266 = arith.muli %select_n3A_264, %mul3A_265 : i32
    %multiple_of3A_267 = tpu.assume_multiple %mul3A_266, 128 : i32
    %add3A_268 = arith.constant 0 : i32
    %add3A_269 = arith.addi %mul3A_2, %add3A_268 : i32
    %multiple_of3A_270 = tpu.assume_multiple %add3A_269, 8 : i32
    %dma_start3A_271 = arith.constant 5 : i32
    %dma_start3A_272 = arith.constant 0 : i32
    %dma_start3A_273 = arith.constant 0 : i32
    %dma_start3A_274 = tpu.memref_slice %arg6[%dma_start3A_271, %dma_start3A_272, %dma_start3A_273] : memref<32x8x128xf32, #tpu.memory_space<vmem>> -> memref<1x8x128xf32, #tpu.memory_space<vmem>>
    %dma_start3A_275 = tpu.memref_squeeze %dma_start3A_274 : memref<1x8x128xf32, #tpu.memory_space<vmem>> -> memref<8x128xf32, #tpu.memory_space<vmem>>
    %dma_start3A_276 = tpu.memref_slice %arg2[%multiple_of3A_270, %multiple_of3A_267] : memref<1024x100000xf32, #tpu.memory_space<hbm>> -> memref<8x128xf32, #tpu.memory_space<hbm>>
    %dma_start3A_277 = arith.constant 0 : i32
    %dma_start3A_278 = arith.constant 0 : i32
    %dma_start3A_279 = tpu.memref_slice %arg6[%dma_start3A_271, %dma_start3A_277, %dma_start3A_278] : memref<32x8x128xf32, #tpu.memory_space<vmem>> -> memref<1x8x128xf32, #tpu.memory_space<vmem>>
    %dma_start3A_280 = tpu.memref_squeeze %dma_start3A_279 : memref<1x8x128xf32, #tpu.memory_space<vmem>> -> memref<8x128xf32, #tpu.memory_space<vmem>>
    %dma_start3A_281 = tpu.memref_slice %arg2[%multiple_of3A_270, %multiple_of3A_267] : memref<1024x100000xf32, #tpu.memory_space<hbm>> -> memref<8x128xf32, #tpu.memory_space<hbm>>
    tpu.enqueue_dma source(%dma_start3A_281 : memref<8x128xf32, #tpu.memory_space<hbm>>) target(%dma_start3A_280 : memref<8x128xf32, #tpu.memory_space<vmem>>) target_semaphore(%arg8 : memref<!tpu.dma_semaphore, #tpu.memory_space<semaphore_mem>>)
    %get3A_282 = arith.constant 0 : index
    %get3A_283 = tpu.vector_load %arg5[%get3A_282] {strides = array<i32>} : memref<32xi32, #tpu.memory_space<vmem>>, vector<16xi32>,
    %slice3A_284 = vector.extract_strided_slice %get3A_283 {offsets = [6], sizes = [1], strides = [1]} : vector<16xi32> to vector<1xi32>
    %squeeze3A_285 = vector.extract %slice3A_284[0] : i32 from vector<1xi32>
    %jit3A_286 = arith.constant 0 : i32
    %jit3A_287 = arith.constant 99999 : i32
    %max3A_288 = arith.maxsi %jit3A_286, %squeeze3A_285 : i32
    %min3A_289 = arith.minsi %jit3A_287, %max3A_288 : i32
    %jit3A_290 = arith.constant 128 : i32
    %div3A_291 = arith.divsi %min3A_289, %jit3A_290 : i32
    %sign3A_292 = arith.constant 0 : i32
    %sign3A_293 = arith.cmpi sgt, %min3A_289, %sign3A_292 : i32
    %sign3A_294 = arith.extui %sign3A_293 : i1 to i32
    %sign3A_295 = arith.constant 0 : i32
    %sign3A_296 = arith.cmpi slt, %min3A_289, %sign3A_295 : i32
    %sign3A_297 = arith.extui %sign3A_296 : i1 to i32
    %sign3A_298 = arith.subi %sign3A_294, %sign3A_297 : i32
    %sign3A_299 = arith.constant 0 : i32
    %sign3A_300 = arith.cmpi sgt, %jit3A_290, %sign3A_299 : i32
    %sign3A_301 = arith.extui %sign3A_300 : i1 to i32
    %sign3A_302 = arith.constant 0 : i32
    %sign3A_303 = arith.cmpi slt, %jit3A_290, %sign3A_302 : i32
    %sign3A_304 = arith.extui %sign3A_303 : i1 to i32
    %sign3A_305 = arith.subi %sign3A_301, %sign3A_304 : i32
    %ne3A_306 = arith.cmpi ne, %sign3A_298, %sign3A_305 : i32
    %rem3A_307 = arith.remsi %min3A_289, %jit3A_290 : i32
    %ne3A_308 = arith.constant 0 : i32
    %ne3A_309 = arith.cmpi ne, %rem3A_307, %ne3A_308 : i32
    %and3A_310 = arith.andi %ne3A_306, %ne3A_309 : i1
    %sub3A_311 = arith.constant 1 : i32
    %sub3A_312 = arith.subi %div3A_291, %sub3A_311 : i32
    %select_n3A_313 = arith.select %and3A_310, %sub3A_312, %div3A_291 : i32
    %mul3A_314 = arith.constant 128 : i32
    %mul3A_315 = arith.muli %select_n3A_313, %mul3A_314 : i32
    %multiple_of3A_316 = tpu.assume_multiple %mul3A_315, 128 : i32
    %add3A_317 = arith.constant 0 : i32
    %add3A_318 = arith.addi %mul3A_2, %add3A_317 : i32
    %multiple_of3A_319 = tpu.assume_multiple %add3A_318, 8 : i32
    %dma_start3A_320 = arith.constant 6 : i32
    %dma_start3A_321 = arith.constant 0 : i32
    %dma_start3A_322 = arith.constant 0 : i32
    %dma_start3A_323 = tpu.memref_slice %arg6[%dma_start3A_320, %dma_start3A_321, %dma_start3A_322] : memref<32x8x128xf32, #tpu.memory_space<vmem>> -> memref<1x8x128xf32, #tpu.memory_space<vmem>>
    %dma_start3A_324 = tpu.memref_squeeze %dma_start3A_323 : memref<1x8x128xf32, #tpu.memory_space<vmem>> -> memref<8x128xf32, #tpu.memory_space<vmem>>
    %dma_start3A_325 = tpu.memref_slice %arg2[%multiple_of3A_319, %multiple_of3A_316] : memref<1024x100000xf32, #tpu.memory_space<hbm>> -> memref<8x128xf32, #tpu.memory_space<hbm>>
    %dma_start3A_326 = arith.constant 0 : i32
    %dma_start3A_327 = arith.constant 0 : i32
    %dma_start3A_328 = tpu.memref_slice %arg6[%dma_start3A_320, %dma_start3A_326, %dma_start3A_327] : memref<32x8x128xf32, #tpu.memory_space<vmem>> -> memref<1x8x128xf32, #tpu.memory_space<vmem>>
    %dma_start3A_329 = tpu.memref_squeeze %dma_start3A_328 : memref<1x8x128xf32, #tpu.memory_space<vmem>> -> memref<8x128xf32, #tpu.memory_space<vmem>>
    %dma_start3A_330 = tpu.memref_slice %arg2[%multiple_of3A_319, %multiple_of3A_316] : memref<1024x100000xf32, #tpu.memory_space<hbm>> -> memref<8x128xf32, #tpu.memory_space<hbm>>
    tpu.enqueue_dma source(%dma_start3A_330 : memref<8x128xf32, #tpu.memory_space<hbm>>) target(%dma_start3A_329 : memref<8x128xf32, #tpu.memory_space<vmem>>) target_semaphore(%arg8 : memref<!tpu.dma_semaphore, #tpu.memory_space<semaphore_mem>>)
    %get3A_331 = arith.constant 0 : index
    %get3A_332 = tpu.vector_load %arg5[%get3A_331] {strides = array<i32>} : memref<32xi32, #tpu.memory_space<vmem>>, vector<16xi32>,
    %slice3A_333 = vector.extract_strided_slice %get3A_332 {offsets = [7], sizes = [1], strides = [1]} : vector<16xi32> to vector<1xi32>
    %squeeze3A_334 = vector.extract %slice3A_333[0] : i32 from vector<1xi32>
    %jit3A_335 = arith.constant 0 : i32
    %jit3A_336 = arith.constant 99999 : i32
    %max3A_337 = arith.maxsi %jit3A_335, %squeeze3A_334 : i32
    %min3A_338 = arith.minsi %jit3A_336, %max3A_337 : i32
    %jit3A_339 = arith.constant 128 : i32
    %div3A_340 = arith.divsi %min3A_338, %jit3A_339 : i32
    %sign3A_341 = arith.constant 0 : i32
    %sign3A_342 = arith.cmpi sgt, %min3A_338, %sign3A_341 : i32
    %sign3A_343 = arith.extui %sign3A_342 : i1 to i32
    %sign3A_344 = arith.constant 0 : i32
    %sign3A_345 = arith.cmpi slt, %min3A_338, %sign3A_344 : i32
    %sign3A_346 = arith.extui %sign3A_345 : i1 to i32
    %sign3A_347 = arith.subi %sign3A_343, %sign3A_346 : i32
    %sign3A_348 = arith.constant 0 : i32
    %sign3A_349 = arith.cmpi sgt, %jit3A_339, %sign3A_348 : i32
    %sign3A_350 = arith.extui %sign3A_349 : i1 to i32
    %sign3A_351 = arith.constant 0 : i32
    %sign3A_352 = arith.cmpi slt, %jit3A_339, %sign3A_351 : i32
    %sign3A_353 = arith.extui %sign3A_352 : i1 to i32
    %sign3A_354 = arith.subi %sign3A_350, %sign3A_353 : i32
    %ne3A_355 = arith.cmpi ne, %sign3A_347, %sign3A_354 : i32
    %rem3A_356 = arith.remsi %min3A_338, %jit3A_339 : i32
    %ne3A_357 = arith.constant 0 : i32
    %ne3A_358 = arith.cmpi ne, %rem3A_356, %ne3A_357 : i32
    %and3A_359 = arith.andi %ne3A_355, %ne3A_358 : i1
    %sub3A_360 = arith.constant 1 : i32
    %sub3A_361 = arith.subi %div3A_340, %sub3A_360 : i32
    %select_n3A_362 = arith.select %and3A_359, %sub3A_361, %div3A_340 : i32
    %mul3A_363 = arith.constant 128 : i32
    %mul3A_364 = arith.muli %select_n3A_362, %mul3A_363 : i32
    %multiple_of3A_365 = tpu.assume_multiple %mul3A_364, 128 : i32
    %add3A_366 = arith.constant 0 : i32
    %add3A_367 = arith.addi %mul3A_2, %add3A_366 : i32
    %multiple_of3A_368 = tpu.assume_multiple %add3A_367, 8 : i32
    %dma_start3A_369 = arith.constant 7 : i32
    %dma_start3A_370 = arith.constant 0 : i32
    %dma_start3A_371 = arith.constant 0 : i32
    %dma_start3A_372 = tpu.memref_slice %arg6[%dma_start3A_369, %dma_start3A_370, %dma_start3A_371] : memref<32x8x128xf32, #tpu.memory_space<vmem>> -> memref<1x8x128xf32, #tpu.memory_space<vmem>>
    %dma_start3A_373 = tpu.memref_squeeze %dma_start3A_372 : memref<1x8x128xf32, #tpu.memory_space<vmem>> -> memref<8x128xf32, #tpu.memory_space<vmem>>
    %dma_start3A_374 = tpu.memref_slice %arg2[%multiple_of3A_368, %multiple_of3A_365] : memref<1024x100000xf32, #tpu.memory_space<hbm>> -> memref<8x128xf32, #tpu.memory_space<hbm>>
    %dma_start3A_375 = arith.constant 0 : i32
    %dma_start3A_376 = arith.constant 0 : i32
    %dma_start3A_377 = tpu.memref_slice %arg6[%dma_start3A_369, %dma_start3A_375, %dma_start3A_376] : memref<32x8x128xf32, #tpu.memory_space<vmem>> -> memref<1x8x128xf32, #tpu.memory_space<vmem>>
    %dma_start3A_378 = tpu.memref_squeeze %dma_start3A_377 : memref<1x8x128xf32, #tpu.memory_space<vmem>> -> memref<8x128xf32, #tpu.memory_space<vmem>>
    %dma_start3A_379 = tpu.memref_slice %arg2[%multiple_of3A_368, %multiple_of3A_365] : memref<1024x100000xf32, #tpu.memory_space<hbm>> -> memref<8x128xf32, #tpu.memory_space<hbm>>
    tpu.enqueue_dma source(%dma_start3A_379 : memref<8x128xf32, #tpu.memory_space<hbm>>) target(%dma_start3A_378 : memref<8x128xf32, #tpu.memory_space<vmem>>) target_semaphore(%arg8 : memref<!tpu.dma_semaphore, #tpu.memory_space<semaphore_mem>>)
    %get3A_380 = arith.constant 0 : index
    %get3A_381 = tpu.vector_load %arg5[%get3A_380] {strides = array<i32>} : memref<32xi32, #tpu.memory_space<vmem>>, vector<16xi32>,
    %slice3A_382 = vector.extract_strided_slice %get3A_381 {offsets = [8], sizes = [1], strides = [1]} : vector<16xi32> to vector<1xi32>
    %squeeze3A_383 = vector.extract %slice3A_382[0] : i32 from vector<1xi32>
    %jit3A_384 = arith.constant 0 : i32
    %jit3A_385 = arith.constant 99999 : i32
    %max3A_386 = arith.maxsi %jit3A_384, %squeeze3A_383 : i32
    %min3A_387 = arith.minsi %jit3A_385, %max3A_386 : i32
    %jit3A_388 = arith.constant 128 : i32
    %div3A_389 = arith.divsi %min3A_387, %jit3A_388 : i32
    %sign3A_390 = arith.constant 0 : i32
    %sign3A_391 = arith.cmpi sgt, %min3A_387, %sign3A_390 : i32
    %sign3A_392 = arith.extui %sign3A_391 : i1 to i32
    %sign3A_393 = arith.constant 0 : i32
    %sign3A_394 = arith.cmpi slt, %min3A_387, %sign3A_393 : i32
    %sign3A_395 = arith.extui %sign3A_394 : i1 to i32
    %sign3A_396 = arith.subi %sign3A_392, %sign3A_395 : i32
    %sign3A_397 = arith.constant 0 : i32
    %sign3A_398 = arith.cmpi sgt, %jit3A_388, %sign3A_397 : i32
    %sign3A_399 = arith.extui %sign3A_398 : i1 to i32
    %sign3A_400 = arith.constant 0 : i32
    %sign3A_401 = arith.cmpi slt, %jit3A_388, %sign3A_400 : i32
    %sign3A_402 = arith.extui %sign3A_401 : i1 to i32
    %sign3A_403 = arith.subi %sign3A_399, %sign3A_402 : i32
    %ne3A_404 = arith.cmpi ne, %sign3A_396, %sign3A_403 : i32
    %rem3A_405 = arith.remsi %min3A_387, %jit3A_388 : i32
    %ne3A_406 = arith.constant 0 : i32
    %ne3A_407 = arith.cmpi ne, %rem3A_405, %ne3A_406 : i32
    %and3A_408 = arith.andi %ne3A_404, %ne3A_407 : i1
    %sub3A_409 = arith.constant 1 : i32
    %sub3A_410 = arith.subi %div3A_389, %sub3A_409 : i32
    %select_n3A_411 = arith.select %and3A_408, %sub3A_410, %div3A_389 : i32
    %mul3A_412 = arith.constant 128 : i32
    %mul3A_413 = arith.muli %select_n3A_411, %mul3A_412 : i32
    %multiple_of3A_414 = tpu.assume_multiple %mul3A_413, 128 : i32
    %add3A_415 = arith.constant 8 : i32
    %add3A_416 = arith.addi %mul3A_2, %add3A_415 : i32
    %multiple_of3A_417 = tpu.assume_multiple %add3A_416, 8 : i32
    %dma_start3A_418 = arith.constant 8 : i32
    %dma_start3A_419 = arith.constant 0 : i32
    %dma_start3A_420 = arith.constant 0 : i32
    %dma_start3A_421 = tpu.memref_slice %arg6[%dma_start3A_418, %dma_start3A_419, %dma_start3A_420] : memref<32x8x128xf32, #tpu.memory_space<vmem>> -> memref<1x8x128xf32, #tpu.memory_space<vmem>>
    %dma_start3A_422 = tpu.memref_squeeze %dma_start3A_421 : memref<1x8x128xf32, #tpu.memory_space<vmem>> -> memref<8x128xf32, #tpu.memory_space<vmem>>
    %dma_start3A_423 = tpu.memref_slice %arg2[%multiple_of3A_417, %multiple_of3A_414] : memref<1024x100000xf32, #tpu.memory_space<hbm>> -> memref<8x128xf32, #tpu.memory_space<hbm>>
    %dma_start3A_424 = arith.constant 0 : i32
    %dma_start3A_425 = arith.constant 0 : i32
    %dma_start3A_426 = tpu.memref_slice %arg6[%dma_start3A_418, %dma_start3A_424, %dma_start3A_425] : memref<32x8x128xf32, #tpu.memory_space<vmem>> -> memref<1x8x128xf32, #tpu.memory_space<vmem>>
    %dma_start3A_427 = tpu.memref_squeeze %dma_start3A_426 : memref<1x8x128xf32, #tpu.memory_space<vmem>> -> memref<8x128xf32, #tpu.memory_space<vmem>>
    %dma_start3A_428 = tpu.memref_slice %arg2[%multiple_of3A_417, %multiple_of3A_414] : memref<1024x100000xf32, #tpu.memory_space<hbm>> -> memref<8x128xf32, #tpu.memory_space<hbm>>
    tpu.enqueue_dma source(%dma_start3A_428 : memref<8x128xf32, #tpu.memory_space<hbm>>) target(%dma_start3A_427 : memref<8x128xf32, #tpu.memory_space<vmem>>) target_semaphore(%arg8 : memref<!tpu.dma_semaphore, #tpu.memory_space<semaphore_mem>>)
    %get3A_429 = arith.constant 0 : index
    %get3A_430 = tpu.vector_load %arg5[%get3A_429] {strides = array<i32>} : memref<32xi32, #tpu.memory_space<vmem>>, vector<16xi32>,
    %slice3A_431 = vector.extract_strided_slice %get3A_430 {offsets = [9], sizes = [1], strides = [1]} : vector<16xi32> to vector<1xi32>
    %squeeze3A_432 = vector.extract %slice3A_431[0] : i32 from vector<1xi32>
    %jit3A_433 = arith.constant 0 : i32
    %jit3A_434 = arith.constant 99999 : i32
    %max3A_435 = arith.maxsi %jit3A_433, %squeeze3A_432 : i32
    %min3A_436 = arith.minsi %jit3A_434, %max3A_435 : i32
    %jit3A_437 = arith.constant 128 : i32
    %div3A_438 = arith.divsi %min3A_436, %jit3A_437 : i32
    %sign3A_439 = arith.constant 0 : i32
    %sign3A_440 = arith.cmpi sgt, %min3A_436, %sign3A_439 : i32
    %sign3A_441 = arith.extui %sign3A_440 : i1 to i32
    %sign3A_442 = arith.constant 0 : i32
    %sign3A_443 = arith.cmpi slt, %min3A_436, %sign3A_442 : i32
    %sign3A_444 = arith.extui %sign3A_443 : i1 to i32
    %sign3A_445 = arith.subi %sign3A_441, %sign3A_444 : i32
    %sign3A_446 = arith.constant 0 : i32
    %sign3A_447 = arith.cmpi sgt, %jit3A_437, %sign3A_446 : i32
    %sign3A_448 = arith.extui %sign3A_447 : i1 to i32
    %sign3A_449 = arith.constant 0 : i32
    %sign3A_450 = arith.cmpi slt, %jit3A_437, %sign3A_449 : i32
    %sign3A_451 = arith.extui %sign3A_450 : i1 to i32
    %sign3A_452 = arith.subi %sign3A_448, %sign3A_451 : i32
    %ne3A_453 = arith.cmpi ne, %sign3A_445, %sign3A_452 : i32
    %rem3A_454 = arith.remsi %min3A_436, %jit3A_437 : i32
    %ne3A_455 = arith.constant 0 : i32
    %ne3A_456 = arith.cmpi ne, %rem3A_454, %ne3A_455 : i32
    %and3A_457 = arith.andi %ne3A_453, %ne3A_456 : i1
    %sub3A_458 = arith.constant 1 : i32
    %sub3A_459 = arith.subi %div3A_438, %sub3A_458 : i32
    %select_n3A_460 = arith.select %and3A_457, %sub3A_459, %div3A_438 : i32
    %mul3A_461 = arith.constant 128 : i32
    %mul3A_462 = arith.muli %select_n3A_460, %mul3A_461 : i32
    %multiple_of3A_463 = tpu.assume_multiple %mul3A_462, 128 : i32
    %add3A_464 = arith.constant 8 : i32
    %add3A_465 = arith.addi %mul3A_2, %add3A_464 : i32
    %multiple_of3A_466 = tpu.assume_multiple %add3A_465, 8 : i32
    %dma_start3A_467 = arith.constant 9 : i32
    %dma_start3A_468 = arith.constant 0 : i32
    %dma_start3A_469 = arith.constant 0 : i32
    %dma_start3A_470 = tpu.memref_slice %arg6[%dma_start3A_467, %dma_start3A_468, %dma_start3A_469] : memref<32x8x128xf32, #tpu.memory_space<vmem>> -> memref<1x8x128xf32, #tpu.memory_space<vmem>>
    %dma_start3A_471 = tpu.memref_squeeze %dma_start3A_470 : memref<1x8x128xf32, #tpu.memory_space<vmem>> -> memref<8x128xf32, #tpu.memory_space<vmem>>
    %dma_start3A_472 = tpu.memref_slice %arg2[%multiple_of3A_466, %multiple_of3A_463] : memref<1024x100000xf32, #tpu.memory_space<hbm>> -> memref<8x128xf32, #tpu.memory_space<hbm>>
    %dma_start3A_473 = arith.constant 0 : i32
    %dma_start3A_474 = arith.constant 0 : i32
    %dma_start3A_475 = tpu.memref_slice %arg6[%dma_start3A_467, %dma_start3A_473, %dma_start3A_474] : memref<32x8x128xf32, #tpu.memory_space<vmem>> -> memref<1x8x128xf32, #tpu.memory_space<vmem>>
    %dma_start3A_476 = tpu.memref_squeeze %dma_start3A_475 : memref<1x8x128xf32, #tpu.memory_space<vmem>> -> memref<8x128xf32, #tpu.memory_space<vmem>>
    %dma_start3A_477 = tpu.memref_slice %arg2[%multiple_of3A_466, %multiple_of3A_463] : memref<1024x100000xf32, #tpu.memory_space<hbm>> -> memref<8x128xf32, #tpu.memory_space<hbm>>
    tpu.enqueue_dma source(%dma_start3A_477 : memref<8x128xf32, #tpu.memory_space<hbm>>) target(%dma_start3A_476 : memref<8x128xf32, #tpu.memory_space<vmem>>) target_semaphore(%arg8 : memref<!tpu.dma_semaphore, #tpu.memory_space<semaphore_mem>>)
    %get3A_478 = arith.constant 0 : index
    %get3A_479 = tpu.vector_load %arg5[%get3A_478] {strides = array<i32>} : memref<32xi32, #tpu.memory_space<vmem>>, vector<16xi32>,
    %slice3A_480 = vector.extract_strided_slice %get3A_479 {offsets = [10], sizes = [1], strides = [1]} : vector<16xi32> to vector<1xi32>
    %squeeze3A_481 = vector.extract %slice3A_480[0] : i32 from vector<1xi32>
    %jit3A_482 = arith.constant 0 : i32
    %jit3A_483 = arith.constant 99999 : i32
    %max3A_484 = arith.maxsi %jit3A_482, %squeeze3A_481 : i32
    %min3A_485 = arith.minsi %jit3A_483, %max3A_484 : i32
    %jit3A_486 = arith.constant 128 : i32
    %div3A_487 = arith.divsi %min3A_485, %jit3A_486 : i32
    %sign3A_488 = arith.constant 0 : i32
    %sign3A_489 = arith.cmpi sgt, %min3A_485, %sign3A_488 : i32
    %sign3A_490 = arith.extui %sign3A_489 : i1 to i32
    %sign3A_491 = arith.constant 0 : i32
    %sign3A_492 = arith.cmpi slt, %min3A_485, %sign3A_491 : i32
    %sign3A_493 = arith.extui %sign3A_492 : i1 to i32
    %sign3A_494 = arith.subi %sign3A_490, %sign3A_493 : i32
    %sign3A_495 = arith.constant 0 : i32
    %sign3A_496 = arith.cmpi sgt, %jit3A_486, %sign3A_495 : i32
    %sign3A_497 = arith.extui %sign3A_496 : i1 to i32
    %sign3A_498 = arith.constant 0 : i32
    %sign3A_499 = arith.cmpi slt, %jit3A_486, %sign3A_498 : i32
    %sign3A_500 = arith.extui %sign3A_499 : i1 to i32
    %sign3A_501 = arith.subi %sign3A_497, %sign3A_500 : i32
    %ne3A_502 = arith.cmpi ne, %sign3A_494, %sign3A_501 : i32
    %rem3A_503 = arith.remsi %min3A_485, %jit3A_486 : i32
    %ne3A_504 = arith.constant 0 : i32
    %ne3A_505 = arith.cmpi ne, %rem3A_503, %ne3A_504 : i32
    %and3A_506 = arith.andi %ne3A_502, %ne3A_505 : i1
    %sub3A_507 = arith.constant 1 : i32
    %sub3A_508 = arith.subi %div3A_487, %sub3A_507 : i32
    %select_n3A_509 = arith.select %and3A_506, %sub3A_508, %div3A_487 : i32
    %mul3A_510 = arith.constant 128 : i32
    %mul3A_511 = arith.muli %select_n3A_509, %mul3A_510 : i32
    %multiple_of3A_512 = tpu.assume_multiple %mul3A_511, 128 : i32
    %add3A_513 = arith.constant 8 : i32
    %add3A_514 = arith.addi %mul3A_2, %add3A_513 : i32
    %multiple_of3A_515 = tpu.assume_multiple %add3A_514, 8 : i32
    %dma_start3A_516 = arith.constant 10 : i32
    %dma_start3A_517 = arith.constant 0 : i32
    %dma_start3A_518 = arith.constant 0 : i32
    %dma_start3A_519 = tpu.memref_slice %arg6[%dma_start3A_516, %dma_start3A_517, %dma_start3A_518] : memref<32x8x128xf32, #tpu.memory_space<vmem>> -> memref<1x8x128xf32, #tpu.memory_space<vmem>>
    %dma_start3A_520 = tpu.memref_squeeze %dma_start3A_519 : memref<1x8x128xf32, #tpu.memory_space<vmem>> -> memref<8x128xf32, #tpu.memory_space<vmem>>
    %dma_start3A_521 = tpu.memref_slice %arg2[%multiple_of3A_515, %multiple_of3A_512] : memref<1024x100000xf32, #tpu.memory_space<hbm>> -> memref<8x128xf32, #tpu.memory_space<hbm>>
    %dma_start3A_522 = arith.constant 0 : i32
    %dma_start3A_523 = arith.constant 0 : i32
    %dma_start3A_524 = tpu.memref_slice %arg6[%dma_start3A_516, %dma_start3A_522, %dma_start3A_523] : memref<32x8x128xf32, #tpu.memory_space<vmem>> -> memref<1x8x128xf32, #tpu.memory_space<vmem>>
    %dma_start3A_525 = tpu.memref_squeeze %dma_start3A_524 : memref<1x8x128xf32, #tpu.memory_space<vmem>> -> memref<8x128xf32, #tpu.memory_space<vmem>>
    %dma_start3A_526 = tpu.memref_slice %arg2[%multiple_of3A_515, %multiple_of3A_512] : memref<1024x100000xf32, #tpu.memory_space<hbm>> -> memref<8x128xf32, #tpu.memory_space<hbm>>
    tpu.enqueue_dma source(%dma_start3A_526 : memref<8x128xf32, #tpu.memory_space<hbm>>) target(%dma_start3A_525 : memref<8x128xf32, #tpu.memory_space<vmem>>) target_semaphore(%arg8 : memref<!tpu.dma_semaphore, #tpu.memory_space<semaphore_mem>>)
    %get3A_527 = arith.constant 0 : index
    %get3A_528 = tpu.vector_load %arg5[%get3A_527] {strides = array<i32>} : memref<32xi32, #tpu.memory_space<vmem>>, vector<16xi32>,
    %slice3A_529 = vector.extract_strided_slice %get3A_528 {offsets = [11], sizes = [1], strides = [1]} : vector<16xi32> to vector<1xi32>
    %squeeze3A_530 = vector.extract %slice3A_529[0] : i32 from vector<1xi32>
    %jit3A_531 = arith.constant 0 : i32
    %jit3A_532 = arith.constant 99999 : i32
    %max3A_533 = arith.maxsi %jit3A_531, %squeeze3A_530 : i32
    %min3A_534 = arith.minsi %jit3A_532, %max3A_533 : i32
    %jit3A_535 = arith.constant 128 : i32
    %div3A_536 = arith.divsi %min3A_534, %jit3A_535 : i32
    %sign3A_537 = arith.constant 0 : i32
    %sign3A_538 = arith.cmpi sgt, %min3A_534, %sign3A_537 : i32
    %sign3A_539 = arith.extui %sign3A_538 : i1 to i32
    %sign3A_540 = arith.constant 0 : i32
    %sign3A_541 = arith.cmpi slt, %min3A_534, %sign3A_540 : i32
    %sign3A_542 = arith.extui %sign3A_541 : i1 to i32
    %sign3A_543 = arith.subi %sign3A_539, %sign3A_542 : i32
    %sign3A_544 = arith.constant 0 : i32
    %sign3A_545 = arith.cmpi sgt, %jit3A_535, %sign3A_544 : i32
    %sign3A_546 = arith.extui %sign3A_545 : i1 to i32
    %sign3A_547 = arith.constant 0 : i32
    %sign3A_548 = arith.cmpi slt, %jit3A_535, %sign3A_547 : i32
    %sign3A_549 = arith.extui %sign3A_548 : i1 to i32
    %sign3A_550 = arith.subi %sign3A_546, %sign3A_549 : i32
    %ne3A_551 = arith.cmpi ne, %sign3A_543, %sign3A_550 : i32
    %rem3A_552 = arith.remsi %min3A_534, %jit3A_535 : i32
    %ne3A_553 = arith.constant 0 : i32
    %ne3A_554 = arith.cmpi ne, %rem3A_552, %ne3A_553 : i32
    %and3A_555 = arith.andi %ne3A_551, %ne3A_554 : i1
    %sub3A_556 = arith.constant 1 : i32
    %sub3A_557 = arith.subi %div3A_536, %sub3A_556 : i32
    %select_n3A_558 = arith.select %and3A_555, %sub3A_557, %div3A_536 : i32
    %mul3A_559 = arith.constant 128 : i32
    %mul3A_560 = arith.muli %select_n3A_558, %mul3A_559 : i32
    %multiple_of3A_561 = tpu.assume_multiple %mul3A_560, 128 : i32
    %add3A_562 = arith.constant 8 : i32
    %add3A_563 = arith.addi %mul3A_2, %add3A_562 : i32
    %multiple_of3A_564 = tpu.assume_multiple %add3A_563, 8 : i32
    %dma_start3A_565 = arith.constant 11 : i32
    %dma_start3A_566 = arith.constant 0 : i32
    %dma_start3A_567 = arith.constant 0 : i32
    %dma_start3A_568 = tpu.memref_slice %arg6[%dma_start3A_565, %dma_start3A_566, %dma_start3A_567] : memref<32x8x128xf32, #tpu.memory_space<vmem>> -> memref<1x8x128xf32, #tpu.memory_space<vmem>>
    %dma_start3A_569 = tpu.memref_squeeze %dma_start3A_568 : memref<1x8x128xf32, #tpu.memory_space<vmem>> -> memref<8x128xf32, #tpu.memory_space<vmem>>
    %dma_start3A_570 = tpu.memref_slice %arg2[%multiple_of3A_564, %multiple_of3A_561] : memref<1024x100000xf32, #tpu.memory_space<hbm>> -> memref<8x128xf32, #tpu.memory_space<hbm>>
    %dma_start3A_571 = arith.constant 0 : i32
    %dma_start3A_572 = arith.constant 0 : i32
    %dma_start3A_573 = tpu.memref_slice %arg6[%dma_start3A_565, %dma_start3A_571, %dma_start3A_572] : memref<32x8x128xf32, #tpu.memory_space<vmem>> -> memref<1x8x128xf32, #tpu.memory_space<vmem>>
    %dma_start3A_574 = tpu.memref_squeeze %dma_start3A_573 : memref<1x8x128xf32, #tpu.memory_space<vmem>> -> memref<8x128xf32, #tpu.memory_space<vmem>>
    %dma_start3A_575 = tpu.memref_slice %arg2[%multiple_of3A_564, %multiple_of3A_561] : memref<1024x100000xf32, #tpu.memory_space<hbm>> -> memref<8x128xf32, #tpu.memory_space<hbm>>
    tpu.enqueue_dma source(%dma_start3A_575 : memref<8x128xf32, #tpu.memory_space<hbm>>) target(%dma_start3A_574 : memref<8x128xf32, #tpu.memory_space<vmem>>) target_semaphore(%arg8 : memref<!tpu.dma_semaphore, #tpu.memory_space<semaphore_mem>>)
    %get3A_576 = arith.constant 0 : index
    %get3A_577 = tpu.vector_load %arg5[%get3A_576] {strides = array<i32>} : memref<32xi32, #tpu.memory_space<vmem>>, vector<16xi32>,
    %slice3A_578 = vector.extract_strided_slice %get3A_577 {offsets = [12], sizes = [1], strides = [1]} : vector<16xi32> to vector<1xi32>
    %squeeze3A_579 = vector.extract %slice3A_578[0] : i32 from vector<1xi32>
    %jit3A_580 = arith.constant 0 : i32
    %jit3A_581 = arith.constant 99999 : i32
    %max3A_582 = arith.maxsi %jit3A_580, %squeeze3A_579 : i32
    %min3A_583 = arith.minsi %jit3A_581, %max3A_582 : i32
    %jit3A_584 = arith.constant 128 : i32
    %div3A_585 = arith.divsi %min3A_583, %jit3A_584 : i32
    %sign3A_586 = arith.constant 0 : i32
    %sign3A_587 = arith.cmpi sgt, %min3A_583, %sign3A_586 : i32
    %sign3A_588 = arith.extui %sign3A_587 : i1 to i32
    %sign3A_589 = arith.constant 0 : i32
    %sign3A_590 = arith.cmpi slt, %min3A_583, %sign3A_589 : i32
    %sign3A_591 = arith.extui %sign3A_590 : i1 to i32
    %sign3A_592 = arith.subi %sign3A_588, %sign3A_591 : i32
    %sign3A_593 = arith.constant 0 : i32
    %sign3A_594 = arith.cmpi sgt, %jit3A_584, %sign3A_593 : i32
    %sign3A_595 = arith.extui %sign3A_594 : i1 to i32
    %sign3A_596 = arith.constant 0 : i32
    %sign3A_597 = arith.cmpi slt, %jit3A_584, %sign3A_596 : i32
    %sign3A_598 = arith.extui %sign3A_597 : i1 to i32
    %sign3A_599 = arith.subi %sign3A_595, %sign3A_598 : i32
    %ne3A_600 = arith.cmpi ne, %sign3A_592, %sign3A_599 : i32
    %rem3A_601 = arith.remsi %min3A_583, %jit3A_584 : i32
    %ne3A_602 = arith.constant 0 : i32
    %ne3A_603 = arith.cmpi ne, %rem3A_601, %ne3A_602 : i32
    %and3A_604 = arith.andi %ne3A_600, %ne3A_603 : i1
    %sub3A_605 = arith.constant 1 : i32
    %sub3A_606 = arith.subi %div3A_585, %sub3A_605 : i32
    %select_n3A_607 = arith.select %and3A_604, %sub3A_606, %div3A_585 : i32
    %mul3A_608 = arith.constant 128 : i32
    %mul3A_609 = arith.muli %select_n3A_607, %mul3A_608 : i32
    %multiple_of3A_610 = tpu.assume_multiple %mul3A_609, 128 : i32
    %add3A_611 = arith.constant 8 : i32
    %add3A_612 = arith.addi %mul3A_2, %add3A_611 : i32
    %multiple_of3A_613 = tpu.assume_multiple %add3A_612, 8 : i32
    %dma_start3A_614 = arith.constant 12 : i32
    %dma_start3A_615 = arith.constant 0 : i32
    %dma_start3A_616 = arith.constant 0 : i32
    %dma_start3A_617 = tpu.memref_slice %arg6[%dma_start3A_614, %dma_start3A_615, %dma_start3A_616] : memref<32x8x128xf32, #tpu.memory_space<vmem>> -> memref<1x8x128xf32, #tpu.memory_space<vmem>>
    %dma_start3A_618 = tpu.memref_squeeze %dma_start3A_617 : memref<1x8x128xf32, #tpu.memory_space<vmem>> -> memref<8x128xf32, #tpu.memory_space<vmem>>
    %dma_start3A_619 = tpu.memref_slice %arg2[%multiple_of3A_613, %multiple_of3A_610] : memref<1024x100000xf32, #tpu.memory_space<hbm>> -> memref<8x128xf32, #tpu.memory_space<hbm>>
    %dma_start3A_620 = arith.constant 0 : i32
    %dma_start3A_621 = arith.constant 0 : i32
    %dma_start3A_622 = tpu.memref_slice %arg6[%dma_start3A_614, %dma_start3A_620, %dma_start3A_621] : memref<32x8x128xf32, #tpu.memory_space<vmem>> -> memref<1x8x128xf32, #tpu.memory_space<vmem>>
    %dma_start3A_623 = tpu.memref_squeeze %dma_start3A_622 : memref<1x8x128xf32, #tpu.memory_space<vmem>> -> memref<8x128xf32, #tpu.memory_space<vmem>>
    %dma_start3A_624 = tpu.memref_slice %arg2[%multiple_of3A_613, %multiple_of3A_610] : memref<1024x100000xf32, #tpu.memory_space<hbm>> -> memref<8x128xf32, #tpu.memory_space<hbm>>
    tpu.enqueue_dma source(%dma_start3A_624 : memref<8x128xf32, #tpu.memory_space<hbm>>) target(%dma_start3A_623 : memref<8x128xf32, #tpu.memory_space<vmem>>) target_semaphore(%arg8 : memref<!tpu.dma_semaphore, #tpu.memory_space<semaphore_mem>>)
    %get3A_625 = arith.constant 0 : index
    %get3A_626 = tpu.vector_load %arg5[%get3A_625] {strides = array<i32>} : memref<32xi32, #tpu.memory_space<vmem>>, vector<16xi32>,
    %slice3A_627 = vector.extract_strided_slice %get3A_626 {offsets = [13], sizes = [1], strides = [1]} : vector<16xi32> to vector<1xi32>
    %squeeze3A_628 = vector.extract %slice3A_627[0] : i32 from vector<1xi32>
    %jit3A_629 = arith.constant 0 : i32
    %jit3A_630 = arith.constant 99999 : i32
    %max3A_631 = arith.maxsi %jit3A_629, %squeeze3A_628 : i32
    %min3A_632 = arith.minsi %jit3A_630, %max3A_631 : i32
    %jit3A_633 = arith.constant 128 : i32
    %div3A_634 = arith.divsi %min3A_632, %jit3A_633 : i32
    %sign3A_635 = arith.constant 0 : i32
    %sign3A_636 = arith.cmpi sgt, %min3A_632, %sign3A_635 : i32
    %sign3A_637 = arith.extui %sign3A_636 : i1 to i32
    %sign3A_638 = arith.constant 0 : i32
    %sign3A_639 = arith.cmpi slt, %min3A_632, %sign3A_638 : i32
    %sign3A_640 = arith.extui %sign3A_639 : i1 to i32
    %sign3A_641 = arith.subi %sign3A_637, %sign3A_640 : i32
    %sign3A_642 = arith.constant 0 : i32
    %sign3A_643 = arith.cmpi sgt, %jit3A_633, %sign3A_642 : i32
    %sign3A_644 = arith.extui %sign3A_643 : i1 to i32
    %sign3A_645 = arith.constant 0 : i32
    %sign3A_646 = arith.cmpi slt, %jit3A_633, %sign3A_645 : i32
    %sign3A_647 = arith.extui %sign3A_646 : i1 to i32
    %sign3A_648 = arith.subi %sign3A_644, %sign3A_647 : i32
    %ne3A_649 = arith.cmpi ne, %sign3A_641, %sign3A_648 : i32
    %rem3A_650 = arith.remsi %min3A_632, %jit3A_633 : i32
    %ne3A_651 = arith.constant 0 : i32
    %ne3A_652 = arith.cmpi ne, %rem3A_650, %ne3A_651 : i32
    %and3A_653 = arith.andi %ne3A_649, %ne3A_652 : i1
    %sub3A_654 = arith.constant 1 : i32
    %sub3A_655 = arith.subi %div3A_634, %sub3A_654 : i32
    %select_n3A_656 = arith.select %and3A_653, %sub3A_655, %div3A_634 : i32
    %mul3A_657 = arith.constant 128 : i32
    %mul3A_658 = arith.muli %select_n3A_656, %mul3A_657 : i32
    %multiple_of3A_659 = tpu.assume_multiple %mul3A_658, 128 : i32
    %add3A_660 = arith.constant 8 : i32
    %add3A_661 = arith.addi %mul3A_2, %add3A_660 : i32
    %multiple_of3A_662 = tpu.assume_multiple %add3A_661, 8 : i32
    %dma_start3A_663 = arith.constant 13 : i32
    %dma_start3A_664 = arith.constant 0 : i32
    %dma_start3A_665 = arith.constant 0 : i32
    %dma_start3A_666 = tpu.memref_slice %arg6[%dma_start3A_663, %dma_start3A_664, %dma_start3A_665] : memref<32x8x128xf32, #tpu.memory_space<vmem>> -> memref<1x8x128xf32, #tpu.memory_space<vmem>>
    %dma_start3A_667 = tpu.memref_squeeze %dma_start3A_666 : memref<1x8x128xf32, #tpu.memory_space<vmem>> -> memref<8x128xf32, #tpu.memory_space<vmem>>
    %dma_start3A_668 = tpu.memref_slice %arg2[%multiple_of3A_662, %multiple_of3A_659] : memref<1024x100000xf32, #tpu.memory_space<hbm>> -> memref<8x128xf32, #tpu.memory_space<hbm>>
    %dma_start3A_669 = arith.constant 0 : i32
    %dma_start3A_670 = arith.constant 0 : i32
    %dma_start3A_671 = tpu.memref_slice %arg6[%dma_start3A_663, %dma_start3A_669, %dma_start3A_670] : memref<32x8x128xf32, #tpu.memory_space<vmem>> -> memref<1x8x128xf32, #tpu.memory_space<vmem>>
    %dma_start3A_672 = tpu.memref_squeeze %dma_start3A_671 : memref<1x8x128xf32, #tpu.memory_space<vmem>> -> memref<8x128xf32, #tpu.memory_space<vmem>>
    %dma_start3A_673 = tpu.memref_slice %arg2[%multiple_of3A_662, %multiple_of3A_659] : memref<1024x100000xf32, #tpu.memory_space<hbm>> -> memref<8x128xf32, #tpu.memory_space<hbm>>
    tpu.enqueue_dma source(%dma_start3A_673 : memref<8x128xf32, #tpu.memory_space<hbm>>) target(%dma_start3A_672 : memref<8x128xf32, #tpu.memory_space<vmem>>) target_semaphore(%arg8 : memref<!tpu.dma_semaphore, #tpu.memory_space<semaphore_mem>>)
    %get3A_674 = arith.constant 0 : index
    %get3A_675 = tpu.vector_load %arg5[%get3A_674] {strides = array<i32>} : memref<32xi32, #tpu.memory_space<vmem>>, vector<16xi32>,
    %slice3A_676 = vector.extract_strided_slice %get3A_675 {offsets = [14], sizes = [1], strides = [1]} : vector<16xi32> to vector<1xi32>
    %squeeze3A_677 = vector.extract %slice3A_676[0] : i32 from vector<1xi32>
    %jit3A_678 = arith.constant 0 : i32
    %jit3A_679 = arith.constant 99999 : i32
    %max3A_680 = arith.maxsi %jit3A_678, %squeeze3A_677 : i32
    %min3A_681 = arith.minsi %jit3A_679, %max3A_680 : i32
    %jit3A_682 = arith.constant 128 : i32
    %div3A_683 = arith.divsi %min3A_681, %jit3A_682 : i32
    %sign3A_684 = arith.constant 0 : i32
    %sign3A_685 = arith.cmpi sgt, %min3A_681, %sign3A_684 : i32
    %sign3A_686 = arith.extui %sign3A_685 : i1 to i32
    %sign3A_687 = arith.constant 0 : i32
    %sign3A_688 = arith.cmpi slt, %min3A_681, %sign3A_687 : i32
    %sign3A_689 = arith.extui %sign3A_688 : i1 to i32
    %sign3A_690 = arith.subi %sign3A_686, %sign3A_689 : i32
    %sign3A_691 = arith.constant 0 : i32
    %sign3A_692 = arith.cmpi sgt, %jit3A_682, %sign3A_691 : i32
    %sign3A_693 = arith.extui %sign3A_692 : i1 to i32
    %sign3A_694 = arith.constant 0 : i32
    %sign3A_695 = arith.cmpi slt, %jit3A_682, %sign3A_694 : i32
    %sign3A_696 = arith.extui %sign3A_695 : i1 to i32
    %sign3A_697 = arith.subi %sign3A_693, %sign3A_696 : i32
    %ne3A_698 = arith.cmpi ne, %sign3A_690, %sign3A_697 : i32
    %rem3A_699 = arith.remsi %min3A_681, %jit3A_682 : i32
    %ne3A_700 = arith.constant 0 : i32
    %ne3A_701 = arith.cmpi ne, %rem3A_699, %ne3A_700 : i32
    %and3A_702 = arith.andi %ne3A_698, %ne3A_701 : i1
    %sub3A_703 = arith.constant 1 : i32
    %sub3A_704 = arith.subi %div3A_683, %sub3A_703 : i32
    %select_n3A_705 = arith.select %and3A_702, %sub3A_704, %div3A_683 : i32
    %mul3A_706 = arith.constant 128 : i32
    %mul3A_707 = arith.muli %select_n3A_705, %mul3A_706 : i32
    %multiple_of3A_708 = tpu.assume_multiple %mul3A_707, 128 : i32
    %add3A_709 = arith.constant 8 : i32
    %add3A_710 = arith.addi %mul3A_2, %add3A_709 : i32
    %multiple_of3A_711 = tpu.assume_multiple %add3A_710, 8 : i32
    %dma_start3A_712 = arith.constant 14 : i32
    %dma_start3A_713 = arith.constant 0 : i32
    %dma_start3A_714 = arith.constant 0 : i32
    %dma_start3A_715 = tpu.memref_slice %arg6[%dma_start3A_712, %dma_start3A_713, %dma_start3A_714] : memref<32x8x128xf32, #tpu.memory_space<vmem>> -> memref<1x8x128xf32, #tpu.memory_space<vmem>>
    %dma_start3A_716 = tpu.memref_squeeze %dma_start3A_715 : memref<1x8x128xf32, #tpu.memory_space<vmem>> -> memref<8x128xf32, #tpu.memory_space<vmem>>
    %dma_start3A_717 = tpu.memref_slice %arg2[%multiple_of3A_711, %multiple_of3A_708] : memref<1024x100000xf32, #tpu.memory_space<hbm>> -> memref<8x128xf32, #tpu.memory_space<hbm>>
    %dma_start3A_718 = arith.constant 0 : i32
    %dma_start3A_719 = arith.constant 0 : i32
    %dma_start3A_720 = tpu.memref_slice %arg6[%dma_start3A_712, %dma_start3A_718, %dma_start3A_719] : memref<32x8x128xf32, #tpu.memory_space<vmem>> -> memref<1x8x128xf32, #tpu.memory_space<vmem>>
    %dma_start3A_721 = tpu.memref_squeeze %dma_start3A_720 : memref<1x8x128xf32, #tpu.memory_space<vmem>> -> memref<8x128xf32, #tpu.memory_space<vmem>>
    %dma_start3A_722 = tpu.memref_slice %arg2[%multiple_of3A_711, %multiple_of3A_708] : memref<1024x100000xf32, #tpu.memory_space<hbm>> -> memref<8x128xf32, #tpu.memory_space<hbm>>
    tpu.enqueue_dma source(%dma_start3A_722 : memref<8x128xf32, #tpu.memory_space<hbm>>) target(%dma_start3A_721 : memref<8x128xf32, #tpu.memory_space<vmem>>) target_semaphore(%arg8 : memref<!tpu.dma_semaphore, #tpu.memory_space<semaphore_mem>>)
    %get3A_723 = arith.constant 0 : index
    %get3A_724 = tpu.vector_load %arg5[%get3A_723] {strides = array<i32>} : memref<32xi32, #tpu.memory_space<vmem>>, vector<16xi32>,
    %slice3A_725 = vector.extract_strided_slice %get3A_724 {offsets = [15], sizes = [1], strides = [1]} : vector<16xi32> to vector<1xi32>
    %squeeze3A_726 = vector.extract %slice3A_725[0] : i32 from vector<1xi32>
    %jit3A_727 = arith.constant 0 : i32
    %jit3A_728 = arith.constant 99999 : i32
    %max3A_729 = arith.maxsi %jit3A_727, %squeeze3A_726 : i32
    %min3A_730 = arith.minsi %jit3A_728, %max3A_729 : i32
    %jit3A_731 = arith.constant 128 : i32
    %div3A_732 = arith.divsi %min3A_730, %jit3A_731 : i32
    %sign3A_733 = arith.constant 0 : i32
    %sign3A_734 = arith.cmpi sgt, %min3A_730, %sign3A_733 : i32
    %sign3A_735 = arith.extui %sign3A_734 : i1 to i32
    %sign3A_736 = arith.constant 0 : i32
    %sign3A_737 = arith.cmpi slt, %min3A_730, %sign3A_736 : i32
    %sign3A_738 = arith.extui %sign3A_737 : i1 to i32
    %sign3A_739 = arith.subi %sign3A_735, %sign3A_738 : i32
    %sign3A_740 = arith.constant 0 : i32
    %sign3A_741 = arith.cmpi sgt, %jit3A_731, %sign3A_740 : i32
    %sign3A_742 = arith.extui %sign3A_741 : i1 to i32
    %sign3A_743 = arith.constant 0 : i32
    %sign3A_744 = arith.cmpi slt, %jit3A_731, %sign3A_743 : i32
    %sign3A_745 = arith.extui %sign3A_744 : i1 to i32
    %sign3A_746 = arith.subi %sign3A_742, %sign3A_745 : i32
    %ne3A_747 = arith.cmpi ne, %sign3A_739, %sign3A_746 : i32
    %rem3A_748 = arith.remsi %min3A_730, %jit3A_731 : i32
    %ne3A_749 = arith.constant 0 : i32
    %ne3A_750 = arith.cmpi ne, %rem3A_748, %ne3A_749 : i32
    %and3A_751 = arith.andi %ne3A_747, %ne3A_750 : i1
    %sub3A_752 = arith.constant 1 : i32
    %sub3A_753 = arith.subi %div3A_732, %sub3A_752 : i32
    %select_n3A_754 = arith.select %and3A_751, %sub3A_753, %div3A_732 : i32
    %mul3A_755 = arith.constant 128 : i32
    %mul3A_756 = arith.muli %select_n3A_754, %mul3A_755 : i32
    %multiple_of3A_757 = tpu.assume_multiple %mul3A_756, 128 : i32
    %add3A_758 = arith.constant 8 : i32
    %add3A_759 = arith.addi %mul3A_2, %add3A_758 : i32
    %multiple_of3A_760 = tpu.assume_multiple %add3A_759, 8 : i32
    %dma_start3A_761 = arith.constant 15 : i32
    %dma_start3A_762 = arith.constant 0 : i32
    %dma_start3A_763 = arith.constant 0 : i32
    %dma_start3A_764 = tpu.memref_slice %arg6[%dma_start3A_761, %dma_start3A_762, %dma_start3A_763] : memref<32x8x128xf32, #tpu.memory_space<vmem>> -> memref<1x8x128xf32, #tpu.memory_space<vmem>>
    %dma_start3A_765 = tpu.memref_squeeze %dma_start3A_764 : memref<1x8x128xf32, #tpu.memory_space<vmem>> -> memref<8x128xf32, #tpu.memory_space<vmem>>
    %dma_start3A_766 = tpu.memref_slice %arg2[%multiple_of3A_760, %multiple_of3A_757] : memref<1024x100000xf32, #tpu.memory_space<hbm>> -> memref<8x128xf32, #tpu.memory_space<hbm>>
    %dma_start3A_767 = arith.constant 0 : i32
    %dma_start3A_768 = arith.constant 0 : i32
    %dma_start3A_769 = tpu.memref_slice %arg6[%dma_start3A_761, %dma_start3A_767, %dma_start3A_768] : memref<32x8x128xf32, #tpu.memory_space<vmem>> -> memref<1x8x128xf32, #tpu.memory_space<vmem>>
    %dma_start3A_770 = tpu.memref_squeeze %dma_start3A_769 : memref<1x8x128xf32, #tpu.memory_space<vmem>> -> memref<8x128xf32, #tpu.memory_space<vmem>>
    %dma_start3A_771 = tpu.memref_slice %arg2[%multiple_of3A_760, %multiple_of3A_757] : memref<1024x100000xf32, #tpu.memory_space<hbm>> -> memref<8x128xf32, #tpu.memory_space<hbm>>
    tpu.enqueue_dma source(%dma_start3A_771 : memref<8x128xf32, #tpu.memory_space<hbm>>) target(%dma_start3A_770 : memref<8x128xf32, #tpu.memory_space<vmem>>) target_semaphore(%arg8 : memref<!tpu.dma_semaphore, #tpu.memory_space<semaphore_mem>>)
    %get3A_772 = arith.constant 16 : index
    %get3A_773 = tpu.vector_load %arg5[%get3A_772] {strides = array<i32>} : memref<32xi32, #tpu.memory_space<vmem>>, vector<16xi32>,
    %slice3A_774 = vector.extract_strided_slice %get3A_773 {offsets = [0], sizes = [1], strides = [1]} : vector<16xi32> to vector<1xi32>
    %squeeze3A_775 = vector.extract %slice3A_774[0] : i32 from vector<1xi32>
    %jit3A_776 = arith.constant 0 : i32
    %jit3A_777 = arith.constant 99999 : i32
    %max3A_778 = arith.maxsi %jit3A_776, %squeeze3A_775 : i32
    %min3A_779 = arith.minsi %jit3A_777, %max3A_778 : i32
    %jit3A_780 = arith.constant 128 : i32
    %div3A_781 = arith.divsi %min3A_779, %jit3A_780 : i32
    %sign3A_782 = arith.constant 0 : i32
    %sign3A_783 = arith.cmpi sgt, %min3A_779, %sign3A_782 : i32
    %sign3A_784 = arith.extui %sign3A_783 : i1 to i32
    %sign3A_785 = arith.constant 0 : i32
    %sign3A_786 = arith.cmpi slt, %min3A_779, %sign3A_785 : i32
    %sign3A_787 = arith.extui %sign3A_786 : i1 to i32
    %sign3A_788 = arith.subi %sign3A_784, %sign3A_787 : i32
    %sign3A_789 = arith.constant 0 : i32
    %sign3A_790 = arith.cmpi sgt, %jit3A_780, %sign3A_789 : i32
    %sign3A_791 = arith.extui %sign3A_790 : i1 to i32
    %sign3A_792 = arith.constant 0 : i32
    %sign3A_793 = arith.cmpi slt, %jit3A_780, %sign3A_792 : i32
    %sign3A_794 = arith.extui %sign3A_793 : i1 to i32
    %sign3A_795 = arith.subi %sign3A_791, %sign3A_794 : i32
    %ne3A_796 = arith.cmpi ne, %sign3A_788, %sign3A_795 : i32
    %rem3A_797 = arith.remsi %min3A_779, %jit3A_780 : i32
    %ne3A_798 = arith.constant 0 : i32
    %ne3A_799 = arith.cmpi ne, %rem3A_797, %ne3A_798 : i32
    %and3A_800 = arith.andi %ne3A_796, %ne3A_799 : i1
    %sub3A_801 = arith.constant 1 : i32
    %sub3A_802 = arith.subi %div3A_781, %sub3A_801 : i32
    %select_n3A_803 = arith.select %and3A_800, %sub3A_802, %div3A_781 : i32
    %mul3A_804 = arith.constant 128 : i32
    %mul3A_805 = arith.muli %select_n3A_803, %mul3A_804 : i32
    %multiple_of3A_806 = tpu.assume_multiple %mul3A_805, 128 : i32
    %add3A_807 = arith.constant 16 : i32
    %add3A_808 = arith.addi %mul3A_2, %add3A_807 : i32
    %multiple_of3A_809 = tpu.assume_multiple %add3A_808, 8 : i32
    %dma_start3A_810 = arith.constant 16 : i32
    %dma_start3A_811 = arith.constant 0 : i32
    %dma_start3A_812 = arith.constant 0 : i32
    %dma_start3A_813 = tpu.memref_slice %arg6[%dma_start3A_810, %dma_start3A_811, %dma_start3A_812] : memref<32x8x128xf32, #tpu.memory_space<vmem>> -> memref<1x8x128xf32, #tpu.memory_space<vmem>>
    %dma_start3A_814 = tpu.memref_squeeze %dma_start3A_813 : memref<1x8x128xf32, #tpu.memory_space<vmem>> -> memref<8x128xf32, #tpu.memory_space<vmem>>
    %dma_start3A_815 = tpu.memref_slice %arg2[%multiple_of3A_809, %multiple_of3A_806] : memref<1024x100000xf32, #tpu.memory_space<hbm>> -> memref<8x128xf32, #tpu.memory_space<hbm>>
    %dma_start3A_816 = arith.constant 0 : i32
    %dma_start3A_817 = arith.constant 0 : i32
    %dma_start3A_818 = tpu.memref_slice %arg6[%dma_start3A_810, %dma_start3A_816, %dma_start3A_817] : memref<32x8x128xf32, #tpu.memory_space<vmem>> -> memref<1x8x128xf32, #tpu.memory_space<vmem>>
    %dma_start3A_819 = tpu.memref_squeeze %dma_start3A_818 : memref<1x8x128xf32, #tpu.memory_space<vmem>> -> memref<8x128xf32, #tpu.memory_space<vmem>>
    %dma_start3A_820 = tpu.memref_slice %arg2[%multiple_of3A_809, %multiple_of3A_806] : memref<1024x100000xf32, #tpu.memory_space<hbm>> -> memref<8x128xf32, #tpu.memory_space<hbm>>
    tpu.enqueue_dma source(%dma_start3A_820 : memref<8x128xf32, #tpu.memory_space<hbm>>) target(%dma_start3A_819 : memref<8x128xf32, #tpu.memory_space<vmem>>) target_semaphore(%arg8 : memref<!tpu.dma_semaphore, #tpu.memory_space<semaphore_mem>>)
    %get3A_821 = arith.constant 16 : index
    %get3A_822 = tpu.vector_load %arg5[%get3A_821] {strides = array<i32>} : memref<32xi32, #tpu.memory_space<vmem>>, vector<16xi32>,
    %slice3A_823 = vector.extract_strided_slice %get3A_822 {offsets = [1], sizes = [1], strides = [1]} : vector<16xi32> to vector<1xi32>
    %squeeze3A_824 = vector.extract %slice3A_823[0] : i32 from vector<1xi32>
    %jit3A_825 = arith.constant 0 : i32
    %jit3A_826 = arith.constant 99999 : i32
    %max3A_827 = arith.maxsi %jit3A_825, %squeeze3A_824 : i32
    %min3A_828 = arith.minsi %jit3A_826, %max3A_827 : i32
    %jit3A_829 = arith.constant 128 : i32
    %div3A_830 = arith.divsi %min3A_828, %jit3A_829 : i32
    %sign3A_831 = arith.constant 0 : i32
    %sign3A_832 = arith.cmpi sgt, %min3A_828, %sign3A_831 : i32
    %sign3A_833 = arith.extui %sign3A_832 : i1 to i32
    %sign3A_834 = arith.constant 0 : i32
    %sign3A_835 = arith.cmpi slt, %min3A_828, %sign3A_834 : i32
    %sign3A_836 = arith.extui %sign3A_835 : i1 to i32
    %sign3A_837 = arith.subi %sign3A_833, %sign3A_836 : i32
    %sign3A_838 = arith.constant 0 : i32
    %sign3A_839 = arith.cmpi sgt, %jit3A_829, %sign3A_838 : i32
    %sign3A_840 = arith.extui %sign3A_839 : i1 to i32
    %sign3A_841 = arith.constant 0 : i32
    %sign3A_842 = arith.cmpi slt, %jit3A_829, %sign3A_841 : i32
    %sign3A_843 = arith.extui %sign3A_842 : i1 to i32
    %sign3A_844 = arith.subi %sign3A_840, %sign3A_843 : i32
    %ne3A_845 = arith.cmpi ne, %sign3A_837, %sign3A_844 : i32
    %rem3A_846 = arith.remsi %min3A_828, %jit3A_829 : i32
    %ne3A_847 = arith.constant 0 : i32
    %ne3A_848 = arith.cmpi ne, %rem3A_846, %ne3A_847 : i32
    %and3A_849 = arith.andi %ne3A_845, %ne3A_848 : i1
    %sub3A_850 = arith.constant 1 : i32
    %sub3A_851 = arith.subi %div3A_830, %sub3A_850 : i32
    %select_n3A_852 = arith.select %and3A_849, %sub3A_851, %div3A_830 : i32
    %mul3A_853 = arith.constant 128 : i32
    %mul3A_854 = arith.muli %select_n3A_852, %mul3A_853 : i32
    %multiple_of3A_855 = tpu.assume_multiple %mul3A_854, 128 : i32
    %add3A_856 = arith.constant 16 : i32
    %add3A_857 = arith.addi %mul3A_2, %add3A_856 : i32
    %multiple_of3A_858 = tpu.assume_multiple %add3A_857, 8 : i32
    %dma_start3A_859 = arith.constant 17 : i32
    %dma_start3A_860 = arith.constant 0 : i32
    %dma_start3A_861 = arith.constant 0 : i32
    %dma_start3A_862 = tpu.memref_slice %arg6[%dma_start3A_859, %dma_start3A_860, %dma_start3A_861] : memref<32x8x128xf32, #tpu.memory_space<vmem>> -> memref<1x8x128xf32, #tpu.memory_space<vmem>>
    %dma_start3A_863 = tpu.memref_squeeze %dma_start3A_862 : memref<1x8x128xf32, #tpu.memory_space<vmem>> -> memref<8x128xf32, #tpu.memory_space<vmem>>
    %dma_start3A_864 = tpu.memref_slice %arg2[%multiple_of3A_858, %multiple_of3A_855] : memref<1024x100000xf32, #tpu.memory_space<hbm>> -> memref<8x128xf32, #tpu.memory_space<hbm>>
    %dma_start3A_865 = arith.constant 0 : i32
    %dma_start3A_866 = arith.constant 0 : i32
    %dma_start3A_867 = tpu.memref_slice %arg6[%dma_start3A_859, %dma_start3A_865, %dma_start3A_866] : memref<32x8x128xf32, #tpu.memory_space<vmem>> -> memref<1x8x128xf32, #tpu.memory_space<vmem>>
    %dma_start3A_868 = tpu.memref_squeeze %dma_start3A_867 : memref<1x8x128xf32, #tpu.memory_space<vmem>> -> memref<8x128xf32, #tpu.memory_space<vmem>>
    %dma_start3A_869 = tpu.memref_slice %arg2[%multiple_of3A_858, %multiple_of3A_855] : memref<1024x100000xf32, #tpu.memory_space<hbm>> -> memref<8x128xf32, #tpu.memory_space<hbm>>
    tpu.enqueue_dma source(%dma_start3A_869 : memref<8x128xf32, #tpu.memory_space<hbm>>) target(%dma_start3A_868 : memref<8x128xf32, #tpu.memory_space<vmem>>) target_semaphore(%arg8 : memref<!tpu.dma_semaphore, #tpu.memory_space<semaphore_mem>>)
    %get3A_870 = arith.constant 16 : index
    %get3A_871 = tpu.vector_load %arg5[%get3A_870] {strides = array<i32>} : memref<32xi32, #tpu.memory_space<vmem>>, vector<16xi32>,
    %slice3A_872 = vector.extract_strided_slice %get3A_871 {offsets = [2], sizes = [1], strides = [1]} : vector<16xi32> to vector<1xi32>
    %squeeze3A_873 = vector.extract %slice3A_872[0] : i32 from vector<1xi32>
    %jit3A_874 = arith.constant 0 : i32
    %jit3A_875 = arith.constant 99999 : i32
    %max3A_876 = arith.maxsi %jit3A_874, %squeeze3A_873 : i32
    %min3A_877 = arith.minsi %jit3A_875, %max3A_876 : i32
    %jit3A_878 = arith.constant 128 : i32
    %div3A_879 = arith.divsi %min3A_877, %jit3A_878 : i32
    %sign3A_880 = arith.constant 0 : i32
    %sign3A_881 = arith.cmpi sgt, %min3A_877, %sign3A_880 : i32
    %sign3A_882 = arith.extui %sign3A_881 : i1 to i32
    %sign3A_883 = arith.constant 0 : i32
    %sign3A_884 = arith.cmpi slt, %min3A_877, %sign3A_883 : i32
    %sign3A_885 = arith.extui %sign3A_884 : i1 to i32
    %sign3A_886 = arith.subi %sign3A_882, %sign3A_885 : i32
    %sign3A_887 = arith.constant 0 : i32
    %sign3A_888 = arith.cmpi sgt, %jit3A_878, %sign3A_887 : i32
    %sign3A_889 = arith.extui %sign3A_888 : i1 to i32
    %sign3A_890 = arith.constant 0 : i32
    %sign3A_891 = arith.cmpi slt, %jit3A_878, %sign3A_890 : i32
    %sign3A_892 = arith.extui %sign3A_891 : i1 to i32
    %sign3A_893 = arith.subi %sign3A_889, %sign3A_892 : i32
    %ne3A_894 = arith.cmpi ne, %sign3A_886, %sign3A_893 : i32
    %rem3A_895 = arith.remsi %min3A_877, %jit3A_878 : i32
    %ne3A_896 = arith.constant 0 : i32
    %ne3A_897 = arith.cmpi ne, %rem3A_895, %ne3A_896 : i32
    %and3A_898 = arith.andi %ne3A_894, %ne3A_897 : i1
    %sub3A_899 = arith.constant 1 : i32
    %sub3A_900 = arith.subi %div3A_879, %sub3A_899 : i32
    %select_n3A_901 = arith.select %and3A_898, %sub3A_900, %div3A_879 : i32
    %mul3A_902 = arith.constant 128 : i32
    %mul3A_903 = arith.muli %select_n3A_901, %mul3A_902 : i32
    %multiple_of3A_904 = tpu.assume_multiple %mul3A_903, 128 : i32
    %add3A_905 = arith.constant 16 : i32
    %add3A_906 = arith.addi %mul3A_2, %add3A_905 : i32
    %multiple_of3A_907 = tpu.assume_multiple %add3A_906, 8 : i32
    %dma_start3A_908 = arith.constant 18 : i32
    %dma_start3A_909 = arith.constant 0 : i32
    %dma_start3A_910 = arith.constant 0 : i32
    %dma_start3A_911 = tpu.memref_slice %arg6[%dma_start3A_908, %dma_start3A_909, %dma_start3A_910] : memref<32x8x128xf32, #tpu.memory_space<vmem>> -> memref<1x8x128xf32, #tpu.memory_space<vmem>>
    %dma_start3A_912 = tpu.memref_squeeze %dma_start3A_911 : memref<1x8x128xf32, #tpu.memory_space<vmem>> -> memref<8x128xf32, #tpu.memory_space<vmem>>
    %dma_start3A_913 = tpu.memref_slice %arg2[%multiple_of3A_907, %multiple_of3A_904] : memref<1024x100000xf32, #tpu.memory_space<hbm>> -> memref<8x128xf32, #tpu.memory_space<hbm>>
    %dma_start3A_914 = arith.constant 0 : i32
    %dma_start3A_915 = arith.constant 0 : i32
    %dma_start3A_916 = tpu.memref_slice %arg6[%dma_start3A_908, %dma_start3A_914, %dma_start3A_915] : memref<32x8x128xf32, #tpu.memory_space<vmem>> -> memref<1x8x128xf32, #tpu.memory_space<vmem>>
    %dma_start3A_917 = tpu.memref_squeeze %dma_start3A_916 : memref<1x8x128xf32, #tpu.memory_space<vmem>> -> memref<8x128xf32, #tpu.memory_space<vmem>>
    %dma_start3A_918 = tpu.memref_slice %arg2[%multiple_of3A_907, %multiple_of3A_904] : memref<1024x100000xf32, #tpu.memory_space<hbm>> -> memref<8x128xf32, #tpu.memory_space<hbm>>
    tpu.enqueue_dma source(%dma_start3A_918 : memref<8x128xf32, #tpu.memory_space<hbm>>) target(%dma_start3A_917 : memref<8x128xf32, #tpu.memory_space<vmem>>) target_semaphore(%arg8 : memref<!tpu.dma_semaphore, #tpu.memory_space<semaphore_mem>>)
    %get3A_919 = arith.constant 16 : index
    %get3A_920 = tpu.vector_load %arg5[%get3A_919] {strides = array<i32>} : memref<32xi32, #tpu.memory_space<vmem>>, vector<16xi32>,
    %slice3A_921 = vector.extract_strided_slice %get3A_920 {offsets = [3], sizes = [1], strides = [1]} : vector<16xi32> to vector<1xi32>
    %squeeze3A_922 = vector.extract %slice3A_921[0] : i32 from vector<1xi32>
    %jit3A_923 = arith.constant 0 : i32
    %jit3A_924 = arith.constant 99999 : i32
    %max3A_925 = arith.maxsi %jit3A_923, %squeeze3A_922 : i32
    %min3A_926 = arith.minsi %jit3A_924, %max3A_925 : i32
    %jit3A_927 = arith.constant 128 : i32
    %div3A_928 = arith.divsi %min3A_926, %jit3A_927 : i32
    %sign3A_929 = arith.constant 0 : i32
    %sign3A_930 = arith.cmpi sgt, %min3A_926, %sign3A_929 : i32
    %sign3A_931 = arith.extui %sign3A_930 : i1 to i32
    %sign3A_932 = arith.constant 0 : i32
    %sign3A_933 = arith.cmpi slt, %min3A_926, %sign3A_932 : i32
    %sign3A_934 = arith.extui %sign3A_933 : i1 to i32
    %sign3A_935 = arith.subi %sign3A_931, %sign3A_934 : i32
    %sign3A_936 = arith.constant 0 : i32
    %sign3A_937 = arith.cmpi sgt, %jit3A_927, %sign3A_936 : i32
    %sign3A_938 = arith.extui %sign3A_937 : i1 to i32
    %sign3A_939 = arith.constant 0 : i32
    %sign3A_940 = arith.cmpi slt, %jit3A_927, %sign3A_939 : i32
    %sign3A_941 = arith.extui %sign3A_940 : i1 to i32
    %sign3A_942 = arith.subi %sign3A_938, %sign3A_941 : i32
    %ne3A_943 = arith.cmpi ne, %sign3A_935, %sign3A_942 : i32
    %rem3A_944 = arith.remsi %min3A_926, %jit3A_927 : i32
    %ne3A_945 = arith.constant 0 : i32
    %ne3A_946 = arith.cmpi ne, %rem3A_944, %ne3A_945 : i32
    %and3A_947 = arith.andi %ne3A_943, %ne3A_946 : i1
    %sub3A_948 = arith.constant 1 : i32
    %sub3A_949 = arith.subi %div3A_928, %sub3A_948 : i32
    %select_n3A_950 = arith.select %and3A_947, %sub3A_949, %div3A_928 : i32
    %mul3A_951 = arith.constant 128 : i32
    %mul3A_952 = arith.muli %select_n3A_950, %mul3A_951 : i32
    %multiple_of3A_953 = tpu.assume_multiple %mul3A_952, 128 : i32
    %add3A_954 = arith.constant 16 : i32
    %add3A_955 = arith.addi %mul3A_2, %add3A_954 : i32
    %multiple_of3A_956 = tpu.assume_multiple %add3A_955, 8 : i32
    %dma_start3A_957 = arith.constant 19 : i32
    %dma_start3A_958 = arith.constant 0 : i32
    %dma_start3A_959 = arith.constant 0 : i32
    %dma_start3A_960 = tpu.memref_slice %arg6[%dma_start3A_957, %dma_start3A_958, %dma_start3A_959] : memref<32x8x128xf32, #tpu.memory_space<vmem>> -> memref<1x8x128xf32, #tpu.memory_space<vmem>>
    %dma_start3A_961 = tpu.memref_squeeze %dma_start3A_960 : memref<1x8x128xf32, #tpu.memory_space<vmem>> -> memref<8x128xf32, #tpu.memory_space<vmem>>
    %dma_start3A_962 = tpu.memref_slice %arg2[%multiple_of3A_956, %multiple_of3A_953] : memref<1024x100000xf32, #tpu.memory_space<hbm>> -> memref<8x128xf32, #tpu.memory_space<hbm>>
    %dma_start3A_963 = arith.constant 0 : i32
    %dma_start3A_964 = arith.constant 0 : i32
    %dma_start3A_965 = tpu.memref_slice %arg6[%dma_start3A_957, %dma_start3A_963, %dma_start3A_964] : memref<32x8x128xf32, #tpu.memory_space<vmem>> -> memref<1x8x128xf32, #tpu.memory_space<vmem>>
    %dma_start3A_966 = tpu.memref_squeeze %dma_start3A_965 : memref<1x8x128xf32, #tpu.memory_space<vmem>> -> memref<8x128xf32, #tpu.memory_space<vmem>>
    %dma_start3A_967 = tpu.memref_slice %arg2[%multiple_of3A_956, %multiple_of3A_953] : memref<1024x100000xf32, #tpu.memory_space<hbm>> -> memref<8x128xf32, #tpu.memory_space<hbm>>
    tpu.enqueue_dma source(%dma_start3A_967 : memref<8x128xf32, #tpu.memory_space<hbm>>) target(%dma_start3A_966 : memref<8x128xf32, #tpu.memory_space<vmem>>) target_semaphore(%arg8 : memref<!tpu.dma_semaphore, #tpu.memory_space<semaphore_mem>>)
    %get3A_968 = arith.constant 16 : index
    %get3A_969 = tpu.vector_load %arg5[%get3A_968] {strides = array<i32>} : memref<32xi32, #tpu.memory_space<vmem>>, vector<16xi32>,
    %slice3A_970 = vector.extract_strided_slice %get3A_969 {offsets = [4], sizes = [1], strides = [1]} : vector<16xi32> to vector<1xi32>
    %squeeze3A_971 = vector.extract %slice3A_970[0] : i32 from vector<1xi32>
    %jit3A_972 = arith.constant 0 : i32
    %jit3A_973 = arith.constant 99999 : i32
    %max3A_974 = arith.maxsi %jit3A_972, %squeeze3A_971 : i32
    %min3A_975 = arith.minsi %jit3A_973, %max3A_974 : i32
    %jit3A_976 = arith.constant 128 : i32
    %div3A_977 = arith.divsi %min3A_975, %jit3A_976 : i32
    %sign3A_978 = arith.constant 0 : i32
    %sign3A_979 = arith.cmpi sgt, %min3A_975, %sign3A_978 : i32
    %sign3A_980 = arith.extui %sign3A_979 : i1 to i32
    %sign3A_981 = arith.constant 0 : i32
    %sign3A_982 = arith.cmpi slt, %min3A_975, %sign3A_981 : i32
    %sign3A_983 = arith.extui %sign3A_982 : i1 to i32
    %sign3A_984 = arith.subi %sign3A_980, %sign3A_983 : i32
    %sign3A_985 = arith.constant 0 : i32
    %sign3A_986 = arith.cmpi sgt, %jit3A_976, %sign3A_985 : i32
    %sign3A_987 = arith.extui %sign3A_986 : i1 to i32
    %sign3A_988 = arith.constant 0 : i32
    %sign3A_989 = arith.cmpi slt, %jit3A_976, %sign3A_988 : i32
    %sign3A_990 = arith.extui %sign3A_989 : i1 to i32
    %sign3A_991 = arith.subi %sign3A_987, %sign3A_990 : i32
    %ne3A_992 = arith.cmpi ne, %sign3A_984, %sign3A_991 : i32
    %rem3A_993 = arith.remsi %min3A_975, %jit3A_976 : i32
    %ne3A_994 = arith.constant 0 : i32
    %ne3A_995 = arith.cmpi ne, %rem3A_993, %ne3A_994 : i32
    %and3A_996 = arith.andi %ne3A_992, %ne3A_995 : i1
    %sub3A_997 = arith.constant 1 : i32
    %sub3A_998 = arith.subi %div3A_977, %sub3A_997 : i32
    %select_n3A_999 = arith.select %and3A_996, %sub3A_998, %div3A_977 : i32
    %mul3A_1000 = arith.constant 128 : i32
    %mul3A_1001 = arith.muli %select_n3A_999, %mul3A_1000 : i32
    %multiple_of3A_1002 = tpu.assume_multiple %mul3A_1001, 128 : i32
    %add3A_1003 = arith.constant 16 : i32
    %add3A_1004 = arith.addi %mul3A_2, %add3A_1003 : i32
    %multiple_of3A_1005 = tpu.assume_multiple %add3A_1004, 8 : i32
    %dma_start3A_1006 = arith.constant 20 : i32
    %dma_start3A_1007 = arith.constant 0 : i32
    %dma_start3A_1008 = arith.constant 0 : i32
    %dma_start3A_1009 = tpu.memref_slice %arg6[%dma_start3A_1006, %dma_start3A_1007, %dma_start3A_1008] : memref<32x8x128xf32, #tpu.memory_space<vmem>> -> memref<1x8x128xf32, #tpu.memory_space<vmem>>
    %dma_start3A_1010 = tpu.memref_squeeze %dma_start3A_1009 : memref<1x8x128xf32, #tpu.memory_space<vmem>> -> memref<8x128xf32, #tpu.memory_space<vmem>>
    %dma_start3A_1011 = tpu.memref_slice %arg2[%multiple_of3A_1005, %multiple_of3A_1002] : memref<1024x100000xf32, #tpu.memory_space<hbm>> -> memref<8x128xf32, #tpu.memory_space<hbm>>
    %dma_start3A_1012 = arith.constant 0 : i32
    %dma_start3A_1013 = arith.constant 0 : i32
    %dma_start3A_1014 = tpu.memref_slice %arg6[%dma_start3A_1006, %dma_start3A_1012, %dma_start3A_1013] : memref<32x8x128xf32, #tpu.memory_space<vmem>> -> memref<1x8x128xf32, #tpu.memory_space<vmem>>
    %dma_start3A_1015 = tpu.memref_squeeze %dma_start3A_1014 : memref<1x8x128xf32, #tpu.memory_space<vmem>> -> memref<8x128xf32, #tpu.memory_space<vmem>>
    %dma_start3A_1016 = tpu.memref_slice %arg2[%multiple_of3A_1005, %multiple_of3A_1002] : memref<1024x100000xf32, #tpu.memory_space<hbm>> -> memref<8x128xf32, #tpu.memory_space<hbm>>
    tpu.enqueue_dma source(%dma_start3A_1016 : memref<8x128xf32, #tpu.memory_space<hbm>>) target(%dma_start3A_1015 : memref<8x128xf32, #tpu.memory_space<vmem>>) target_semaphore(%arg8 : memref<!tpu.dma_semaphore, #tpu.memory_space<semaphore_mem>>)
    %get3A_1017 = arith.constant 16 : index
    %get3A_1018 = tpu.vector_load %arg5[%get3A_1017] {strides = array<i32>} : memref<32xi32, #tpu.memory_space<vmem>>, vector<16xi32>,
    %slice3A_1019 = vector.extract_strided_slice %get3A_1018 {offsets = [5], sizes = [1], strides = [1]} : vector<16xi32> to vector<1xi32>
    %squeeze3A_1020 = vector.extract %slice3A_1019[0] : i32 from vector<1xi32>
    %jit3A_1021 = arith.constant 0 : i32
    %jit3A_1022 = arith.constant 99999 : i32
    %max3A_1023 = arith.maxsi %jit3A_1021, %squeeze3A_1020 : i32
    %min3A_1024 = arith.minsi %jit3A_1022, %max3A_1023 : i32
    %jit3A_1025 = arith.constant 128 : i32
    %div3A_1026 = arith.divsi %min3A_1024, %jit3A_1025 : i32
    %sign3A_1027 = arith.constant 0 : i32
    %sign3A_1028 = arith.cmpi sgt, %min3A_1024, %sign3A_1027 : i32
    %sign3A_1029 = arith.extui %sign3A_1028 : i1 to i32
    %sign3A_1030 = arith.constant 0 : i32
    %sign3A_1031 = arith.cmpi slt, %min3A_1024, %sign3A_1030 : i32
    %sign3A_1032 = arith.extui %sign3A_1031 : i1 to i32
    %sign3A_1033 = arith.subi %sign3A_1029, %sign3A_1032 : i32
    %sign3A_1034 = arith.constant 0 : i32
    %sign3A_1035 = arith.cmpi sgt, %jit3A_1025, %sign3A_1034 : i32
    %sign3A_1036 = arith.extui %sign3A_1035 : i1 to i32
    %sign3A_1037 = arith.constant 0 : i32
    %sign3A_1038 = arith.cmpi slt, %jit3A_1025, %sign3A_1037 : i32
    %sign3A_1039 = arith.extui %sign3A_1038 : i1 to i32
    %sign3A_1040 = arith.subi %sign3A_1036, %sign3A_1039 : i32
    %ne3A_1041 = arith.cmpi ne, %sign3A_1033, %sign3A_1040 : i32
    %rem3A_1042 = arith.remsi %min3A_1024, %jit3A_1025 : i32
    %ne3A_1043 = arith.constant 0 : i32
    %ne3A_1044 = arith.cmpi ne, %rem3A_1042, %ne3A_1043 : i32
    %and3A_1045 = arith.andi %ne3A_1041, %ne3A_1044 : i1
    %sub3A_1046 = arith.constant 1 : i32
    %sub3A_1047 = arith.subi %div3A_1026, %sub3A_1046 : i32
    %select_n3A_1048 = arith.select %and3A_1045, %sub3A_1047, %div3A_1026 : i32
    %mul3A_1049 = arith.constant 128 : i32
    %mul3A_1050 = arith.muli %select_n3A_1048, %mul3A_1049 : i32
    %multiple_of3A_1051 = tpu.assume_multiple %mul3A_1050, 128 : i32
    %add3A_1052 = arith.constant 16 : i32
    %add3A_1053 = arith.addi %mul3A_2, %add3A_1052 : i32
    %multiple_of3A_1054 = tpu.assume_multiple %add3A_1053, 8 : i32
    %dma_start3A_1055 = arith.constant 21 : i32
    %dma_start3A_1056 = arith.constant 0 : i32
    %dma_start3A_1057 = arith.constant 0 : i32
    %dma_start3A_1058 = tpu.memref_slice %arg6[%dma_start3A_1055, %dma_start3A_1056, %dma_start3A_1057] : memref<32x8x128xf32, #tpu.memory_space<vmem>> -> memref<1x8x128xf32, #tpu.memory_space<vmem>>
    %dma_start3A_1059 = tpu.memref_squeeze %dma_start3A_1058 : memref<1x8x128xf32, #tpu.memory_space<vmem>> -> memref<8x128xf32, #tpu.memory_space<vmem>>
    %dma_start3A_1060 = tpu.memref_slice %arg2[%multiple_of3A_1054, %multiple_of3A_1051] : memref<1024x100000xf32, #tpu.memory_space<hbm>> -> memref<8x128xf32, #tpu.memory_space<hbm>>
    %dma_start3A_1061 = arith.constant 0 : i32
    %dma_start3A_1062 = arith.constant 0 : i32
    %dma_start3A_1063 = tpu.memref_slice %arg6[%dma_start3A_1055, %dma_start3A_1061, %dma_start3A_1062] : memref<32x8x128xf32, #tpu.memory_space<vmem>> -> memref<1x8x128xf32, #tpu.memory_space<vmem>>
    %dma_start3A_1064 = tpu.memref_squeeze %dma_start3A_1063 : memref<1x8x128xf32, #tpu.memory_space<vmem>> -> memref<8x128xf32, #tpu.memory_space<vmem>>
    %dma_start3A_1065 = tpu.memref_slice %arg2[%multiple_of3A_1054, %multiple_of3A_1051] : memref<1024x100000xf32, #tpu.memory_space<hbm>> -> memref<8x128xf32, #tpu.memory_space<hbm>>
    tpu.enqueue_dma source(%dma_start3A_1065 : memref<8x128xf32, #tpu.memory_space<hbm>>) target(%dma_start3A_1064 : memref<8x128xf32, #tpu.memory_space<vmem>>) target_semaphore(%arg8 : memref<!tpu.dma_semaphore, #tpu.memory_space<semaphore_mem>>)
    %get3A_1066 = arith.constant 16 : index
    %get3A_1067 = tpu.vector_load %arg5[%get3A_1066] {strides = array<i32>} : memref<32xi32, #tpu.memory_space<vmem>>, vector<16xi32>,
    %slice3A_1068 = vector.extract_strided_slice %get3A_1067 {offsets = [6], sizes = [1], strides = [1]} : vector<16xi32> to vector<1xi32>
    %squeeze3A_1069 = vector.extract %slice3A_1068[0] : i32 from vector<1xi32>
    %jit3A_1070 = arith.constant 0 : i32
    %jit3A_1071 = arith.constant 99999 : i32
    %max3A_1072 = arith.maxsi %jit3A_1070, %squeeze3A_1069 : i32
    %min3A_1073 = arith.minsi %jit3A_1071, %max3A_1072 : i32
    %jit3A_1074 = arith.constant 128 : i32
    %div3A_1075 = arith.divsi %min3A_1073, %jit3A_1074 : i32
    %sign3A_1076 = arith.constant 0 : i32
    %sign3A_1077 = arith.cmpi sgt, %min3A_1073, %sign3A_1076 : i32
    %sign3A_1078 = arith.extui %sign3A_1077 : i1 to i32
    %sign3A_1079 = arith.constant 0 : i32
    %sign3A_1080 = arith.cmpi slt, %min3A_1073, %sign3A_1079 : i32
    %sign3A_1081 = arith.extui %sign3A_1080 : i1 to i32
    %sign3A_1082 = arith.subi %sign3A_1078, %sign3A_1081 : i32
    %sign3A_1083 = arith.constant 0 : i32
    %sign3A_1084 = arith.cmpi sgt, %jit3A_1074, %sign3A_1083 : i32
    %sign3A_1085 = arith.extui %sign3A_1084 : i1 to i32
    %sign3A_1086 = arith.constant 0 : i32
    %sign3A_1087 = arith.cmpi slt, %jit3A_1074, %sign3A_1086 : i32
    %sign3A_1088 = arith.extui %sign3A_1087 : i1 to i32
    %sign3A_1089 = arith.subi %sign3A_1085, %sign3A_1088 : i32
    %ne3A_1090 = arith.cmpi ne, %sign3A_1082, %sign3A_1089 : i32
    %rem3A_1091 = arith.remsi %min3A_1073, %jit3A_1074 : i32
    %ne3A_1092 = arith.constant 0 : i32
    %ne3A_1093 = arith.cmpi ne, %rem3A_1091, %ne3A_1092 : i32
    %and3A_1094 = arith.andi %ne3A_1090, %ne3A_1093 : i1
    %sub3A_1095 = arith.constant 1 : i32
    %sub3A_1096 = arith.subi %div3A_1075, %sub3A_1095 : i32
    %select_n3A_1097 = arith.select %and3A_1094, %sub3A_1096, %div3A_1075 : i32
    %mul3A_1098 = arith.constant 128 : i32
    %mul3A_1099 = arith.muli %select_n3A_1097, %mul3A_1098 : i32
    %multiple_of3A_1100 = tpu.assume_multiple %mul3A_1099, 128 : i32
    %add3A_1101 = arith.constant 16 : i32
    %add3A_1102 = arith.addi %mul3A_2, %add3A_1101 : i32
    %multiple_of3A_1103 = tpu.assume_multiple %add3A_1102, 8 : i32
    %dma_start3A_1104 = arith.constant 22 : i32
    %dma_start3A_1105 = arith.constant 0 : i32
    %dma_start3A_1106 = arith.constant 0 : i32
    %dma_start3A_1107 = tpu.memref_slice %arg6[%dma_start3A_1104, %dma_start3A_1105, %dma_start3A_1106] : memref<32x8x128xf32, #tpu.memory_space<vmem>> -> memref<1x8x128xf32, #tpu.memory_space<vmem>>
    %dma_start3A_1108 = tpu.memref_squeeze %dma_start3A_1107 : memref<1x8x128xf32, #tpu.memory_space<vmem>> -> memref<8x128xf32, #tpu.memory_space<vmem>>
    %dma_start3A_1109 = tpu.memref_slice %arg2[%multiple_of3A_1103, %multiple_of3A_1100] : memref<1024x100000xf32, #tpu.memory_space<hbm>> -> memref<8x128xf32, #tpu.memory_space<hbm>>
    %dma_start3A_1110 = arith.constant 0 : i32
    %dma_start3A_1111 = arith.constant 0 : i32
    %dma_start3A_1112 = tpu.memref_slice %arg6[%dma_start3A_1104, %dma_start3A_1110, %dma_start3A_1111] : memref<32x8x128xf32, #tpu.memory_space<vmem>> -> memref<1x8x128xf32, #tpu.memory_space<vmem>>
    %dma_start3A_1113 = tpu.memref_squeeze %dma_start3A_1112 : memref<1x8x128xf32, #tpu.memory_space<vmem>> -> memref<8x128xf32, #tpu.memory_space<vmem>>
    %dma_start3A_1114 = tpu.memref_slice %arg2[%multiple_of3A_1103, %multiple_of3A_1100] : memref<1024x100000xf32, #tpu.memory_space<hbm>> -> memref<8x128xf32, #tpu.memory_space<hbm>>
    tpu.enqueue_dma source(%dma_start3A_1114 : memref<8x128xf32, #tpu.memory_space<hbm>>) target(%dma_start3A_1113 : memref<8x128xf32, #tpu.memory_space<vmem>>) target_semaphore(%arg8 : memref<!tpu.dma_semaphore, #tpu.memory_space<semaphore_mem>>)
    %get3A_1115 = arith.constant 16 : index
    %get3A_1116 = tpu.vector_load %arg5[%get3A_1115] {strides = array<i32>} : memref<32xi32, #tpu.memory_space<vmem>>, vector<16xi32>,
    %slice3A_1117 = vector.extract_strided_slice %get3A_1116 {offsets = [7], sizes = [1], strides = [1]} : vector<16xi32> to vector<1xi32>
    %squeeze3A_1118 = vector.extract %slice3A_1117[0] : i32 from vector<1xi32>
    %jit3A_1119 = arith.constant 0 : i32
    %jit3A_1120 = arith.constant 99999 : i32
    %max3A_1121 = arith.maxsi %jit3A_1119, %squeeze3A_1118 : i32
    %min3A_1122 = arith.minsi %jit3A_1120, %max3A_1121 : i32
    %jit3A_1123 = arith.constant 128 : i32
    %div3A_1124 = arith.divsi %min3A_1122, %jit3A_1123 : i32
    %sign3A_1125 = arith.constant 0 : i32
    %sign3A_1126 = arith.cmpi sgt, %min3A_1122, %sign3A_1125 : i32
    %sign3A_1127 = arith.extui %sign3A_1126 : i1 to i32
    %sign3A_1128 = arith.constant 0 : i32
    %sign3A_1129 = arith.cmpi slt, %min3A_1122, %sign3A_1128 : i32
    %sign3A_1130 = arith.extui %sign3A_1129 : i1 to i32
    %sign3A_1131 = arith.subi %sign3A_1127, %sign3A_1130 : i32
    %sign3A_1132 = arith.constant 0 : i32
    %sign3A_1133 = arith.cmpi sgt, %jit3A_1123, %sign3A_1132 : i32
    %sign3A_1134 = arith.extui %sign3A_1133 : i1 to i32
    %sign3A_1135 = arith.constant 0 : i32
    %sign3A_1136 = arith.cmpi slt, %jit3A_1123, %sign3A_1135 : i32
    %sign3A_1137 = arith.extui %sign3A_1136 : i1 to i32
    %sign3A_1138 = arith.subi %sign3A_1134, %sign3A_1137 : i32
    %ne3A_1139 = arith.cmpi ne, %sign3A_1131, %sign3A_1138 : i32
    %rem3A_1140 = arith.remsi %min3A_1122, %jit3A_1123 : i32
    %ne3A_1141 = arith.constant 0 : i32
    %ne3A_1142 = arith.cmpi ne, %rem3A_1140, %ne3A_1141 : i32
    %and3A_1143 = arith.andi %ne3A_1139, %ne3A_1142 : i1
    %sub3A_1144 = arith.constant 1 : i32
    %sub3A_1145 = arith.subi %div3A_1124, %sub3A_1144 : i32
    %select_n3A_1146 = arith.select %and3A_1143, %sub3A_1145, %div3A_1124 : i32
    %mul3A_1147 = arith.constant 128 : i32
    %mul3A_1148 = arith.muli %select_n3A_1146, %mul3A_1147 : i32
    %multiple_of3A_1149 = tpu.assume_multiple %mul3A_1148, 128 : i32
    %add3A_1150 = arith.constant 16 : i32
    %add3A_1151 = arith.addi %mul3A_2, %add3A_1150 : i32
    %multiple_of3A_1152 = tpu.assume_multiple %add3A_1151, 8 : i32
    %dma_start3A_1153 = arith.constant 23 : i32
    %dma_start3A_1154 = arith.constant 0 : i32
    %dma_start3A_1155 = arith.constant 0 : i32
    %dma_start3A_1156 = tpu.memref_slice %arg6[%dma_start3A_1153, %dma_start3A_1154, %dma_start3A_1155] : memref<32x8x128xf32, #tpu.memory_space<vmem>> -> memref<1x8x128xf32, #tpu.memory_space<vmem>>
    %dma_start3A_1157 = tpu.memref_squeeze %dma_start3A_1156 : memref<1x8x128xf32, #tpu.memory_space<vmem>> -> memref<8x128xf32, #tpu.memory_space<vmem>>
    %dma_start3A_1158 = tpu.memref_slice %arg2[%multiple_of3A_1152, %multiple_of3A_1149] : memref<1024x100000xf32, #tpu.memory_space<hbm>> -> memref<8x128xf32, #tpu.memory_space<hbm>>
    %dma_start3A_1159 = arith.constant 0 : i32
    %dma_start3A_1160 = arith.constant 0 : i32
    %dma_start3A_1161 = tpu.memref_slice %arg6[%dma_start3A_1153, %dma_start3A_1159, %dma_start3A_1160] : memref<32x8x128xf32, #tpu.memory_space<vmem>> -> memref<1x8x128xf32, #tpu.memory_space<vmem>>
    %dma_start3A_1162 = tpu.memref_squeeze %dma_start3A_1161 : memref<1x8x128xf32, #tpu.memory_space<vmem>> -> memref<8x128xf32, #tpu.memory_space<vmem>>
    %dma_start3A_1163 = tpu.memref_slice %arg2[%multiple_of3A_1152, %multiple_of3A_1149] : memref<1024x100000xf32, #tpu.memory_space<hbm>> -> memref<8x128xf32, #tpu.memory_space<hbm>>
    tpu.enqueue_dma source(%dma_start3A_1163 : memref<8x128xf32, #tpu.memory_space<hbm>>) target(%dma_start3A_1162 : memref<8x128xf32, #tpu.memory_space<vmem>>) target_semaphore(%arg8 : memref<!tpu.dma_semaphore, #tpu.memory_space<semaphore_mem>>)
    %get3A_1164 = arith.constant 16 : index
    %get3A_1165 = tpu.vector_load %arg5[%get3A_1164] {strides = array<i32>} : memref<32xi32, #tpu.memory_space<vmem>>, vector<16xi32>,
    %slice3A_1166 = vector.extract_strided_slice %get3A_1165 {offsets = [8], sizes = [1], strides = [1]} : vector<16xi32> to vector<1xi32>
    %squeeze3A_1167 = vector.extract %slice3A_1166[0] : i32 from vector<1xi32>
    %jit3A_1168 = arith.constant 0 : i32
    %jit3A_1169 = arith.constant 99999 : i32
    %max3A_1170 = arith.maxsi %jit3A_1168, %squeeze3A_1167 : i32
    %min3A_1171 = arith.minsi %jit3A_1169, %max3A_1170 : i32
    %jit3A_1172 = arith.constant 128 : i32
    %div3A_1173 = arith.divsi %min3A_1171, %jit3A_1172 : i32
    %sign3A_1174 = arith.constant 0 : i32
    %sign3A_1175 = arith.cmpi sgt, %min3A_1171, %sign3A_1174 : i32
    %sign3A_1176 = arith.extui %sign3A_1175 : i1 to i32
    %sign3A_1177 = arith.constant 0 : i32
    %sign3A_1178 = arith.cmpi slt, %min3A_1171, %sign3A_1177 : i32
    %sign3A_1179 = arith.extui %sign3A_1178 : i1 to i32
    %sign3A_1180 = arith.subi %sign3A_1176, %sign3A_1179 : i32
    %sign3A_1181 = arith.constant 0 : i32
    %sign3A_1182 = arith.cmpi sgt, %jit3A_1172, %sign3A_1181 : i32
    %sign3A_1183 = arith.extui %sign3A_1182 : i1 to i32
    %sign3A_1184 = arith.constant 0 : i32
    %sign3A_1185 = arith.cmpi slt, %jit3A_1172, %sign3A_1184 : i32
    %sign3A_1186 = arith.extui %sign3A_1185 : i1 to i32
    %sign3A_1187 = arith.subi %sign3A_1183, %sign3A_1186 : i32
    %ne3A_1188 = arith.cmpi ne, %sign3A_1180, %sign3A_1187 : i32
    %rem3A_1189 = arith.remsi %min3A_1171, %jit3A_1172 : i32
    %ne3A_1190 = arith.constant 0 : i32
    %ne3A_1191 = arith.cmpi ne, %rem3A_1189, %ne3A_1190 : i32
    %and3A_1192 = arith.andi %ne3A_1188, %ne3A_1191 : i1
    %sub3A_1193 = arith.constant 1 : i32
    %sub3A_1194 = arith.subi %div3A_1173, %sub3A_1193 : i32
    %select_n3A_1195 = arith.select %and3A_1192, %sub3A_1194, %div3A_1173 : i32
    %mul3A_1196 = arith.constant 128 : i32
    %mul3A_1197 = arith.muli %select_n3A_1195, %mul3A_1196 : i32
    %multiple_of3A_1198 = tpu.assume_multiple %mul3A_1197, 128 : i32
    %add3A_1199 = arith.constant 24 : i32
    %add3A_1200 = arith.addi %mul3A_2, %add3A_1199 : i32
    %multiple_of3A_1201 = tpu.assume_multiple %add3A_1200, 8 : i32
    %dma_start3A_1202 = arith.constant 24 : i32
    %dma_start3A_1203 = arith.constant 0 : i32
    %dma_start3A_1204 = arith.constant 0 : i32
    %dma_start3A_1205 = tpu.memref_slice %arg6[%dma_start3A_1202, %dma_start3A_1203, %dma_start3A_1204] : memref<32x8x128xf32, #tpu.memory_space<vmem>> -> memref<1x8x128xf32, #tpu.memory_space<vmem>>
    %dma_start3A_1206 = tpu.memref_squeeze %dma_start3A_1205 : memref<1x8x128xf32, #tpu.memory_space<vmem>> -> memref<8x128xf32, #tpu.memory_space<vmem>>
    %dma_start3A_1207 = tpu.memref_slice %arg2[%multiple_of3A_1201, %multiple_of3A_1198] : memref<1024x100000xf32, #tpu.memory_space<hbm>> -> memref<8x128xf32, #tpu.memory_space<hbm>>
    %dma_start3A_1208 = arith.constant 0 : i32
    %dma_start3A_1209 = arith.constant 0 : i32
    %dma_start3A_1210 = tpu.memref_slice %arg6[%dma_start3A_1202, %dma_start3A_1208, %dma_start3A_1209] : memref<32x8x128xf32, #tpu.memory_space<vmem>> -> memref<1x8x128xf32, #tpu.memory_space<vmem>>
    %dma_start3A_1211 = tpu.memref_squeeze %dma_start3A_1210 : memref<1x8x128xf32, #tpu.memory_space<vmem>> -> memref<8x128xf32, #tpu.memory_space<vmem>>
    %dma_start3A_1212 = tpu.memref_slice %arg2[%multiple_of3A_1201, %multiple_of3A_1198] : memref<1024x100000xf32, #tpu.memory_space<hbm>> -> memref<8x128xf32, #tpu.memory_space<hbm>>
    tpu.enqueue_dma source(%dma_start3A_1212 : memref<8x128xf32, #tpu.memory_space<hbm>>) target(%dma_start3A_1211 : memref<8x128xf32, #tpu.memory_space<vmem>>) target_semaphore(%arg8 : memref<!tpu.dma_semaphore, #tpu.memory_space<semaphore_mem>>)
    %get3A_1213 = arith.constant 16 : index
    %get3A_1214 = tpu.vector_load %arg5[%get3A_1213] {strides = array<i32>} : memref<32xi32, #tpu.memory_space<vmem>>, vector<16xi32>,
    %slice3A_1215 = vector.extract_strided_slice %get3A_1214 {offsets = [9], sizes = [1], strides = [1]} : vector<16xi32> to vector<1xi32>
    %squeeze3A_1216 = vector.extract %slice3A_1215[0] : i32 from vector<1xi32>
    %jit3A_1217 = arith.constant 0 : i32
    %jit3A_1218 = arith.constant 99999 : i32
    %max3A_1219 = arith.maxsi %jit3A_1217, %squeeze3A_1216 : i32
    %min3A_1220 = arith.minsi %jit3A_1218, %max3A_1219 : i32
    %jit3A_1221 = arith.constant 128 : i32
    %div3A_1222 = arith.divsi %min3A_1220, %jit3A_1221 : i32
    %sign3A_1223 = arith.constant 0 : i32
    %sign3A_1224 = arith.cmpi sgt, %min3A_1220, %sign3A_1223 : i32
    %sign3A_1225 = arith.extui %sign3A_1224 : i1 to i32
    %sign3A_1226 = arith.constant 0 : i32
    %sign3A_1227 = arith.cmpi slt, %min3A_1220, %sign3A_1226 : i32
    %sign3A_1228 = arith.extui %sign3A_1227 : i1 to i32
    %sign3A_1229 = arith.subi %sign3A_1225, %sign3A_1228 : i32
    %sign3A_1230 = arith.constant 0 : i32
    %sign3A_1231 = arith.cmpi sgt, %jit3A_1221, %sign3A_1230 : i32
    %sign3A_1232 = arith.extui %sign3A_1231 : i1 to i32
    %sign3A_1233 = arith.constant 0 : i32
    %sign3A_1234 = arith.cmpi slt, %jit3A_1221, %sign3A_1233 : i32
    %sign3A_1235 = arith.extui %sign3A_1234 : i1 to i32
    %sign3A_1236 = arith.subi %sign3A_1232, %sign3A_1235 : i32
    %ne3A_1237 = arith.cmpi ne, %sign3A_1229, %sign3A_1236 : i32
    %rem3A_1238 = arith.remsi %min3A_1220, %jit3A_1221 : i32
    %ne3A_1239 = arith.constant 0 : i32
    %ne3A_1240 = arith.cmpi ne, %rem3A_1238, %ne3A_1239 : i32
    %and3A_1241 = arith.andi %ne3A_1237, %ne3A_1240 : i1
    %sub3A_1242 = arith.constant 1 : i32
    %sub3A_1243 = arith.subi %div3A_1222, %sub3A_1242 : i32
    %select_n3A_1244 = arith.select %and3A_1241, %sub3A_1243, %div3A_1222 : i32
    %mul3A_1245 = arith.constant 128 : i32
    %mul3A_1246 = arith.muli %select_n3A_1244, %mul3A_1245 : i32
    %multiple_of3A_1247 = tpu.assume_multiple %mul3A_1246, 128 : i32
    %add3A_1248 = arith.constant 24 : i32
    %add3A_1249 = arith.addi %mul3A_2, %add3A_1248 : i32
    %multiple_of3A_1250 = tpu.assume_multiple %add3A_1249, 8 : i32
    %dma_start3A_1251 = arith.constant 25 : i32
    %dma_start3A_1252 = arith.constant 0 : i32
    %dma_start3A_1253 = arith.constant 0 : i32
    %dma_start3A_1254 = tpu.memref_slice %arg6[%dma_start3A_1251, %dma_start3A_1252, %dma_start3A_1253] : memref<32x8x128xf32, #tpu.memory_space<vmem>> -> memref<1x8x128xf32, #tpu.memory_space<vmem>>
    %dma_start3A_1255 = tpu.memref_squeeze %dma_start3A_1254 : memref<1x8x128xf32, #tpu.memory_space<vmem>> -> memref<8x128xf32, #tpu.memory_space<vmem>>
    %dma_start3A_1256 = tpu.memref_slice %arg2[%multiple_of3A_1250, %multiple_of3A_1247] : memref<1024x100000xf32, #tpu.memory_space<hbm>> -> memref<8x128xf32, #tpu.memory_space<hbm>>
    %dma_start3A_1257 = arith.constant 0 : i32
    %dma_start3A_1258 = arith.constant 0 : i32
    %dma_start3A_1259 = tpu.memref_slice %arg6[%dma_start3A_1251, %dma_start3A_1257, %dma_start3A_1258] : memref<32x8x128xf32, #tpu.memory_space<vmem>> -> memref<1x8x128xf32, #tpu.memory_space<vmem>>
    %dma_start3A_1260 = tpu.memref_squeeze %dma_start3A_1259 : memref<1x8x128xf32, #tpu.memory_space<vmem>> -> memref<8x128xf32, #tpu.memory_space<vmem>>
    %dma_start3A_1261 = tpu.memref_slice %arg2[%multiple_of3A_1250, %multiple_of3A_1247] : memref<1024x100000xf32, #tpu.memory_space<hbm>> -> memref<8x128xf32, #tpu.memory_space<hbm>>
    tpu.enqueue_dma source(%dma_start3A_1261 : memref<8x128xf32, #tpu.memory_space<hbm>>) target(%dma_start3A_1260 : memref<8x128xf32, #tpu.memory_space<vmem>>) target_semaphore(%arg8 : memref<!tpu.dma_semaphore, #tpu.memory_space<semaphore_mem>>)
    %get3A_1262 = arith.constant 16 : index
    %get3A_1263 = tpu.vector_load %arg5[%get3A_1262] {strides = array<i32>} : memref<32xi32, #tpu.memory_space<vmem>>, vector<16xi32>,
    %slice3A_1264 = vector.extract_strided_slice %get3A_1263 {offsets = [10], sizes = [1], strides = [1]} : vector<16xi32> to vector<1xi32>
    %squeeze3A_1265 = vector.extract %slice3A_1264[0] : i32 from vector<1xi32>
    %jit3A_1266 = arith.constant 0 : i32
    %jit3A_1267 = arith.constant 99999 : i32
    %max3A_1268 = arith.maxsi %jit3A_1266, %squeeze3A_1265 : i32
    %min3A_1269 = arith.minsi %jit3A_1267, %max3A_1268 : i32
    %jit3A_1270 = arith.constant 128 : i32
    %div3A_1271 = arith.divsi %min3A_1269, %jit3A_1270 : i32
    %sign3A_1272 = arith.constant 0 : i32
    %sign3A_1273 = arith.cmpi sgt, %min3A_1269, %sign3A_1272 : i32
    %sign3A_1274 = arith.extui %sign3A_1273 : i1 to i32
    %sign3A_1275 = arith.constant 0 : i32
    %sign3A_1276 = arith.cmpi slt, %min3A_1269, %sign3A_1275 : i32
    %sign3A_1277 = arith.extui %sign3A_1276 : i1 to i32
    %sign3A_1278 = arith.subi %sign3A_1274, %sign3A_1277 : i32
    %sign3A_1279 = arith.constant 0 : i32
    %sign3A_1280 = arith.cmpi sgt, %jit3A_1270, %sign3A_1279 : i32
    %sign3A_1281 = arith.extui %sign3A_1280 : i1 to i32
    %sign3A_1282 = arith.constant 0 : i32
    %sign3A_1283 = arith.cmpi slt, %jit3A_1270, %sign3A_1282 : i32
    %sign3A_1284 = arith.extui %sign3A_1283 : i1 to i32
    %sign3A_1285 = arith.subi %sign3A_1281, %sign3A_1284 : i32
    %ne3A_1286 = arith.cmpi ne, %sign3A_1278, %sign3A_1285 : i32
    %rem3A_1287 = arith.remsi %min3A_1269, %jit3A_1270 : i32
    %ne3A_1288 = arith.constant 0 : i32
    %ne3A_1289 = arith.cmpi ne, %rem3A_1287, %ne3A_1288 : i32
    %and3A_1290 = arith.andi %ne3A_1286, %ne3A_1289 : i1
    %sub3A_1291 = arith.constant 1 : i32
    %sub3A_1292 = arith.subi %div3A_1271, %sub3A_1291 : i32
    %select_n3A_1293 = arith.select %and3A_1290, %sub3A_1292, %div3A_1271 : i32
    %mul3A_1294 = arith.constant 128 : i32
    %mul3A_1295 = arith.muli %select_n3A_1293, %mul3A_1294 : i32
    %multiple_of3A_1296 = tpu.assume_multiple %mul3A_1295, 128 : i32
    %add3A_1297 = arith.constant 24 : i32
    %add3A_1298 = arith.addi %mul3A_2, %add3A_1297 : i32
    %multiple_of3A_1299 = tpu.assume_multiple %add3A_1298, 8 : i32
    %dma_start3A_1300 = arith.constant 26 : i32
    %dma_start3A_1301 = arith.constant 0 : i32
    %dma_start3A_1302 = arith.constant 0 : i32
    %dma_start3A_1303 = tpu.memref_slice %arg6[%dma_start3A_1300, %dma_start3A_1301, %dma_start3A_1302] : memref<32x8x128xf32, #tpu.memory_space<vmem>> -> memref<1x8x128xf32, #tpu.memory_space<vmem>>
    %dma_start3A_1304 = tpu.memref_squeeze %dma_start3A_1303 : memref<1x8x128xf32, #tpu.memory_space<vmem>> -> memref<8x128xf32, #tpu.memory_space<vmem>>
    %dma_start3A_1305 = tpu.memref_slice %arg2[%multiple_of3A_1299, %multiple_of3A_1296] : memref<1024x100000xf32, #tpu.memory_space<hbm>> -> memref<8x128xf32, #tpu.memory_space<hbm>>
    %dma_start3A_1306 = arith.constant 0 : i32
    %dma_start3A_1307 = arith.constant 0 : i32
    %dma_start3A_1308 = tpu.memref_slice %arg6[%dma_start3A_1300, %dma_start3A_1306, %dma_start3A_1307] : memref<32x8x128xf32, #tpu.memory_space<vmem>> -> memref<1x8x128xf32, #tpu.memory_space<vmem>>
    %dma_start3A_1309 = tpu.memref_squeeze %dma_start3A_1308 : memref<1x8x128xf32, #tpu.memory_space<vmem>> -> memref<8x128xf32, #tpu.memory_space<vmem>>
    %dma_start3A_1310 = tpu.memref_slice %arg2[%multiple_of3A_1299, %multiple_of3A_1296] : memref<1024x100000xf32, #tpu.memory_space<hbm>> -> memref<8x128xf32, #tpu.memory_space<hbm>>
    tpu.enqueue_dma source(%dma_start3A_1310 : memref<8x128xf32, #tpu.memory_space<hbm>>) target(%dma_start3A_1309 : memref<8x128xf32, #tpu.memory_space<vmem>>) target_semaphore(%arg8 : memref<!tpu.dma_semaphore, #tpu.memory_space<semaphore_mem>>)
    %get3A_1311 = arith.constant 16 : index
    %get3A_1312 = tpu.vector_load %arg5[%get3A_1311] {strides = array<i32>} : memref<32xi32, #tpu.memory_space<vmem>>, vector<16xi32>,
    %slice3A_1313 = vector.extract_strided_slice %get3A_1312 {offsets = [11], sizes = [1], strides = [1]} : vector<16xi32> to vector<1xi32>
    %squeeze3A_1314 = vector.extract %slice3A_1313[0] : i32 from vector<1xi32>
    %jit3A_1315 = arith.constant 0 : i32
    %jit3A_1316 = arith.constant 99999 : i32
    %max3A_1317 = arith.maxsi %jit3A_1315, %squeeze3A_1314 : i32
    %min3A_1318 = arith.minsi %jit3A_1316, %max3A_1317 : i32
    %jit3A_1319 = arith.constant 128 : i32
    %div3A_1320 = arith.divsi %min3A_1318, %jit3A_1319 : i32
    %sign3A_1321 = arith.constant 0 : i32
    %sign3A_1322 = arith.cmpi sgt, %min3A_1318, %sign3A_1321 : i32
    %sign3A_1323 = arith.extui %sign3A_1322 : i1 to i32
    %sign3A_1324 = arith.constant 0 : i32
    %sign3A_1325 = arith.cmpi slt, %min3A_1318, %sign3A_1324 : i32
    %sign3A_1326 = arith.extui %sign3A_1325 : i1 to i32
    %sign3A_1327 = arith.subi %sign3A_1323, %sign3A_1326 : i32
    %sign3A_1328 = arith.constant 0 : i32
    %sign3A_1329 = arith.cmpi sgt, %jit3A_1319, %sign3A_1328 : i32
    %sign3A_1330 = arith.extui %sign3A_1329 : i1 to i32
    %sign3A_1331 = arith.constant 0 : i32
    %sign3A_1332 = arith.cmpi slt, %jit3A_1319, %sign3A_1331 : i32
    %sign3A_1333 = arith.extui %sign3A_1332 : i1 to i32
    %sign3A_1334 = arith.subi %sign3A_1330, %sign3A_1333 : i32
    %ne3A_1335 = arith.cmpi ne, %sign3A_1327, %sign3A_1334 : i32
    %rem3A_1336 = arith.remsi %min3A_1318, %jit3A_1319 : i32
    %ne3A_1337 = arith.constant 0 : i32
    %ne3A_1338 = arith.cmpi ne, %rem3A_1336, %ne3A_1337 : i32
    %and3A_1339 = arith.andi %ne3A_1335, %ne3A_1338 : i1
    %sub3A_1340 = arith.constant 1 : i32
    %sub3A_1341 = arith.subi %div3A_1320, %sub3A_1340 : i32
    %select_n3A_1342 = arith.select %and3A_1339, %sub3A_1341, %div3A_1320 : i32
    %mul3A_1343 = arith.constant 128 : i32
    %mul3A_1344 = arith.muli %select_n3A_1342, %mul3A_1343 : i32
    %multiple_of3A_1345 = tpu.assume_multiple %mul3A_1344, 128 : i32
    %add3A_1346 = arith.constant 24 : i32
    %add3A_1347 = arith.addi %mul3A_2, %add3A_1346 : i32
    %multiple_of3A_1348 = tpu.assume_multiple %add3A_1347, 8 : i32
    %dma_start3A_1349 = arith.constant 27 : i32
    %dma_start3A_1350 = arith.constant 0 : i32
    %dma_start3A_1351 = arith.constant 0 : i32
    %dma_start3A_1352 = tpu.memref_slice %arg6[%dma_start3A_1349, %dma_start3A_1350, %dma_start3A_1351] : memref<32x8x128xf32, #tpu.memory_space<vmem>> -> memref<1x8x128xf32, #tpu.memory_space<vmem>>
    %dma_start3A_1353 = tpu.memref_squeeze %dma_start3A_1352 : memref<1x8x128xf32, #tpu.memory_space<vmem>> -> memref<8x128xf32, #tpu.memory_space<vmem>>
    %dma_start3A_1354 = tpu.memref_slice %arg2[%multiple_of3A_1348, %multiple_of3A_1345] : memref<1024x100000xf32, #tpu.memory_space<hbm>> -> memref<8x128xf32, #tpu.memory_space<hbm>>
    %dma_start3A_1355 = arith.constant 0 : i32
    %dma_start3A_1356 = arith.constant 0 : i32
    %dma_start3A_1357 = tpu.memref_slice %arg6[%dma_start3A_1349, %dma_start3A_1355, %dma_start3A_1356] : memref<32x8x128xf32, #tpu.memory_space<vmem>> -> memref<1x8x128xf32, #tpu.memory_space<vmem>>
    %dma_start3A_1358 = tpu.memref_squeeze %dma_start3A_1357 : memref<1x8x128xf32, #tpu.memory_space<vmem>> -> memref<8x128xf32, #tpu.memory_space<vmem>>
    %dma_start3A_1359 = tpu.memref_slice %arg2[%multiple_of3A_1348, %multiple_of3A_1345] : memref<1024x100000xf32, #tpu.memory_space<hbm>> -> memref<8x128xf32, #tpu.memory_space<hbm>>
    tpu.enqueue_dma source(%dma_start3A_1359 : memref<8x128xf32, #tpu.memory_space<hbm>>) target(%dma_start3A_1358 : memref<8x128xf32, #tpu.memory_space<vmem>>) target_semaphore(%arg8 : memref<!tpu.dma_semaphore, #tpu.memory_space<semaphore_mem>>)
    %get3A_1360 = arith.constant 16 : index
    %get3A_1361 = tpu.vector_load %arg5[%get3A_1360] {strides = array<i32>} : memref<32xi32, #tpu.memory_space<vmem>>, vector<16xi32>,
    %slice3A_1362 = vector.extract_strided_slice %get3A_1361 {offsets = [12], sizes = [1], strides = [1]} : vector<16xi32> to vector<1xi32>
    %squeeze3A_1363 = vector.extract %slice3A_1362[0] : i32 from vector<1xi32>
    %jit3A_1364 = arith.constant 0 : i32
    %jit3A_1365 = arith.constant 99999 : i32
    %max3A_1366 = arith.maxsi %jit3A_1364, %squeeze3A_1363 : i32
    %min3A_1367 = arith.minsi %jit3A_1365, %max3A_1366 : i32
    %jit3A_1368 = arith.constant 128 : i32
    %div3A_1369 = arith.divsi %min3A_1367, %jit3A_1368 : i32
    %sign3A_1370 = arith.constant 0 : i32
    %sign3A_1371 = arith.cmpi sgt, %min3A_1367, %sign3A_1370 : i32
    %sign3A_1372 = arith.extui %sign3A_1371 : i1 to i32
    %sign3A_1373 = arith.constant 0 : i32
    %sign3A_1374 = arith.cmpi slt, %min3A_1367, %sign3A_1373 : i32
    %sign3A_1375 = arith.extui %sign3A_1374 : i1 to i32
    %sign3A_1376 = arith.subi %sign3A_1372, %sign3A_1375 : i32
    %sign3A_1377 = arith.constant 0 : i32
    %sign3A_1378 = arith.cmpi sgt, %jit3A_1368, %sign3A_1377 : i32
    %sign3A_1379 = arith.extui %sign3A_1378 : i1 to i32
    %sign3A_1380 = arith.constant 0 : i32
    %sign3A_1381 = arith.cmpi slt, %jit3A_1368, %sign3A_1380 : i32
    %sign3A_1382 = arith.extui %sign3A_1381 : i1 to i32
    %sign3A_1383 = arith.subi %sign3A_1379, %sign3A_1382 : i32
    %ne3A_1384 = arith.cmpi ne, %sign3A_1376, %sign3A_1383 : i32
    %rem3A_1385 = arith.remsi %min3A_1367, %jit3A_1368 : i32
    %ne3A_1386 = arith.constant 0 : i32
    %ne3A_1387 = arith.cmpi ne, %rem3A_1385, %ne3A_1386 : i32
    %and3A_1388 = arith.andi %ne3A_1384, %ne3A_1387 : i1
    %sub3A_1389 = arith.constant 1 : i32
    %sub3A_1390 = arith.subi %div3A_1369, %sub3A_1389 : i32
    %select_n3A_1391 = arith.select %and3A_1388, %sub3A_1390, %div3A_1369 : i32
    %mul3A_1392 = arith.constant 128 : i32
    %mul3A_1393 = arith.muli %select_n3A_1391, %mul3A_1392 : i32
    %multiple_of3A_1394 = tpu.assume_multiple %mul3A_1393, 128 : i32
    %add3A_1395 = arith.constant 24 : i32
    %add3A_1396 = arith.addi %mul3A_2, %add3A_1395 : i32
    %multiple_of3A_1397 = tpu.assume_multiple %add3A_1396, 8 : i32
    %dma_start3A_1398 = arith.constant 28 : i32
    %dma_start3A_1399 = arith.constant 0 : i32
    %dma_start3A_1400 = arith.constant 0 : i32
    %dma_start3A_1401 = tpu.memref_slice %arg6[%dma_start3A_1398, %dma_start3A_1399, %dma_start3A_1400] : memref<32x8x128xf32, #tpu.memory_space<vmem>> -> memref<1x8x128xf32, #tpu.memory_space<vmem>>
    %dma_start3A_1402 = tpu.memref_squeeze %dma_start3A_1401 : memref<1x8x128xf32, #tpu.memory_space<vmem>> -> memref<8x128xf32, #tpu.memory_space<vmem>>
    %dma_start3A_1403 = tpu.memref_slice %arg2[%multiple_of3A_1397, %multiple_of3A_1394] : memref<1024x100000xf32, #tpu.memory_space<hbm>> -> memref<8x128xf32, #tpu.memory_space<hbm>>
    %dma_start3A_1404 = arith.constant 0 : i32
    %dma_start3A_1405 = arith.constant 0 : i32
    %dma_start3A_1406 = tpu.memref_slice %arg6[%dma_start3A_1398, %dma_start3A_1404, %dma_start3A_1405] : memref<32x8x128xf32, #tpu.memory_space<vmem>> -> memref<1x8x128xf32, #tpu.memory_space<vmem>>
    %dma_start3A_1407 = tpu.memref_squeeze %dma_start3A_1406 : memref<1x8x128xf32, #tpu.memory_space<vmem>> -> memref<8x128xf32, #tpu.memory_space<vmem>>
    %dma_start3A_1408 = tpu.memref_slice %arg2[%multiple_of3A_1397, %multiple_of3A_1394] : memref<1024x100000xf32, #tpu.memory_space<hbm>> -> memref<8x128xf32, #tpu.memory_space<hbm>>
    tpu.enqueue_dma source(%dma_start3A_1408 : memref<8x128xf32, #tpu.memory_space<hbm>>) target(%dma_start3A_1407 : memref<8x128xf32, #tpu.memory_space<vmem>>) target_semaphore(%arg8 : memref<!tpu.dma_semaphore, #tpu.memory_space<semaphore_mem>>)
    %get3A_1409 = arith.constant 16 : index
    %get3A_1410 = tpu.vector_load %arg5[%get3A_1409] {strides = array<i32>} : memref<32xi32, #tpu.memory_space<vmem>>, vector<16xi32>,
    %slice3A_1411 = vector.extract_strided_slice %get3A_1410 {offsets = [13], sizes = [1], strides = [1]} : vector<16xi32> to vector<1xi32>
    %squeeze3A_1412 = vector.extract %slice3A_1411[0] : i32 from vector<1xi32>
    %jit3A_1413 = arith.constant 0 : i32
    %jit3A_1414 = arith.constant 99999 : i32
    %max3A_1415 = arith.maxsi %jit3A_1413, %squeeze3A_1412 : i32
    %min3A_1416 = arith.minsi %jit3A_1414, %max3A_1415 : i32
    %jit3A_1417 = arith.constant 128 : i32
    %div3A_1418 = arith.divsi %min3A_1416, %jit3A_1417 : i32
    %sign3A_1419 = arith.constant 0 : i32
    %sign3A_1420 = arith.cmpi sgt, %min3A_1416, %sign3A_1419 : i32
    %sign3A_1421 = arith.extui %sign3A_1420 : i1 to i32
    %sign3A_1422 = arith.constant 0 : i32
    %sign3A_1423 = arith.cmpi slt, %min3A_1416, %sign3A_1422 : i32
    %sign3A_1424 = arith.extui %sign3A_1423 : i1 to i32
    %sign3A_1425 = arith.subi %sign3A_1421, %sign3A_1424 : i32
    %sign3A_1426 = arith.constant 0 : i32
    %sign3A_1427 = arith.cmpi sgt, %jit3A_1417, %sign3A_1426 : i32
    %sign3A_1428 = arith.extui %sign3A_1427 : i1 to i32
    %sign3A_1429 = arith.constant 0 : i32
    %sign3A_1430 = arith.cmpi slt, %jit3A_1417, %sign3A_1429 : i32
    %sign3A_1431 = arith.extui %sign3A_1430 : i1 to i32
    %sign3A_1432 = arith.subi %sign3A_1428, %sign3A_1431 : i32
    %ne3A_1433 = arith.cmpi ne, %sign3A_1425, %sign3A_1432 : i32
    %rem3A_1434 = arith.remsi %min3A_1416, %jit3A_1417 : i32
    %ne3A_1435 = arith.constant 0 : i32
    %ne3A_1436 = arith.cmpi ne, %rem3A_1434, %ne3A_1435 : i32
    %and3A_1437 = arith.andi %ne3A_1433, %ne3A_1436 : i1
    %sub3A_1438 = arith.constant 1 : i32
    %sub3A_1439 = arith.subi %div3A_1418, %sub3A_1438 : i32
    %select_n3A_1440 = arith.select %and3A_1437, %sub3A_1439, %div3A_1418 : i32
    %mul3A_1441 = arith.constant 128 : i32
    %mul3A_1442 = arith.muli %select_n3A_1440, %mul3A_1441 : i32
    %multiple_of3A_1443 = tpu.assume_multiple %mul3A_1442, 128 : i32
    %add3A_1444 = arith.constant 24 : i32
    %add3A_1445 = arith.addi %mul3A_2, %add3A_1444 : i32
    %multiple_of3A_1446 = tpu.assume_multiple %add3A_1445, 8 : i32
    %dma_start3A_1447 = arith.constant 29 : i32
    %dma_start3A_1448 = arith.constant 0 : i32
    %dma_start3A_1449 = arith.constant 0 : i32
    %dma_start3A_1450 = tpu.memref_slice %arg6[%dma_start3A_1447, %dma_start3A_1448, %dma_start3A_1449] : memref<32x8x128xf32, #tpu.memory_space<vmem>> -> memref<1x8x128xf32, #tpu.memory_space<vmem>>
    %dma_start3A_1451 = tpu.memref_squeeze %dma_start3A_1450 : memref<1x8x128xf32, #tpu.memory_space<vmem>> -> memref<8x128xf32, #tpu.memory_space<vmem>>
    %dma_start3A_1452 = tpu.memref_slice %arg2[%multiple_of3A_1446, %multiple_of3A_1443] : memref<1024x100000xf32, #tpu.memory_space<hbm>> -> memref<8x128xf32, #tpu.memory_space<hbm>>
    %dma_start3A_1453 = arith.constant 0 : i32
    %dma_start3A_1454 = arith.constant 0 : i32
    %dma_start3A_1455 = tpu.memref_slice %arg6[%dma_start3A_1447, %dma_start3A_1453, %dma_start3A_1454] : memref<32x8x128xf32, #tpu.memory_space<vmem>> -> memref<1x8x128xf32, #tpu.memory_space<vmem>>
    %dma_start3A_1456 = tpu.memref_squeeze %dma_start3A_1455 : memref<1x8x128xf32, #tpu.memory_space<vmem>> -> memref<8x128xf32, #tpu.memory_space<vmem>>
    %dma_start3A_1457 = tpu.memref_slice %arg2[%multiple_of3A_1446, %multiple_of3A_1443] : memref<1024x100000xf32, #tpu.memory_space<hbm>> -> memref<8x128xf32, #tpu.memory_space<hbm>>
    tpu.enqueue_dma source(%dma_start3A_1457 : memref<8x128xf32, #tpu.memory_space<hbm>>) target(%dma_start3A_1456 : memref<8x128xf32, #tpu.memory_space<vmem>>) target_semaphore(%arg8 : memref<!tpu.dma_semaphore, #tpu.memory_space<semaphore_mem>>)
    %get3A_1458 = arith.constant 16 : index
    %get3A_1459 = tpu.vector_load %arg5[%get3A_1458] {strides = array<i32>} : memref<32xi32, #tpu.memory_space<vmem>>, vector<16xi32>,
    %slice3A_1460 = vector.extract_strided_slice %get3A_1459 {offsets = [14], sizes = [1], strides = [1]} : vector<16xi32> to vector<1xi32>
    %squeeze3A_1461 = vector.extract %slice3A_1460[0] : i32 from vector<1xi32>
    %jit3A_1462 = arith.constant 0 : i32
    %jit3A_1463 = arith.constant 99999 : i32
    %max3A_1464 = arith.maxsi %jit3A_1462, %squeeze3A_1461 : i32
    %min3A_1465 = arith.minsi %jit3A_1463, %max3A_1464 : i32
    %jit3A_1466 = arith.constant 128 : i32
    %div3A_1467 = arith.divsi %min3A_1465, %jit3A_1466 : i32
    %sign3A_1468 = arith.constant 0 : i32
    %sign3A_1469 = arith.cmpi sgt, %min3A_1465, %sign3A_1468 : i32
    %sign3A_1470 = arith.extui %sign3A_1469 : i1 to i32
    %sign3A_1471 = arith.constant 0 : i32
    %sign3A_1472 = arith.cmpi slt, %min3A_1465, %sign3A_1471 : i32
    %sign3A_1473 = arith.extui %sign3A_1472 : i1 to i32
    %sign3A_1474 = arith.subi %sign3A_1470, %sign3A_1473 : i32
    %sign3A_1475 = arith.constant 0 : i32
    %sign3A_1476 = arith.cmpi sgt, %jit3A_1466, %sign3A_1475 : i32
    %sign3A_1477 = arith.extui %sign3A_1476 : i1 to i32
    %sign3A_1478 = arith.constant 0 : i32
    %sign3A_1479 = arith.cmpi slt, %jit3A_1466, %sign3A_1478 : i32
    %sign3A_1480 = arith.extui %sign3A_1479 : i1 to i32
    %sign3A_1481 = arith.subi %sign3A_1477, %sign3A_1480 : i32
    %ne3A_1482 = arith.cmpi ne, %sign3A_1474, %sign3A_1481 : i32
    %rem3A_1483 = arith.remsi %min3A_1465, %jit3A_1466 : i32
    %ne3A_1484 = arith.constant 0 : i32
    %ne3A_1485 = arith.cmpi ne, %rem3A_1483, %ne3A_1484 : i32
    %and3A_1486 = arith.andi %ne3A_1482, %ne3A_1485 : i1
    %sub3A_1487 = arith.constant 1 : i32
    %sub3A_1488 = arith.subi %div3A_1467, %sub3A_1487 : i32
    %select_n3A_1489 = arith.select %and3A_1486, %sub3A_1488, %div3A_1467 : i32
    %mul3A_1490 = arith.constant 128 : i32
    %mul3A_1491 = arith.muli %select_n3A_1489, %mul3A_1490 : i32
    %multiple_of3A_1492 = tpu.assume_multiple %mul3A_1491, 128 : i32
    %add3A_1493 = arith.constant 24 : i32
    %add3A_1494 = arith.addi %mul3A_2, %add3A_1493 : i32
    %multiple_of3A_1495 = tpu.assume_multiple %add3A_1494, 8 : i32
    %dma_start3A_1496 = arith.constant 30 : i32
    %dma_start3A_1497 = arith.constant 0 : i32
    %dma_start3A_1498 = arith.constant 0 : i32
    %dma_start3A_1499 = tpu.memref_slice %arg6[%dma_start3A_1496, %dma_start3A_1497, %dma_start3A_1498] : memref<32x8x128xf32, #tpu.memory_space<vmem>> -> memref<1x8x128xf32, #tpu.memory_space<vmem>>
    %dma_start3A_1500 = tpu.memref_squeeze %dma_start3A_1499 : memref<1x8x128xf32, #tpu.memory_space<vmem>> -> memref<8x128xf32, #tpu.memory_space<vmem>>
    %dma_start3A_1501 = tpu.memref_slice %arg2[%multiple_of3A_1495, %multiple_of3A_1492] : memref<1024x100000xf32, #tpu.memory_space<hbm>> -> memref<8x128xf32, #tpu.memory_space<hbm>>
    %dma_start3A_1502 = arith.constant 0 : i32
    %dma_start3A_1503 = arith.constant 0 : i32
    %dma_start3A_1504 = tpu.memref_slice %arg6[%dma_start3A_1496, %dma_start3A_1502, %dma_start3A_1503] : memref<32x8x128xf32, #tpu.memory_space<vmem>> -> memref<1x8x128xf32, #tpu.memory_space<vmem>>
    %dma_start3A_1505 = tpu.memref_squeeze %dma_start3A_1504 : memref<1x8x128xf32, #tpu.memory_space<vmem>> -> memref<8x128xf32, #tpu.memory_space<vmem>>
    %dma_start3A_1506 = tpu.memref_slice %arg2[%multiple_of3A_1495, %multiple_of3A_1492] : memref<1024x100000xf32, #tpu.memory_space<hbm>> -> memref<8x128xf32, #tpu.memory_space<hbm>>
    tpu.enqueue_dma source(%dma_start3A_1506 : memref<8x128xf32, #tpu.memory_space<hbm>>) target(%dma_start3A_1505 : memref<8x128xf32, #tpu.memory_space<vmem>>) target_semaphore(%arg8 : memref<!tpu.dma_semaphore, #tpu.memory_space<semaphore_mem>>)
    %get3A_1507 = arith.constant 16 : index
    %get3A_1508 = tpu.vector_load %arg5[%get3A_1507] {strides = array<i32>} : memref<32xi32, #tpu.memory_space<vmem>>, vector<16xi32>,
    %slice3A_1509 = vector.extract_strided_slice %get3A_1508 {offsets = [15], sizes = [1], strides = [1]} : vector<16xi32> to vector<1xi32>
    %squeeze3A_1510 = vector.extract %slice3A_1509[0] : i32 from vector<1xi32>
    %jit3A_1511 = arith.constant 0 : i32
    %jit3A_1512 = arith.constant 99999 : i32
    %max3A_1513 = arith.maxsi %jit3A_1511, %squeeze3A_1510 : i32
    %min3A_1514 = arith.minsi %jit3A_1512, %max3A_1513 : i32
    %jit3A_1515 = arith.constant 128 : i32
    %div3A_1516 = arith.divsi %min3A_1514, %jit3A_1515 : i32
    %sign3A_1517 = arith.constant 0 : i32
    %sign3A_1518 = arith.cmpi sgt, %min3A_1514, %sign3A_1517 : i32
    %sign3A_1519 = arith.extui %sign3A_1518 : i1 to i32
    %sign3A_1520 = arith.constant 0 : i32
    %sign3A_1521 = arith.cmpi slt, %min3A_1514, %sign3A_1520 : i32
    %sign3A_1522 = arith.extui %sign3A_1521 : i1 to i32
    %sign3A_1523 = arith.subi %sign3A_1519, %sign3A_1522 : i32
    %sign3A_1524 = arith.constant 0 : i32
    %sign3A_1525 = arith.cmpi sgt, %jit3A_1515, %sign3A_1524 : i32
    %sign3A_1526 = arith.extui %sign3A_1525 : i1 to i32
    %sign3A_1527 = arith.constant 0 : i32
    %sign3A_1528 = arith.cmpi slt, %jit3A_1515, %sign3A_1527 : i32
    %sign3A_1529 = arith.extui %sign3A_1528 : i1 to i32
    %sign3A_1530 = arith.subi %sign3A_1526, %sign3A_1529 : i32
    %ne3A_1531 = arith.cmpi ne, %sign3A_1523, %sign3A_1530 : i32
    %rem3A_1532 = arith.remsi %min3A_1514, %jit3A_1515 : i32
    %ne3A_1533 = arith.constant 0 : i32
    %ne3A_1534 = arith.cmpi ne, %rem3A_1532, %ne3A_1533 : i32
    %and3A_1535 = arith.andi %ne3A_1531, %ne3A_1534 : i1
    %sub3A_1536 = arith.constant 1 : i32
    %sub3A_1537 = arith.subi %div3A_1516, %sub3A_1536 : i32
    %select_n3A_1538 = arith.select %and3A_1535, %sub3A_1537, %div3A_1516 : i32
    %mul3A_1539 = arith.constant 128 : i32
    %mul3A_1540 = arith.muli %select_n3A_1538, %mul3A_1539 : i32
    %multiple_of3A_1541 = tpu.assume_multiple %mul3A_1540, 128 : i32
    %add3A_1542 = arith.constant 24 : i32
    %add3A_1543 = arith.addi %mul3A_2, %add3A_1542 : i32
    %multiple_of3A_1544 = tpu.assume_multiple %add3A_1543, 8 : i32
    %dma_start3A_1545 = arith.constant 31 : i32
    %dma_start3A_1546 = arith.constant 0 : i32
    %dma_start3A_1547 = arith.constant 0 : i32
    %dma_start3A_1548 = tpu.memref_slice %arg6[%dma_start3A_1545, %dma_start3A_1546, %dma_start3A_1547] : memref<32x8x128xf32, #tpu.memory_space<vmem>> -> memref<1x8x128xf32, #tpu.memory_space<vmem>>
    %dma_start3A_1549 = tpu.memref_squeeze %dma_start3A_1548 : memref<1x8x128xf32, #tpu.memory_space<vmem>> -> memref<8x128xf32, #tpu.memory_space<vmem>>
    %dma_start3A_1550 = tpu.memref_slice %arg2[%multiple_of3A_1544, %multiple_of3A_1541] : memref<1024x100000xf32, #tpu.memory_space<hbm>> -> memref<8x128xf32, #tpu.memory_space<hbm>>
    %dma_start3A_1551 = arith.constant 0 : i32
    %dma_start3A_1552 = arith.constant 0 : i32
    %dma_start3A_1553 = tpu.memref_slice %arg6[%dma_start3A_1545, %dma_start3A_1551, %dma_start3A_1552] : memref<32x8x128xf32, #tpu.memory_space<vmem>> -> memref<1x8x128xf32, #tpu.memory_space<vmem>>
    %dma_start3A_1554 = tpu.memref_squeeze %dma_start3A_1553 : memref<1x8x128xf32, #tpu.memory_space<vmem>> -> memref<8x128xf32, #tpu.memory_space<vmem>>
    %dma_start3A_1555 = tpu.memref_slice %arg2[%multiple_of3A_1544, %multiple_of3A_1541] : memref<1024x100000xf32, #tpu.memory_space<hbm>> -> memref<8x128xf32, #tpu.memory_space<hbm>>
    tpu.enqueue_dma source(%dma_start3A_1555 : memref<8x128xf32, #tpu.memory_space<hbm>>) target(%dma_start3A_1554 : memref<8x128xf32, #tpu.memory_space<vmem>>) target_semaphore(%arg8 : memref<!tpu.dma_semaphore, #tpu.memory_space<semaphore_mem>>)
    %dma_wait3A = arith.constant 0 : i32
    %dma_wait3A_1556 = arith.constant 0 : i32
    %dma_wait3A_1557 = arith.constant 0 : i32
    %dma_wait3A_1558 = tpu.memref_slice %arg6[%dma_wait3A, %dma_wait3A_1556, %dma_wait3A_1557] : memref<32x8x128xf32, #tpu.memory_space<vmem>> -> memref<1x8x128xf32, #tpu.memory_space<vmem>>
    %dma_wait3A_1559 = tpu.memref_squeeze %dma_wait3A_1558 : memref<1x8x128xf32, #tpu.memory_space<vmem>> -> memref<8x128xf32, #tpu.memory_space<vmem>>
    %dma_wait3A_1560 = arith.constant 0 : i32
    %dma_wait3A_1561 = arith.constant 0 : i32
    %dma_wait3A_1562 = tpu.memref_slice %arg2[%dma_wait3A_1560, %dma_wait3A_1561] : memref<1024x100000xf32, #tpu.memory_space<hbm>> -> memref<8x128xf32, #tpu.memory_space<hbm>>
    %dma_wait3A_1563 = arith.constant 0 : i32
    %dma_wait3A_1564 = arith.constant 0 : i32
    %dma_wait3A_1565 = tpu.memref_slice %arg6[%dma_wait3A, %dma_wait3A_1563, %dma_wait3A_1564] : memref<32x8x128xf32, #tpu.memory_space<vmem>> -> memref<1x8x128xf32, #tpu.memory_space<vmem>>
    %dma_wait3A_1566 = tpu.memref_squeeze %dma_wait3A_1565 : memref<1x8x128xf32, #tpu.memory_space<vmem>> -> memref<8x128xf32, #tpu.memory_space<vmem>>
    %dma_wait3A_1567 = arith.constant 0 : i32
    %dma_wait3A_1568 = arith.constant 0 : i32
    %dma_wait3A_1569 = tpu.memref_slice %arg2[%dma_wait3A_1567, %dma_wait3A_1568] : memref<1024x100000xf32, #tpu.memory_space<hbm>> -> memref<8x128xf32, #tpu.memory_space<hbm>>
    tpu.wait_dma2 semaphore(%arg8 : memref<!tpu.dma_semaphore, #tpu.memory_space<semaphore_mem>>) src(%dma_wait3A_1569 : memref<8x128xf32, #tpu.memory_space<hbm>>) dst(%dma_wait3A_1566 : memref<8x128xf32, #tpu.memory_space<vmem>>)
    %dma_wait3A_1570 = arith.constant 1 : i32
    %dma_wait3A_1571 = arith.constant 0 : i32
    %dma_wait3A_1572 = arith.constant 0 : i32
    %dma_wait3A_1573 = tpu.memref_slice %arg6[%dma_wait3A_1570, %dma_wait3A_1571, %dma_wait3A_1572] : memref<32x8x128xf32, #tpu.memory_space<vmem>> -> memref<1x8x128xf32, #tpu.memory_space<vmem>>
    %dma_wait3A_1574 = tpu.memref_squeeze %dma_wait3A_1573 : memref<1x8x128xf32, #tpu.memory_space<vmem>> -> memref<8x128xf32, #tpu.memory_space<vmem>>
    %dma_wait3A_1575 = arith.constant 0 : i32
    %dma_wait3A_1576 = arith.constant 0 : i32
    %dma_wait3A_1577 = tpu.memref_slice %arg2[%dma_wait3A_1575, %dma_wait3A_1576] : memref<1024x100000xf32, #tpu.memory_space<hbm>> -> memref<8x128xf32, #tpu.memory_space<hbm>>
    %dma_wait3A_1578 = arith.constant 0 : i32
    %dma_wait3A_1579 = arith.constant 0 : i32
    %dma_wait3A_1580 = tpu.memref_slice %arg6[%dma_wait3A_1570, %dma_wait3A_1578, %dma_wait3A_1579] : memref<32x8x128xf32, #tpu.memory_space<vmem>> -> memref<1x8x128xf32, #tpu.memory_space<vmem>>
    %dma_wait3A_1581 = tpu.memref_squeeze %dma_wait3A_1580 : memref<1x8x128xf32, #tpu.memory_space<vmem>> -> memref<8x128xf32, #tpu.memory_space<vmem>>
    %dma_wait3A_1582 = arith.constant 0 : i32
    %dma_wait3A_1583 = arith.constant 0 : i32
    %dma_wait3A_1584 = tpu.memref_slice %arg2[%dma_wait3A_1582, %dma_wait3A_1583] : memref<1024x100000xf32, #tpu.memory_space<hbm>> -> memref<8x128xf32, #tpu.memory_space<hbm>>
    tpu.wait_dma2 semaphore(%arg8 : memref<!tpu.dma_semaphore, #tpu.memory_space<semaphore_mem>>) src(%dma_wait3A_1584 : memref<8x128xf32, #tpu.memory_space<hbm>>) dst(%dma_wait3A_1581 : memref<8x128xf32, #tpu.memory_space<vmem>>)
    %dma_wait3A_1585 = arith.constant 2 : i32
    %dma_wait3A_1586 = arith.constant 0 : i32
    %dma_wait3A_1587 = arith.constant 0 : i32
    %dma_wait3A_1588 = tpu.memref_slice %arg6[%dma_wait3A_1585, %dma_wait3A_1586, %dma_wait3A_1587] : memref<32x8x128xf32, #tpu.memory_space<vmem>> -> memref<1x8x128xf32, #tpu.memory_space<vmem>>
    %dma_wait3A_1589 = tpu.memref_squeeze %dma_wait3A_1588 : memref<1x8x128xf32, #tpu.memory_space<vmem>> -> memref<8x128xf32, #tpu.memory_space<vmem>>
    %dma_wait3A_1590 = arith.constant 0 : i32
    %dma_wait3A_1591 = arith.constant 0 : i32
    %dma_wait3A_1592 = tpu.memref_slice %arg2[%dma_wait3A_1590, %dma_wait3A_1591] : memref<1024x100000xf32, #tpu.memory_space<hbm>> -> memref<8x128xf32, #tpu.memory_space<hbm>>
    %dma_wait3A_1593 = arith.constant 0 : i32
    %dma_wait3A_1594 = arith.constant 0 : i32
    %dma_wait3A_1595 = tpu.memref_slice %arg6[%dma_wait3A_1585, %dma_wait3A_1593, %dma_wait3A_1594] : memref<32x8x128xf32, #tpu.memory_space<vmem>> -> memref<1x8x128xf32, #tpu.memory_space<vmem>>
    %dma_wait3A_1596 = tpu.memref_squeeze %dma_wait3A_1595 : memref<1x8x128xf32, #tpu.memory_space<vmem>> -> memref<8x128xf32, #tpu.memory_space<vmem>>
    %dma_wait3A_1597 = arith.constant 0 : i32
    %dma_wait3A_1598 = arith.constant 0 : i32
    %dma_wait3A_1599 = tpu.memref_slice %arg2[%dma_wait3A_1597, %dma_wait3A_1598] : memref<1024x100000xf32, #tpu.memory_space<hbm>> -> memref<8x128xf32, #tpu.memory_space<hbm>>
    tpu.wait_dma2 semaphore(%arg8 : memref<!tpu.dma_semaphore, #tpu.memory_space<semaphore_mem>>) src(%dma_wait3A_1599 : memref<8x128xf32, #tpu.memory_space<hbm>>) dst(%dma_wait3A_1596 : memref<8x128xf32, #tpu.memory_space<vmem>>)
    %dma_wait3A_1600 = arith.constant 3 : i32
    %dma_wait3A_1601 = arith.constant 0 : i32
    %dma_wait3A_1602 = arith.constant 0 : i32
    %dma_wait3A_1603 = tpu.memref_slice %arg6[%dma_wait3A_1600, %dma_wait3A_1601, %dma_wait3A_1602] : memref<32x8x128xf32, #tpu.memory_space<vmem>> -> memref<1x8x128xf32, #tpu.memory_space<vmem>>
    %dma_wait3A_1604 = tpu.memref_squeeze %dma_wait3A_1603 : memref<1x8x128xf32, #tpu.memory_space<vmem>> -> memref<8x128xf32, #tpu.memory_space<vmem>>
    %dma_wait3A_1605 = arith.constant 0 : i32
    %dma_wait3A_1606 = arith.constant 0 : i32
    %dma_wait3A_1607 = tpu.memref_slice %arg2[%dma_wait3A_1605, %dma_wait3A_1606] : memref<1024x100000xf32, #tpu.memory_space<hbm>> -> memref<8x128xf32, #tpu.memory_space<hbm>>
    %dma_wait3A_1608 = arith.constant 0 : i32
    %dma_wait3A_1609 = arith.constant 0 : i32
    %dma_wait3A_1610 = tpu.memref_slice %arg6[%dma_wait3A_1600, %dma_wait3A_1608, %dma_wait3A_1609] : memref<32x8x128xf32, #tpu.memory_space<vmem>> -> memref<1x8x128xf32, #tpu.memory_space<vmem>>
    %dma_wait3A_1611 = tpu.memref_squeeze %dma_wait3A_1610 : memref<1x8x128xf32, #tpu.memory_space<vmem>> -> memref<8x128xf32, #tpu.memory_space<vmem>>
    %dma_wait3A_1612 = arith.constant 0 : i32
    %dma_wait3A_1613 = arith.constant 0 : i32
    %dma_wait3A_1614 = tpu.memref_slice %arg2[%dma_wait3A_1612, %dma_wait3A_1613] : memref<1024x100000xf32, #tpu.memory_space<hbm>> -> memref<8x128xf32, #tpu.memory_space<hbm>>
    tpu.wait_dma2 semaphore(%arg8 : memref<!tpu.dma_semaphore, #tpu.memory_space<semaphore_mem>>) src(%dma_wait3A_1614 : memref<8x128xf32, #tpu.memory_space<hbm>>) dst(%dma_wait3A_1611 : memref<8x128xf32, #tpu.memory_space<vmem>>)
    %dma_wait3A_1615 = arith.constant 4 : i32
    %dma_wait3A_1616 = arith.constant 0 : i32
    %dma_wait3A_1617 = arith.constant 0 : i32
    %dma_wait3A_1618 = tpu.memref_slice %arg6[%dma_wait3A_1615, %dma_wait3A_1616, %dma_wait3A_1617] : memref<32x8x128xf32, #tpu.memory_space<vmem>> -> memref<1x8x128xf32, #tpu.memory_space<vmem>>
    %dma_wait3A_1619 = tpu.memref_squeeze %dma_wait3A_1618 : memref<1x8x128xf32, #tpu.memory_space<vmem>> -> memref<8x128xf32, #tpu.memory_space<vmem>>
    %dma_wait3A_1620 = arith.constant 0 : i32
    %dma_wait3A_1621 = arith.constant 0 : i32
    %dma_wait3A_1622 = tpu.memref_slice %arg2[%dma_wait3A_1620, %dma_wait3A_1621] : memref<1024x100000xf32, #tpu.memory_space<hbm>> -> memref<8x128xf32, #tpu.memory_space<hbm>>
    %dma_wait3A_1623 = arith.constant 0 : i32
    %dma_wait3A_1624 = arith.constant 0 : i32
    %dma_wait3A_1625 = tpu.memref_slice %arg6[%dma_wait3A_1615, %dma_wait3A_1623, %dma_wait3A_1624] : memref<32x8x128xf32, #tpu.memory_space<vmem>> -> memref<1x8x128xf32, #tpu.memory_space<vmem>>
    %dma_wait3A_1626 = tpu.memref_squeeze %dma_wait3A_1625 : memref<1x8x128xf32, #tpu.memory_space<vmem>> -> memref<8x128xf32, #tpu.memory_space<vmem>>
    %dma_wait3A_1627 = arith.constant 0 : i32
    %dma_wait3A_1628 = arith.constant 0 : i32
    %dma_wait3A_1629 = tpu.memref_slice %arg2[%dma_wait3A_1627, %dma_wait3A_1628] : memref<1024x100000xf32, #tpu.memory_space<hbm>> -> memref<8x128xf32, #tpu.memory_space<hbm>>
    tpu.wait_dma2 semaphore(%arg8 : memref<!tpu.dma_semaphore, #tpu.memory_space<semaphore_mem>>) src(%dma_wait3A_1629 : memref<8x128xf32, #tpu.memory_space<hbm>>) dst(%dma_wait3A_1626 : memref<8x128xf32, #tpu.memory_space<vmem>>)
    %dma_wait3A_1630 = arith.constant 5 : i32
    %dma_wait3A_1631 = arith.constant 0 : i32
    %dma_wait3A_1632 = arith.constant 0 : i32
    %dma_wait3A_1633 = tpu.memref_slice %arg6[%dma_wait3A_1630, %dma_wait3A_1631, %dma_wait3A_1632] : memref<32x8x128xf32, #tpu.memory_space<vmem>> -> memref<1x8x128xf32, #tpu.memory_space<vmem>>
    %dma_wait3A_1634 = tpu.memref_squeeze %dma_wait3A_1633 : memref<1x8x128xf32, #tpu.memory_space<vmem>> -> memref<8x128xf32, #tpu.memory_space<vmem>>
    %dma_wait3A_1635 = arith.constant 0 : i32
    %dma_wait3A_1636 = arith.constant 0 : i32
    %dma_wait3A_1637 = tpu.memref_slice %arg2[%dma_wait3A_1635, %dma_wait3A_1636] : memref<1024x100000xf32, #tpu.memory_space<hbm>> -> memref<8x128xf32, #tpu.memory_space<hbm>>
    %dma_wait3A_1638 = arith.constant 0 : i32
    %dma_wait3A_1639 = arith.constant 0 : i32
    %dma_wait3A_1640 = tpu.memref_slice %arg6[%dma_wait3A_1630, %dma_wait3A_1638, %dma_wait3A_1639] : memref<32x8x128xf32, #tpu.memory_space<vmem>> -> memref<1x8x128xf32, #tpu.memory_space<vmem>>
    %dma_wait3A_1641 = tpu.memref_squeeze %dma_wait3A_1640 : memref<1x8x128xf32, #tpu.memory_space<vmem>> -> memref<8x128xf32, #tpu.memory_space<vmem>>
    %dma_wait3A_1642 = arith.constant 0 : i32
    %dma_wait3A_1643 = arith.constant 0 : i32
    %dma_wait3A_1644 = tpu.memref_slice %arg2[%dma_wait3A_1642, %dma_wait3A_1643] : memref<1024x100000xf32, #tpu.memory_space<hbm>> -> memref<8x128xf32, #tpu.memory_space<hbm>>
    tpu.wait_dma2 semaphore(%arg8 : memref<!tpu.dma_semaphore, #tpu.memory_space<semaphore_mem>>) src(%dma_wait3A_1644 : memref<8x128xf32, #tpu.memory_space<hbm>>) dst(%dma_wait3A_1641 : memref<8x128xf32, #tpu.memory_space<vmem>>)
    %dma_wait3A_1645 = arith.constant 6 : i32
    %dma_wait3A_1646 = arith.constant 0 : i32
    %dma_wait3A_1647 = arith.constant 0 : i32
    %dma_wait3A_1648 = tpu.memref_slice %arg6[%dma_wait3A_1645, %dma_wait3A_1646, %dma_wait3A_1647] : memref<32x8x128xf32, #tpu.memory_space<vmem>> -> memref<1x8x128xf32, #tpu.memory_space<vmem>>
    %dma_wait3A_1649 = tpu.memref_squeeze %dma_wait3A_1648 : memref<1x8x128xf32, #tpu.memory_space<vmem>> -> memref<8x128xf32, #tpu.memory_space<vmem>>
    %dma_wait3A_1650 = arith.constant 0 : i32
    %dma_wait3A_1651 = arith.constant 0 : i32
    %dma_wait3A_1652 = tpu.memref_slice %arg2[%dma_wait3A_1650, %dma_wait3A_1651] : memref<1024x100000xf32, #tpu.memory_space<hbm>> -> memref<8x128xf32, #tpu.memory_space<hbm>>
    %dma_wait3A_1653 = arith.constant 0 : i32
    %dma_wait3A_1654 = arith.constant 0 : i32
    %dma_wait3A_1655 = tpu.memref_slice %arg6[%dma_wait3A_1645, %dma_wait3A_1653, %dma_wait3A_1654] : memref<32x8x128xf32, #tpu.memory_space<vmem>> -> memref<1x8x128xf32, #tpu.memory_space<vmem>>
    %dma_wait3A_1656 = tpu.memref_squeeze %dma_wait3A_1655 : memref<1x8x128xf32, #tpu.memory_space<vmem>> -> memref<8x128xf32, #tpu.memory_space<vmem>>
    %dma_wait3A_1657 = arith.constant 0 : i32
    %dma_wait3A_1658 = arith.constant 0 : i32
    %dma_wait3A_1659 = tpu.memref_slice %arg2[%dma_wait3A_1657, %dma_wait3A_1658] : memref<1024x100000xf32, #tpu.memory_space<hbm>> -> memref<8x128xf32, #tpu.memory_space<hbm>>
    tpu.wait_dma2 semaphore(%arg8 : memref<!tpu.dma_semaphore, #tpu.memory_space<semaphore_mem>>) src(%dma_wait3A_1659 : memref<8x128xf32, #tpu.memory_space<hbm>>) dst(%dma_wait3A_1656 : memref<8x128xf32, #tpu.memory_space<vmem>>)
    %dma_wait3A_1660 = arith.constant 7 : i32
    %dma_wait3A_1661 = arith.constant 0 : i32
    %dma_wait3A_1662 = arith.constant 0 : i32
    %dma_wait3A_1663 = tpu.memref_slice %arg6[%dma_wait3A_1660, %dma_wait3A_1661, %dma_wait3A_1662] : memref<32x8x128xf32, #tpu.memory_space<vmem>> -> memref<1x8x128xf32, #tpu.memory_space<vmem>>
    %dma_wait3A_1664 = tpu.memref_squeeze %dma_wait3A_1663 : memref<1x8x128xf32, #tpu.memory_space<vmem>> -> memref<8x128xf32, #tpu.memory_space<vmem>>
    %dma_wait3A_1665 = arith.constant 0 : i32
    %dma_wait3A_1666 = arith.constant 0 : i32
    %dma_wait3A_1667 = tpu.memref_slice %arg2[%dma_wait3A_1665, %dma_wait3A_1666] : memref<1024x100000xf32, #tpu.memory_space<hbm>> -> memref<8x128xf32, #tpu.memory_space<hbm>>
    %dma_wait3A_1668 = arith.constant 0 : i32
    %dma_wait3A_1669 = arith.constant 0 : i32
    %dma_wait3A_1670 = tpu.memref_slice %arg6[%dma_wait3A_1660, %dma_wait3A_1668, %dma_wait3A_1669] : memref<32x8x128xf32, #tpu.memory_space<vmem>> -> memref<1x8x128xf32, #tpu.memory_space<vmem>>
    %dma_wait3A_1671 = tpu.memref_squeeze %dma_wait3A_1670 : memref<1x8x128xf32, #tpu.memory_space<vmem>> -> memref<8x128xf32, #tpu.memory_space<vmem>>
    %dma_wait3A_1672 = arith.constant 0 : i32
    %dma_wait3A_1673 = arith.constant 0 : i32
    %dma_wait3A_1674 = tpu.memref_slice %arg2[%dma_wait3A_1672, %dma_wait3A_1673] : memref<1024x100000xf32, #tpu.memory_space<hbm>> -> memref<8x128xf32, #tpu.memory_space<hbm>>
    tpu.wait_dma2 semaphore(%arg8 : memref<!tpu.dma_semaphore, #tpu.memory_space<semaphore_mem>>) src(%dma_wait3A_1674 : memref<8x128xf32, #tpu.memory_space<hbm>>) dst(%dma_wait3A_1671 : memref<8x128xf32, #tpu.memory_space<vmem>>)
    %dma_wait3A_1675 = arith.constant 8 : i32
    %dma_wait3A_1676 = arith.constant 0 : i32
    %dma_wait3A_1677 = arith.constant 0 : i32
    %dma_wait3A_1678 = tpu.memref_slice %arg6[%dma_wait3A_1675, %dma_wait3A_1676, %dma_wait3A_1677] : memref<32x8x128xf32, #tpu.memory_space<vmem>> -> memref<1x8x128xf32, #tpu.memory_space<vmem>>
    %dma_wait3A_1679 = tpu.memref_squeeze %dma_wait3A_1678 : memref<1x8x128xf32, #tpu.memory_space<vmem>> -> memref<8x128xf32, #tpu.memory_space<vmem>>
    %dma_wait3A_1680 = arith.constant 0 : i32
    %dma_wait3A_1681 = arith.constant 0 : i32
    %dma_wait3A_1682 = tpu.memref_slice %arg2[%dma_wait3A_1680, %dma_wait3A_1681] : memref<1024x100000xf32, #tpu.memory_space<hbm>> -> memref<8x128xf32, #tpu.memory_space<hbm>>
    %dma_wait3A_1683 = arith.constant 0 : i32
    %dma_wait3A_1684 = arith.constant 0 : i32
    %dma_wait3A_1685 = tpu.memref_slice %arg6[%dma_wait3A_1675, %dma_wait3A_1683, %dma_wait3A_1684] : memref<32x8x128xf32, #tpu.memory_space<vmem>> -> memref<1x8x128xf32, #tpu.memory_space<vmem>>
    %dma_wait3A_1686 = tpu.memref_squeeze %dma_wait3A_1685 : memref<1x8x128xf32, #tpu.memory_space<vmem>> -> memref<8x128xf32, #tpu.memory_space<vmem>>
    %dma_wait3A_1687 = arith.constant 0 : i32
    %dma_wait3A_1688 = arith.constant 0 : i32
    %dma_wait3A_1689 = tpu.memref_slice %arg2[%dma_wait3A_1687, %dma_wait3A_1688] : memref<1024x100000xf32, #tpu.memory_space<hbm>> -> memref<8x128xf32, #tpu.memory_space<hbm>>
    tpu.wait_dma2 semaphore(%arg8 : memref<!tpu.dma_semaphore, #tpu.memory_space<semaphore_mem>>) src(%dma_wait3A_1689 : memref<8x128xf32, #tpu.memory_space<hbm>>) dst(%dma_wait3A_1686 : memref<8x128xf32, #tpu.memory_space<vmem>>)
    %dma_wait3A_1690 = arith.constant 9 : i32
    %dma_wait3A_1691 = arith.constant 0 : i32
    %dma_wait3A_1692 = arith.constant 0 : i32
    %dma_wait3A_1693 = tpu.memref_slice %arg6[%dma_wait3A_1690, %dma_wait3A_1691, %dma_wait3A_1692] : memref<32x8x128xf32, #tpu.memory_space<vmem>> -> memref<1x8x128xf32, #tpu.memory_space<vmem>>
    %dma_wait3A_1694 = tpu.memref_squeeze %dma_wait3A_1693 : memref<1x8x128xf32, #tpu.memory_space<vmem>> -> memref<8x128xf32, #tpu.memory_space<vmem>>
    %dma_wait3A_1695 = arith.constant 0 : i32
    %dma_wait3A_1696 = arith.constant 0 : i32
    %dma_wait3A_1697 = tpu.memref_slice %arg2[%dma_wait3A_1695, %dma_wait3A_1696] : memref<1024x100000xf32, #tpu.memory_space<hbm>> -> memref<8x128xf32, #tpu.memory_space<hbm>>
    %dma_wait3A_1698 = arith.constant 0 : i32
    %dma_wait3A_1699 = arith.constant 0 : i32
    %dma_wait3A_1700 = tpu.memref_slice %arg6[%dma_wait3A_1690, %dma_wait3A_1698, %dma_wait3A_1699] : memref<32x8x128xf32, #tpu.memory_space<vmem>> -> memref<1x8x128xf32, #tpu.memory_space<vmem>>
    %dma_wait3A_1701 = tpu.memref_squeeze %dma_wait3A_1700 : memref<1x8x128xf32, #tpu.memory_space<vmem>> -> memref<8x128xf32, #tpu.memory_space<vmem>>
    %dma_wait3A_1702 = arith.constant 0 : i32
    %dma_wait3A_1703 = arith.constant 0 : i32
    %dma_wait3A_1704 = tpu.memref_slice %arg2[%dma_wait3A_1702, %dma_wait3A_1703] : memref<1024x100000xf32, #tpu.memory_space<hbm>> -> memref<8x128xf32, #tpu.memory_space<hbm>>
    tpu.wait_dma2 semaphore(%arg8 : memref<!tpu.dma_semaphore, #tpu.memory_space<semaphore_mem>>) src(%dma_wait3A_1704 : memref<8x128xf32, #tpu.memory_space<hbm>>) dst(%dma_wait3A_1701 : memref<8x128xf32, #tpu.memory_space<vmem>>)
    %dma_wait3A_1705 = arith.constant 10 : i32
    %dma_wait3A_1706 = arith.constant 0 : i32
    %dma_wait3A_1707 = arith.constant 0 : i32
    %dma_wait3A_1708 = tpu.memref_slice %arg6[%dma_wait3A_1705, %dma_wait3A_1706, %dma_wait3A_1707] : memref<32x8x128xf32, #tpu.memory_space<vmem>> -> memref<1x8x128xf32, #tpu.memory_space<vmem>>
    %dma_wait3A_1709 = tpu.memref_squeeze %dma_wait3A_1708 : memref<1x8x128xf32, #tpu.memory_space<vmem>> -> memref<8x128xf32, #tpu.memory_space<vmem>>
    %dma_wait3A_1710 = arith.constant 0 : i32
    %dma_wait3A_1711 = arith.constant 0 : i32
    %dma_wait3A_1712 = tpu.memref_slice %arg2[%dma_wait3A_1710, %dma_wait3A_1711] : memref<1024x100000xf32, #tpu.memory_space<hbm>> -> memref<8x128xf32, #tpu.memory_space<hbm>>
    %dma_wait3A_1713 = arith.constant 0 : i32
    %dma_wait3A_1714 = arith.constant 0 : i32
    %dma_wait3A_1715 = tpu.memref_slice %arg6[%dma_wait3A_1705, %dma_wait3A_1713, %dma_wait3A_1714] : memref<32x8x128xf32, #tpu.memory_space<vmem>> -> memref<1x8x128xf32, #tpu.memory_space<vmem>>
    %dma_wait3A_1716 = tpu.memref_squeeze %dma_wait3A_1715 : memref<1x8x128xf32, #tpu.memory_space<vmem>> -> memref<8x128xf32, #tpu.memory_space<vmem>>
    %dma_wait3A_1717 = arith.constant 0 : i32
    %dma_wait3A_1718 = arith.constant 0 : i32
    %dma_wait3A_1719 = tpu.memref_slice %arg2[%dma_wait3A_1717, %dma_wait3A_1718] : memref<1024x100000xf32, #tpu.memory_space<hbm>> -> memref<8x128xf32, #tpu.memory_space<hbm>>
    tpu.wait_dma2 semaphore(%arg8 : memref<!tpu.dma_semaphore, #tpu.memory_space<semaphore_mem>>) src(%dma_wait3A_1719 : memref<8x128xf32, #tpu.memory_space<hbm>>) dst(%dma_wait3A_1716 : memref<8x128xf32, #tpu.memory_space<vmem>>)
    %dma_wait3A_1720 = arith.constant 11 : i32
    %dma_wait3A_1721 = arith.constant 0 : i32
    %dma_wait3A_1722 = arith.constant 0 : i32
    %dma_wait3A_1723 = tpu.memref_slice %arg6[%dma_wait3A_1720, %dma_wait3A_1721, %dma_wait3A_1722] : memref<32x8x128xf32, #tpu.memory_space<vmem>> -> memref<1x8x128xf32, #tpu.memory_space<vmem>>
    %dma_wait3A_1724 = tpu.memref_squeeze %dma_wait3A_1723 : memref<1x8x128xf32, #tpu.memory_space<vmem>> -> memref<8x128xf32, #tpu.memory_space<vmem>>
    %dma_wait3A_1725 = arith.constant 0 : i32
    %dma_wait3A_1726 = arith.constant 0 : i32
    %dma_wait3A_1727 = tpu.memref_slice %arg2[%dma_wait3A_1725, %dma_wait3A_1726] : memref<1024x100000xf32, #tpu.memory_space<hbm>> -> memref<8x128xf32, #tpu.memory_space<hbm>>
    %dma_wait3A_1728 = arith.constant 0 : i32
    %dma_wait3A_1729 = arith.constant 0 : i32
    %dma_wait3A_1730 = tpu.memref_slice %arg6[%dma_wait3A_1720, %dma_wait3A_1728, %dma_wait3A_1729] : memref<32x8x128xf32, #tpu.memory_space<vmem>> -> memref<1x8x128xf32, #tpu.memory_space<vmem>>
    %dma_wait3A_1731 = tpu.memref_squeeze %dma_wait3A_1730 : memref<1x8x128xf32, #tpu.memory_space<vmem>> -> memref<8x128xf32, #tpu.memory_space<vmem>>
    %dma_wait3A_1732 = arith.constant 0 : i32
    %dma_wait3A_1733 = arith.constant 0 : i32
    %dma_wait3A_1734 = tpu.memref_slice %arg2[%dma_wait3A_1732, %dma_wait3A_1733] : memref<1024x100000xf32, #tpu.memory_space<hbm>> -> memref<8x128xf32, #tpu.memory_space<hbm>>
    tpu.wait_dma2 semaphore(%arg8 : memref<!tpu.dma_semaphore, #tpu.memory_space<semaphore_mem>>) src(%dma_wait3A_1734 : memref<8x128xf32, #tpu.memory_space<hbm>>) dst(%dma_wait3A_1731 : memref<8x128xf32, #tpu.memory_space<vmem>>)
    %dma_wait3A_1735 = arith.constant 12 : i32
    %dma_wait3A_1736 = arith.constant 0 : i32
    %dma_wait3A_1737 = arith.constant 0 : i32
    %dma_wait3A_1738 = tpu.memref_slice %arg6[%dma_wait3A_1735, %dma_wait3A_1736, %dma_wait3A_1737] : memref<32x8x128xf32, #tpu.memory_space<vmem>> -> memref<1x8x128xf32, #tpu.memory_space<vmem>>
    %dma_wait3A_1739 = tpu.memref_squeeze %dma_wait3A_1738 : memref<1x8x128xf32, #tpu.memory_space<vmem>> -> memref<8x128xf32, #tpu.memory_space<vmem>>
    %dma_wait3A_1740 = arith.constant 0 : i32
    %dma_wait3A_1741 = arith.constant 0 : i32
    %dma_wait3A_1742 = tpu.memref_slice %arg2[%dma_wait3A_1740, %dma_wait3A_1741] : memref<1024x100000xf32, #tpu.memory_space<hbm>> -> memref<8x128xf32, #tpu.memory_space<hbm>>
    %dma_wait3A_1743 = arith.constant 0 : i32
    %dma_wait3A_1744 = arith.constant 0 : i32
    %dma_wait3A_1745 = tpu.memref_slice %arg6[%dma_wait3A_1735, %dma_wait3A_1743, %dma_wait3A_1744] : memref<32x8x128xf32, #tpu.memory_space<vmem>> -> memref<1x8x128xf32, #tpu.memory_space<vmem>>
    %dma_wait3A_1746 = tpu.memref_squeeze %dma_wait3A_1745 : memref<1x8x128xf32, #tpu.memory_space<vmem>> -> memref<8x128xf32, #tpu.memory_space<vmem>>
    %dma_wait3A_1747 = arith.constant 0 : i32
    %dma_wait3A_1748 = arith.constant 0 : i32
    %dma_wait3A_1749 = tpu.memref_slice %arg2[%dma_wait3A_1747, %dma_wait3A_1748] : memref<1024x100000xf32, #tpu.memory_space<hbm>> -> memref<8x128xf32, #tpu.memory_space<hbm>>
    tpu.wait_dma2 semaphore(%arg8 : memref<!tpu.dma_semaphore, #tpu.memory_space<semaphore_mem>>) src(%dma_wait3A_1749 : memref<8x128xf32, #tpu.memory_space<hbm>>) dst(%dma_wait3A_1746 : memref<8x128xf32, #tpu.memory_space<vmem>>)
    %dma_wait3A_1750 = arith.constant 13 : i32
    %dma_wait3A_1751 = arith.constant 0 : i32
    %dma_wait3A_1752 = arith.constant 0 : i32
    %dma_wait3A_1753 = tpu.memref_slice %arg6[%dma_wait3A_1750, %dma_wait3A_1751, %dma_wait3A_1752] : memref<32x8x128xf32, #tpu.memory_space<vmem>> -> memref<1x8x128xf32, #tpu.memory_space<vmem>>
    %dma_wait3A_1754 = tpu.memref_squeeze %dma_wait3A_1753 : memref<1x8x128xf32, #tpu.memory_space<vmem>> -> memref<8x128xf32, #tpu.memory_space<vmem>>
    %dma_wait3A_1755 = arith.constant 0 : i32
    %dma_wait3A_1756 = arith.constant 0 : i32
    %dma_wait3A_1757 = tpu.memref_slice %arg2[%dma_wait3A_1755, %dma_wait3A_1756] : memref<1024x100000xf32, #tpu.memory_space<hbm>> -> memref<8x128xf32, #tpu.memory_space<hbm>>
    %dma_wait3A_1758 = arith.constant 0 : i32
    %dma_wait3A_1759 = arith.constant 0 : i32
    %dma_wait3A_1760 = tpu.memref_slice %arg6[%dma_wait3A_1750, %dma_wait3A_1758, %dma_wait3A_1759] : memref<32x8x128xf32, #tpu.memory_space<vmem>> -> memref<1x8x128xf32, #tpu.memory_space<vmem>>
    %dma_wait3A_1761 = tpu.memref_squeeze %dma_wait3A_1760 : memref<1x8x128xf32, #tpu.memory_space<vmem>> -> memref<8x128xf32, #tpu.memory_space<vmem>>
    %dma_wait3A_1762 = arith.constant 0 : i32
    %dma_wait3A_1763 = arith.constant 0 : i32
    %dma_wait3A_1764 = tpu.memref_slice %arg2[%dma_wait3A_1762, %dma_wait3A_1763] : memref<1024x100000xf32, #tpu.memory_space<hbm>> -> memref<8x128xf32, #tpu.memory_space<hbm>>
    tpu.wait_dma2 semaphore(%arg8 : memref<!tpu.dma_semaphore, #tpu.memory_space<semaphore_mem>>) src(%dma_wait3A_1764 : memref<8x128xf32, #tpu.memory_space<hbm>>) dst(%dma_wait3A_1761 : memref<8x128xf32, #tpu.memory_space<vmem>>)
    %dma_wait3A_1765 = arith.constant 14 : i32
    %dma_wait3A_1766 = arith.constant 0 : i32
    %dma_wait3A_1767 = arith.constant 0 : i32
    %dma_wait3A_1768 = tpu.memref_slice %arg6[%dma_wait3A_1765, %dma_wait3A_1766, %dma_wait3A_1767] : memref<32x8x128xf32, #tpu.memory_space<vmem>> -> memref<1x8x128xf32, #tpu.memory_space<vmem>>
    %dma_wait3A_1769 = tpu.memref_squeeze %dma_wait3A_1768 : memref<1x8x128xf32, #tpu.memory_space<vmem>> -> memref<8x128xf32, #tpu.memory_space<vmem>>
    %dma_wait3A_1770 = arith.constant 0 : i32
    %dma_wait3A_1771 = arith.constant 0 : i32
    %dma_wait3A_1772 = tpu.memref_slice %arg2[%dma_wait3A_1770, %dma_wait3A_1771] : memref<1024x100000xf32, #tpu.memory_space<hbm>> -> memref<8x128xf32, #tpu.memory_space<hbm>>
    %dma_wait3A_1773 = arith.constant 0 : i32
    %dma_wait3A_1774 = arith.constant 0 : i32
    %dma_wait3A_1775 = tpu.memref_slice %arg6[%dma_wait3A_1765, %dma_wait3A_1773, %dma_wait3A_1774] : memref<32x8x128xf32, #tpu.memory_space<vmem>> -> memref<1x8x128xf32, #tpu.memory_space<vmem>>
    %dma_wait3A_1776 = tpu.memref_squeeze %dma_wait3A_1775 : memref<1x8x128xf32, #tpu.memory_space<vmem>> -> memref<8x128xf32, #tpu.memory_space<vmem>>
    %dma_wait3A_1777 = arith.constant 0 : i32
    %dma_wait3A_1778 = arith.constant 0 : i32
    %dma_wait3A_1779 = tpu.memref_slice %arg2[%dma_wait3A_1777, %dma_wait3A_1778] : memref<1024x100000xf32, #tpu.memory_space<hbm>> -> memref<8x128xf32, #tpu.memory_space<hbm>>
    tpu.wait_dma2 semaphore(%arg8 : memref<!tpu.dma_semaphore, #tpu.memory_space<semaphore_mem>>) src(%dma_wait3A_1779 : memref<8x128xf32, #tpu.memory_space<hbm>>) dst(%dma_wait3A_1776 : memref<8x128xf32, #tpu.memory_space<vmem>>)
    %dma_wait3A_1780 = arith.constant 15 : i32
    %dma_wait3A_1781 = arith.constant 0 : i32
    %dma_wait3A_1782 = arith.constant 0 : i32
    %dma_wait3A_1783 = tpu.memref_slice %arg6[%dma_wait3A_1780, %dma_wait3A_1781, %dma_wait3A_1782] : memref<32x8x128xf32, #tpu.memory_space<vmem>> -> memref<1x8x128xf32, #tpu.memory_space<vmem>>
    %dma_wait3A_1784 = tpu.memref_squeeze %dma_wait3A_1783 : memref<1x8x128xf32, #tpu.memory_space<vmem>> -> memref<8x128xf32, #tpu.memory_space<vmem>>
    %dma_wait3A_1785 = arith.constant 0 : i32
    %dma_wait3A_1786 = arith.constant 0 : i32
    %dma_wait3A_1787 = tpu.memref_slice %arg2[%dma_wait3A_1785, %dma_wait3A_1786] : memref<1024x100000xf32, #tpu.memory_space<hbm>> -> memref<8x128xf32, #tpu.memory_space<hbm>>
    %dma_wait3A_1788 = arith.constant 0 : i32
    %dma_wait3A_1789 = arith.constant 0 : i32
    %dma_wait3A_1790 = tpu.memref_slice %arg6[%dma_wait3A_1780, %dma_wait3A_1788, %dma_wait3A_1789] : memref<32x8x128xf32, #tpu.memory_space<vmem>> -> memref<1x8x128xf32, #tpu.memory_space<vmem>>
    %dma_wait3A_1791 = tpu.memref_squeeze %dma_wait3A_1790 : memref<1x8x128xf32, #tpu.memory_space<vmem>> -> memref<8x128xf32, #tpu.memory_space<vmem>>
    %dma_wait3A_1792 = arith.constant 0 : i32
    %dma_wait3A_1793 = arith.constant 0 : i32
    %dma_wait3A_1794 = tpu.memref_slice %arg2[%dma_wait3A_1792, %dma_wait3A_1793] : memref<1024x100000xf32, #tpu.memory_space<hbm>> -> memref<8x128xf32, #tpu.memory_space<hbm>>
    tpu.wait_dma2 semaphore(%arg8 : memref<!tpu.dma_semaphore, #tpu.memory_space<semaphore_mem>>) src(%dma_wait3A_1794 : memref<8x128xf32, #tpu.memory_space<hbm>>) dst(%dma_wait3A_1791 : memref<8x128xf32, #tpu.memory_space<vmem>>)
    %dma_wait3A_1795 = arith.constant 16 : i32
    %dma_wait3A_1796 = arith.constant 0 : i32
    %dma_wait3A_1797 = arith.constant 0 : i32
    %dma_wait3A_1798 = tpu.memref_slice %arg6[%dma_wait3A_1795, %dma_wait3A_1796, %dma_wait3A_1797] : memref<32x8x128xf32, #tpu.memory_space<vmem>> -> memref<1x8x128xf32, #tpu.memory_space<vmem>>
    %dma_wait3A_1799 = tpu.memref_squeeze %dma_wait3A_1798 : memref<1x8x128xf32, #tpu.memory_space<vmem>> -> memref<8x128xf32, #tpu.memory_space<vmem>>
    %dma_wait3A_1800 = arith.constant 0 : i32
    %dma_wait3A_1801 = arith.constant 0 : i32
    %dma_wait3A_1802 = tpu.memref_slice %arg2[%dma_wait3A_1800, %dma_wait3A_1801] : memref<1024x100000xf32, #tpu.memory_space<hbm>> -> memref<8x128xf32, #tpu.memory_space<hbm>>
    %dma_wait3A_1803 = arith.constant 0 : i32
    %dma_wait3A_1804 = arith.constant 0 : i32
    %dma_wait3A_1805 = tpu.memref_slice %arg6[%dma_wait3A_1795, %dma_wait3A_1803, %dma_wait3A_1804] : memref<32x8x128xf32, #tpu.memory_space<vmem>> -> memref<1x8x128xf32, #tpu.memory_space<vmem>>
    %dma_wait3A_1806 = tpu.memref_squeeze %dma_wait3A_1805 : memref<1x8x128xf32, #tpu.memory_space<vmem>> -> memref<8x128xf32, #tpu.memory_space<vmem>>
    %dma_wait3A_1807 = arith.constant 0 : i32
    %dma_wait3A_1808 = arith.constant 0 : i32
    %dma_wait3A_1809 = tpu.memref_slice %arg2[%dma_wait3A_1807, %dma_wait3A_1808] : memref<1024x100000xf32, #tpu.memory_space<hbm>> -> memref<8x128xf32, #tpu.memory_space<hbm>>
    tpu.wait_dma2 semaphore(%arg8 : memref<!tpu.dma_semaphore, #tpu.memory_space<semaphore_mem>>) src(%dma_wait3A_1809 : memref<8x128xf32, #tpu.memory_space<hbm>>) dst(%dma_wait3A_1806 : memref<8x128xf32, #tpu.memory_space<vmem>>)
    %dma_wait3A_1810 = arith.constant 17 : i32
    %dma_wait3A_1811 = arith.constant 0 : i32
    %dma_wait3A_1812 = arith.constant 0 : i32
    %dma_wait3A_1813 = tpu.memref_slice %arg6[%dma_wait3A_1810, %dma_wait3A_1811, %dma_wait3A_1812] : memref<32x8x128xf32, #tpu.memory_space<vmem>> -> memref<1x8x128xf32, #tpu.memory_space<vmem>>
    %dma_wait3A_1814 = tpu.memref_squeeze %dma_wait3A_1813 : memref<1x8x128xf32, #tpu.memory_space<vmem>> -> memref<8x128xf32, #tpu.memory_space<vmem>>
    %dma_wait3A_1815 = arith.constant 0 : i32
    %dma_wait3A_1816 = arith.constant 0 : i32
    %dma_wait3A_1817 = tpu.memref_slice %arg2[%dma_wait3A_1815, %dma_wait3A_1816] : memref<1024x100000xf32, #tpu.memory_space<hbm>> -> memref<8x128xf32, #tpu.memory_space<hbm>>
    %dma_wait3A_1818 = arith.constant 0 : i32
    %dma_wait3A_1819 = arith.constant 0 : i32
    %dma_wait3A_1820 = tpu.memref_slice %arg6[%dma_wait3A_1810, %dma_wait3A_1818, %dma_wait3A_1819] : memref<32x8x128xf32, #tpu.memory_space<vmem>> -> memref<1x8x128xf32, #tpu.memory_space<vmem>>
    %dma_wait3A_1821 = tpu.memref_squeeze %dma_wait3A_1820 : memref<1x8x128xf32, #tpu.memory_space<vmem>> -> memref<8x128xf32, #tpu.memory_space<vmem>>
    %dma_wait3A_1822 = arith.constant 0 : i32
    %dma_wait3A_1823 = arith.constant 0 : i32
    %dma_wait3A_1824 = tpu.memref_slice %arg2[%dma_wait3A_1822, %dma_wait3A_1823] : memref<1024x100000xf32, #tpu.memory_space<hbm>> -> memref<8x128xf32, #tpu.memory_space<hbm>>
    tpu.wait_dma2 semaphore(%arg8 : memref<!tpu.dma_semaphore, #tpu.memory_space<semaphore_mem>>) src(%dma_wait3A_1824 : memref<8x128xf32, #tpu.memory_space<hbm>>) dst(%dma_wait3A_1821 : memref<8x128xf32, #tpu.memory_space<vmem>>)
    %dma_wait3A_1825 = arith.constant 18 : i32
    %dma_wait3A_1826 = arith.constant 0 : i32
    %dma_wait3A_1827 = arith.constant 0 : i32
    %dma_wait3A_1828 = tpu.memref_slice %arg6[%dma_wait3A_1825, %dma_wait3A_1826, %dma_wait3A_1827] : memref<32x8x128xf32, #tpu.memory_space<vmem>> -> memref<1x8x128xf32, #tpu.memory_space<vmem>>
    %dma_wait3A_1829 = tpu.memref_squeeze %dma_wait3A_1828 : memref<1x8x128xf32, #tpu.memory_space<vmem>> -> memref<8x128xf32, #tpu.memory_space<vmem>>
    %dma_wait3A_1830 = arith.constant 0 : i32
    %dma_wait3A_1831 = arith.constant 0 : i32
    %dma_wait3A_1832 = tpu.memref_slice %arg2[%dma_wait3A_1830, %dma_wait3A_1831] : memref<1024x100000xf32, #tpu.memory_space<hbm>> -> memref<8x128xf32, #tpu.memory_space<hbm>>
    %dma_wait3A_1833 = arith.constant 0 : i32
    %dma_wait3A_1834 = arith.constant 0 : i32
    %dma_wait3A_1835 = tpu.memref_slice %arg6[%dma_wait3A_1825, %dma_wait3A_1833, %dma_wait3A_1834] : memref<32x8x128xf32, #tpu.memory_space<vmem>> -> memref<1x8x128xf32, #tpu.memory_space<vmem>>
    %dma_wait3A_1836 = tpu.memref_squeeze %dma_wait3A_1835 : memref<1x8x128xf32, #tpu.memory_space<vmem>> -> memref<8x128xf32, #tpu.memory_space<vmem>>
    %dma_wait3A_1837 = arith.constant 0 : i32
    %dma_wait3A_1838 = arith.constant 0 : i32
    %dma_wait3A_1839 = tpu.memref_slice %arg2[%dma_wait3A_1837, %dma_wait3A_1838] : memref<1024x100000xf32, #tpu.memory_space<hbm>> -> memref<8x128xf32, #tpu.memory_space<hbm>>
    tpu.wait_dma2 semaphore(%arg8 : memref<!tpu.dma_semaphore, #tpu.memory_space<semaphore_mem>>) src(%dma_wait3A_1839 : memref<8x128xf32, #tpu.memory_space<hbm>>) dst(%dma_wait3A_1836 : memref<8x128xf32, #tpu.memory_space<vmem>>)
    %dma_wait3A_1840 = arith.constant 19 : i32
    %dma_wait3A_1841 = arith.constant 0 : i32
    %dma_wait3A_1842 = arith.constant 0 : i32
    %dma_wait3A_1843 = tpu.memref_slice %arg6[%dma_wait3A_1840, %dma_wait3A_1841, %dma_wait3A_1842] : memref<32x8x128xf32, #tpu.memory_space<vmem>> -> memref<1x8x128xf32, #tpu.memory_space<vmem>>
    %dma_wait3A_1844 = tpu.memref_squeeze %dma_wait3A_1843 : memref<1x8x128xf32, #tpu.memory_space<vmem>> -> memref<8x128xf32, #tpu.memory_space<vmem>>
    %dma_wait3A_1845 = arith.constant 0 : i32
    %dma_wait3A_1846 = arith.constant 0 : i32
    %dma_wait3A_1847 = tpu.memref_slice %arg2[%dma_wait3A_1845, %dma_wait3A_1846] : memref<1024x100000xf32, #tpu.memory_space<hbm>> -> memref<8x128xf32, #tpu.memory_space<hbm>>
    %dma_wait3A_1848 = arith.constant 0 : i32
    %dma_wait3A_1849 = arith.constant 0 : i32
    %dma_wait3A_1850 = tpu.memref_slice %arg6[%dma_wait3A_1840, %dma_wait3A_1848, %dma_wait3A_1849] : memref<32x8x128xf32, #tpu.memory_space<vmem>> -> memref<1x8x128xf32, #tpu.memory_space<vmem>>
    %dma_wait3A_1851 = tpu.memref_squeeze %dma_wait3A_1850 : memref<1x8x128xf32, #tpu.memory_space<vmem>> -> memref<8x128xf32, #tpu.memory_space<vmem>>
    %dma_wait3A_1852 = arith.constant 0 : i32
    %dma_wait3A_1853 = arith.constant 0 : i32
    %dma_wait3A_1854 = tpu.memref_slice %arg2[%dma_wait3A_1852, %dma_wait3A_1853] : memref<1024x100000xf32, #tpu.memory_space<hbm>> -> memref<8x128xf32, #tpu.memory_space<hbm>>
    tpu.wait_dma2 semaphore(%arg8 : memref<!tpu.dma_semaphore, #tpu.memory_space<semaphore_mem>>) src(%dma_wait3A_1854 : memref<8x128xf32, #tpu.memory_space<hbm>>) dst(%dma_wait3A_1851 : memref<8x128xf32, #tpu.memory_space<vmem>>)
    %dma_wait3A_1855 = arith.constant 20 : i32
    %dma_wait3A_1856 = arith.constant 0 : i32
    %dma_wait3A_1857 = arith.constant 0 : i32
    %dma_wait3A_1858 = tpu.memref_slice %arg6[%dma_wait3A_1855, %dma_wait3A_1856, %dma_wait3A_1857] : memref<32x8x128xf32, #tpu.memory_space<vmem>> -> memref<1x8x128xf32, #tpu.memory_space<vmem>>
    %dma_wait3A_1859 = tpu.memref_squeeze %dma_wait3A_1858 : memref<1x8x128xf32, #tpu.memory_space<vmem>> -> memref<8x128xf32, #tpu.memory_space<vmem>>
    %dma_wait3A_1860 = arith.constant 0 : i32
    %dma_wait3A_1861 = arith.constant 0 : i32
    %dma_wait3A_1862 = tpu.memref_slice %arg2[%dma_wait3A_1860, %dma_wait3A_1861] : memref<1024x100000xf32, #tpu.memory_space<hbm>> -> memref<8x128xf32, #tpu.memory_space<hbm>>
    %dma_wait3A_1863 = arith.constant 0 : i32
    %dma_wait3A_1864 = arith.constant 0 : i32
    %dma_wait3A_1865 = tpu.memref_slice %arg6[%dma_wait3A_1855, %dma_wait3A_1863, %dma_wait3A_1864] : memref<32x8x128xf32, #tpu.memory_space<vmem>> -> memref<1x8x128xf32, #tpu.memory_space<vmem>>
    %dma_wait3A_1866 = tpu.memref_squeeze %dma_wait3A_1865 : memref<1x8x128xf32, #tpu.memory_space<vmem>> -> memref<8x128xf32, #tpu.memory_space<vmem>>
    %dma_wait3A_1867 = arith.constant 0 : i32
    %dma_wait3A_1868 = arith.constant 0 : i32
    %dma_wait3A_1869 = tpu.memref_slice %arg2[%dma_wait3A_1867, %dma_wait3A_1868] : memref<1024x100000xf32, #tpu.memory_space<hbm>> -> memref<8x128xf32, #tpu.memory_space<hbm>>
    tpu.wait_dma2 semaphore(%arg8 : memref<!tpu.dma_semaphore, #tpu.memory_space<semaphore_mem>>) src(%dma_wait3A_1869 : memref<8x128xf32, #tpu.memory_space<hbm>>) dst(%dma_wait3A_1866 : memref<8x128xf32, #tpu.memory_space<vmem>>)
    %dma_wait3A_1870 = arith.constant 21 : i32
    %dma_wait3A_1871 = arith.constant 0 : i32
    %dma_wait3A_1872 = arith.constant 0 : i32
    %dma_wait3A_1873 = tpu.memref_slice %arg6[%dma_wait3A_1870, %dma_wait3A_1871, %dma_wait3A_1872] : memref<32x8x128xf32, #tpu.memory_space<vmem>> -> memref<1x8x128xf32, #tpu.memory_space<vmem>>
    %dma_wait3A_1874 = tpu.memref_squeeze %dma_wait3A_1873 : memref<1x8x128xf32, #tpu.memory_space<vmem>> -> memref<8x128xf32, #tpu.memory_space<vmem>>
    %dma_wait3A_1875 = arith.constant 0 : i32
    %dma_wait3A_1876 = arith.constant 0 : i32
    %dma_wait3A_1877 = tpu.memref_slice %arg2[%dma_wait3A_1875, %dma_wait3A_1876] : memref<1024x100000xf32, #tpu.memory_space<hbm>> -> memref<8x128xf32, #tpu.memory_space<hbm>>
    %dma_wait3A_1878 = arith.constant 0 : i32
    %dma_wait3A_1879 = arith.constant 0 : i32
    %dma_wait3A_1880 = tpu.memref_slice %arg6[%dma_wait3A_1870, %dma_wait3A_1878, %dma_wait3A_1879] : memref<32x8x128xf32, #tpu.memory_space<vmem>> -> memref<1x8x128xf32, #tpu.memory_space<vmem>>
    %dma_wait3A_1881 = tpu.memref_squeeze %dma_wait3A_1880 : memref<1x8x128xf32, #tpu.memory_space<vmem>> -> memref<8x128xf32, #tpu.memory_space<vmem>>
    %dma_wait3A_1882 = arith.constant 0 : i32
    %dma_wait3A_1883 = arith.constant 0 : i32
    %dma_wait3A_1884 = tpu.memref_slice %arg2[%dma_wait3A_1882, %dma_wait3A_1883] : memref<1024x100000xf32, #tpu.memory_space<hbm>> -> memref<8x128xf32, #tpu.memory_space<hbm>>
    tpu.wait_dma2 semaphore(%arg8 : memref<!tpu.dma_semaphore, #tpu.memory_space<semaphore_mem>>) src(%dma_wait3A_1884 : memref<8x128xf32, #tpu.memory_space<hbm>>) dst(%dma_wait3A_1881 : memref<8x128xf32, #tpu.memory_space<vmem>>)
    %dma_wait3A_1885 = arith.constant 22 : i32
    %dma_wait3A_1886 = arith.constant 0 : i32
    %dma_wait3A_1887 = arith.constant 0 : i32
    %dma_wait3A_1888 = tpu.memref_slice %arg6[%dma_wait3A_1885, %dma_wait3A_1886, %dma_wait3A_1887] : memref<32x8x128xf32, #tpu.memory_space<vmem>> -> memref<1x8x128xf32, #tpu.memory_space<vmem>>
    %dma_wait3A_1889 = tpu.memref_squeeze %dma_wait3A_1888 : memref<1x8x128xf32, #tpu.memory_space<vmem>> -> memref<8x128xf32, #tpu.memory_space<vmem>>
    %dma_wait3A_1890 = arith.constant 0 : i32
    %dma_wait3A_1891 = arith.constant 0 : i32
    %dma_wait3A_1892 = tpu.memref_slice %arg2[%dma_wait3A_1890, %dma_wait3A_1891] : memref<1024x100000xf32, #tpu.memory_space<hbm>> -> memref<8x128xf32, #tpu.memory_space<hbm>>
    %dma_wait3A_1893 = arith.constant 0 : i32
    %dma_wait3A_1894 = arith.constant 0 : i32
    %dma_wait3A_1895 = tpu.memref_slice %arg6[%dma_wait3A_1885, %dma_wait3A_1893, %dma_wait3A_1894] : memref<32x8x128xf32, #tpu.memory_space<vmem>> -> memref<1x8x128xf32, #tpu.memory_space<vmem>>
    %dma_wait3A_1896 = tpu.memref_squeeze %dma_wait3A_1895 : memref<1x8x128xf32, #tpu.memory_space<vmem>> -> memref<8x128xf32, #tpu.memory_space<vmem>>
    %dma_wait3A_1897 = arith.constant 0 : i32
    %dma_wait3A_1898 = arith.constant 0 : i32
    %dma_wait3A_1899 = tpu.memref_slice %arg2[%dma_wait3A_1897, %dma_wait3A_1898] : memref<1024x100000xf32, #tpu.memory_space<hbm>> -> memref<8x128xf32, #tpu.memory_space<hbm>>
    tpu.wait_dma2 semaphore(%arg8 : memref<!tpu.dma_semaphore, #tpu.memory_space<semaphore_mem>>) src(%dma_wait3A_1899 : memref<8x128xf32, #tpu.memory_space<hbm>>) dst(%dma_wait3A_1896 : memref<8x128xf32, #tpu.memory_space<vmem>>)
    %dma_wait3A_1900 = arith.constant 23 : i32
    %dma_wait3A_1901 = arith.constant 0 : i32
    %dma_wait3A_1902 = arith.constant 0 : i32
    %dma_wait3A_1903 = tpu.memref_slice %arg6[%dma_wait3A_1900, %dma_wait3A_1901, %dma_wait3A_1902] : memref<32x8x128xf32, #tpu.memory_space<vmem>> -> memref<1x8x128xf32, #tpu.memory_space<vmem>>
    %dma_wait3A_1904 = tpu.memref_squeeze %dma_wait3A_1903 : memref<1x8x128xf32, #tpu.memory_space<vmem>> -> memref<8x128xf32, #tpu.memory_space<vmem>>
    %dma_wait3A_1905 = arith.constant 0 : i32
    %dma_wait3A_1906 = arith.constant 0 : i32
    %dma_wait3A_1907 = tpu.memref_slice %arg2[%dma_wait3A_1905, %dma_wait3A_1906] : memref<1024x100000xf32, #tpu.memory_space<hbm>> -> memref<8x128xf32, #tpu.memory_space<hbm>>
    %dma_wait3A_1908 = arith.constant 0 : i32
    %dma_wait3A_1909 = arith.constant 0 : i32
    %dma_wait3A_1910 = tpu.memref_slice %arg6[%dma_wait3A_1900, %dma_wait3A_1908, %dma_wait3A_1909] : memref<32x8x128xf32, #tpu.memory_space<vmem>> -> memref<1x8x128xf32, #tpu.memory_space<vmem>>
    %dma_wait3A_1911 = tpu.memref_squeeze %dma_wait3A_1910 : memref<1x8x128xf32, #tpu.memory_space<vmem>> -> memref<8x128xf32, #tpu.memory_space<vmem>>
    %dma_wait3A_1912 = arith.constant 0 : i32
    %dma_wait3A_1913 = arith.constant 0 : i32
    %dma_wait3A_1914 = tpu.memref_slice %arg2[%dma_wait3A_1912, %dma_wait3A_1913] : memref<1024x100000xf32, #tpu.memory_space<hbm>> -> memref<8x128xf32, #tpu.memory_space<hbm>>
    tpu.wait_dma2 semaphore(%arg8 : memref<!tpu.dma_semaphore, #tpu.memory_space<semaphore_mem>>) src(%dma_wait3A_1914 : memref<8x128xf32, #tpu.memory_space<hbm>>) dst(%dma_wait3A_1911 : memref<8x128xf32, #tpu.memory_space<vmem>>)
    %dma_wait3A_1915 = arith.constant 24 : i32
    %dma_wait3A_1916 = arith.constant 0 : i32
    %dma_wait3A_1917 = arith.constant 0 : i32
    %dma_wait3A_1918 = tpu.memref_slice %arg6[%dma_wait3A_1915, %dma_wait3A_1916, %dma_wait3A_1917] : memref<32x8x128xf32, #tpu.memory_space<vmem>> -> memref<1x8x128xf32, #tpu.memory_space<vmem>>
    %dma_wait3A_1919 = tpu.memref_squeeze %dma_wait3A_1918 : memref<1x8x128xf32, #tpu.memory_space<vmem>> -> memref<8x128xf32, #tpu.memory_space<vmem>>
    %dma_wait3A_1920 = arith.constant 0 : i32
    %dma_wait3A_1921 = arith.constant 0 : i32
    %dma_wait3A_1922 = tpu.memref_slice %arg2[%dma_wait3A_1920, %dma_wait3A_1921] : memref<1024x100000xf32, #tpu.memory_space<hbm>> -> memref<8x128xf32, #tpu.memory_space<hbm>>
    %dma_wait3A_1923 = arith.constant 0 : i32
    %dma_wait3A_1924 = arith.constant 0 : i32
    %dma_wait3A_1925 = tpu.memref_slice %arg6[%dma_wait3A_1915, %dma_wait3A_1923, %dma_wait3A_1924] : memref<32x8x128xf32, #tpu.memory_space<vmem>> -> memref<1x8x128xf32, #tpu.memory_space<vmem>>
    %dma_wait3A_1926 = tpu.memref_squeeze %dma_wait3A_1925 : memref<1x8x128xf32, #tpu.memory_space<vmem>> -> memref<8x128xf32, #tpu.memory_space<vmem>>
    %dma_wait3A_1927 = arith.constant 0 : i32
    %dma_wait3A_1928 = arith.constant 0 : i32
    %dma_wait3A_1929 = tpu.memref_slice %arg2[%dma_wait3A_1927, %dma_wait3A_1928] : memref<1024x100000xf32, #tpu.memory_space<hbm>> -> memref<8x128xf32, #tpu.memory_space<hbm>>
    tpu.wait_dma2 semaphore(%arg8 : memref<!tpu.dma_semaphore, #tpu.memory_space<semaphore_mem>>) src(%dma_wait3A_1929 : memref<8x128xf32, #tpu.memory_space<hbm>>) dst(%dma_wait3A_1926 : memref<8x128xf32, #tpu.memory_space<vmem>>)
    %dma_wait3A_1930 = arith.constant 25 : i32
    %dma_wait3A_1931 = arith.constant 0 : i32
    %dma_wait3A_1932 = arith.constant 0 : i32
    %dma_wait3A_1933 = tpu.memref_slice %arg6[%dma_wait3A_1930, %dma_wait3A_1931, %dma_wait3A_1932] : memref<32x8x128xf32, #tpu.memory_space<vmem>> -> memref<1x8x128xf32, #tpu.memory_space<vmem>>
    %dma_wait3A_1934 = tpu.memref_squeeze %dma_wait3A_1933 : memref<1x8x128xf32, #tpu.memory_space<vmem>> -> memref<8x128xf32, #tpu.memory_space<vmem>>
    %dma_wait3A_1935 = arith.constant 0 : i32
    %dma_wait3A_1936 = arith.constant 0 : i32
    %dma_wait3A_1937 = tpu.memref_slice %arg2[%dma_wait3A_1935, %dma_wait3A_1936] : memref<1024x100000xf32, #tpu.memory_space<hbm>> -> memref<8x128xf32, #tpu.memory_space<hbm>>
    %dma_wait3A_1938 = arith.constant 0 : i32
    %dma_wait3A_1939 = arith.constant 0 : i32
    %dma_wait3A_1940 = tpu.memref_slice %arg6[%dma_wait3A_1930, %dma_wait3A_1938, %dma_wait3A_1939] : memref<32x8x128xf32, #tpu.memory_space<vmem>> -> memref<1x8x128xf32, #tpu.memory_space<vmem>>
    %dma_wait3A_1941 = tpu.memref_squeeze %dma_wait3A_1940 : memref<1x8x128xf32, #tpu.memory_space<vmem>> -> memref<8x128xf32, #tpu.memory_space<vmem>>
    %dma_wait3A_1942 = arith.constant 0 : i32
    %dma_wait3A_1943 = arith.constant 0 : i32
    %dma_wait3A_1944 = tpu.memref_slice %arg2[%dma_wait3A_1942, %dma_wait3A_1943] : memref<1024x100000xf32, #tpu.memory_space<hbm>> -> memref<8x128xf32, #tpu.memory_space<hbm>>
    tpu.wait_dma2 semaphore(%arg8 : memref<!tpu.dma_semaphore, #tpu.memory_space<semaphore_mem>>) src(%dma_wait3A_1944 : memref<8x128xf32, #tpu.memory_space<hbm>>) dst(%dma_wait3A_1941 : memref<8x128xf32, #tpu.memory_space<vmem>>)
    %dma_wait3A_1945 = arith.constant 26 : i32
    %dma_wait3A_1946 = arith.constant 0 : i32
    %dma_wait3A_1947 = arith.constant 0 : i32
    %dma_wait3A_1948 = tpu.memref_slice %arg6[%dma_wait3A_1945, %dma_wait3A_1946, %dma_wait3A_1947] : memref<32x8x128xf32, #tpu.memory_space<vmem>> -> memref<1x8x128xf32, #tpu.memory_space<vmem>>
    %dma_wait3A_1949 = tpu.memref_squeeze %dma_wait3A_1948 : memref<1x8x128xf32, #tpu.memory_space<vmem>> -> memref<8x128xf32, #tpu.memory_space<vmem>>
    %dma_wait3A_1950 = arith.constant 0 : i32
    %dma_wait3A_1951 = arith.constant 0 : i32
    %dma_wait3A_1952 = tpu.memref_slice %arg2[%dma_wait3A_1950, %dma_wait3A_1951] : memref<1024x100000xf32, #tpu.memory_space<hbm>> -> memref<8x128xf32, #tpu.memory_space<hbm>>
    %dma_wait3A_1953 = arith.constant 0 : i32
    %dma_wait3A_1954 = arith.constant 0 : i32
    %dma_wait3A_1955 = tpu.memref_slice %arg6[%dma_wait3A_1945, %dma_wait3A_1953, %dma_wait3A_1954] : memref<32x8x128xf32, #tpu.memory_space<vmem>> -> memref<1x8x128xf32, #tpu.memory_space<vmem>>
    %dma_wait3A_1956 = tpu.memref_squeeze %dma_wait3A_1955 : memref<1x8x128xf32, #tpu.memory_space<vmem>> -> memref<8x128xf32, #tpu.memory_space<vmem>>
    %dma_wait3A_1957 = arith.constant 0 : i32
    %dma_wait3A_1958 = arith.constant 0 : i32
    %dma_wait3A_1959 = tpu.memref_slice %arg2[%dma_wait3A_1957, %dma_wait3A_1958] : memref<1024x100000xf32, #tpu.memory_space<hbm>> -> memref<8x128xf32, #tpu.memory_space<hbm>>
    tpu.wait_dma2 semaphore(%arg8 : memref<!tpu.dma_semaphore, #tpu.memory_space<semaphore_mem>>) src(%dma_wait3A_1959 : memref<8x128xf32, #tpu.memory_space<hbm>>) dst(%dma_wait3A_1956 : memref<8x128xf32, #tpu.memory_space<vmem>>)
    %dma_wait3A_1960 = arith.constant 27 : i32
    %dma_wait3A_1961 = arith.constant 0 : i32
    %dma_wait3A_1962 = arith.constant 0 : i32
    %dma_wait3A_1963 = tpu.memref_slice %arg6[%dma_wait3A_1960, %dma_wait3A_1961, %dma_wait3A_1962] : memref<32x8x128xf32, #tpu.memory_space<vmem>> -> memref<1x8x128xf32, #tpu.memory_space<vmem>>
    %dma_wait3A_1964 = tpu.memref_squeeze %dma_wait3A_1963 : memref<1x8x128xf32, #tpu.memory_space<vmem>> -> memref<8x128xf32, #tpu.memory_space<vmem>>
    %dma_wait3A_1965 = arith.constant 0 : i32
    %dma_wait3A_1966 = arith.constant 0 : i32
    %dma_wait3A_1967 = tpu.memref_slice %arg2[%dma_wait3A_1965, %dma_wait3A_1966] : memref<1024x100000xf32, #tpu.memory_space<hbm>> -> memref<8x128xf32, #tpu.memory_space<hbm>>
    %dma_wait3A_1968 = arith.constant 0 : i32
    %dma_wait3A_1969 = arith.constant 0 : i32
    %dma_wait3A_1970 = tpu.memref_slice %arg6[%dma_wait3A_1960, %dma_wait3A_1968, %dma_wait3A_1969] : memref<32x8x128xf32, #tpu.memory_space<vmem>> -> memref<1x8x128xf32, #tpu.memory_space<vmem>>
    %dma_wait3A_1971 = tpu.memref_squeeze %dma_wait3A_1970 : memref<1x8x128xf32, #tpu.memory_space<vmem>> -> memref<8x128xf32, #tpu.memory_space<vmem>>
    %dma_wait3A_1972 = arith.constant 0 : i32
    %dma_wait3A_1973 = arith.constant 0 : i32
    %dma_wait3A_1974 = tpu.memref_slice %arg2[%dma_wait3A_1972, %dma_wait3A_1973] : memref<1024x100000xf32, #tpu.memory_space<hbm>> -> memref<8x128xf32, #tpu.memory_space<hbm>>
    tpu.wait_dma2 semaphore(%arg8 : memref<!tpu.dma_semaphore, #tpu.memory_space<semaphore_mem>>) src(%dma_wait3A_1974 : memref<8x128xf32, #tpu.memory_space<hbm>>) dst(%dma_wait3A_1971 : memref<8x128xf32, #tpu.memory_space<vmem>>)
    %dma_wait3A_1975 = arith.constant 28 : i32
    %dma_wait3A_1976 = arith.constant 0 : i32
    %dma_wait3A_1977 = arith.constant 0 : i32
    %dma_wait3A_1978 = tpu.memref_slice %arg6[%dma_wait3A_1975, %dma_wait3A_1976, %dma_wait3A_1977] : memref<32x8x128xf32, #tpu.memory_space<vmem>> -> memref<1x8x128xf32, #tpu.memory_space<vmem>>
    %dma_wait3A_1979 = tpu.memref_squeeze %dma_wait3A_1978 : memref<1x8x128xf32, #tpu.memory_space<vmem>> -> memref<8x128xf32, #tpu.memory_space<vmem>>
    %dma_wait3A_1980 = arith.constant 0 : i32
    %dma_wait3A_1981 = arith.constant 0 : i32
    %dma_wait3A_1982 = tpu.memref_slice %arg2[%dma_wait3A_1980, %dma_wait3A_1981] : memref<1024x100000xf32, #tpu.memory_space<hbm>> -> memref<8x128xf32, #tpu.memory_space<hbm>>
    %dma_wait3A_1983 = arith.constant 0 : i32
    %dma_wait3A_1984 = arith.constant 0 : i32
    %dma_wait3A_1985 = tpu.memref_slice %arg6[%dma_wait3A_1975, %dma_wait3A_1983, %dma_wait3A_1984] : memref<32x8x128xf32, #tpu.memory_space<vmem>> -> memref<1x8x128xf32, #tpu.memory_space<vmem>>
    %dma_wait3A_1986 = tpu.memref_squeeze %dma_wait3A_1985 : memref<1x8x128xf32, #tpu.memory_space<vmem>> -> memref<8x128xf32, #tpu.memory_space<vmem>>
    %dma_wait3A_1987 = arith.constant 0 : i32
    %dma_wait3A_1988 = arith.constant 0 : i32
    %dma_wait3A_1989 = tpu.memref_slice %arg2[%dma_wait3A_1987, %dma_wait3A_1988] : memref<1024x100000xf32, #tpu.memory_space<hbm>> -> memref<8x128xf32, #tpu.memory_space<hbm>>
    tpu.wait_dma2 semaphore(%arg8 : memref<!tpu.dma_semaphore, #tpu.memory_space<semaphore_mem>>) src(%dma_wait3A_1989 : memref<8x128xf32, #tpu.memory_space<hbm>>) dst(%dma_wait3A_1986 : memref<8x128xf32, #tpu.memory_space<vmem>>)
    %dma_wait3A_1990 = arith.constant 29 : i32
    %dma_wait3A_1991 = arith.constant 0 : i32
    %dma_wait3A_1992 = arith.constant 0 : i32
    %dma_wait3A_1993 = tpu.memref_slice %arg6[%dma_wait3A_1990, %dma_wait3A_1991, %dma_wait3A_1992] : memref<32x8x128xf32, #tpu.memory_space<vmem>> -> memref<1x8x128xf32, #tpu.memory_space<vmem>>
    %dma_wait3A_1994 = tpu.memref_squeeze %dma_wait3A_1993 : memref<1x8x128xf32, #tpu.memory_space<vmem>> -> memref<8x128xf32, #tpu.memory_space<vmem>>
    %dma_wait3A_1995 = arith.constant 0 : i32
    %dma_wait3A_1996 = arith.constant 0 : i32
    %dma_wait3A_1997 = tpu.memref_slice %arg2[%dma_wait3A_1995, %dma_wait3A_1996] : memref<1024x100000xf32, #tpu.memory_space<hbm>> -> memref<8x128xf32, #tpu.memory_space<hbm>>
    %dma_wait3A_1998 = arith.constant 0 : i32
    %dma_wait3A_1999 = arith.constant 0 : i32
    %dma_wait3A_2000 = tpu.memref_slice %arg6[%dma_wait3A_1990, %dma_wait3A_1998, %dma_wait3A_1999] : memref<32x8x128xf32, #tpu.memory_space<vmem>> -> memref<1x8x128xf32, #tpu.memory_space<vmem>>
    %dma_wait3A_2001 = tpu.memref_squeeze %dma_wait3A_2000 : memref<1x8x128xf32, #tpu.memory_space<vmem>> -> memref<8x128xf32, #tpu.memory_space<vmem>>
    %dma_wait3A_2002 = arith.constant 0 : i32
    %dma_wait3A_2003 = arith.constant 0 : i32
    %dma_wait3A_2004 = tpu.memref_slice %arg2[%dma_wait3A_2002, %dma_wait3A_2003] : memref<1024x100000xf32, #tpu.memory_space<hbm>> -> memref<8x128xf32, #tpu.memory_space<hbm>>
    tpu.wait_dma2 semaphore(%arg8 : memref<!tpu.dma_semaphore, #tpu.memory_space<semaphore_mem>>) src(%dma_wait3A_2004 : memref<8x128xf32, #tpu.memory_space<hbm>>) dst(%dma_wait3A_2001 : memref<8x128xf32, #tpu.memory_space<vmem>>)
    %dma_wait3A_2005 = arith.constant 30 : i32
    %dma_wait3A_2006 = arith.constant 0 : i32
    %dma_wait3A_2007 = arith.constant 0 : i32
    %dma_wait3A_2008 = tpu.memref_slice %arg6[%dma_wait3A_2005, %dma_wait3A_2006, %dma_wait3A_2007] : memref<32x8x128xf32, #tpu.memory_space<vmem>> -> memref<1x8x128xf32, #tpu.memory_space<vmem>>
    %dma_wait3A_2009 = tpu.memref_squeeze %dma_wait3A_2008 : memref<1x8x128xf32, #tpu.memory_space<vmem>> -> memref<8x128xf32, #tpu.memory_space<vmem>>
    %dma_wait3A_2010 = arith.constant 0 : i32
    %dma_wait3A_2011 = arith.constant 0 : i32
    %dma_wait3A_2012 = tpu.memref_slice %arg2[%dma_wait3A_2010, %dma_wait3A_2011] : memref<1024x100000xf32, #tpu.memory_space<hbm>> -> memref<8x128xf32, #tpu.memory_space<hbm>>
    %dma_wait3A_2013 = arith.constant 0 : i32
    %dma_wait3A_2014 = arith.constant 0 : i32
    %dma_wait3A_2015 = tpu.memref_slice %arg6[%dma_wait3A_2005, %dma_wait3A_2013, %dma_wait3A_2014] : memref<32x8x128xf32, #tpu.memory_space<vmem>> -> memref<1x8x128xf32, #tpu.memory_space<vmem>>
    %dma_wait3A_2016 = tpu.memref_squeeze %dma_wait3A_2015 : memref<1x8x128xf32, #tpu.memory_space<vmem>> -> memref<8x128xf32, #tpu.memory_space<vmem>>
    %dma_wait3A_2017 = arith.constant 0 : i32
    %dma_wait3A_2018 = arith.constant 0 : i32
    %dma_wait3A_2019 = tpu.memref_slice %arg2[%dma_wait3A_2017, %dma_wait3A_2018] : memref<1024x100000xf32, #tpu.memory_space<hbm>> -> memref<8x128xf32, #tpu.memory_space<hbm>>
    tpu.wait_dma2 semaphore(%arg8 : memref<!tpu.dma_semaphore, #tpu.memory_space<semaphore_mem>>) src(%dma_wait3A_2019 : memref<8x128xf32, #tpu.memory_space<hbm>>) dst(%dma_wait3A_2016 : memref<8x128xf32, #tpu.memory_space<vmem>>)
    %dma_wait3A_2020 = arith.constant 31 : i32
    %dma_wait3A_2021 = arith.constant 0 : i32
    %dma_wait3A_2022 = arith.constant 0 : i32
    %dma_wait3A_2023 = tpu.memref_slice %arg6[%dma_wait3A_2020, %dma_wait3A_2021, %dma_wait3A_2022] : memref<32x8x128xf32, #tpu.memory_space<vmem>> -> memref<1x8x128xf32, #tpu.memory_space<vmem>>
    %dma_wait3A_2024 = tpu.memref_squeeze %dma_wait3A_2023 : memref<1x8x128xf32, #tpu.memory_space<vmem>> -> memref<8x128xf32, #tpu.memory_space<vmem>>
    %dma_wait3A_2025 = arith.constant 0 : i32
    %dma_wait3A_2026 = arith.constant 0 : i32
    %dma_wait3A_2027 = tpu.memref_slice %arg2[%dma_wait3A_2025, %dma_wait3A_2026] : memref<1024x100000xf32, #tpu.memory_space<hbm>> -> memref<8x128xf32, #tpu.memory_space<hbm>>
    %dma_wait3A_2028 = arith.constant 0 : i32
    %dma_wait3A_2029 = arith.constant 0 : i32
    %dma_wait3A_2030 = tpu.memref_slice %arg6[%dma_wait3A_2020, %dma_wait3A_2028, %dma_wait3A_2029] : memref<32x8x128xf32, #tpu.memory_space<vmem>> -> memref<1x8x128xf32, #tpu.memory_space<vmem>>
    %dma_wait3A_2031 = tpu.memref_squeeze %dma_wait3A_2030 : memref<1x8x128xf32, #tpu.memory_space<vmem>> -> memref<8x128xf32, #tpu.memory_space<vmem>>
    %dma_wait3A_2032 = arith.constant 0 : i32
    %dma_wait3A_2033 = arith.constant 0 : i32
    %dma_wait3A_2034 = tpu.memref_slice %arg2[%dma_wait3A_2032, %dma_wait3A_2033] : memref<1024x100000xf32, #tpu.memory_space<hbm>> -> memref<8x128xf32, #tpu.memory_space<hbm>>
    tpu.wait_dma2 semaphore(%arg8 : memref<!tpu.dma_semaphore, #tpu.memory_space<semaphore_mem>>) src(%dma_wait3A_2034 : memref<8x128xf32, #tpu.memory_space<hbm>>) dst(%dma_wait3A_2031 : memref<8x128xf32, #tpu.memory_space<vmem>>)
    %broadcast_in_dim3A = arith.constant 0 : i32
    %broadcast_in_dim3A_2035 = vector.broadcast %broadcast_in_dim3A : i32 to vector<16xi32>
    %gather3A = tpu.vector_load_idx %arg5[%broadcast_in_dim3A_2035] : memref<32xi32, #tpu.memory_space<vmem>>[vector<16xi32>], vector<16xi32>,
    %jit3A_2036 = arith.constant 0 : i32
    %jit3A_2037 = arith.constant 99999 : i32
    %max3A_2038 = vector.broadcast %jit3A_2036 : i32 to vector<16xi32>
    %max3A_2039 = arith.maxsi %max3A_2038, %gather3A : vector<16xi32>
    %min3A_2040 = vector.broadcast %jit3A_2037 : i32 to vector<16xi32>
    %min3A_2041 = arith.minsi %min3A_2040, %max3A_2039 : vector<16xi32>
    %broadcast_in_dim3A_2042 = arith.constant 0 : i32
    %broadcast_in_dim3A_2043 = vector.broadcast %broadcast_in_dim3A_2042 : i32 to vector<16xi32>
    %broadcast_in_dim3A_2044 = arith.constant 0 : i32
    %broadcast_in_dim3A_2045 = vector.broadcast %broadcast_in_dim3A_2044 : i32 to vector<16xi32>
    %jit3A_2046 = arith.constant 128 : i32
    %eq3A = arith.constant 0 : i32
    %eq3A_2047 = arith.cmpi eq, %jit3A_2046, %eq3A : i32
    %jit3A_2048 = arith.constant 1 : i32
    %select_n3A_2049 = arith.select %eq3A_2047, %jit3A_2048, %jit3A_2046 : i32
    %rem3A_2050 = vector.broadcast %select_n3A_2049 : i32 to vector<16xi32>
    %rem3A_2051 = arith.remsi %min3A_2041, %rem3A_2050 : vector<16xi32>
    %ne3A_2052 = arith.constant 0 : i32
    %ne3A_2053 = vector.broadcast %ne3A_2052 : i32 to vector<16xi32>
    %ne3A_2054 = arith.cmpi ne, %rem3A_2051, %ne3A_2053 : vector<16xi32>
    %lt3A = arith.constant 0 : i32
    %lt3A_2055 = vector.broadcast %lt3A : i32 to vector<16xi32>
    %lt3A_2056 = arith.cmpi slt, %rem3A_2051, %lt3A_2055 : vector<16xi32>
    %lt3A_2057 = arith.constant 0 : i32
    %lt3A_2058 = arith.cmpi slt, %select_n3A_2049, %lt3A_2057 : i32
    %ne3A_2059 = vector.broadcast %lt3A_2058 : i1 to vector<16xi1>
    %ne3A_2060 = vector.broadcast %ne3A_2059 : vector<16xi1> to vector<16xi1>
    %ne3A_2061 = arith.xori %lt3A_2056, %ne3A_2060 : vector<16xi1>
    %and3A_2062 = arith.andi %ne3A_2061, %ne3A_2054 : vector<16xi1>
    %add3A_2063 = vector.broadcast %select_n3A_2049 : i32 to vector<16xi32>
    %add3A_2064 = arith.addi %rem3A_2051, %add3A_2063 : vector<16xi32>
    %select_n3A_2065 = arith.select %and3A_2062, %add3A_2064, %rem3A_2051 : vector<16xi1>, vector<16xi32>
    %gather3A_2066 = tpu.vector_load_idx %arg6[%broadcast_in_dim3A_2043, %broadcast_in_dim3A_2045, %select_n3A_2065] : memref<32x8x128xf32, #tpu.memory_space<vmem>>[vector<16xi32>, vector<16xi32>, vector<16xi32>], vector<16xf32>,
    %swap3A = arith.constant 0 : index
    %swap3A_2067 = tpu.vector_load %arg7[%swap3A] {strides = array<i32>} : memref<512xf32, #tpu.memory_space<vmem>>, vector<16xf32>,
    tpu.vector_store %arg7[%swap3A], %gather3A_2066 {strides = array<i32>} : memref<512xf32, #tpu.memory_space<vmem>>, vector<16xf32>,
    %broadcast_in_dim3A_2068 = arith.constant 1 : i32
    %broadcast_in_dim3A_2069 = vector.broadcast %broadcast_in_dim3A_2068 : i32 to vector<16xi32>
    %gather3A_2070 = tpu.vector_load_idx %arg5[%broadcast_in_dim3A_2069] : memref<32xi32, #tpu.memory_space<vmem>>[vector<16xi32>], vector<16xi32>,
    %jit3A_2071 = arith.constant 0 : i32
    %jit3A_2072 = arith.constant 99999 : i32
    %max3A_2073 = vector.broadcast %jit3A_2071 : i32 to vector<16xi32>
    %max3A_2074 = arith.maxsi %max3A_2073, %gather3A_2070 : vector<16xi32>
    %min3A_2075 = vector.broadcast %jit3A_2072 : i32 to vector<16xi32>
    %min3A_2076 = arith.minsi %min3A_2075, %max3A_2074 : vector<16xi32>
    %broadcast_in_dim3A_2077 = arith.constant 1 : i32
    %broadcast_in_dim3A_2078 = vector.broadcast %broadcast_in_dim3A_2077 : i32 to vector<16xi32>
    %broadcast_in_dim3A_2079 = arith.constant 1 : i32
    %broadcast_in_dim3A_2080 = vector.broadcast %broadcast_in_dim3A_2079 : i32 to vector<16xi32>
    %jit3A_2081 = arith.constant 128 : i32
    %eq3A_2082 = arith.constant 0 : i32
    %eq3A_2083 = arith.cmpi eq, %jit3A_2081, %eq3A_2082 : i32
    %jit3A_2084 = arith.constant 1 : i32
    %select_n3A_2085 = arith.select %eq3A_2083, %jit3A_2084, %jit3A_2081 : i32
    %rem3A_2086 = vector.broadcast %select_n3A_2085 : i32 to vector<16xi32>
    %rem3A_2087 = arith.remsi %min3A_2076, %rem3A_2086 : vector<16xi32>
    %ne3A_2088 = arith.constant 0 : i32
    %ne3A_2089 = vector.broadcast %ne3A_2088 : i32 to vector<16xi32>
    %ne3A_2090 = arith.cmpi ne, %rem3A_2087, %ne3A_2089 : vector<16xi32>
    %lt3A_2091 = arith.constant 0 : i32
    %lt3A_2092 = vector.broadcast %lt3A_2091 : i32 to vector<16xi32>
    %lt3A_2093 = arith.cmpi slt, %rem3A_2087, %lt3A_2092 : vector<16xi32>
    %lt3A_2094 = arith.constant 0 : i32
    %lt3A_2095 = arith.cmpi slt, %select_n3A_2085, %lt3A_2094 : i32
    %ne3A_2096 = vector.broadcast %lt3A_2095 : i1 to vector<16xi1>
    %ne3A_2097 = vector.broadcast %ne3A_2096 : vector<16xi1> to vector<16xi1>
    %ne3A_2098 = arith.xori %lt3A_2093, %ne3A_2097 : vector<16xi1>
    %and3A_2099 = arith.andi %ne3A_2098, %ne3A_2090 : vector<16xi1>
    %add3A_2100 = vector.broadcast %select_n3A_2085 : i32 to vector<16xi32>
    %add3A_2101 = arith.addi %rem3A_2087, %add3A_2100 : vector<16xi32>
    %select_n3A_2102 = arith.select %and3A_2099, %add3A_2101, %rem3A_2087 : vector<16xi1>, vector<16xi32>
    %gather3A_2103 = tpu.vector_load_idx %arg6[%broadcast_in_dim3A_2078, %broadcast_in_dim3A_2080, %select_n3A_2102] : memref<32x8x128xf32, #tpu.memory_space<vmem>>[vector<16xi32>, vector<16xi32>, vector<16xi32>], vector<16xf32>,
    %swap3A_2104 = arith.constant 16 : index
    %swap3A_2105 = tpu.vector_load %arg7[%swap3A_2104] {strides = array<i32>} : memref<512xf32, #tpu.memory_space<vmem>>, vector<16xf32>,
    tpu.vector_store %arg7[%swap3A_2104], %gather3A_2103 {strides = array<i32>} : memref<512xf32, #tpu.memory_space<vmem>>, vector<16xf32>,
    %broadcast_in_dim3A_2106 = arith.constant 2 : i32
    %broadcast_in_dim3A_2107 = vector.broadcast %broadcast_in_dim3A_2106 : i32 to vector<16xi32>
    %gather3A_2108 = tpu.vector_load_idx %arg5[%broadcast_in_dim3A_2107] : memref<32xi32, #tpu.memory_space<vmem>>[vector<16xi32>], vector<16xi32>,
    %jit3A_2109 = arith.constant 0 : i32
    %jit3A_2110 = arith.constant 99999 : i32
    %max3A_2111 = vector.broadcast %jit3A_2109 : i32 to vector<16xi32>
    %max3A_2112 = arith.maxsi %max3A_2111, %gather3A_2108 : vector<16xi32>
    %min3A_2113 = vector.broadcast %jit3A_2110 : i32 to vector<16xi32>
    %min3A_2114 = arith.minsi %min3A_2113, %max3A_2112 : vector<16xi32>
    %broadcast_in_dim3A_2115 = arith.constant 2 : i32
    %broadcast_in_dim3A_2116 = vector.broadcast %broadcast_in_dim3A_2115 : i32 to vector<16xi32>
    %broadcast_in_dim3A_2117 = arith.constant 2 : i32
    %broadcast_in_dim3A_2118 = vector.broadcast %broadcast_in_dim3A_2117 : i32 to vector<16xi32>
    %jit3A_2119 = arith.constant 128 : i32
    %eq3A_2120 = arith.constant 0 : i32
    %eq3A_2121 = arith.cmpi eq, %jit3A_2119, %eq3A_2120 : i32
    %jit3A_2122 = arith.constant 1 : i32
    %select_n3A_2123 = arith.select %eq3A_2121, %jit3A_2122, %jit3A_2119 : i32
    %rem3A_2124 = vector.broadcast %select_n3A_2123 : i32 to vector<16xi32>
    %rem3A_2125 = arith.remsi %min3A_2114, %rem3A_2124 : vector<16xi32>
    %ne3A_2126 = arith.constant 0 : i32
    %ne3A_2127 = vector.broadcast %ne3A_2126 : i32 to vector<16xi32>
    %ne3A_2128 = arith.cmpi ne, %rem3A_2125, %ne3A_2127 : vector<16xi32>
    %lt3A_2129 = arith.constant 0 : i32
    %lt3A_2130 = vector.broadcast %lt3A_2129 : i32 to vector<16xi32>
    %lt3A_2131 = arith.cmpi slt, %rem3A_2125, %lt3A_2130 : vector<16xi32>
    %lt3A_2132 = arith.constant 0 : i32
    %lt3A_2133 = arith.cmpi slt, %select_n3A_2123, %lt3A_2132 : i32
    %ne3A_2134 = vector.broadcast %lt3A_2133 : i1 to vector<16xi1>
    %ne3A_2135 = vector.broadcast %ne3A_2134 : vector<16xi1> to vector<16xi1>
    %ne3A_2136 = arith.xori %lt3A_2131, %ne3A_2135 : vector<16xi1>
    %and3A_2137 = arith.andi %ne3A_2136, %ne3A_2128 : vector<16xi1>
    %add3A_2138 = vector.broadcast %select_n3A_2123 : i32 to vector<16xi32>
    %add3A_2139 = arith.addi %rem3A_2125, %add3A_2138 : vector<16xi32>
    %select_n3A_2140 = arith.select %and3A_2137, %add3A_2139, %rem3A_2125 : vector<16xi1>, vector<16xi32>
    %gather3A_2141 = tpu.vector_load_idx %arg6[%broadcast_in_dim3A_2116, %broadcast_in_dim3A_2118, %select_n3A_2140] : memref<32x8x128xf32, #tpu.memory_space<vmem>>[vector<16xi32>, vector<16xi32>, vector<16xi32>], vector<16xf32>,
    %swap3A_2142 = arith.constant 32 : index
    %swap3A_2143 = tpu.vector_load %arg7[%swap3A_2142] {strides = array<i32>} : memref<512xf32, #tpu.memory_space<vmem>>, vector<16xf32>,
    tpu.vector_store %arg7[%swap3A_2142], %gather3A_2141 {strides = array<i32>} : memref<512xf32, #tpu.memory_space<vmem>>, vector<16xf32>,
    %broadcast_in_dim3A_2144 = arith.constant 3 : i32
    %broadcast_in_dim3A_2145 = vector.broadcast %broadcast_in_dim3A_2144 : i32 to vector<16xi32>
    %gather3A_2146 = tpu.vector_load_idx %arg5[%broadcast_in_dim3A_2145] : memref<32xi32, #tpu.memory_space<vmem>>[vector<16xi32>], vector<16xi32>,
    %jit3A_2147 = arith.constant 0 : i32
    %jit3A_2148 = arith.constant 99999 : i32
    %max3A_2149 = vector.broadcast %jit3A_2147 : i32 to vector<16xi32>
    %max3A_2150 = arith.maxsi %max3A_2149, %gather3A_2146 : vector<16xi32>
    %min3A_2151 = vector.broadcast %jit3A_2148 : i32 to vector<16xi32>
    %min3A_2152 = arith.minsi %min3A_2151, %max3A_2150 : vector<16xi32>
    %broadcast_in_dim3A_2153 = arith.constant 3 : i32
    %broadcast_in_dim3A_2154 = vector.broadcast %broadcast_in_dim3A_2153 : i32 to vector<16xi32>
    %broadcast_in_dim3A_2155 = arith.constant 3 : i32
    %broadcast_in_dim3A_2156 = vector.broadcast %broadcast_in_dim3A_2155 : i32 to vector<16xi32>
    %jit3A_2157 = arith.constant 128 : i32
    %eq3A_2158 = arith.constant 0 : i32
    %eq3A_2159 = arith.cmpi eq, %jit3A_2157, %eq3A_2158 : i32
    %jit3A_2160 = arith.constant 1 : i32
    %select_n3A_2161 = arith.select %eq3A_2159, %jit3A_2160, %jit3A_2157 : i32
    %rem3A_2162 = vector.broadcast %select_n3A_2161 : i32 to vector<16xi32>
    %rem3A_2163 = arith.remsi %min3A_2152, %rem3A_2162 : vector<16xi32>
    %ne3A_2164 = arith.constant 0 : i32
    %ne3A_2165 = vector.broadcast %ne3A_2164 : i32 to vector<16xi32>
    %ne3A_2166 = arith.cmpi ne, %rem3A_2163, %ne3A_2165 : vector<16xi32>
    %lt3A_2167 = arith.constant 0 : i32
    %lt3A_2168 = vector.broadcast %lt3A_2167 : i32 to vector<16xi32>
    %lt3A_2169 = arith.cmpi slt, %rem3A_2163, %lt3A_2168 : vector<16xi32>
    %lt3A_2170 = arith.constant 0 : i32
    %lt3A_2171 = arith.cmpi slt, %select_n3A_2161, %lt3A_2170 : i32
    %ne3A_2172 = vector.broadcast %lt3A_2171 : i1 to vector<16xi1>
    %ne3A_2173 = vector.broadcast %ne3A_2172 : vector<16xi1> to vector<16xi1>
    %ne3A_2174 = arith.xori %lt3A_2169, %ne3A_2173 : vector<16xi1>
    %and3A_2175 = arith.andi %ne3A_2174, %ne3A_2166 : vector<16xi1>
    %add3A_2176 = vector.broadcast %select_n3A_2161 : i32 to vector<16xi32>
    %add3A_2177 = arith.addi %rem3A_2163, %add3A_2176 : vector<16xi32>
    %select_n3A_2178 = arith.select %and3A_2175, %add3A_2177, %rem3A_2163 : vector<16xi1>, vector<16xi32>
    %gather3A_2179 = tpu.vector_load_idx %arg6[%broadcast_in_dim3A_2154, %broadcast_in_dim3A_2156, %select_n3A_2178] : memref<32x8x128xf32, #tpu.memory_space<vmem>>[vector<16xi32>, vector<16xi32>, vector<16xi32>], vector<16xf32>,
    %swap3A_2180 = arith.constant 48 : index
    %swap3A_2181 = tpu.vector_load %arg7[%swap3A_2180] {strides = array<i32>} : memref<512xf32, #tpu.memory_space<vmem>>, vector<16xf32>,
    tpu.vector_store %arg7[%swap3A_2180], %gather3A_2179 {strides = array<i32>} : memref<512xf32, #tpu.memory_space<vmem>>, vector<16xf32>,
    %broadcast_in_dim3A_2182 = arith.constant 4 : i32
    %broadcast_in_dim3A_2183 = vector.broadcast %broadcast_in_dim3A_2182 : i32 to vector<16xi32>
    %gather3A_2184 = tpu.vector_load_idx %arg5[%broadcast_in_dim3A_2183] : memref<32xi32, #tpu.memory_space<vmem>>[vector<16xi32>], vector<16xi32>,
    %jit3A_2185 = arith.constant 0 : i32
    %jit3A_2186 = arith.constant 99999 : i32
    %max3A_2187 = vector.broadcast %jit3A_2185 : i32 to vector<16xi32>
    %max3A_2188 = arith.maxsi %max3A_2187, %gather3A_2184 : vector<16xi32>
    %min3A_2189 = vector.broadcast %jit3A_2186 : i32 to vector<16xi32>
    %min3A_2190 = arith.minsi %min3A_2189, %max3A_2188 : vector<16xi32>
    %broadcast_in_dim3A_2191 = arith.constant 4 : i32
    %broadcast_in_dim3A_2192 = vector.broadcast %broadcast_in_dim3A_2191 : i32 to vector<16xi32>
    %broadcast_in_dim3A_2193 = arith.constant 4 : i32
    %broadcast_in_dim3A_2194 = vector.broadcast %broadcast_in_dim3A_2193 : i32 to vector<16xi32>
    %jit3A_2195 = arith.constant 128 : i32
    %eq3A_2196 = arith.constant 0 : i32
    %eq3A_2197 = arith.cmpi eq, %jit3A_2195, %eq3A_2196 : i32
    %jit3A_2198 = arith.constant 1 : i32
    %select_n3A_2199 = arith.select %eq3A_2197, %jit3A_2198, %jit3A_2195 : i32
    %rem3A_2200 = vector.broadcast %select_n3A_2199 : i32 to vector<16xi32>
    %rem3A_2201 = arith.remsi %min3A_2190, %rem3A_2200 : vector<16xi32>
    %ne3A_2202 = arith.constant 0 : i32
    %ne3A_2203 = vector.broadcast %ne3A_2202 : i32 to vector<16xi32>
    %ne3A_2204 = arith.cmpi ne, %rem3A_2201, %ne3A_2203 : vector<16xi32>
    %lt3A_2205 = arith.constant 0 : i32
    %lt3A_2206 = vector.broadcast %lt3A_2205 : i32 to vector<16xi32>
    %lt3A_2207 = arith.cmpi slt, %rem3A_2201, %lt3A_2206 : vector<16xi32>
    %lt3A_2208 = arith.constant 0 : i32
    %lt3A_2209 = arith.cmpi slt, %select_n3A_2199, %lt3A_2208 : i32
    %ne3A_2210 = vector.broadcast %lt3A_2209 : i1 to vector<16xi1>
    %ne3A_2211 = vector.broadcast %ne3A_2210 : vector<16xi1> to vector<16xi1>
    %ne3A_2212 = arith.xori %lt3A_2207, %ne3A_2211 : vector<16xi1>
    %and3A_2213 = arith.andi %ne3A_2212, %ne3A_2204 : vector<16xi1>
    %add3A_2214 = vector.broadcast %select_n3A_2199 : i32 to vector<16xi32>
    %add3A_2215 = arith.addi %rem3A_2201, %add3A_2214 : vector<16xi32>
    %select_n3A_2216 = arith.select %and3A_2213, %add3A_2215, %rem3A_2201 : vector<16xi1>, vector<16xi32>
    %gather3A_2217 = tpu.vector_load_idx %arg6[%broadcast_in_dim3A_2192, %broadcast_in_dim3A_2194, %select_n3A_2216] : memref<32x8x128xf32, #tpu.memory_space<vmem>>[vector<16xi32>, vector<16xi32>, vector<16xi32>], vector<16xf32>,
    %swap3A_2218 = arith.constant 64 : index
    %swap3A_2219 = tpu.vector_load %arg7[%swap3A_2218] {strides = array<i32>} : memref<512xf32, #tpu.memory_space<vmem>>, vector<16xf32>,
    tpu.vector_store %arg7[%swap3A_2218], %gather3A_2217 {strides = array<i32>} : memref<512xf32, #tpu.memory_space<vmem>>, vector<16xf32>,
    %broadcast_in_dim3A_2220 = arith.constant 5 : i32
    %broadcast_in_dim3A_2221 = vector.broadcast %broadcast_in_dim3A_2220 : i32 to vector<16xi32>
    %gather3A_2222 = tpu.vector_load_idx %arg5[%broadcast_in_dim3A_2221] : memref<32xi32, #tpu.memory_space<vmem>>[vector<16xi32>], vector<16xi32>,
    %jit3A_2223 = arith.constant 0 : i32
    %jit3A_2224 = arith.constant 99999 : i32
    %max3A_2225 = vector.broadcast %jit3A_2223 : i32 to vector<16xi32>
    %max3A_2226 = arith.maxsi %max3A_2225, %gather3A_2222 : vector<16xi32>
    %min3A_2227 = vector.broadcast %jit3A_2224 : i32 to vector<16xi32>
    %min3A_2228 = arith.minsi %min3A_2227, %max3A_2226 : vector<16xi32>
    %broadcast_in_dim3A_2229 = arith.constant 5 : i32
    %broadcast_in_dim3A_2230 = vector.broadcast %broadcast_in_dim3A_2229 : i32 to vector<16xi32>
    %broadcast_in_dim3A_2231 = arith.constant 5 : i32
    %broadcast_in_dim3A_2232 = vector.broadcast %broadcast_in_dim3A_2231 : i32 to vector<16xi32>
    %jit3A_2233 = arith.constant 128 : i32
    %eq3A_2234 = arith.constant 0 : i32
    %eq3A_2235 = arith.cmpi eq, %jit3A_2233, %eq3A_2234 : i32
    %jit3A_2236 = arith.constant 1 : i32
    %select_n3A_2237 = arith.select %eq3A_2235, %jit3A_2236, %jit3A_2233 : i32
    %rem3A_2238 = vector.broadcast %select_n3A_2237 : i32 to vector<16xi32>
    %rem3A_2239 = arith.remsi %min3A_2228, %rem3A_2238 : vector<16xi32>
    %ne3A_2240 = arith.constant 0 : i32
    %ne3A_2241 = vector.broadcast %ne3A_2240 : i32 to vector<16xi32>
    %ne3A_2242 = arith.cmpi ne, %rem3A_2239, %ne3A_2241 : vector<16xi32>
    %lt3A_2243 = arith.constant 0 : i32
    %lt3A_2244 = vector.broadcast %lt3A_2243 : i32 to vector<16xi32>
    %lt3A_2245 = arith.cmpi slt, %rem3A_2239, %lt3A_2244 : vector<16xi32>
    %lt3A_2246 = arith.constant 0 : i32
    %lt3A_2247 = arith.cmpi slt, %select_n3A_2237, %lt3A_2246 : i32
    %ne3A_2248 = vector.broadcast %lt3A_2247 : i1 to vector<16xi1>
    %ne3A_2249 = vector.broadcast %ne3A_2248 : vector<16xi1> to vector<16xi1>
    %ne3A_2250 = arith.xori %lt3A_2245, %ne3A_2249 : vector<16xi1>
    %and3A_2251 = arith.andi %ne3A_2250, %ne3A_2242 : vector<16xi1>
    %add3A_2252 = vector.broadcast %select_n3A_2237 : i32 to vector<16xi32>
    %add3A_2253 = arith.addi %rem3A_2239, %add3A_2252 : vector<16xi32>
    %select_n3A_2254 = arith.select %and3A_2251, %add3A_2253, %rem3A_2239 : vector<16xi1>, vector<16xi32>
    %gather3A_2255 = tpu.vector_load_idx %arg6[%broadcast_in_dim3A_2230, %broadcast_in_dim3A_2232, %select_n3A_2254] : memref<32x8x128xf32, #tpu.memory_space<vmem>>[vector<16xi32>, vector<16xi32>, vector<16xi32>], vector<16xf32>,
    %swap3A_2256 = arith.constant 80 : index
    %swap3A_2257 = tpu.vector_load %arg7[%swap3A_2256] {strides = array<i32>} : memref<512xf32, #tpu.memory_space<vmem>>, vector<16xf32>,
    tpu.vector_store %arg7[%swap3A_2256], %gather3A_2255 {strides = array<i32>} : memref<512xf32, #tpu.memory_space<vmem>>, vector<16xf32>,
    %broadcast_in_dim3A_2258 = arith.constant 6 : i32
    %broadcast_in_dim3A_2259 = vector.broadcast %broadcast_in_dim3A_2258 : i32 to vector<16xi32>
    %gather3A_2260 = tpu.vector_load_idx %arg5[%broadcast_in_dim3A_2259] : memref<32xi32, #tpu.memory_space<vmem>>[vector<16xi32>], vector<16xi32>,
    %jit3A_2261 = arith.constant 0 : i32
    %jit3A_2262 = arith.constant 99999 : i32
    %max3A_2263 = vector.broadcast %jit3A_2261 : i32 to vector<16xi32>
    %max3A_2264 = arith.maxsi %max3A_2263, %gather3A_2260 : vector<16xi32>
    %min3A_2265 = vector.broadcast %jit3A_2262 : i32 to vector<16xi32>
    %min3A_2266 = arith.minsi %min3A_2265, %max3A_2264 : vector<16xi32>
    %broadcast_in_dim3A_2267 = arith.constant 6 : i32
    %broadcast_in_dim3A_2268 = vector.broadcast %broadcast_in_dim3A_2267 : i32 to vector<16xi32>
    %broadcast_in_dim3A_2269 = arith.constant 6 : i32
    %broadcast_in_dim3A_2270 = vector.broadcast %broadcast_in_dim3A_2269 : i32 to vector<16xi32>
    %jit3A_2271 = arith.constant 128 : i32
    %eq3A_2272 = arith.constant 0 : i32
    %eq3A_2273 = arith.cmpi eq, %jit3A_2271, %eq3A_2272 : i32
    %jit3A_2274 = arith.constant 1 : i32
    %select_n3A_2275 = arith.select %eq3A_2273, %jit3A_2274, %jit3A_2271 : i32
    %rem3A_2276 = vector.broadcast %select_n3A_2275 : i32 to vector<16xi32>
    %rem3A_2277 = arith.remsi %min3A_2266, %rem3A_2276 : vector<16xi32>
    %ne3A_2278 = arith.constant 0 : i32
    %ne3A_2279 = vector.broadcast %ne3A_2278 : i32 to vector<16xi32>
    %ne3A_2280 = arith.cmpi ne, %rem3A_2277, %ne3A_2279 : vector<16xi32>
    %lt3A_2281 = arith.constant 0 : i32
    %lt3A_2282 = vector.broadcast %lt3A_2281 : i32 to vector<16xi32>
    %lt3A_2283 = arith.cmpi slt, %rem3A_2277, %lt3A_2282 : vector<16xi32>
    %lt3A_2284 = arith.constant 0 : i32
    %lt3A_2285 = arith.cmpi slt, %select_n3A_2275, %lt3A_2284 : i32
    %ne3A_2286 = vector.broadcast %lt3A_2285 : i1 to vector<16xi1>
    %ne3A_2287 = vector.broadcast %ne3A_2286 : vector<16xi1> to vector<16xi1>
    %ne3A_2288 = arith.xori %lt3A_2283, %ne3A_2287 : vector<16xi1>
    %and3A_2289 = arith.andi %ne3A_2288, %ne3A_2280 : vector<16xi1>
    %add3A_2290 = vector.broadcast %select_n3A_2275 : i32 to vector<16xi32>
    %add3A_2291 = arith.addi %rem3A_2277, %add3A_2290 : vector<16xi32>
    %select_n3A_2292 = arith.select %and3A_2289, %add3A_2291, %rem3A_2277 : vector<16xi1>, vector<16xi32>
    %gather3A_2293 = tpu.vector_load_idx %arg6[%broadcast_in_dim3A_2268, %broadcast_in_dim3A_2270, %select_n3A_2292] : memref<32x8x128xf32, #tpu.memory_space<vmem>>[vector<16xi32>, vector<16xi32>, vector<16xi32>], vector<16xf32>,
    %swap3A_2294 = arith.constant 96 : index
    %swap3A_2295 = tpu.vector_load %arg7[%swap3A_2294] {strides = array<i32>} : memref<512xf32, #tpu.memory_space<vmem>>, vector<16xf32>,
    tpu.vector_store %arg7[%swap3A_2294], %gather3A_2293 {strides = array<i32>} : memref<512xf32, #tpu.memory_space<vmem>>, vector<16xf32>,
    %broadcast_in_dim3A_2296 = arith.constant 7 : i32
    %broadcast_in_dim3A_2297 = vector.broadcast %broadcast_in_dim3A_2296 : i32 to vector<16xi32>
    %gather3A_2298 = tpu.vector_load_idx %arg5[%broadcast_in_dim3A_2297] : memref<32xi32, #tpu.memory_space<vmem>>[vector<16xi32>], vector<16xi32>,
    %jit3A_2299 = arith.constant 0 : i32
    %jit3A_2300 = arith.constant 99999 : i32
    %max3A_2301 = vector.broadcast %jit3A_2299 : i32 to vector<16xi32>
    %max3A_2302 = arith.maxsi %max3A_2301, %gather3A_2298 : vector<16xi32>
    %min3A_2303 = vector.broadcast %jit3A_2300 : i32 to vector<16xi32>
    %min3A_2304 = arith.minsi %min3A_2303, %max3A_2302 : vector<16xi32>
    %broadcast_in_dim3A_2305 = arith.constant 7 : i32
    %broadcast_in_dim3A_2306 = vector.broadcast %broadcast_in_dim3A_2305 : i32 to vector<16xi32>
    %broadcast_in_dim3A_2307 = arith.constant 7 : i32
    %broadcast_in_dim3A_2308 = vector.broadcast %broadcast_in_dim3A_2307 : i32 to vector<16xi32>
    %jit3A_2309 = arith.constant 128 : i32
    %eq3A_2310 = arith.constant 0 : i32
    %eq3A_2311 = arith.cmpi eq, %jit3A_2309, %eq3A_2310 : i32
    %jit3A_2312 = arith.constant 1 : i32
    %select_n3A_2313 = arith.select %eq3A_2311, %jit3A_2312, %jit3A_2309 : i32
    %rem3A_2314 = vector.broadcast %select_n3A_2313 : i32 to vector<16xi32>
    %rem3A_2315 = arith.remsi %min3A_2304, %rem3A_2314 : vector<16xi32>
    %ne3A_2316 = arith.constant 0 : i32
    %ne3A_2317 = vector.broadcast %ne3A_2316 : i32 to vector<16xi32>
    %ne3A_2318 = arith.cmpi ne, %rem3A_2315, %ne3A_2317 : vector<16xi32>
    %lt3A_2319 = arith.constant 0 : i32
    %lt3A_2320 = vector.broadcast %lt3A_2319 : i32 to vector<16xi32>
    %lt3A_2321 = arith.cmpi slt, %rem3A_2315, %lt3A_2320 : vector<16xi32>
    %lt3A_2322 = arith.constant 0 : i32
    %lt3A_2323 = arith.cmpi slt, %select_n3A_2313, %lt3A_2322 : i32
    %ne3A_2324 = vector.broadcast %lt3A_2323 : i1 to vector<16xi1>
    %ne3A_2325 = vector.broadcast %ne3A_2324 : vector<16xi1> to vector<16xi1>
    %ne3A_2326 = arith.xori %lt3A_2321, %ne3A_2325 : vector<16xi1>
    %and3A_2327 = arith.andi %ne3A_2326, %ne3A_2318 : vector<16xi1>
    %add3A_2328 = vector.broadcast %select_n3A_2313 : i32 to vector<16xi32>
    %add3A_2329 = arith.addi %rem3A_2315, %add3A_2328 : vector<16xi32>
    %select_n3A_2330 = arith.select %and3A_2327, %add3A_2329, %rem3A_2315 : vector<16xi1>, vector<16xi32>
    %gather3A_2331 = tpu.vector_load_idx %arg6[%broadcast_in_dim3A_2306, %broadcast_in_dim3A_2308, %select_n3A_2330] : memref<32x8x128xf32, #tpu.memory_space<vmem>>[vector<16xi32>, vector<16xi32>, vector<16xi32>], vector<16xf32>,
    %swap3A_2332 = arith.constant 112 : index
    %swap3A_2333 = tpu.vector_load %arg7[%swap3A_2332] {strides = array<i32>} : memref<512xf32, #tpu.memory_space<vmem>>, vector<16xf32>,
    tpu.vector_store %arg7[%swap3A_2332], %gather3A_2331 {strides = array<i32>} : memref<512xf32, #tpu.memory_space<vmem>>, vector<16xf32>,
    %broadcast_in_dim3A_2334 = arith.constant 8 : i32
    %broadcast_in_dim3A_2335 = vector.broadcast %broadcast_in_dim3A_2334 : i32 to vector<16xi32>
    %gather3A_2336 = tpu.vector_load_idx %arg5[%broadcast_in_dim3A_2335] : memref<32xi32, #tpu.memory_space<vmem>>[vector<16xi32>], vector<16xi32>,
    %jit3A_2337 = arith.constant 0 : i32
    %jit3A_2338 = arith.constant 99999 : i32
    %max3A_2339 = vector.broadcast %jit3A_2337 : i32 to vector<16xi32>
    %max3A_2340 = arith.maxsi %max3A_2339, %gather3A_2336 : vector<16xi32>
    %min3A_2341 = vector.broadcast %jit3A_2338 : i32 to vector<16xi32>
    %min3A_2342 = arith.minsi %min3A_2341, %max3A_2340 : vector<16xi32>
    %broadcast_in_dim3A_2343 = arith.constant 8 : i32
    %broadcast_in_dim3A_2344 = vector.broadcast %broadcast_in_dim3A_2343 : i32 to vector<16xi32>
    %broadcast_in_dim3A_2345 = arith.constant 0 : i32
    %broadcast_in_dim3A_2346 = vector.broadcast %broadcast_in_dim3A_2345 : i32 to vector<16xi32>
    %jit3A_2347 = arith.constant 128 : i32
    %eq3A_2348 = arith.constant 0 : i32
    %eq3A_2349 = arith.cmpi eq, %jit3A_2347, %eq3A_2348 : i32
    %jit3A_2350 = arith.constant 1 : i32
    %select_n3A_2351 = arith.select %eq3A_2349, %jit3A_2350, %jit3A_2347 : i32
    %rem3A_2352 = vector.broadcast %select_n3A_2351 : i32 to vector<16xi32>
    %rem3A_2353 = arith.remsi %min3A_2342, %rem3A_2352 : vector<16xi32>
    %ne3A_2354 = arith.constant 0 : i32
    %ne3A_2355 = vector.broadcast %ne3A_2354 : i32 to vector<16xi32>
    %ne3A_2356 = arith.cmpi ne, %rem3A_2353, %ne3A_2355 : vector<16xi32>
    %lt3A_2357 = arith.constant 0 : i32
    %lt3A_2358 = vector.broadcast %lt3A_2357 : i32 to vector<16xi32>
    %lt3A_2359 = arith.cmpi slt, %rem3A_2353, %lt3A_2358 : vector<16xi32>
    %lt3A_2360 = arith.constant 0 : i32
    %lt3A_2361 = arith.cmpi slt, %select_n3A_2351, %lt3A_2360 : i32
    %ne3A_2362 = vector.broadcast %lt3A_2361 : i1 to vector<16xi1>
    %ne3A_2363 = vector.broadcast %ne3A_2362 : vector<16xi1> to vector<16xi1>
    %ne3A_2364 = arith.xori %lt3A_2359, %ne3A_2363 : vector<16xi1>
    %and3A_2365 = arith.andi %ne3A_2364, %ne3A_2356 : vector<16xi1>
    %add3A_2366 = vector.broadcast %select_n3A_2351 : i32 to vector<16xi32>
    %add3A_2367 = arith.addi %rem3A_2353, %add3A_2366 : vector<16xi32>
    %select_n3A_2368 = arith.select %and3A_2365, %add3A_2367, %rem3A_2353 : vector<16xi1>, vector<16xi32>
    %gather3A_2369 = tpu.vector_load_idx %arg6[%broadcast_in_dim3A_2344, %broadcast_in_dim3A_2346, %select_n3A_2368] : memref<32x8x128xf32, #tpu.memory_space<vmem>>[vector<16xi32>, vector<16xi32>, vector<16xi32>], vector<16xf32>,
    %swap3A_2370 = arith.constant 128 : index
    %swap3A_2371 = tpu.vector_load %arg7[%swap3A_2370] {strides = array<i32>} : memref<512xf32, #tpu.memory_space<vmem>>, vector<16xf32>,
    tpu.vector_store %arg7[%swap3A_2370], %gather3A_2369 {strides = array<i32>} : memref<512xf32, #tpu.memory_space<vmem>>, vector<16xf32>,
    %broadcast_in_dim3A_2372 = arith.constant 9 : i32
    %broadcast_in_dim3A_2373 = vector.broadcast %broadcast_in_dim3A_2372 : i32 to vector<16xi32>
    %gather3A_2374 = tpu.vector_load_idx %arg5[%broadcast_in_dim3A_2373] : memref<32xi32, #tpu.memory_space<vmem>>[vector<16xi32>], vector<16xi32>,
    %jit3A_2375 = arith.constant 0 : i32
    %jit3A_2376 = arith.constant 99999 : i32
    %max3A_2377 = vector.broadcast %jit3A_2375 : i32 to vector<16xi32>
    %max3A_2378 = arith.maxsi %max3A_2377, %gather3A_2374 : vector<16xi32>
    %min3A_2379 = vector.broadcast %jit3A_2376 : i32 to vector<16xi32>
    %min3A_2380 = arith.minsi %min3A_2379, %max3A_2378 : vector<16xi32>
    %broadcast_in_dim3A_2381 = arith.constant 9 : i32
    %broadcast_in_dim3A_2382 = vector.broadcast %broadcast_in_dim3A_2381 : i32 to vector<16xi32>
    %broadcast_in_dim3A_2383 = arith.constant 1 : i32
    %broadcast_in_dim3A_2384 = vector.broadcast %broadcast_in_dim3A_2383 : i32 to vector<16xi32>
    %jit3A_2385 = arith.constant 128 : i32
    %eq3A_2386 = arith.constant 0 : i32
    %eq3A_2387 = arith.cmpi eq, %jit3A_2385, %eq3A_2386 : i32
    %jit3A_2388 = arith.constant 1 : i32
    %select_n3A_2389 = arith.select %eq3A_2387, %jit3A_2388, %jit3A_2385 : i32
    %rem3A_2390 = vector.broadcast %select_n3A_2389 : i32 to vector<16xi32>
    %rem3A_2391 = arith.remsi %min3A_2380, %rem3A_2390 : vector<16xi32>
    %ne3A_2392 = arith.constant 0 : i32
    %ne3A_2393 = vector.broadcast %ne3A_2392 : i32 to vector<16xi32>
    %ne3A_2394 = arith.cmpi ne, %rem3A_2391, %ne3A_2393 : vector<16xi32>
    %lt3A_2395 = arith.constant 0 : i32
    %lt3A_2396 = vector.broadcast %lt3A_2395 : i32 to vector<16xi32>
    %lt3A_2397 = arith.cmpi slt, %rem3A_2391, %lt3A_2396 : vector<16xi32>
    %lt3A_2398 = arith.constant 0 : i32
    %lt3A_2399 = arith.cmpi slt, %select_n3A_2389, %lt3A_2398 : i32
    %ne3A_2400 = vector.broadcast %lt3A_2399 : i1 to vector<16xi1>
    %ne3A_2401 = vector.broadcast %ne3A_2400 : vector<16xi1> to vector<16xi1>
    %ne3A_2402 = arith.xori %lt3A_2397, %ne3A_2401 : vector<16xi1>
    %and3A_2403 = arith.andi %ne3A_2402, %ne3A_2394 : vector<16xi1>
    %add3A_2404 = vector.broadcast %select_n3A_2389 : i32 to vector<16xi32>
    %add3A_2405 = arith.addi %rem3A_2391, %add3A_2404 : vector<16xi32>
    %select_n3A_2406 = arith.select %and3A_2403, %add3A_2405, %rem3A_2391 : vector<16xi1>, vector<16xi32>
    %gather3A_2407 = tpu.vector_load_idx %arg6[%broadcast_in_dim3A_2382, %broadcast_in_dim3A_2384, %select_n3A_2406] : memref<32x8x128xf32, #tpu.memory_space<vmem>>[vector<16xi32>, vector<16xi32>, vector<16xi32>], vector<16xf32>,
    %swap3A_2408 = arith.constant 144 : index
    %swap3A_2409 = tpu.vector_load %arg7[%swap3A_2408] {strides = array<i32>} : memref<512xf32, #tpu.memory_space<vmem>>, vector<16xf32>,
    tpu.vector_store %arg7[%swap3A_2408], %gather3A_2407 {strides = array<i32>} : memref<512xf32, #tpu.memory_space<vmem>>, vector<16xf32>,
    %broadcast_in_dim3A_2410 = arith.constant 10 : i32
    %broadcast_in_dim3A_2411 = vector.broadcast %broadcast_in_dim3A_2410 : i32 to vector<16xi32>
    %gather3A_2412 = tpu.vector_load_idx %arg5[%broadcast_in_dim3A_2411] : memref<32xi32, #tpu.memory_space<vmem>>[vector<16xi32>], vector<16xi32>,
    %jit3A_2413 = arith.constant 0 : i32
    %jit3A_2414 = arith.constant 99999 : i32
    %max3A_2415 = vector.broadcast %jit3A_2413 : i32 to vector<16xi32>
    %max3A_2416 = arith.maxsi %max3A_2415, %gather3A_2412 : vector<16xi32>
    %min3A_2417 = vector.broadcast %jit3A_2414 : i32 to vector<16xi32>
    %min3A_2418 = arith.minsi %min3A_2417, %max3A_2416 : vector<16xi32>
    %broadcast_in_dim3A_2419 = arith.constant 10 : i32
    %broadcast_in_dim3A_2420 = vector.broadcast %broadcast_in_dim3A_2419 : i32 to vector<16xi32>
    %broadcast_in_dim3A_2421 = arith.constant 2 : i32
    %broadcast_in_dim3A_2422 = vector.broadcast %broadcast_in_dim3A_2421 : i32 to vector<16xi32>
    %jit3A_2423 = arith.constant 128 : i32
    %eq3A_2424 = arith.constant 0 : i32
    %eq3A_2425 = arith.cmpi eq, %jit3A_2423, %eq3A_2424 : i32
    %jit3A_2426 = arith.constant 1 : i32
    %select_n3A_2427 = arith.select %eq3A_2425, %jit3A_2426, %jit3A_2423 : i32
    %rem3A_2428 = vector.broadcast %select_n3A_2427 : i32 to vector<16xi32>
    %rem3A_2429 = arith.remsi %min3A_2418, %rem3A_2428 : vector<16xi32>
    %ne3A_2430 = arith.constant 0 : i32
    %ne3A_2431 = vector.broadcast %ne3A_2430 : i32 to vector<16xi32>
    %ne3A_2432 = arith.cmpi ne, %rem3A_2429, %ne3A_2431 : vector<16xi32>
    %lt3A_2433 = arith.constant 0 : i32
    %lt3A_2434 = vector.broadcast %lt3A_2433 : i32 to vector<16xi32>
    %lt3A_2435 = arith.cmpi slt, %rem3A_2429, %lt3A_2434 : vector<16xi32>
    %lt3A_2436 = arith.constant 0 : i32
    %lt3A_2437 = arith.cmpi slt, %select_n3A_2427, %lt3A_2436 : i32
    %ne3A_2438 = vector.broadcast %lt3A_2437 : i1 to vector<16xi1>
    %ne3A_2439 = vector.broadcast %ne3A_2438 : vector<16xi1> to vector<16xi1>
    %ne3A_2440 = arith.xori %lt3A_2435, %ne3A_2439 : vector<16xi1>
    %and3A_2441 = arith.andi %ne3A_2440, %ne3A_2432 : vector<16xi1>
    %add3A_2442 = vector.broadcast %select_n3A_2427 : i32 to vector<16xi32>
    %add3A_2443 = arith.addi %rem3A_2429, %add3A_2442 : vector<16xi32>
    %select_n3A_2444 = arith.select %and3A_2441, %add3A_2443, %rem3A_2429 : vector<16xi1>, vector<16xi32>
    %gather3A_2445 = tpu.vector_load_idx %arg6[%broadcast_in_dim3A_2420, %broadcast_in_dim3A_2422, %select_n3A_2444] : memref<32x8x128xf32, #tpu.memory_space<vmem>>[vector<16xi32>, vector<16xi32>, vector<16xi32>], vector<16xf32>,
    %swap3A_2446 = arith.constant 160 : index
    %swap3A_2447 = tpu.vector_load %arg7[%swap3A_2446] {strides = array<i32>} : memref<512xf32, #tpu.memory_space<vmem>>, vector<16xf32>,
    tpu.vector_store %arg7[%swap3A_2446], %gather3A_2445 {strides = array<i32>} : memref<512xf32, #tpu.memory_space<vmem>>, vector<16xf32>,
    %broadcast_in_dim3A_2448 = arith.constant 11 : i32
    %broadcast_in_dim3A_2449 = vector.broadcast %broadcast_in_dim3A_2448 : i32 to vector<16xi32>
    %gather3A_2450 = tpu.vector_load_idx %arg5[%broadcast_in_dim3A_2449] : memref<32xi32, #tpu.memory_space<vmem>>[vector<16xi32>], vector<16xi32>,
    %jit3A_2451 = arith.constant 0 : i32
    %jit3A_2452 = arith.constant 99999 : i32
    %max3A_2453 = vector.broadcast %jit3A_2451 : i32 to vector<16xi32>
    %max3A_2454 = arith.maxsi %max3A_2453, %gather3A_2450 : vector<16xi32>
    %min3A_2455 = vector.broadcast %jit3A_2452 : i32 to vector<16xi32>
    %min3A_2456 = arith.minsi %min3A_2455, %max3A_2454 : vector<16xi32>
    %broadcast_in_dim3A_2457 = arith.constant 11 : i32
    %broadcast_in_dim3A_2458 = vector.broadcast %broadcast_in_dim3A_2457 : i32 to vector<16xi32>
    %broadcast_in_dim3A_2459 = arith.constant 3 : i32
    %broadcast_in_dim3A_2460 = vector.broadcast %broadcast_in_dim3A_2459 : i32 to vector<16xi32>
    %jit3A_2461 = arith.constant 128 : i32
    %eq3A_2462 = arith.constant 0 : i32
    %eq3A_2463 = arith.cmpi eq, %jit3A_2461, %eq3A_2462 : i32
    %jit3A_2464 = arith.constant 1 : i32
    %select_n3A_2465 = arith.select %eq3A_2463, %jit3A_2464, %jit3A_2461 : i32
    %rem3A_2466 = vector.broadcast %select_n3A_2465 : i32 to vector<16xi32>
    %rem3A_2467 = arith.remsi %min3A_2456, %rem3A_2466 : vector<16xi32>
    %ne3A_2468 = arith.constant 0 : i32
    %ne3A_2469 = vector.broadcast %ne3A_2468 : i32 to vector<16xi32>
    %ne3A_2470 = arith.cmpi ne, %rem3A_2467, %ne3A_2469 : vector<16xi32>
    %lt3A_2471 = arith.constant 0 : i32
    %lt3A_2472 = vector.broadcast %lt3A_2471 : i32 to vector<16xi32>
    %lt3A_2473 = arith.cmpi slt, %rem3A_2467, %lt3A_2472 : vector<16xi32>
    %lt3A_2474 = arith.constant 0 : i32
    %lt3A_2475 = arith.cmpi slt, %select_n3A_2465, %lt3A_2474 : i32
    %ne3A_2476 = vector.broadcast %lt3A_2475 : i1 to vector<16xi1>
    %ne3A_2477 = vector.broadcast %ne3A_2476 : vector<16xi1> to vector<16xi1>
    %ne3A_2478 = arith.xori %lt3A_2473, %ne3A_2477 : vector<16xi1>
    %and3A_2479 = arith.andi %ne3A_2478, %ne3A_2470 : vector<16xi1>
    %add3A_2480 = vector.broadcast %select_n3A_2465 : i32 to vector<16xi32>
    %add3A_2481 = arith.addi %rem3A_2467, %add3A_2480 : vector<16xi32>
    %select_n3A_2482 = arith.select %and3A_2479, %add3A_2481, %rem3A_2467 : vector<16xi1>, vector<16xi32>
    %gather3A_2483 = tpu.vector_load_idx %arg6[%broadcast_in_dim3A_2458, %broadcast_in_dim3A_2460, %select_n3A_2482] : memref<32x8x128xf32, #tpu.memory_space<vmem>>[vector<16xi32>, vector<16xi32>, vector<16xi32>], vector<16xf32>,
    %swap3A_2484 = arith.constant 176 : index
    %swap3A_2485 = tpu.vector_load %arg7[%swap3A_2484] {strides = array<i32>} : memref<512xf32, #tpu.memory_space<vmem>>, vector<16xf32>,
    tpu.vector_store %arg7[%swap3A_2484], %gather3A_2483 {strides = array<i32>} : memref<512xf32, #tpu.memory_space<vmem>>, vector<16xf32>,
    %broadcast_in_dim3A_2486 = arith.constant 12 : i32
    %broadcast_in_dim3A_2487 = vector.broadcast %broadcast_in_dim3A_2486 : i32 to vector<16xi32>
    %gather3A_2488 = tpu.vector_load_idx %arg5[%broadcast_in_dim3A_2487] : memref<32xi32, #tpu.memory_space<vmem>>[vector<16xi32>], vector<16xi32>,
    %jit3A_2489 = arith.constant 0 : i32
    %jit3A_2490 = arith.constant 99999 : i32
    %max3A_2491 = vector.broadcast %jit3A_2489 : i32 to vector<16xi32>
    %max3A_2492 = arith.maxsi %max3A_2491, %gather3A_2488 : vector<16xi32>
    %min3A_2493 = vector.broadcast %jit3A_2490 : i32 to vector<16xi32>
    %min3A_2494 = arith.minsi %min3A_2493, %max3A_2492 : vector<16xi32>
    %broadcast_in_dim3A_2495 = arith.constant 12 : i32
    %broadcast_in_dim3A_2496 = vector.broadcast %broadcast_in_dim3A_2495 : i32 to vector<16xi32>
    %broadcast_in_dim3A_2497 = arith.constant 4 : i32
    %broadcast_in_dim3A_2498 = vector.broadcast %broadcast_in_dim3A_2497 : i32 to vector<16xi32>
    %jit3A_2499 = arith.constant 128 : i32
    %eq3A_2500 = arith.constant 0 : i32
    %eq3A_2501 = arith.cmpi eq, %jit3A_2499, %eq3A_2500 : i32
    %jit3A_2502 = arith.constant 1 : i32
    %select_n3A_2503 = arith.select %eq3A_2501, %jit3A_2502, %jit3A_2499 : i32
    %rem3A_2504 = vector.broadcast %select_n3A_2503 : i32 to vector<16xi32>
    %rem3A_2505 = arith.remsi %min3A_2494, %rem3A_2504 : vector<16xi32>
    %ne3A_2506 = arith.constant 0 : i32
    %ne3A_2507 = vector.broadcast %ne3A_2506 : i32 to vector<16xi32>
    %ne3A_2508 = arith.cmpi ne, %rem3A_2505, %ne3A_2507 : vector<16xi32>
    %lt3A_2509 = arith.constant 0 : i32
    %lt3A_2510 = vector.broadcast %lt3A_2509 : i32 to vector<16xi32>
    %lt3A_2511 = arith.cmpi slt, %rem3A_2505, %lt3A_2510 : vector<16xi32>
    %lt3A_2512 = arith.constant 0 : i32
    %lt3A_2513 = arith.cmpi slt, %select_n3A_2503, %lt3A_2512 : i32
    %ne3A_2514 = vector.broadcast %lt3A_2513 : i1 to vector<16xi1>
    %ne3A_2515 = vector.broadcast %ne3A_2514 : vector<16xi1> to vector<16xi1>
    %ne3A_2516 = arith.xori %lt3A_2511, %ne3A_2515 : vector<16xi1>
    %and3A_2517 = arith.andi %ne3A_2516, %ne3A_2508 : vector<16xi1>
    %add3A_2518 = vector.broadcast %select_n3A_2503 : i32 to vector<16xi32>
    %add3A_2519 = arith.addi %rem3A_2505, %add3A_2518 : vector<16xi32>
    %select_n3A_2520 = arith.select %and3A_2517, %add3A_2519, %rem3A_2505 : vector<16xi1>, vector<16xi32>
    %gather3A_2521 = tpu.vector_load_idx %arg6[%broadcast_in_dim3A_2496, %broadcast_in_dim3A_2498, %select_n3A_2520] : memref<32x8x128xf32, #tpu.memory_space<vmem>>[vector<16xi32>, vector<16xi32>, vector<16xi32>], vector<16xf32>,
    %swap3A_2522 = arith.constant 192 : index
    %swap3A_2523 = tpu.vector_load %arg7[%swap3A_2522] {strides = array<i32>} : memref<512xf32, #tpu.memory_space<vmem>>, vector<16xf32>,
    tpu.vector_store %arg7[%swap3A_2522], %gather3A_2521 {strides = array<i32>} : memref<512xf32, #tpu.memory_space<vmem>>, vector<16xf32>,
    %broadcast_in_dim3A_2524 = arith.constant 13 : i32
    %broadcast_in_dim3A_2525 = vector.broadcast %broadcast_in_dim3A_2524 : i32 to vector<16xi32>
    %gather3A_2526 = tpu.vector_load_idx %arg5[%broadcast_in_dim3A_2525] : memref<32xi32, #tpu.memory_space<vmem>>[vector<16xi32>], vector<16xi32>,
    %jit3A_2527 = arith.constant 0 : i32
    %jit3A_2528 = arith.constant 99999 : i32
    %max3A_2529 = vector.broadcast %jit3A_2527 : i32 to vector<16xi32>
    %max3A_2530 = arith.maxsi %max3A_2529, %gather3A_2526 : vector<16xi32>
    %min3A_2531 = vector.broadcast %jit3A_2528 : i32 to vector<16xi32>
    %min3A_2532 = arith.minsi %min3A_2531, %max3A_2530 : vector<16xi32>
    %broadcast_in_dim3A_2533 = arith.constant 13 : i32
    %broadcast_in_dim3A_2534 = vector.broadcast %broadcast_in_dim3A_2533 : i32 to vector<16xi32>
    %broadcast_in_dim3A_2535 = arith.constant 5 : i32
    %broadcast_in_dim3A_2536 = vector.broadcast %broadcast_in_dim3A_2535 : i32 to vector<16xi32>
    %jit3A_2537 = arith.constant 128 : i32
    %eq3A_2538 = arith.constant 0 : i32
    %eq3A_2539 = arith.cmpi eq, %jit3A_2537, %eq3A_2538 : i32
    %jit3A_2540 = arith.constant 1 : i32
    %select_n3A_2541 = arith.select %eq3A_2539, %jit3A_2540, %jit3A_2537 : i32
    %rem3A_2542 = vector.broadcast %select_n3A_2541 : i32 to vector<16xi32>
    %rem3A_2543 = arith.remsi %min3A_2532, %rem3A_2542 : vector<16xi32>
    %ne3A_2544 = arith.constant 0 : i32
    %ne3A_2545 = vector.broadcast %ne3A_2544 : i32 to vector<16xi32>
    %ne3A_2546 = arith.cmpi ne, %rem3A_2543, %ne3A_2545 : vector<16xi32>
    %lt3A_2547 = arith.constant 0 : i32
    %lt3A_2548 = vector.broadcast %lt3A_2547 : i32 to vector<16xi32>
    %lt3A_2549 = arith.cmpi slt, %rem3A_2543, %lt3A_2548 : vector<16xi32>
    %lt3A_2550 = arith.constant 0 : i32
    %lt3A_2551 = arith.cmpi slt, %select_n3A_2541, %lt3A_2550 : i32
    %ne3A_2552 = vector.broadcast %lt3A_2551 : i1 to vector<16xi1>
    %ne3A_2553 = vector.broadcast %ne3A_2552 : vector<16xi1> to vector<16xi1>
    %ne3A_2554 = arith.xori %lt3A_2549, %ne3A_2553 : vector<16xi1>
    %and3A_2555 = arith.andi %ne3A_2554, %ne3A_2546 : vector<16xi1>
    %add3A_2556 = vector.broadcast %select_n3A_2541 : i32 to vector<16xi32>
    %add3A_2557 = arith.addi %rem3A_2543, %add3A_2556 : vector<16xi32>
    %select_n3A_2558 = arith.select %and3A_2555, %add3A_2557, %rem3A_2543 : vector<16xi1>, vector<16xi32>
    %gather3A_2559 = tpu.vector_load_idx %arg6[%broadcast_in_dim3A_2534, %broadcast_in_dim3A_2536, %select_n3A_2558] : memref<32x8x128xf32, #tpu.memory_space<vmem>>[vector<16xi32>, vector<16xi32>, vector<16xi32>], vector<16xf32>,
    %swap3A_2560 = arith.constant 208 : index
    %swap3A_2561 = tpu.vector_load %arg7[%swap3A_2560] {strides = array<i32>} : memref<512xf32, #tpu.memory_space<vmem>>, vector<16xf32>,
    tpu.vector_store %arg7[%swap3A_2560], %gather3A_2559 {strides = array<i32>} : memref<512xf32, #tpu.memory_space<vmem>>, vector<16xf32>,
    %broadcast_in_dim3A_2562 = arith.constant 14 : i32
    %broadcast_in_dim3A_2563 = vector.broadcast %broadcast_in_dim3A_2562 : i32 to vector<16xi32>
    %gather3A_2564 = tpu.vector_load_idx %arg5[%broadcast_in_dim3A_2563] : memref<32xi32, #tpu.memory_space<vmem>>[vector<16xi32>], vector<16xi32>,
    %jit3A_2565 = arith.constant 0 : i32
    %jit3A_2566 = arith.constant 99999 : i32
    %max3A_2567 = vector.broadcast %jit3A_2565 : i32 to vector<16xi32>
    %max3A_2568 = arith.maxsi %max3A_2567, %gather3A_2564 : vector<16xi32>
    %min3A_2569 = vector.broadcast %jit3A_2566 : i32 to vector<16xi32>
    %min3A_2570 = arith.minsi %min3A_2569, %max3A_2568 : vector<16xi32>
    %broadcast_in_dim3A_2571 = arith.constant 14 : i32
    %broadcast_in_dim3A_2572 = vector.broadcast %broadcast_in_dim3A_2571 : i32 to vector<16xi32>
    %broadcast_in_dim3A_2573 = arith.constant 6 : i32
    %broadcast_in_dim3A_2574 = vector.broadcast %broadcast_in_dim3A_2573 : i32 to vector<16xi32>
    %jit3A_2575 = arith.constant 128 : i32
    %eq3A_2576 = arith.constant 0 : i32
    %eq3A_2577 = arith.cmpi eq, %jit3A_2575, %eq3A_2576 : i32
    %jit3A_2578 = arith.constant 1 : i32
    %select_n3A_2579 = arith.select %eq3A_2577, %jit3A_2578, %jit3A_2575 : i32
    %rem3A_2580 = vector.broadcast %select_n3A_2579 : i32 to vector<16xi32>
    %rem3A_2581 = arith.remsi %min3A_2570, %rem3A_2580 : vector<16xi32>
    %ne3A_2582 = arith.constant 0 : i32
    %ne3A_2583 = vector.broadcast %ne3A_2582 : i32 to vector<16xi32>
    %ne3A_2584 = arith.cmpi ne, %rem3A_2581, %ne3A_2583 : vector<16xi32>
    %lt3A_2585 = arith.constant 0 : i32
    %lt3A_2586 = vector.broadcast %lt3A_2585 : i32 to vector<16xi32>
    %lt3A_2587 = arith.cmpi slt, %rem3A_2581, %lt3A_2586 : vector<16xi32>
    %lt3A_2588 = arith.constant 0 : i32
    %lt3A_2589 = arith.cmpi slt, %select_n3A_2579, %lt3A_2588 : i32
    %ne3A_2590 = vector.broadcast %lt3A_2589 : i1 to vector<16xi1>
    %ne3A_2591 = vector.broadcast %ne3A_2590 : vector<16xi1> to vector<16xi1>
    %ne3A_2592 = arith.xori %lt3A_2587, %ne3A_2591 : vector<16xi1>
    %and3A_2593 = arith.andi %ne3A_2592, %ne3A_2584 : vector<16xi1>
    %add3A_2594 = vector.broadcast %select_n3A_2579 : i32 to vector<16xi32>
    %add3A_2595 = arith.addi %rem3A_2581, %add3A_2594 : vector<16xi32>
    %select_n3A_2596 = arith.select %and3A_2593, %add3A_2595, %rem3A_2581 : vector<16xi1>, vector<16xi32>
    %gather3A_2597 = tpu.vector_load_idx %arg6[%broadcast_in_dim3A_2572, %broadcast_in_dim3A_2574, %select_n3A_2596] : memref<32x8x128xf32, #tpu.memory_space<vmem>>[vector<16xi32>, vector<16xi32>, vector<16xi32>], vector<16xf32>,
    %swap3A_2598 = arith.constant 224 : index
    %swap3A_2599 = tpu.vector_load %arg7[%swap3A_2598] {strides = array<i32>} : memref<512xf32, #tpu.memory_space<vmem>>, vector<16xf32>,
    tpu.vector_store %arg7[%swap3A_2598], %gather3A_2597 {strides = array<i32>} : memref<512xf32, #tpu.memory_space<vmem>>, vector<16xf32>,
    %broadcast_in_dim3A_2600 = arith.constant 15 : i32
    %broadcast_in_dim3A_2601 = vector.broadcast %broadcast_in_dim3A_2600 : i32 to vector<16xi32>
    %gather3A_2602 = tpu.vector_load_idx %arg5[%broadcast_in_dim3A_2601] : memref<32xi32, #tpu.memory_space<vmem>>[vector<16xi32>], vector<16xi32>,
    %jit3A_2603 = arith.constant 0 : i32
    %jit3A_2604 = arith.constant 99999 : i32
    %max3A_2605 = vector.broadcast %jit3A_2603 : i32 to vector<16xi32>
    %max3A_2606 = arith.maxsi %max3A_2605, %gather3A_2602 : vector<16xi32>
    %min3A_2607 = vector.broadcast %jit3A_2604 : i32 to vector<16xi32>
    %min3A_2608 = arith.minsi %min3A_2607, %max3A_2606 : vector<16xi32>
    %broadcast_in_dim3A_2609 = arith.constant 15 : i32
    %broadcast_in_dim3A_2610 = vector.broadcast %broadcast_in_dim3A_2609 : i32 to vector<16xi32>
    %broadcast_in_dim3A_2611 = arith.constant 7 : i32
    %broadcast_in_dim3A_2612 = vector.broadcast %broadcast_in_dim3A_2611 : i32 to vector<16xi32>
    %jit3A_2613 = arith.constant 128 : i32
    %eq3A_2614 = arith.constant 0 : i32
    %eq3A_2615 = arith.cmpi eq, %jit3A_2613, %eq3A_2614 : i32
    %jit3A_2616 = arith.constant 1 : i32
    %select_n3A_2617 = arith.select %eq3A_2615, %jit3A_2616, %jit3A_2613 : i32
    %rem3A_2618 = vector.broadcast %select_n3A_2617 : i32 to vector<16xi32>
    %rem3A_2619 = arith.remsi %min3A_2608, %rem3A_2618 : vector<16xi32>
    %ne3A_2620 = arith.constant 0 : i32
    %ne3A_2621 = vector.broadcast %ne3A_2620 : i32 to vector<16xi32>
    %ne3A_2622 = arith.cmpi ne, %rem3A_2619, %ne3A_2621 : vector<16xi32>
    %lt3A_2623 = arith.constant 0 : i32
    %lt3A_2624 = vector.broadcast %lt3A_2623 : i32 to vector<16xi32>
    %lt3A_2625 = arith.cmpi slt, %rem3A_2619, %lt3A_2624 : vector<16xi32>
    %lt3A_2626 = arith.constant 0 : i32
    %lt3A_2627 = arith.cmpi slt, %select_n3A_2617, %lt3A_2626 : i32
    %ne3A_2628 = vector.broadcast %lt3A_2627 : i1 to vector<16xi1>
    %ne3A_2629 = vector.broadcast %ne3A_2628 : vector<16xi1> to vector<16xi1>
    %ne3A_2630 = arith.xori %lt3A_2625, %ne3A_2629 : vector<16xi1>
    %and3A_2631 = arith.andi %ne3A_2630, %ne3A_2622 : vector<16xi1>
    %add3A_2632 = vector.broadcast %select_n3A_2617 : i32 to vector<16xi32>
    %add3A_2633 = arith.addi %rem3A_2619, %add3A_2632 : vector<16xi32>
    %select_n3A_2634 = arith.select %and3A_2631, %add3A_2633, %rem3A_2619 : vector<16xi1>, vector<16xi32>
    %gather3A_2635 = tpu.vector_load_idx %arg6[%broadcast_in_dim3A_2610, %broadcast_in_dim3A_2612, %select_n3A_2634] : memref<32x8x128xf32, #tpu.memory_space<vmem>>[vector<16xi32>, vector<16xi32>, vector<16xi32>], vector<16xf32>,
    %swap3A_2636 = arith.constant 240 : index
    %swap3A_2637 = tpu.vector_load %arg7[%swap3A_2636] {strides = array<i32>} : memref<512xf32, #tpu.memory_space<vmem>>, vector<16xf32>,
    tpu.vector_store %arg7[%swap3A_2636], %gather3A_2635 {strides = array<i32>} : memref<512xf32, #tpu.memory_space<vmem>>, vector<16xf32>,
    %broadcast_in_dim3A_2638 = arith.constant 16 : i32
    %broadcast_in_dim3A_2639 = vector.broadcast %broadcast_in_dim3A_2638 : i32 to vector<16xi32>
    %gather3A_2640 = tpu.vector_load_idx %arg5[%broadcast_in_dim3A_2639] : memref<32xi32, #tpu.memory_space<vmem>>[vector<16xi32>], vector<16xi32>,
    %jit3A_2641 = arith.constant 0 : i32
    %jit3A_2642 = arith.constant 99999 : i32
    %max3A_2643 = vector.broadcast %jit3A_2641 : i32 to vector<16xi32>
    %max3A_2644 = arith.maxsi %max3A_2643, %gather3A_2640 : vector<16xi32>
    %min3A_2645 = vector.broadcast %jit3A_2642 : i32 to vector<16xi32>
    %min3A_2646 = arith.minsi %min3A_2645, %max3A_2644 : vector<16xi32>
    %broadcast_in_dim3A_2647 = arith.constant 16 : i32
    %broadcast_in_dim3A_2648 = vector.broadcast %broadcast_in_dim3A_2647 : i32 to vector<16xi32>
    %broadcast_in_dim3A_2649 = arith.constant 0 : i32
    %broadcast_in_dim3A_2650 = vector.broadcast %broadcast_in_dim3A_2649 : i32 to vector<16xi32>
    %jit3A_2651 = arith.constant 128 : i32
    %eq3A_2652 = arith.constant 0 : i32
    %eq3A_2653 = arith.cmpi eq, %jit3A_2651, %eq3A_2652 : i32
    %jit3A_2654 = arith.constant 1 : i32
    %select_n3A_2655 = arith.select %eq3A_2653, %jit3A_2654, %jit3A_2651 : i32
    %rem3A_2656 = vector.broadcast %select_n3A_2655 : i32 to vector<16xi32>
    %rem3A_2657 = arith.remsi %min3A_2646, %rem3A_2656 : vector<16xi32>
    %ne3A_2658 = arith.constant 0 : i32
    %ne3A_2659 = vector.broadcast %ne3A_2658 : i32 to vector<16xi32>
    %ne3A_2660 = arith.cmpi ne, %rem3A_2657, %ne3A_2659 : vector<16xi32>
    %lt3A_2661 = arith.constant 0 : i32
    %lt3A_2662 = vector.broadcast %lt3A_2661 : i32 to vector<16xi32>
    %lt3A_2663 = arith.cmpi slt, %rem3A_2657, %lt3A_2662 : vector<16xi32>
    %lt3A_2664 = arith.constant 0 : i32
    %lt3A_2665 = arith.cmpi slt, %select_n3A_2655, %lt3A_2664 : i32
    %ne3A_2666 = vector.broadcast %lt3A_2665 : i1 to vector<16xi1>
    %ne3A_2667 = vector.broadcast %ne3A_2666 : vector<16xi1> to vector<16xi1>
    %ne3A_2668 = arith.xori %lt3A_2663, %ne3A_2667 : vector<16xi1>
    %and3A_2669 = arith.andi %ne3A_2668, %ne3A_2660 : vector<16xi1>
    %add3A_2670 = vector.broadcast %select_n3A_2655 : i32 to vector<16xi32>
    %add3A_2671 = arith.addi %rem3A_2657, %add3A_2670 : vector<16xi32>
    %select_n3A_2672 = arith.select %and3A_2669, %add3A_2671, %rem3A_2657 : vector<16xi1>, vector<16xi32>
    %gather3A_2673 = tpu.vector_load_idx %arg6[%broadcast_in_dim3A_2648, %broadcast_in_dim3A_2650, %select_n3A_2672] : memref<32x8x128xf32, #tpu.memory_space<vmem>>[vector<16xi32>, vector<16xi32>, vector<16xi32>], vector<16xf32>,
    %swap3A_2674 = arith.constant 256 : index
    %swap3A_2675 = tpu.vector_load %arg7[%swap3A_2674] {strides = array<i32>} : memref<512xf32, #tpu.memory_space<vmem>>, vector<16xf32>,
    tpu.vector_store %arg7[%swap3A_2674], %gather3A_2673 {strides = array<i32>} : memref<512xf32, #tpu.memory_space<vmem>>, vector<16xf32>,
    %broadcast_in_dim3A_2676 = arith.constant 17 : i32
    %broadcast_in_dim3A_2677 = vector.broadcast %broadcast_in_dim3A_2676 : i32 to vector<16xi32>
    %gather3A_2678 = tpu.vector_load_idx %arg5[%broadcast_in_dim3A_2677] : memref<32xi32, #tpu.memory_space<vmem>>[vector<16xi32>], vector<16xi32>,
    %jit3A_2679 = arith.constant 0 : i32
    %jit3A_2680 = arith.constant 99999 : i32
    %max3A_2681 = vector.broadcast %jit3A_2679 : i32 to vector<16xi32>
    %max3A_2682 = arith.maxsi %max3A_2681, %gather3A_2678 : vector<16xi32>
    %min3A_2683 = vector.broadcast %jit3A_2680 : i32 to vector<16xi32>
    %min3A_2684 = arith.minsi %min3A_2683, %max3A_2682 : vector<16xi32>
    %broadcast_in_dim3A_2685 = arith.constant 17 : i32
    %broadcast_in_dim3A_2686 = vector.broadcast %broadcast_in_dim3A_2685 : i32 to vector<16xi32>
    %broadcast_in_dim3A_2687 = arith.constant 1 : i32
    %broadcast_in_dim3A_2688 = vector.broadcast %broadcast_in_dim3A_2687 : i32 to vector<16xi32>
    %jit3A_2689 = arith.constant 128 : i32
    %eq3A_2690 = arith.constant 0 : i32
    %eq3A_2691 = arith.cmpi eq, %jit3A_2689, %eq3A_2690 : i32
    %jit3A_2692 = arith.constant 1 : i32
    %select_n3A_2693 = arith.select %eq3A_2691, %jit3A_2692, %jit3A_2689 : i32
    %rem3A_2694 = vector.broadcast %select_n3A_2693 : i32 to vector<16xi32>
    %rem3A_2695 = arith.remsi %min3A_2684, %rem3A_2694 : vector<16xi32>
    %ne3A_2696 = arith.constant 0 : i32
    %ne3A_2697 = vector.broadcast %ne3A_2696 : i32 to vector<16xi32>
    %ne3A_2698 = arith.cmpi ne, %rem3A_2695, %ne3A_2697 : vector<16xi32>
    %lt3A_2699 = arith.constant 0 : i32
    %lt3A_2700 = vector.broadcast %lt3A_2699 : i32 to vector<16xi32>
    %lt3A_2701 = arith.cmpi slt, %rem3A_2695, %lt3A_2700 : vector<16xi32>
    %lt3A_2702 = arith.constant 0 : i32
    %lt3A_2703 = arith.cmpi slt, %select_n3A_2693, %lt3A_2702 : i32
    %ne3A_2704 = vector.broadcast %lt3A_2703 : i1 to vector<16xi1>
    %ne3A_2705 = vector.broadcast %ne3A_2704 : vector<16xi1> to vector<16xi1>
    %ne3A_2706 = arith.xori %lt3A_2701, %ne3A_2705 : vector<16xi1>
    %and3A_2707 = arith.andi %ne3A_2706, %ne3A_2698 : vector<16xi1>
    %add3A_2708 = vector.broadcast %select_n3A_2693 : i32 to vector<16xi32>
    %add3A_2709 = arith.addi %rem3A_2695, %add3A_2708 : vector<16xi32>
    %select_n3A_2710 = arith.select %and3A_2707, %add3A_2709, %rem3A_2695 : vector<16xi1>, vector<16xi32>
    %gather3A_2711 = tpu.vector_load_idx %arg6[%broadcast_in_dim3A_2686, %broadcast_in_dim3A_2688, %select_n3A_2710] : memref<32x8x128xf32, #tpu.memory_space<vmem>>[vector<16xi32>, vector<16xi32>, vector<16xi32>], vector<16xf32>,
    %swap3A_2712 = arith.constant 272 : index
    %swap3A_2713 = tpu.vector_load %arg7[%swap3A_2712] {strides = array<i32>} : memref<512xf32, #tpu.memory_space<vmem>>, vector<16xf32>,
    tpu.vector_store %arg7[%swap3A_2712], %gather3A_2711 {strides = array<i32>} : memref<512xf32, #tpu.memory_space<vmem>>, vector<16xf32>,
    %broadcast_in_dim3A_2714 = arith.constant 18 : i32
    %broadcast_in_dim3A_2715 = vector.broadcast %broadcast_in_dim3A_2714 : i32 to vector<16xi32>
    %gather3A_2716 = tpu.vector_load_idx %arg5[%broadcast_in_dim3A_2715] : memref<32xi32, #tpu.memory_space<vmem>>[vector<16xi32>], vector<16xi32>,
    %jit3A_2717 = arith.constant 0 : i32
    %jit3A_2718 = arith.constant 99999 : i32
    %max3A_2719 = vector.broadcast %jit3A_2717 : i32 to vector<16xi32>
    %max3A_2720 = arith.maxsi %max3A_2719, %gather3A_2716 : vector<16xi32>
    %min3A_2721 = vector.broadcast %jit3A_2718 : i32 to vector<16xi32>
    %min3A_2722 = arith.minsi %min3A_2721, %max3A_2720 : vector<16xi32>
    %broadcast_in_dim3A_2723 = arith.constant 18 : i32
    %broadcast_in_dim3A_2724 = vector.broadcast %broadcast_in_dim3A_2723 : i32 to vector<16xi32>
    %broadcast_in_dim3A_2725 = arith.constant 2 : i32
    %broadcast_in_dim3A_2726 = vector.broadcast %broadcast_in_dim3A_2725 : i32 to vector<16xi32>
    %jit3A_2727 = arith.constant 128 : i32
    %eq3A_2728 = arith.constant 0 : i32
    %eq3A_2729 = arith.cmpi eq, %jit3A_2727, %eq3A_2728 : i32
    %jit3A_2730 = arith.constant 1 : i32
    %select_n3A_2731 = arith.select %eq3A_2729, %jit3A_2730, %jit3A_2727 : i32
    %rem3A_2732 = vector.broadcast %select_n3A_2731 : i32 to vector<16xi32>
    %rem3A_2733 = arith.remsi %min3A_2722, %rem3A_2732 : vector<16xi32>
    %ne3A_2734 = arith.constant 0 : i32
    %ne3A_2735 = vector.broadcast %ne3A_2734 : i32 to vector<16xi32>
    %ne3A_2736 = arith.cmpi ne, %rem3A_2733, %ne3A_2735 : vector<16xi32>
    %lt3A_2737 = arith.constant 0 : i32
    %lt3A_2738 = vector.broadcast %lt3A_2737 : i32 to vector<16xi32>
    %lt3A_2739 = arith.cmpi slt, %rem3A_2733, %lt3A_2738 : vector<16xi32>
    %lt3A_2740 = arith.constant 0 : i32
    %lt3A_2741 = arith.cmpi slt, %select_n3A_2731, %lt3A_2740 : i32
    %ne3A_2742 = vector.broadcast %lt3A_2741 : i1 to vector<16xi1>
    %ne3A_2743 = vector.broadcast %ne3A_2742 : vector<16xi1> to vector<16xi1>
    %ne3A_2744 = arith.xori %lt3A_2739, %ne3A_2743 : vector<16xi1>
    %and3A_2745 = arith.andi %ne3A_2744, %ne3A_2736 : vector<16xi1>
    %add3A_2746 = vector.broadcast %select_n3A_2731 : i32 to vector<16xi32>
    %add3A_2747 = arith.addi %rem3A_2733, %add3A_2746 : vector<16xi32>
    %select_n3A_2748 = arith.select %and3A_2745, %add3A_2747, %rem3A_2733 : vector<16xi1>, vector<16xi32>
    %gather3A_2749 = tpu.vector_load_idx %arg6[%broadcast_in_dim3A_2724, %broadcast_in_dim3A_2726, %select_n3A_2748] : memref<32x8x128xf32, #tpu.memory_space<vmem>>[vector<16xi32>, vector<16xi32>, vector<16xi32>], vector<16xf32>,
    %swap3A_2750 = arith.constant 288 : index
    %swap3A_2751 = tpu.vector_load %arg7[%swap3A_2750] {strides = array<i32>} : memref<512xf32, #tpu.memory_space<vmem>>, vector<16xf32>,
    tpu.vector_store %arg7[%swap3A_2750], %gather3A_2749 {strides = array<i32>} : memref<512xf32, #tpu.memory_space<vmem>>, vector<16xf32>,
    %broadcast_in_dim3A_2752 = arith.constant 19 : i32
    %broadcast_in_dim3A_2753 = vector.broadcast %broadcast_in_dim3A_2752 : i32 to vector<16xi32>
    %gather3A_2754 = tpu.vector_load_idx %arg5[%broadcast_in_dim3A_2753] : memref<32xi32, #tpu.memory_space<vmem>>[vector<16xi32>], vector<16xi32>,
    %jit3A_2755 = arith.constant 0 : i32
    %jit3A_2756 = arith.constant 99999 : i32
    %max3A_2757 = vector.broadcast %jit3A_2755 : i32 to vector<16xi32>
    %max3A_2758 = arith.maxsi %max3A_2757, %gather3A_2754 : vector<16xi32>
    %min3A_2759 = vector.broadcast %jit3A_2756 : i32 to vector<16xi32>
    %min3A_2760 = arith.minsi %min3A_2759, %max3A_2758 : vector<16xi32>
    %broadcast_in_dim3A_2761 = arith.constant 19 : i32
    %broadcast_in_dim3A_2762 = vector.broadcast %broadcast_in_dim3A_2761 : i32 to vector<16xi32>
    %broadcast_in_dim3A_2763 = arith.constant 3 : i32
    %broadcast_in_dim3A_2764 = vector.broadcast %broadcast_in_dim3A_2763 : i32 to vector<16xi32>
    %jit3A_2765 = arith.constant 128 : i32
    %eq3A_2766 = arith.constant 0 : i32
    %eq3A_2767 = arith.cmpi eq, %jit3A_2765, %eq3A_2766 : i32
    %jit3A_2768 = arith.constant 1 : i32
    %select_n3A_2769 = arith.select %eq3A_2767, %jit3A_2768, %jit3A_2765 : i32
    %rem3A_2770 = vector.broadcast %select_n3A_2769 : i32 to vector<16xi32>
    %rem3A_2771 = arith.remsi %min3A_2760, %rem3A_2770 : vector<16xi32>
    %ne3A_2772 = arith.constant 0 : i32
    %ne3A_2773 = vector.broadcast %ne3A_2772 : i32 to vector<16xi32>
    %ne3A_2774 = arith.cmpi ne, %rem3A_2771, %ne3A_2773 : vector<16xi32>
    %lt3A_2775 = arith.constant 0 : i32
    %lt3A_2776 = vector.broadcast %lt3A_2775 : i32 to vector<16xi32>
    %lt3A_2777 = arith.cmpi slt, %rem3A_2771, %lt3A_2776 : vector<16xi32>
    %lt3A_2778 = arith.constant 0 : i32
    %lt3A_2779 = arith.cmpi slt, %select_n3A_2769, %lt3A_2778 : i32
    %ne3A_2780 = vector.broadcast %lt3A_2779 : i1 to vector<16xi1>
    %ne3A_2781 = vector.broadcast %ne3A_2780 : vector<16xi1> to vector<16xi1>
    %ne3A_2782 = arith.xori %lt3A_2777, %ne3A_2781 : vector<16xi1>
    %and3A_2783 = arith.andi %ne3A_2782, %ne3A_2774 : vector<16xi1>
    %add3A_2784 = vector.broadcast %select_n3A_2769 : i32 to vector<16xi32>
    %add3A_2785 = arith.addi %rem3A_2771, %add3A_2784 : vector<16xi32>
    %select_n3A_2786 = arith.select %and3A_2783, %add3A_2785, %rem3A_2771 : vector<16xi1>, vector<16xi32>
    %gather3A_2787 = tpu.vector_load_idx %arg6[%broadcast_in_dim3A_2762, %broadcast_in_dim3A_2764, %select_n3A_2786] : memref<32x8x128xf32, #tpu.memory_space<vmem>>[vector<16xi32>, vector<16xi32>, vector<16xi32>], vector<16xf32>,
    %swap3A_2788 = arith.constant 304 : index
    %swap3A_2789 = tpu.vector_load %arg7[%swap3A_2788] {strides = array<i32>} : memref<512xf32, #tpu.memory_space<vmem>>, vector<16xf32>,
    tpu.vector_store %arg7[%swap3A_2788], %gather3A_2787 {strides = array<i32>} : memref<512xf32, #tpu.memory_space<vmem>>, vector<16xf32>,
    %broadcast_in_dim3A_2790 = arith.constant 20 : i32
    %broadcast_in_dim3A_2791 = vector.broadcast %broadcast_in_dim3A_2790 : i32 to vector<16xi32>
    %gather3A_2792 = tpu.vector_load_idx %arg5[%broadcast_in_dim3A_2791] : memref<32xi32, #tpu.memory_space<vmem>>[vector<16xi32>], vector<16xi32>,
    %jit3A_2793 = arith.constant 0 : i32
    %jit3A_2794 = arith.constant 99999 : i32
    %max3A_2795 = vector.broadcast %jit3A_2793 : i32 to vector<16xi32>
    %max3A_2796 = arith.maxsi %max3A_2795, %gather3A_2792 : vector<16xi32>
    %min3A_2797 = vector.broadcast %jit3A_2794 : i32 to vector<16xi32>
    %min3A_2798 = arith.minsi %min3A_2797, %max3A_2796 : vector<16xi32>
    %broadcast_in_dim3A_2799 = arith.constant 20 : i32
    %broadcast_in_dim3A_2800 = vector.broadcast %broadcast_in_dim3A_2799 : i32 to vector<16xi32>
    %broadcast_in_dim3A_2801 = arith.constant 4 : i32
    %broadcast_in_dim3A_2802 = vector.broadcast %broadcast_in_dim3A_2801 : i32 to vector<16xi32>
    %jit3A_2803 = arith.constant 128 : i32
    %eq3A_2804 = arith.constant 0 : i32
    %eq3A_2805 = arith.cmpi eq, %jit3A_2803, %eq3A_2804 : i32
    %jit3A_2806 = arith.constant 1 : i32
    %select_n3A_2807 = arith.select %eq3A_2805, %jit3A_2806, %jit3A_2803 : i32
    %rem3A_2808 = vector.broadcast %select_n3A_2807 : i32 to vector<16xi32>
    %rem3A_2809 = arith.remsi %min3A_2798, %rem3A_2808 : vector<16xi32>
    %ne3A_2810 = arith.constant 0 : i32
    %ne3A_2811 = vector.broadcast %ne3A_2810 : i32 to vector<16xi32>
    %ne3A_2812 = arith.cmpi ne, %rem3A_2809, %ne3A_2811 : vector<16xi32>
    %lt3A_2813 = arith.constant 0 : i32
    %lt3A_2814 = vector.broadcast %lt3A_2813 : i32 to vector<16xi32>
    %lt3A_2815 = arith.cmpi slt, %rem3A_2809, %lt3A_2814 : vector<16xi32>
    %lt3A_2816 = arith.constant 0 : i32
    %lt3A_2817 = arith.cmpi slt, %select_n3A_2807, %lt3A_2816 : i32
    %ne3A_2818 = vector.broadcast %lt3A_2817 : i1 to vector<16xi1>
    %ne3A_2819 = vector.broadcast %ne3A_2818 : vector<16xi1> to vector<16xi1>
    %ne3A_2820 = arith.xori %lt3A_2815, %ne3A_2819 : vector<16xi1>
    %and3A_2821 = arith.andi %ne3A_2820, %ne3A_2812 : vector<16xi1>
    %add3A_2822 = vector.broadcast %select_n3A_2807 : i32 to vector<16xi32>
    %add3A_2823 = arith.addi %rem3A_2809, %add3A_2822 : vector<16xi32>
    %select_n3A_2824 = arith.select %and3A_2821, %add3A_2823, %rem3A_2809 : vector<16xi1>, vector<16xi32>
    %gather3A_2825 = tpu.vector_load_idx %arg6[%broadcast_in_dim3A_2800, %broadcast_in_dim3A_2802, %select_n3A_2824] : memref<32x8x128xf32, #tpu.memory_space<vmem>>[vector<16xi32>, vector<16xi32>, vector<16xi32>], vector<16xf32>,
    %swap3A_2826 = arith.constant 320 : index
    %swap3A_2827 = tpu.vector_load %arg7[%swap3A_2826] {strides = array<i32>} : memref<512xf32, #tpu.memory_space<vmem>>, vector<16xf32>,
    tpu.vector_store %arg7[%swap3A_2826], %gather3A_2825 {strides = array<i32>} : memref<512xf32, #tpu.memory_space<vmem>>, vector<16xf32>,
    %broadcast_in_dim3A_2828 = arith.constant 21 : i32
    %broadcast_in_dim3A_2829 = vector.broadcast %broadcast_in_dim3A_2828 : i32 to vector<16xi32>
    %gather3A_2830 = tpu.vector_load_idx %arg5[%broadcast_in_dim3A_2829] : memref<32xi32, #tpu.memory_space<vmem>>[vector<16xi32>], vector<16xi32>,
    %jit3A_2831 = arith.constant 0 : i32
    %jit3A_2832 = arith.constant 99999 : i32
    %max3A_2833 = vector.broadcast %jit3A_2831 : i32 to vector<16xi32>
    %max3A_2834 = arith.maxsi %max3A_2833, %gather3A_2830 : vector<16xi32>
    %min3A_2835 = vector.broadcast %jit3A_2832 : i32 to vector<16xi32>
    %min3A_2836 = arith.minsi %min3A_2835, %max3A_2834 : vector<16xi32>
    %broadcast_in_dim3A_2837 = arith.constant 21 : i32
    %broadcast_in_dim3A_2838 = vector.broadcast %broadcast_in_dim3A_2837 : i32 to vector<16xi32>
    %broadcast_in_dim3A_2839 = arith.constant 5 : i32
    %broadcast_in_dim3A_2840 = vector.broadcast %broadcast_in_dim3A_2839 : i32 to vector<16xi32>
    %jit3A_2841 = arith.constant 128 : i32
    %eq3A_2842 = arith.constant 0 : i32
    %eq3A_2843 = arith.cmpi eq, %jit3A_2841, %eq3A_2842 : i32
    %jit3A_2844 = arith.constant 1 : i32
    %select_n3A_2845 = arith.select %eq3A_2843, %jit3A_2844, %jit3A_2841 : i32
    %rem3A_2846 = vector.broadcast %select_n3A_2845 : i32 to vector<16xi32>
    %rem3A_2847 = arith.remsi %min3A_2836, %rem3A_2846 : vector<16xi32>
    %ne3A_2848 = arith.constant 0 : i32
    %ne3A_2849 = vector.broadcast %ne3A_2848 : i32 to vector<16xi32>
    %ne3A_2850 = arith.cmpi ne, %rem3A_2847, %ne3A_2849 : vector<16xi32>
    %lt3A_2851 = arith.constant 0 : i32
    %lt3A_2852 = vector.broadcast %lt3A_2851 : i32 to vector<16xi32>
    %lt3A_2853 = arith.cmpi slt, %rem3A_2847, %lt3A_2852 : vector<16xi32>
    %lt3A_2854 = arith.constant 0 : i32
    %lt3A_2855 = arith.cmpi slt, %select_n3A_2845, %lt3A_2854 : i32
    %ne3A_2856 = vector.broadcast %lt3A_2855 : i1 to vector<16xi1>
    %ne3A_2857 = vector.broadcast %ne3A_2856 : vector<16xi1> to vector<16xi1>
    %ne3A_2858 = arith.xori %lt3A_2853, %ne3A_2857 : vector<16xi1>
    %and3A_2859 = arith.andi %ne3A_2858, %ne3A_2850 : vector<16xi1>
    %add3A_2860 = vector.broadcast %select_n3A_2845 : i32 to vector<16xi32>
    %add3A_2861 = arith.addi %rem3A_2847, %add3A_2860 : vector<16xi32>
    %select_n3A_2862 = arith.select %and3A_2859, %add3A_2861, %rem3A_2847 : vector<16xi1>, vector<16xi32>
    %gather3A_2863 = tpu.vector_load_idx %arg6[%broadcast_in_dim3A_2838, %broadcast_in_dim3A_2840, %select_n3A_2862] : memref<32x8x128xf32, #tpu.memory_space<vmem>>[vector<16xi32>, vector<16xi32>, vector<16xi32>], vector<16xf32>,
    %swap3A_2864 = arith.constant 336 : index
    %swap3A_2865 = tpu.vector_load %arg7[%swap3A_2864] {strides = array<i32>} : memref<512xf32, #tpu.memory_space<vmem>>, vector<16xf32>,
    tpu.vector_store %arg7[%swap3A_2864], %gather3A_2863 {strides = array<i32>} : memref<512xf32, #tpu.memory_space<vmem>>, vector<16xf32>,
    %broadcast_in_dim3A_2866 = arith.constant 22 : i32
    %broadcast_in_dim3A_2867 = vector.broadcast %broadcast_in_dim3A_2866 : i32 to vector<16xi32>
    %gather3A_2868 = tpu.vector_load_idx %arg5[%broadcast_in_dim3A_2867] : memref<32xi32, #tpu.memory_space<vmem>>[vector<16xi32>], vector<16xi32>,
    %jit3A_2869 = arith.constant 0 : i32
    %jit3A_2870 = arith.constant 99999 : i32
    %max3A_2871 = vector.broadcast %jit3A_2869 : i32 to vector<16xi32>
    %max3A_2872 = arith.maxsi %max3A_2871, %gather3A_2868 : vector<16xi32>
    %min3A_2873 = vector.broadcast %jit3A_2870 : i32 to vector<16xi32>
    %min3A_2874 = arith.minsi %min3A_2873, %max3A_2872 : vector<16xi32>
    %broadcast_in_dim3A_2875 = arith.constant 22 : i32
    %broadcast_in_dim3A_2876 = vector.broadcast %broadcast_in_dim3A_2875 : i32 to vector<16xi32>
    %broadcast_in_dim3A_2877 = arith.constant 6 : i32
    %broadcast_in_dim3A_2878 = vector.broadcast %broadcast_in_dim3A_2877 : i32 to vector<16xi32>
    %jit3A_2879 = arith.constant 128 : i32
    %eq3A_2880 = arith.constant 0 : i32
    %eq3A_2881 = arith.cmpi eq, %jit3A_2879, %eq3A_2880 : i32
    %jit3A_2882 = arith.constant 1 : i32
    %select_n3A_2883 = arith.select %eq3A_2881, %jit3A_2882, %jit3A_2879 : i32
    %rem3A_2884 = vector.broadcast %select_n3A_2883 : i32 to vector<16xi32>
    %rem3A_2885 = arith.remsi %min3A_2874, %rem3A_2884 : vector<16xi32>
    %ne3A_2886 = arith.constant 0 : i32
    %ne3A_2887 = vector.broadcast %ne3A_2886 : i32 to vector<16xi32>
    %ne3A_2888 = arith.cmpi ne, %rem3A_2885, %ne3A_2887 : vector<16xi32>
    %lt3A_2889 = arith.constant 0 : i32
    %lt3A_2890 = vector.broadcast %lt3A_2889 : i32 to vector<16xi32>
    %lt3A_2891 = arith.cmpi slt, %rem3A_2885, %lt3A_2890 : vector<16xi32>
    %lt3A_2892 = arith.constant 0 : i32
    %lt3A_2893 = arith.cmpi slt, %select_n3A_2883, %lt3A_2892 : i32
    %ne3A_2894 = vector.broadcast %lt3A_2893 : i1 to vector<16xi1>
    %ne3A_2895 = vector.broadcast %ne3A_2894 : vector<16xi1> to vector<16xi1>
    %ne3A_2896 = arith.xori %lt3A_2891, %ne3A_2895 : vector<16xi1>
    %and3A_2897 = arith.andi %ne3A_2896, %ne3A_2888 : vector<16xi1>
    %add3A_2898 = vector.broadcast %select_n3A_2883 : i32 to vector<16xi32>
    %add3A_2899 = arith.addi %rem3A_2885, %add3A_2898 : vector<16xi32>
    %select_n3A_2900 = arith.select %and3A_2897, %add3A_2899, %rem3A_2885 : vector<16xi1>, vector<16xi32>
    %gather3A_2901 = tpu.vector_load_idx %arg6[%broadcast_in_dim3A_2876, %broadcast_in_dim3A_2878, %select_n3A_2900] : memref<32x8x128xf32, #tpu.memory_space<vmem>>[vector<16xi32>, vector<16xi32>, vector<16xi32>], vector<16xf32>,
    %swap3A_2902 = arith.constant 352 : index
    %swap3A_2903 = tpu.vector_load %arg7[%swap3A_2902] {strides = array<i32>} : memref<512xf32, #tpu.memory_space<vmem>>, vector<16xf32>,
    tpu.vector_store %arg7[%swap3A_2902], %gather3A_2901 {strides = array<i32>} : memref<512xf32, #tpu.memory_space<vmem>>, vector<16xf32>,
    %broadcast_in_dim3A_2904 = arith.constant 23 : i32
    %broadcast_in_dim3A_2905 = vector.broadcast %broadcast_in_dim3A_2904 : i32 to vector<16xi32>
    %gather3A_2906 = tpu.vector_load_idx %arg5[%broadcast_in_dim3A_2905] : memref<32xi32, #tpu.memory_space<vmem>>[vector<16xi32>], vector<16xi32>,
    %jit3A_2907 = arith.constant 0 : i32
    %jit3A_2908 = arith.constant 99999 : i32
    %max3A_2909 = vector.broadcast %jit3A_2907 : i32 to vector<16xi32>
    %max3A_2910 = arith.maxsi %max3A_2909, %gather3A_2906 : vector<16xi32>
    %min3A_2911 = vector.broadcast %jit3A_2908 : i32 to vector<16xi32>
    %min3A_2912 = arith.minsi %min3A_2911, %max3A_2910 : vector<16xi32>
    %broadcast_in_dim3A_2913 = arith.constant 23 : i32
    %broadcast_in_dim3A_2914 = vector.broadcast %broadcast_in_dim3A_2913 : i32 to vector<16xi32>
    %broadcast_in_dim3A_2915 = arith.constant 7 : i32
    %broadcast_in_dim3A_2916 = vector.broadcast %broadcast_in_dim3A_2915 : i32 to vector<16xi32>
    %jit3A_2917 = arith.constant 128 : i32
    %eq3A_2918 = arith.constant 0 : i32
    %eq3A_2919 = arith.cmpi eq, %jit3A_2917, %eq3A_2918 : i32
    %jit3A_2920 = arith.constant 1 : i32
    %select_n3A_2921 = arith.select %eq3A_2919, %jit3A_2920, %jit3A_2917 : i32
    %rem3A_2922 = vector.broadcast %select_n3A_2921 : i32 to vector<16xi32>
    %rem3A_2923 = arith.remsi %min3A_2912, %rem3A_2922 : vector<16xi32>
    %ne3A_2924 = arith.constant 0 : i32
    %ne3A_2925 = vector.broadcast %ne3A_2924 : i32 to vector<16xi32>
    %ne3A_2926 = arith.cmpi ne, %rem3A_2923, %ne3A_2925 : vector<16xi32>
    %lt3A_2927 = arith.constant 0 : i32
    %lt3A_2928 = vector.broadcast %lt3A_2927 : i32 to vector<16xi32>
    %lt3A_2929 = arith.cmpi slt, %rem3A_2923, %lt3A_2928 : vector<16xi32>
    %lt3A_2930 = arith.constant 0 : i32
    %lt3A_2931 = arith.cmpi slt, %select_n3A_2921, %lt3A_2930 : i32
    %ne3A_2932 = vector.broadcast %lt3A_2931 : i1 to vector<16xi1>
    %ne3A_2933 = vector.broadcast %ne3A_2932 : vector<16xi1> to vector<16xi1>
    %ne3A_2934 = arith.xori %lt3A_2929, %ne3A_2933 : vector<16xi1>
    %and3A_2935 = arith.andi %ne3A_2934, %ne3A_2926 : vector<16xi1>
    %add3A_2936 = vector.broadcast %select_n3A_2921 : i32 to vector<16xi32>
    %add3A_2937 = arith.addi %rem3A_2923, %add3A_2936 : vector<16xi32>
    %select_n3A_2938 = arith.select %and3A_2935, %add3A_2937, %rem3A_2923 : vector<16xi1>, vector<16xi32>
    %gather3A_2939 = tpu.vector_load_idx %arg6[%broadcast_in_dim3A_2914, %broadcast_in_dim3A_2916, %select_n3A_2938] : memref<32x8x128xf32, #tpu.memory_space<vmem>>[vector<16xi32>, vector<16xi32>, vector<16xi32>], vector<16xf32>,
    %swap3A_2940 = arith.constant 368 : index
    %swap3A_2941 = tpu.vector_load %arg7[%swap3A_2940] {strides = array<i32>} : memref<512xf32, #tpu.memory_space<vmem>>, vector<16xf32>,
    tpu.vector_store %arg7[%swap3A_2940], %gather3A_2939 {strides = array<i32>} : memref<512xf32, #tpu.memory_space<vmem>>, vector<16xf32>,
    %broadcast_in_dim3A_2942 = arith.constant 24 : i32
    %broadcast_in_dim3A_2943 = vector.broadcast %broadcast_in_dim3A_2942 : i32 to vector<16xi32>
    %gather3A_2944 = tpu.vector_load_idx %arg5[%broadcast_in_dim3A_2943] : memref<32xi32, #tpu.memory_space<vmem>>[vector<16xi32>], vector<16xi32>,
    %jit3A_2945 = arith.constant 0 : i32
    %jit3A_2946 = arith.constant 99999 : i32
    %max3A_2947 = vector.broadcast %jit3A_2945 : i32 to vector<16xi32>
    %max3A_2948 = arith.maxsi %max3A_2947, %gather3A_2944 : vector<16xi32>
    %min3A_2949 = vector.broadcast %jit3A_2946 : i32 to vector<16xi32>
    %min3A_2950 = arith.minsi %min3A_2949, %max3A_2948 : vector<16xi32>
    %broadcast_in_dim3A_2951 = arith.constant 24 : i32
    %broadcast_in_dim3A_2952 = vector.broadcast %broadcast_in_dim3A_2951 : i32 to vector<16xi32>
    %broadcast_in_dim3A_2953 = arith.constant 0 : i32
    %broadcast_in_dim3A_2954 = vector.broadcast %broadcast_in_dim3A_2953 : i32 to vector<16xi32>
    %jit3A_2955 = arith.constant 128 : i32
    %eq3A_2956 = arith.constant 0 : i32
    %eq3A_2957 = arith.cmpi eq, %jit3A_2955, %eq3A_2956 : i32
    %jit3A_2958 = arith.constant 1 : i32
    %select_n3A_2959 = arith.select %eq3A_2957, %jit3A_2958, %jit3A_2955 : i32
    %rem3A_2960 = vector.broadcast %select_n3A_2959 : i32 to vector<16xi32>
    %rem3A_2961 = arith.remsi %min3A_2950, %rem3A_2960 : vector<16xi32>
    %ne3A_2962 = arith.constant 0 : i32
    %ne3A_2963 = vector.broadcast %ne3A_2962 : i32 to vector<16xi32>
    %ne3A_2964 = arith.cmpi ne, %rem3A_2961, %ne3A_2963 : vector<16xi32>
    %lt3A_2965 = arith.constant 0 : i32
    %lt3A_2966 = vector.broadcast %lt3A_2965 : i32 to vector<16xi32>
    %lt3A_2967 = arith.cmpi slt, %rem3A_2961, %lt3A_2966 : vector<16xi32>
    %lt3A_2968 = arith.constant 0 : i32
    %lt3A_2969 = arith.cmpi slt, %select_n3A_2959, %lt3A_2968 : i32
    %ne3A_2970 = vector.broadcast %lt3A_2969 : i1 to vector<16xi1>
    %ne3A_2971 = vector.broadcast %ne3A_2970 : vector<16xi1> to vector<16xi1>
    %ne3A_2972 = arith.xori %lt3A_2967, %ne3A_2971 : vector<16xi1>
    %and3A_2973 = arith.andi %ne3A_2972, %ne3A_2964 : vector<16xi1>
    %add3A_2974 = vector.broadcast %select_n3A_2959 : i32 to vector<16xi32>
    %add3A_2975 = arith.addi %rem3A_2961, %add3A_2974 : vector<16xi32>
    %select_n3A_2976 = arith.select %and3A_2973, %add3A_2975, %rem3A_2961 : vector<16xi1>, vector<16xi32>
    %gather3A_2977 = tpu.vector_load_idx %arg6[%broadcast_in_dim3A_2952, %broadcast_in_dim3A_2954, %select_n3A_2976] : memref<32x8x128xf32, #tpu.memory_space<vmem>>[vector<16xi32>, vector<16xi32>, vector<16xi32>], vector<16xf32>,
    %swap3A_2978 = arith.constant 384 : index
    %swap3A_2979 = tpu.vector_load %arg7[%swap3A_2978] {strides = array<i32>} : memref<512xf32, #tpu.memory_space<vmem>>, vector<16xf32>,
    tpu.vector_store %arg7[%swap3A_2978], %gather3A_2977 {strides = array<i32>} : memref<512xf32, #tpu.memory_space<vmem>>, vector<16xf32>,
    %broadcast_in_dim3A_2980 = arith.constant 25 : i32
    %broadcast_in_dim3A_2981 = vector.broadcast %broadcast_in_dim3A_2980 : i32 to vector<16xi32>
    %gather3A_2982 = tpu.vector_load_idx %arg5[%broadcast_in_dim3A_2981] : memref<32xi32, #tpu.memory_space<vmem>>[vector<16xi32>], vector<16xi32>,
    %jit3A_2983 = arith.constant 0 : i32
    %jit3A_2984 = arith.constant 99999 : i32
    %max3A_2985 = vector.broadcast %jit3A_2983 : i32 to vector<16xi32>
    %max3A_2986 = arith.maxsi %max3A_2985, %gather3A_2982 : vector<16xi32>
    %min3A_2987 = vector.broadcast %jit3A_2984 : i32 to vector<16xi32>
    %min3A_2988 = arith.minsi %min3A_2987, %max3A_2986 : vector<16xi32>
    %broadcast_in_dim3A_2989 = arith.constant 25 : i32
    %broadcast_in_dim3A_2990 = vector.broadcast %broadcast_in_dim3A_2989 : i32 to vector<16xi32>
    %broadcast_in_dim3A_2991 = arith.constant 1 : i32
    %broadcast_in_dim3A_2992 = vector.broadcast %broadcast_in_dim3A_2991 : i32 to vector<16xi32>
    %jit3A_2993 = arith.constant 128 : i32
    %eq3A_2994 = arith.constant 0 : i32
    %eq3A_2995 = arith.cmpi eq, %jit3A_2993, %eq3A_2994 : i32
    %jit3A_2996 = arith.constant 1 : i32
    %select_n3A_2997 = arith.select %eq3A_2995, %jit3A_2996, %jit3A_2993 : i32
    %rem3A_2998 = vector.broadcast %select_n3A_2997 : i32 to vector<16xi32>
    %rem3A_2999 = arith.remsi %min3A_2988, %rem3A_2998 : vector<16xi32>
    %ne3A_3000 = arith.constant 0 : i32
    %ne3A_3001 = vector.broadcast %ne3A_3000 : i32 to vector<16xi32>
    %ne3A_3002 = arith.cmpi ne, %rem3A_2999, %ne3A_3001 : vector<16xi32>
    %lt3A_3003 = arith.constant 0 : i32
    %lt3A_3004 = vector.broadcast %lt3A_3003 : i32 to vector<16xi32>
    %lt3A_3005 = arith.cmpi slt, %rem3A_2999, %lt3A_3004 : vector<16xi32>
    %lt3A_3006 = arith.constant 0 : i32
    %lt3A_3007 = arith.cmpi slt, %select_n3A_2997, %lt3A_3006 : i32
    %ne3A_3008 = vector.broadcast %lt3A_3007 : i1 to vector<16xi1>
    %ne3A_3009 = vector.broadcast %ne3A_3008 : vector<16xi1> to vector<16xi1>
    %ne3A_3010 = arith.xori %lt3A_3005, %ne3A_3009 : vector<16xi1>
    %and3A_3011 = arith.andi %ne3A_3010, %ne3A_3002 : vector<16xi1>
    %add3A_3012 = vector.broadcast %select_n3A_2997 : i32 to vector<16xi32>
    %add3A_3013 = arith.addi %rem3A_2999, %add3A_3012 : vector<16xi32>
    %select_n3A_3014 = arith.select %and3A_3011, %add3A_3013, %rem3A_2999 : vector<16xi1>, vector<16xi32>
    %gather3A_3015 = tpu.vector_load_idx %arg6[%broadcast_in_dim3A_2990, %broadcast_in_dim3A_2992, %select_n3A_3014] : memref<32x8x128xf32, #tpu.memory_space<vmem>>[vector<16xi32>, vector<16xi32>, vector<16xi32>], vector<16xf32>,
    %swap3A_3016 = arith.constant 400 : index
    %swap3A_3017 = tpu.vector_load %arg7[%swap3A_3016] {strides = array<i32>} : memref<512xf32, #tpu.memory_space<vmem>>, vector<16xf32>,
    tpu.vector_store %arg7[%swap3A_3016], %gather3A_3015 {strides = array<i32>} : memref<512xf32, #tpu.memory_space<vmem>>, vector<16xf32>,
    %broadcast_in_dim3A_3018 = arith.constant 26 : i32
    %broadcast_in_dim3A_3019 = vector.broadcast %broadcast_in_dim3A_3018 : i32 to vector<16xi32>
    %gather3A_3020 = tpu.vector_load_idx %arg5[%broadcast_in_dim3A_3019] : memref<32xi32, #tpu.memory_space<vmem>>[vector<16xi32>], vector<16xi32>,
    %jit3A_3021 = arith.constant 0 : i32
    %jit3A_3022 = arith.constant 99999 : i32
    %max3A_3023 = vector.broadcast %jit3A_3021 : i32 to vector<16xi32>
    %max3A_3024 = arith.maxsi %max3A_3023, %gather3A_3020 : vector<16xi32>
    %min3A_3025 = vector.broadcast %jit3A_3022 : i32 to vector<16xi32>
    %min3A_3026 = arith.minsi %min3A_3025, %max3A_3024 : vector<16xi32>
    %broadcast_in_dim3A_3027 = arith.constant 26 : i32
    %broadcast_in_dim3A_3028 = vector.broadcast %broadcast_in_dim3A_3027 : i32 to vector<16xi32>
    %broadcast_in_dim3A_3029 = arith.constant 2 : i32
    %broadcast_in_dim3A_3030 = vector.broadcast %broadcast_in_dim3A_3029 : i32 to vector<16xi32>
    %jit3A_3031 = arith.constant 128 : i32
    %eq3A_3032 = arith.constant 0 : i32
    %eq3A_3033 = arith.cmpi eq, %jit3A_3031, %eq3A_3032 : i32
    %jit3A_3034 = arith.constant 1 : i32
    %select_n3A_3035 = arith.select %eq3A_3033, %jit3A_3034, %jit3A_3031 : i32
    %rem3A_3036 = vector.broadcast %select_n3A_3035 : i32 to vector<16xi32>
    %rem3A_3037 = arith.remsi %min3A_3026, %rem3A_3036 : vector<16xi32>
    %ne3A_3038 = arith.constant 0 : i32
    %ne3A_3039 = vector.broadcast %ne3A_3038 : i32 to vector<16xi32>
    %ne3A_3040 = arith.cmpi ne, %rem3A_3037, %ne3A_3039 : vector<16xi32>
    %lt3A_3041 = arith.constant 0 : i32
    %lt3A_3042 = vector.broadcast %lt3A_3041 : i32 to vector<16xi32>
    %lt3A_3043 = arith.cmpi slt, %rem3A_3037, %lt3A_3042 : vector<16xi32>
    %lt3A_3044 = arith.constant 0 : i32
    %lt3A_3045 = arith.cmpi slt, %select_n3A_3035, %lt3A_3044 : i32
    %ne3A_3046 = vector.broadcast %lt3A_3045 : i1 to vector<16xi1>
    %ne3A_3047 = vector.broadcast %ne3A_3046 : vector<16xi1> to vector<16xi1>
    %ne3A_3048 = arith.xori %lt3A_3043, %ne3A_3047 : vector<16xi1>
    %and3A_3049 = arith.andi %ne3A_3048, %ne3A_3040 : vector<16xi1>
    %add3A_3050 = vector.broadcast %select_n3A_3035 : i32 to vector<16xi32>
    %add3A_3051 = arith.addi %rem3A_3037, %add3A_3050 : vector<16xi32>
    %select_n3A_3052 = arith.select %and3A_3049, %add3A_3051, %rem3A_3037 : vector<16xi1>, vector<16xi32>
    %gather3A_3053 = tpu.vector_load_idx %arg6[%broadcast_in_dim3A_3028, %broadcast_in_dim3A_3030, %select_n3A_3052] : memref<32x8x128xf32, #tpu.memory_space<vmem>>[vector<16xi32>, vector<16xi32>, vector<16xi32>], vector<16xf32>,
    %swap3A_3054 = arith.constant 416 : index
    %swap3A_3055 = tpu.vector_load %arg7[%swap3A_3054] {strides = array<i32>} : memref<512xf32, #tpu.memory_space<vmem>>, vector<16xf32>,
    tpu.vector_store %arg7[%swap3A_3054], %gather3A_3053 {strides = array<i32>} : memref<512xf32, #tpu.memory_space<vmem>>, vector<16xf32>,
    %broadcast_in_dim3A_3056 = arith.constant 27 : i32
    %broadcast_in_dim3A_3057 = vector.broadcast %broadcast_in_dim3A_3056 : i32 to vector<16xi32>
    %gather3A_3058 = tpu.vector_load_idx %arg5[%broadcast_in_dim3A_3057] : memref<32xi32, #tpu.memory_space<vmem>>[vector<16xi32>], vector<16xi32>,
    %jit3A_3059 = arith.constant 0 : i32
    %jit3A_3060 = arith.constant 99999 : i32
    %max3A_3061 = vector.broadcast %jit3A_3059 : i32 to vector<16xi32>
    %max3A_3062 = arith.maxsi %max3A_3061, %gather3A_3058 : vector<16xi32>
    %min3A_3063 = vector.broadcast %jit3A_3060 : i32 to vector<16xi32>
    %min3A_3064 = arith.minsi %min3A_3063, %max3A_3062 : vector<16xi32>
    %broadcast_in_dim3A_3065 = arith.constant 27 : i32
    %broadcast_in_dim3A_3066 = vector.broadcast %broadcast_in_dim3A_3065 : i32 to vector<16xi32>
    %broadcast_in_dim3A_3067 = arith.constant 3 : i32
    %broadcast_in_dim3A_3068 = vector.broadcast %broadcast_in_dim3A_3067 : i32 to vector<16xi32>
    %jit3A_3069 = arith.constant 128 : i32
    %eq3A_3070 = arith.constant 0 : i32
    %eq3A_3071 = arith.cmpi eq, %jit3A_3069, %eq3A_3070 : i32
    %jit3A_3072 = arith.constant 1 : i32
    %select_n3A_3073 = arith.select %eq3A_3071, %jit3A_3072, %jit3A_3069 : i32
    %rem3A_3074 = vector.broadcast %select_n3A_3073 : i32 to vector<16xi32>
    %rem3A_3075 = arith.remsi %min3A_3064, %rem3A_3074 : vector<16xi32>
    %ne3A_3076 = arith.constant 0 : i32
    %ne3A_3077 = vector.broadcast %ne3A_3076 : i32 to vector<16xi32>
    %ne3A_3078 = arith.cmpi ne, %rem3A_3075, %ne3A_3077 : vector<16xi32>
    %lt3A_3079 = arith.constant 0 : i32
    %lt3A_3080 = vector.broadcast %lt3A_3079 : i32 to vector<16xi32>
    %lt3A_3081 = arith.cmpi slt, %rem3A_3075, %lt3A_3080 : vector<16xi32>
    %lt3A_3082 = arith.constant 0 : i32
    %lt3A_3083 = arith.cmpi slt, %select_n3A_3073, %lt3A_3082 : i32
    %ne3A_3084 = vector.broadcast %lt3A_3083 : i1 to vector<16xi1>
    %ne3A_3085 = vector.broadcast %ne3A_3084 : vector<16xi1> to vector<16xi1>
    %ne3A_3086 = arith.xori %lt3A_3081, %ne3A_3085 : vector<16xi1>
    %and3A_3087 = arith.andi %ne3A_3086, %ne3A_3078 : vector<16xi1>
    %add3A_3088 = vector.broadcast %select_n3A_3073 : i32 to vector<16xi32>
    %add3A_3089 = arith.addi %rem3A_3075, %add3A_3088 : vector<16xi32>
    %select_n3A_3090 = arith.select %and3A_3087, %add3A_3089, %rem3A_3075 : vector<16xi1>, vector<16xi32>
    %gather3A_3091 = tpu.vector_load_idx %arg6[%broadcast_in_dim3A_3066, %broadcast_in_dim3A_3068, %select_n3A_3090] : memref<32x8x128xf32, #tpu.memory_space<vmem>>[vector<16xi32>, vector<16xi32>, vector<16xi32>], vector<16xf32>,
    %swap3A_3092 = arith.constant 432 : index
    %swap3A_3093 = tpu.vector_load %arg7[%swap3A_3092] {strides = array<i32>} : memref<512xf32, #tpu.memory_space<vmem>>, vector<16xf32>,
    tpu.vector_store %arg7[%swap3A_3092], %gather3A_3091 {strides = array<i32>} : memref<512xf32, #tpu.memory_space<vmem>>, vector<16xf32>,
    %broadcast_in_dim3A_3094 = arith.constant 28 : i32
    %broadcast_in_dim3A_3095 = vector.broadcast %broadcast_in_dim3A_3094 : i32 to vector<16xi32>
    %gather3A_3096 = tpu.vector_load_idx %arg5[%broadcast_in_dim3A_3095] : memref<32xi32, #tpu.memory_space<vmem>>[vector<16xi32>], vector<16xi32>,
    %jit3A_3097 = arith.constant 0 : i32
    %jit3A_3098 = arith.constant 99999 : i32
    %max3A_3099 = vector.broadcast %jit3A_3097 : i32 to vector<16xi32>
    %max3A_3100 = arith.maxsi %max3A_3099, %gather3A_3096 : vector<16xi32>
    %min3A_3101 = vector.broadcast %jit3A_3098 : i32 to vector<16xi32>
    %min3A_3102 = arith.minsi %min3A_3101, %max3A_3100 : vector<16xi32>
    %broadcast_in_dim3A_3103 = arith.constant 28 : i32
    %broadcast_in_dim3A_3104 = vector.broadcast %broadcast_in_dim3A_3103 : i32 to vector<16xi32>
    %broadcast_in_dim3A_3105 = arith.constant 4 : i32
    %broadcast_in_dim3A_3106 = vector.broadcast %broadcast_in_dim3A_3105 : i32 to vector<16xi32>
    %jit3A_3107 = arith.constant 128 : i32
    %eq3A_3108 = arith.constant 0 : i32
    %eq3A_3109 = arith.cmpi eq, %jit3A_3107, %eq3A_3108 : i32
    %jit3A_3110 = arith.constant 1 : i32
    %select_n3A_3111 = arith.select %eq3A_3109, %jit3A_3110, %jit3A_3107 : i32
    %rem3A_3112 = vector.broadcast %select_n3A_3111 : i32 to vector<16xi32>
    %rem3A_3113 = arith.remsi %min3A_3102, %rem3A_3112 : vector<16xi32>
    %ne3A_3114 = arith.constant 0 : i32
    %ne3A_3115 = vector.broadcast %ne3A_3114 : i32 to vector<16xi32>
    %ne3A_3116 = arith.cmpi ne, %rem3A_3113, %ne3A_3115 : vector<16xi32>
    %lt3A_3117 = arith.constant 0 : i32
    %lt3A_3118 = vector.broadcast %lt3A_3117 : i32 to vector<16xi32>
    %lt3A_3119 = arith.cmpi slt, %rem3A_3113, %lt3A_3118 : vector<16xi32>
    %lt3A_3120 = arith.constant 0 : i32
    %lt3A_3121 = arith.cmpi slt, %select_n3A_3111, %lt3A_3120 : i32
    %ne3A_3122 = vector.broadcast %lt3A_3121 : i1 to vector<16xi1>
    %ne3A_3123 = vector.broadcast %ne3A_3122 : vector<16xi1> to vector<16xi1>
    %ne3A_3124 = arith.xori %lt3A_3119, %ne3A_3123 : vector<16xi1>
    %and3A_3125 = arith.andi %ne3A_3124, %ne3A_3116 : vector<16xi1>
    %add3A_3126 = vector.broadcast %select_n3A_3111 : i32 to vector<16xi32>
    %add3A_3127 = arith.addi %rem3A_3113, %add3A_3126 : vector<16xi32>
    %select_n3A_3128 = arith.select %and3A_3125, %add3A_3127, %rem3A_3113 : vector<16xi1>, vector<16xi32>
    %gather3A_3129 = tpu.vector_load_idx %arg6[%broadcast_in_dim3A_3104, %broadcast_in_dim3A_3106, %select_n3A_3128] : memref<32x8x128xf32, #tpu.memory_space<vmem>>[vector<16xi32>, vector<16xi32>, vector<16xi32>], vector<16xf32>,
    %swap3A_3130 = arith.constant 448 : index
    %swap3A_3131 = tpu.vector_load %arg7[%swap3A_3130] {strides = array<i32>} : memref<512xf32, #tpu.memory_space<vmem>>, vector<16xf32>,
    tpu.vector_store %arg7[%swap3A_3130], %gather3A_3129 {strides = array<i32>} : memref<512xf32, #tpu.memory_space<vmem>>, vector<16xf32>,
    %broadcast_in_dim3A_3132 = arith.constant 29 : i32
    %broadcast_in_dim3A_3133 = vector.broadcast %broadcast_in_dim3A_3132 : i32 to vector<16xi32>
    %gather3A_3134 = tpu.vector_load_idx %arg5[%broadcast_in_dim3A_3133] : memref<32xi32, #tpu.memory_space<vmem>>[vector<16xi32>], vector<16xi32>,
    %jit3A_3135 = arith.constant 0 : i32
    %jit3A_3136 = arith.constant 99999 : i32
    %max3A_3137 = vector.broadcast %jit3A_3135 : i32 to vector<16xi32>
    %max3A_3138 = arith.maxsi %max3A_3137, %gather3A_3134 : vector<16xi32>
    %min3A_3139 = vector.broadcast %jit3A_3136 : i32 to vector<16xi32>
    %min3A_3140 = arith.minsi %min3A_3139, %max3A_3138 : vector<16xi32>
    %broadcast_in_dim3A_3141 = arith.constant 29 : i32
    %broadcast_in_dim3A_3142 = vector.broadcast %broadcast_in_dim3A_3141 : i32 to vector<16xi32>
    %broadcast_in_dim3A_3143 = arith.constant 5 : i32
    %broadcast_in_dim3A_3144 = vector.broadcast %broadcast_in_dim3A_3143 : i32 to vector<16xi32>
    %jit3A_3145 = arith.constant 128 : i32
    %eq3A_3146 = arith.constant 0 : i32
    %eq3A_3147 = arith.cmpi eq, %jit3A_3145, %eq3A_3146 : i32
    %jit3A_3148 = arith.constant 1 : i32
    %select_n3A_3149 = arith.select %eq3A_3147, %jit3A_3148, %jit3A_3145 : i32
    %rem3A_3150 = vector.broadcast %select_n3A_3149 : i32 to vector<16xi32>
    %rem3A_3151 = arith.remsi %min3A_3140, %rem3A_3150 : vector<16xi32>
    %ne3A_3152 = arith.constant 0 : i32
    %ne3A_3153 = vector.broadcast %ne3A_3152 : i32 to vector<16xi32>
    %ne3A_3154 = arith.cmpi ne, %rem3A_3151, %ne3A_3153 : vector<16xi32>
    %lt3A_3155 = arith.constant 0 : i32
    %lt3A_3156 = vector.broadcast %lt3A_3155 : i32 to vector<16xi32>
    %lt3A_3157 = arith.cmpi slt, %rem3A_3151, %lt3A_3156 : vector<16xi32>
    %lt3A_3158 = arith.constant 0 : i32
    %lt3A_3159 = arith.cmpi slt, %select_n3A_3149, %lt3A_3158 : i32
    %ne3A_3160 = vector.broadcast %lt3A_3159 : i1 to vector<16xi1>
    %ne3A_3161 = vector.broadcast %ne3A_3160 : vector<16xi1> to vector<16xi1>
    %ne3A_3162 = arith.xori %lt3A_3157, %ne3A_3161 : vector<16xi1>
    %and3A_3163 = arith.andi %ne3A_3162, %ne3A_3154 : vector<16xi1>
    %add3A_3164 = vector.broadcast %select_n3A_3149 : i32 to vector<16xi32>
    %add3A_3165 = arith.addi %rem3A_3151, %add3A_3164 : vector<16xi32>
    %select_n3A_3166 = arith.select %and3A_3163, %add3A_3165, %rem3A_3151 : vector<16xi1>, vector<16xi32>
    %gather3A_3167 = tpu.vector_load_idx %arg6[%broadcast_in_dim3A_3142, %broadcast_in_dim3A_3144, %select_n3A_3166] : memref<32x8x128xf32, #tpu.memory_space<vmem>>[vector<16xi32>, vector<16xi32>, vector<16xi32>], vector<16xf32>,
    %swap3A_3168 = arith.constant 464 : index
    %swap3A_3169 = tpu.vector_load %arg7[%swap3A_3168] {strides = array<i32>} : memref<512xf32, #tpu.memory_space<vmem>>, vector<16xf32>,
    tpu.vector_store %arg7[%swap3A_3168], %gather3A_3167 {strides = array<i32>} : memref<512xf32, #tpu.memory_space<vmem>>, vector<16xf32>,
    %broadcast_in_dim3A_3170 = arith.constant 30 : i32
    %broadcast_in_dim3A_3171 = vector.broadcast %broadcast_in_dim3A_3170 : i32 to vector<16xi32>
    %gather3A_3172 = tpu.vector_load_idx %arg5[%broadcast_in_dim3A_3171] : memref<32xi32, #tpu.memory_space<vmem>>[vector<16xi32>], vector<16xi32>,
    %jit3A_3173 = arith.constant 0 : i32
    %jit3A_3174 = arith.constant 99999 : i32
    %max3A_3175 = vector.broadcast %jit3A_3173 : i32 to vector<16xi32>
    %max3A_3176 = arith.maxsi %max3A_3175, %gather3A_3172 : vector<16xi32>
    %min3A_3177 = vector.broadcast %jit3A_3174 : i32 to vector<16xi32>
    %min3A_3178 = arith.minsi %min3A_3177, %max3A_3176 : vector<16xi32>
    %broadcast_in_dim3A_3179 = arith.constant 30 : i32
    %broadcast_in_dim3A_3180 = vector.broadcast %broadcast_in_dim3A_3179 : i32 to vector<16xi32>
    %broadcast_in_dim3A_3181 = arith.constant 6 : i32
    %broadcast_in_dim3A_3182 = vector.broadcast %broadcast_in_dim3A_3181 : i32 to vector<16xi32>
    %jit3A_3183 = arith.constant 128 : i32
    %eq3A_3184 = arith.constant 0 : i32
    %eq3A_3185 = arith.cmpi eq, %jit3A_3183, %eq3A_3184 : i32
    %jit3A_3186 = arith.constant 1 : i32
    %select_n3A_3187 = arith.select %eq3A_3185, %jit3A_3186, %jit3A_3183 : i32
    %rem3A_3188 = vector.broadcast %select_n3A_3187 : i32 to vector<16xi32>
    %rem3A_3189 = arith.remsi %min3A_3178, %rem3A_3188 : vector<16xi32>
    %ne3A_3190 = arith.constant 0 : i32
    %ne3A_3191 = vector.broadcast %ne3A_3190 : i32 to vector<16xi32>
    %ne3A_3192 = arith.cmpi ne, %rem3A_3189, %ne3A_3191 : vector<16xi32>
    %lt3A_3193 = arith.constant 0 : i32
    %lt3A_3194 = vector.broadcast %lt3A_3193 : i32 to vector<16xi32>
    %lt3A_3195 = arith.cmpi slt, %rem3A_3189, %lt3A_3194 : vector<16xi32>
    %lt3A_3196 = arith.constant 0 : i32
    %lt3A_3197 = arith.cmpi slt, %select_n3A_3187, %lt3A_3196 : i32
    %ne3A_3198 = vector.broadcast %lt3A_3197 : i1 to vector<16xi1>
    %ne3A_3199 = vector.broadcast %ne3A_3198 : vector<16xi1> to vector<16xi1>
    %ne3A_3200 = arith.xori %lt3A_3195, %ne3A_3199 : vector<16xi1>
    %and3A_3201 = arith.andi %ne3A_3200, %ne3A_3192 : vector<16xi1>
    %add3A_3202 = vector.broadcast %select_n3A_3187 : i32 to vector<16xi32>
    %add3A_3203 = arith.addi %rem3A_3189, %add3A_3202 : vector<16xi32>
    %select_n3A_3204 = arith.select %and3A_3201, %add3A_3203, %rem3A_3189 : vector<16xi1>, vector<16xi32>
    %gather3A_3205 = tpu.vector_load_idx %arg6[%broadcast_in_dim3A_3180, %broadcast_in_dim3A_3182, %select_n3A_3204] : memref<32x8x128xf32, #tpu.memory_space<vmem>>[vector<16xi32>, vector<16xi32>, vector<16xi32>], vector<16xf32>,
    %swap3A_3206 = arith.constant 480 : index
    %swap3A_3207 = tpu.vector_load %arg7[%swap3A_3206] {strides = array<i32>} : memref<512xf32, #tpu.memory_space<vmem>>, vector<16xf32>,
    tpu.vector_store %arg7[%swap3A_3206], %gather3A_3205 {strides = array<i32>} : memref<512xf32, #tpu.memory_space<vmem>>, vector<16xf32>,
    %broadcast_in_dim3A_3208 = arith.constant 31 : i32
    %broadcast_in_dim3A_3209 = vector.broadcast %broadcast_in_dim3A_3208 : i32 to vector<16xi32>
    %gather3A_3210 = tpu.vector_load_idx %arg5[%broadcast_in_dim3A_3209] : memref<32xi32, #tpu.memory_space<vmem>>[vector<16xi32>], vector<16xi32>,
    %jit3A_3211 = arith.constant 0 : i32
    %jit3A_3212 = arith.constant 99999 : i32
    %max3A_3213 = vector.broadcast %jit3A_3211 : i32 to vector<16xi32>
    %max3A_3214 = arith.maxsi %max3A_3213, %gather3A_3210 : vector<16xi32>
    %min3A_3215 = vector.broadcast %jit3A_3212 : i32 to vector<16xi32>
    %min3A_3216 = arith.minsi %min3A_3215, %max3A_3214 : vector<16xi32>
    %broadcast_in_dim3A_3217 = arith.constant 31 : i32
    %broadcast_in_dim3A_3218 = vector.broadcast %broadcast_in_dim3A_3217 : i32 to vector<16xi32>
    %broadcast_in_dim3A_3219 = arith.constant 7 : i32
    %broadcast_in_dim3A_3220 = vector.broadcast %broadcast_in_dim3A_3219 : i32 to vector<16xi32>
    %jit3A_3221 = arith.constant 128 : i32
    %eq3A_3222 = arith.constant 0 : i32
    %eq3A_3223 = arith.cmpi eq, %jit3A_3221, %eq3A_3222 : i32
    %jit3A_3224 = arith.constant 1 : i32
    %select_n3A_3225 = arith.select %eq3A_3223, %jit3A_3224, %jit3A_3221 : i32
    %rem3A_3226 = vector.broadcast %select_n3A_3225 : i32 to vector<16xi32>
    %rem3A_3227 = arith.remsi %min3A_3216, %rem3A_3226 : vector<16xi32>
    %ne3A_3228 = arith.constant 0 : i32
    %ne3A_3229 = vector.broadcast %ne3A_3228 : i32 to vector<16xi32>
    %ne3A_3230 = arith.cmpi ne, %rem3A_3227, %ne3A_3229 : vector<16xi32>
    %lt3A_3231 = arith.constant 0 : i32
    %lt3A_3232 = vector.broadcast %lt3A_3231 : i32 to vector<16xi32>
    %lt3A_3233 = arith.cmpi slt, %rem3A_3227, %lt3A_3232 : vector<16xi32>
    %lt3A_3234 = arith.constant 0 : i32
    %lt3A_3235 = arith.cmpi slt, %select_n3A_3225, %lt3A_3234 : i32
    %ne3A_3236 = vector.broadcast %lt3A_3235 : i1 to vector<16xi1>
    %ne3A_3237 = vector.broadcast %ne3A_3236 : vector<16xi1> to vector<16xi1>
    %ne3A_3238 = arith.xori %lt3A_3233, %ne3A_3237 : vector<16xi1>
    %and3A_3239 = arith.andi %ne3A_3238, %ne3A_3230 : vector<16xi1>
    %add3A_3240 = vector.broadcast %select_n3A_3225 : i32 to vector<16xi32>
    %add3A_3241 = arith.addi %rem3A_3227, %add3A_3240 : vector<16xi32>
    %select_n3A_3242 = arith.select %and3A_3239, %add3A_3241, %rem3A_3227 : vector<16xi1>, vector<16xi32>
    %gather3A_3243 = tpu.vector_load_idx %arg6[%broadcast_in_dim3A_3218, %broadcast_in_dim3A_3220, %select_n3A_3242] : memref<32x8x128xf32, #tpu.memory_space<vmem>>[vector<16xi32>, vector<16xi32>, vector<16xi32>], vector<16xf32>,
    %swap3A_3244 = arith.constant 496 : index
    %swap3A_3245 = tpu.vector_load %arg7[%swap3A_3244] {strides = array<i32>} : memref<512xf32, #tpu.memory_space<vmem>>, vector<16xf32>,
    tpu.vector_store %arg7[%swap3A_3244], %gather3A_3243 {strides = array<i32>} : memref<512xf32, #tpu.memory_space<vmem>>, vector<16xf32>,
    %mul3A_3246 = arith.constant 16 : i32
    %mul3A_3247 = arith.muli %mul3A_2, %mul3A_3246 : i32
    "tpu.region"() ({
      %run_scoped3A = tpu.sem_alloc : memref<!tpu.dma_semaphore, #tpu.memory_space<semaphore_mem>>
      %dma_start3A_3248 = tpu.memref_slice %arg4[%mul3A_3247] : memref<16384xf32, #tpu.memory_space<hbm>> -> memref<512xf32, #tpu.memory_space<hbm>>
      %dma_start3A_3249 = tpu.memref_slice %arg4[%mul3A_3247] : memref<16384xf32, #tpu.memory_space<hbm>> -> memref<512xf32, #tpu.memory_space<hbm>>
      tpu.enqueue_dma source(%arg7 : memref<512xf32, #tpu.memory_space<vmem>>) target(%dma_start3A_3249 : memref<512xf32, #tpu.memory_space<hbm>>) target_semaphore(%run_scoped3A : memref<!tpu.dma_semaphore, #tpu.memory_space<semaphore_mem>>)
      %dma_wait3A_3250 = tpu.memref_slice %arg4[%mul3A_3247] : memref<16384xf32, #tpu.memory_space<hbm>> -> memref<512xf32, #tpu.memory_space<hbm>>
      %dma_wait3A_3251 = tpu.memref_slice %arg4[%mul3A_3247] : memref<16384xf32, #tpu.memory_space<hbm>> -> memref<512xf32, #tpu.memory_space<hbm>>
      tpu.wait_dma2 semaphore(%run_scoped3A : memref<!tpu.dma_semaphore, #tpu.memory_space<semaphore_mem>>) src(%arg7 : memref<512xf32, #tpu.memory_space<vmem>>) dst(%dma_wait3A_3251 : memref<512xf32, #tpu.memory_space<hbm>>)
      tpu.yield
    }) : () -> ()
    return
  }
}

module attributes {stable_mosaic.version = 14 : i64} {
  func.func @_tc_body(%arg0: i32, %arg1: memref<64x52480xf32, #tpu.memory_space<vmem>>, %arg2: memref<64x1xf32, #tpu.memory_space<vmem>>, %arg3: memref<64x1xi32, #tpu.memory_space<vmem>>, %arg4: memref<64x1xi32, #tpu.memory_space<vmem>>) attributes {dimension_semantics = [#tpu.dimension_semantics<arbitrary>], iteration_bounds = array<i64: 16>, scalar_prefetch = 0 : i64, scratch_operands = 0 : i64, tpu.core_type = #tpu.core_type<tc>, window_params = [{transform_indices = @transform_0, window_bounds = array<i64: 64, 52480>}, {transform_indices = @transform_1, window_bounds = array<i64: 64, 1>}, {transform_indices = @transform_2, window_bounds = array<i64: 64, 1>}, {transform_indices = @transform_3, window_bounds = array<i64: 64, 1>}]} {
    %get3A = arith.constant 0 : index
    %get3A_0 = arith.constant 0 : index
    %get3A_1 = vector.load %arg1[%get3A, %get3A_0] : memref<64x52480xf32, #tpu.memory_space<vmem>>, vector<64x52480xf32>
    %get3A_2 = arith.constant 0 : index
    %get3A_3 = arith.constant 0 : index
    %get3A_4 = vector.load %arg2[%get3A_2, %get3A_3] : memref<64x1xf32, #tpu.memory_space<vmem>>, vector<64x1xf32>
    %get3A_5 = arith.constant 0 : index
    %get3A_6 = arith.constant 0 : index
    %get3A_7 = vector.load %arg3[%get3A_5, %get3A_6] : memref<64x1xi32, #tpu.memory_space<vmem>>, vector<64x1xi32>
    %iota3A = tpu.iota {dimensions = array<i32: 1>} : vector<64x52480xi32>
    %gt3A = vector.broadcast %get3A_4 : vector<64x1xf32> to vector<64x52480xf32>
    %gt3A_8 = arith.cmpf ogt, %get3A_1, %gt3A : vector<64x52480xf32>
    %eq3A = vector.broadcast %get3A_4 : vector<64x1xf32> to vector<64x52480xf32>
    %eq3A_9 = arith.cmpf oeq, %get3A_1, %eq3A : vector<64x52480xf32>
    %lt3A = vector.broadcast %get3A_7 : vector<64x1xi32> to vector<64x52480xi32>
    %lt3A_10 = arith.cmpi slt, %iota3A, %lt3A : vector<64x52480xi32>
    %and3A = arith.andi %eq3A_9, %lt3A_10 : vector<64x52480xi1>
    %or3A = arith.ori %gt3A_8, %and3A : vector<64x52480xi1>
    %convert_element_type3A = arith.extui %or3A : vector<64x52480xi1> to vector<64x52480xi32>
    %reduce_sum3A = arith.constant dense<0> : vector<64xi32>
    %reduce_sum3A_11 = vector.multi_reduction <add>, %convert_element_type3A, %reduce_sum3A [1] : vector<64x52480xi32> to vector<64xi32>
    %broadcast_in_dim3A = vector.shape_cast %reduce_sum3A_11 : vector<64xi32> to vector<64x1xi32>
    %swap3A = arith.constant 0 : index
    %swap3A_12 = arith.constant 0 : index
    %swap3A_13 = vector.load %arg4[%swap3A, %swap3A_12] : memref<64x1xi32, #tpu.memory_space<vmem>>, vector<64x1xi32>
    tpu.vector_store %arg4[%swap3A, %swap3A_12], %broadcast_in_dim3A {strides = array<i32>} : memref<64x1xi32, #tpu.memory_space<vmem>>, vector<64x1xi32>,
    return
  }
  func.func @transform_0(%arg0: i32) -> (i32, i32) {
    %c0_i32 = arith.constant 0 : i32
    %c0_i32_0 = arith.constant 0 : i32
    return %arg0, %c0_i32 : i32, i32
  }
  func.func @transform_1(%arg0: i32) -> (i32, i32) {
    %c0_i32 = arith.constant 0 : i32
    %c0_i32_0 = arith.constant 0 : i32
    return %arg0, %c0_i32 : i32, i32
  }
  func.func @transform_2(%arg0: i32) -> (i32, i32) {
    %c0_i32 = arith.constant 0 : i32
    %c0_i32_0 = arith.constant 0 : i32
    return %arg0, %c0_i32 : i32, i32
  }
  func.func @transform_3(%arg0: i32) -> (i32, i32) {
    %c0_i32 = arith.constant 0 : i32
    %c0_i32_0 = arith.constant 0 : i32
    return %arg0, %c0_i32 : i32, i32
  }
}

</mosaic_0001>

<sc_bundles>
// kernel: kernel.5.cloned.1.call-start
scs
__scs_entry_jumppad:
0x0: {  	(pc) =	sbr.rel $0x88, $3  }
0x1: {  	(tag) =	ssettag $0x0;
	lr =	simm.s32 $0x1  }
0x2: {  	[smem:$0x3F9F] =	sst lr;
	_ =	strace $0xD0000000  }
0x3: {  	_ = 	snop  }
0x4: {  	_ = 	snop  }
0x5: {  	_ = 	snop  }
0x6: {  	_ = 	snop  }
0x7: {  	_ = 	snop  }
__scs_overlays_trampoline_lowered:
0x8: {  	[smem:$0x3FAE] =	sst s0  }
0x9: {  	[smem:$0x3FAF] =	sst s1  }
0xa: {  	[smem:$0x3FB0] =	sst s2  }
0xb: {  	[smem:$0x3FB1] =	sst s3  }
0xc: {  	[smem:$0x3FB2] =	sst s4  }
0xd: {  	[smem:$0x3FB3] =	sst s5  }
0xe: {  	[smem:$0x3FB4] =	sst s6  }
0xf: {  	[smem:$0x3FB5] =	sst s7  }
0x10: {  	[smem:$0x3FB6] =	sst s8  }
0x11: {  	[smem:$0x3FB7] =	sst s9;
	s0 =	simm.s32 @!p0 $0x0  }
0x12: {  	s1 =	sld [smem:$0x3F9D];
	s0 =	simm.s32 @p0 $0x1  }
0x13: {  	[smem:$0x3FB8] =	sst s0;
	s0 =	simm.s32 @!p1 $0x0  }
0x14: {  	s2 =	sld [smem:$0x3F9C];
	s0 =	simm.s32 @p1 $0x1  }
0x15: {  	[smem:$0x3FB9] =	sst s0;
	s0 =	simm.s32 @!p2 $0x0  }
0x16: {  	s3 =	sld [smem:$0x3FDB];
	s0 =	simm.s32 @p2 $0x1  }
0x17: {  	s4 =	simm.s32 $0x1BF5;
	[smem:$0x3FBB] =	sst s0  }
0x18: {  	s0 =	sld [smem:$0x3F9E];
	_ =	swait.ge [sflag:s4], $0x0  }
0x19: {  	s7 =	sld [smem:$0x3F9F]  }
0x1a: {  	s8 =	sadd.s32 $0xFFFFE003, lr  }
0x1b: {  	s9 =	sadd.s32 $0xFFFFFEF7, lr;
	s5 =	simm.s32 $0xFFFFFFFF;
	p2 =	slt.u32 s8, $0xFFFFF086  }
0x1c: {  	p1 =	slt.u32 s9, $0xF7A;
	s5 =	simm.s32 @!p2 $0x0  }
0x1d: {  	s5 =	simm.s32 @p1 $0x1;
	p0 =	seq.s32 s7, s2  }
0x1e: {  	s7 =	smul.u32 @!p0 $0xF7A, s2;
	p2 =	seq.s32 @!p0 s5, $0x0  }
0x1f: {  	s9 =	smul.u32 $0xF7A, s1;
	s8 =	simm.s32 @!p0 $0x1BF5;
	p2 =	por !p2, p0  }
0x20: {  	[sflag:s8] =	ssyncset.s32 @!p0 $0xFFFFF086;
	s6 =	sadd.s32 @!p0 s3, s7;
	s7 =	simm.s32 @!p0 $0x108  }
0x21: {  	s3 =	sadd.s32 s3, s9;
	s6 =	sadd.s32 @!p0 $0x88, s6;
	s7 =	simm.s32 @p2 $0x1082  }
0x22: {  	[simem:s7], [sflag:s8] =	dma.local @!p0 [hbm:s6], $0xF7A  }
0x23: {  	s9 =	sor.u32 $0xD0000000, s2;
	s6 =	simm.s32 $0x108;
	_ =	swait.ge @!p0 [sflag:s8], $0x0  }
0x24: {  	s3 =	sadd.s32 $0x88, s3;
	s6 =	simm.s32 @!p1 $0x1082;
	[sflag:s4] =	ssyncset.s32 $0xFFFFF086  }
0x25: {  	[simem:s6], [sflag:s4] =	dma.local [hbm:s3], $0xF7A  }
0x26: {  	[smem:$0x3F9F] =	sst s1;
	(tag) =	ssettag s2;
	_ =	strace s9  }
0x27: {  	s1 =	sld [smem:$0x3FAF]  }
0x28: {  	s2 =	sld [smem:$0x3FB0]  }
0x29: {  	s4 =	sld [smem:$0x3FB2]  }
0x2a: {  	p0 =	seq.s32 s5, $0x0;
	s5 =	sld [smem:$0x3FB3]  }
0x2b: {  	s6 =	sld [smem:$0x3FB4]  }
0x2c: {  	s7 =	sld [smem:$0x3FB5]  }
0x2d: {  	s3 =	simm.s32 $0x108;
	s8 =	sld [smem:$0x3FB6]  }
0x2e: {  	s3 =	simm.s32 @!p0 $0x1082;
	s9 =	sld [smem:$0x3FB7]  }
0x2f: {  	lr =	sadd.s32 s0, s3;
	s0 =	sld [smem:$0x3FAE]  }
0x30: {  	s3 =	sld [smem:$0x3FB1]  }
0x31: {  	[smem:$0x3FBA] =	sst s10  }
0x32: {  	s10 =	sld [smem:$0x3FB8];
	_ =	sdelay $0x3  }
0x33: {  	p0 =	seq.s32 s10, $0x1;
	s10 =	sld [smem:$0x3FBA];
	_ =	sdelay $0x3  }
0x34: {  	[smem:$0x3FBA] =	sst s10  }
0x35: {  	s10 =	sld [smem:$0x3FB9];
	_ =	sdelay $0x3  }
0x36: {  	p1 =	seq.s32 s10, $0x1;
	s10 =	sld [smem:$0x3FBA];
	_ =	sdelay $0x3  }
0x37: {  	[smem:$0x3FBA] =	sst s10  }
0x38: {  	s10 =	sld [smem:$0x3FBB]  }
0x39: {  	_ = 	snop;
	(pc) =	sbr.ind lr, $3  }
0x3a: {  	_ = 	snop  }
0x3b: {  	_ = 	snop  }
0x3c: {  	p2 =	seq.s32 s10, $0x1;
	s10 =	sld [smem:$0x3FBA]  }
0x3d: {  	_ =	shalt  }
0x3e: {  	_ =	shalt  }
0x3f: {  	_ =	shalt  }
0x40: {  	_ =	shalt  }
0x41: {  	_ =	shalt  }
0x42: {  	_ =	shalt  }
0x43: {  	_ =	shalt  }
0x44: {  	_ =	shalt  }
0x45: {  	_ =	shalt  }
0x46: {  	_ =	shalt  }
0x47: {  	_ =	shalt  }
0x48: {  	_ =	shalt  }
0x49: {  	_ =	shalt  }
0x4a: {  	_ =	shalt  }
0x4b: {  	_ =	shalt  }
0x4c: {  	_ =	shalt  }
0x4d: {  	_ =	shalt  }
0x4e: {  	_ =	shalt  }
0x4f: {  	_ =	shalt  }
0x50: {  	_ =	shalt  }
0x51: {  	_ =	shalt  }
0x52: {  	_ =	shalt  }
0x53: {  	_ =	shalt  }
0x54: {  	_ =	shalt  }
0x55: {  	_ =	shalt  }
0x56: {  	_ =	shalt  }
0x57: {  	_ =	shalt  }
0x58: {  	_ =	shalt  }
0x59: {  	_ =	shalt  }
0x5a: {  	_ =	shalt  }
0x5b: {  	_ =	shalt  }
0x5c: {  	_ =	shalt  }
0x5d: {  	_ =	shalt  }
0x5e: {  	_ =	shalt  }
0x5f: {  	_ =	shalt  }
0x60: {  	_ =	shalt  }
0x61: {  	_ =	shalt  }
0x62: {  	_ =	shalt  }
0x63: {  	_ =	shalt  }
0x64: {  	_ =	shalt  }
0x65: {  	_ =	shalt  }
0x66: {  	_ =	shalt  }
0x67: {  	_ =	shalt  }
0x68: {  	_ =	shalt  }
0x69: {  	_ =	shalt  }
0x6a: {  	_ =	shalt  }
0x6b: {  	_ =	shalt  }
0x6c: {  	_ =	shalt  }
0x6d: {  	_ =	shalt  }
0x6e: {  	_ =	shalt  }
0x6f: {  	_ =	shalt  }
0x70: {  	_ =	shalt  }
0x71: {  	_ =	shalt  }
0x72: {  	_ =	shalt  }
0x73: {  	_ =	shalt  }
0x74: {  	_ =	shalt  }
0x75: {  	_ =	shalt  }
0x76: {  	_ =	shalt  }
0x77: {  	_ =	shalt  }
0x78: {  	_ =	shalt  }
0x79: {  	_ =	shalt  }
0x7a: {  	_ =	shalt  }
0x7b: {  	_ =	shalt  }
0x7c: {  	_ =	shalt  }
0x7d: {  	_ =	shalt  }
0x7e: {  	_ =	shalt  }
0x7f: {  	_ =	shalt  }
0x80: {  	_ =	shalt  }
0x81: {  	_ =	shalt  }
0x82: {  	_ =	shalt  }
0x83: {  	_ =	shalt  }
0x84: {  	_ =	shalt  }
0x85: {  	_ =	shalt  }
0x86: {  	_ =	shalt  }
0x87: {  	_ =	shalt  }
.Lfunc_end0:
.L_simem_size_0:
called_computation_lowered:
.L_overlay_start_0:
0x88: {  	s2 =	sld [smem:$0x3FD9]  }
0x89: {  	s3 =	sld [smem:$0x3FFE];
	_ =	sdelay $0x1  }
0x8a: {  	s1 =	srdreg.scid  }
0x8b: {  	s0 =	sand.u32 $0x1, s1  }
0x8c: {  	s17 =	sshll.u32 s0, $0xA;
	s2 =	sadd.s32 s3, s2  }
0x8d: {  	s2 =	sadd.s32 s2, s17  }
0x8e: {  	[smem:$0x3FC6] =	sst s2  }
0x8f: {  	_ = 	snop  }
0x90: {  	s2 =	sld [smem:$0x3FC9];
	(tm) =	ssettm $0x1  }
0x91: {  	s18 =	sld [smem:$0x3FFB];
	_ =	sdelay $0x3  }
0x92: {  	_ =	strace s18  }
0x93: {  	s3 =	sld [smem:$0x3FFC];
	_ =	sdelay $0x3  }
0x94: {  	_ =	strace s3  }
0x95: {  	s3 =	sld [smem:$0x3FFD];
	_ =	sdelay $0x3  }
0x96: {  	_ =	strace s3  }
0x97: {  	_ =	strace $0x8FFFFFFF  }
0x98: {  	s19 =	sld [smem:$0x3FDB];
	_ =	sdelay $0x1  }
0x99: {  	s4 =	simm.s32 $_scs_section_size  }
0x9a: {  	s5 =	simm.s32 $_size__tile_overlayer_lowered;
	s6 =	simm.s32 $_tile_overlayer_lowered  }
0x9b: {  	s22 =	simm.s32 $0x1BFF;
	s21 =	sshll.u32 s6, $0x1;
	s3 =	sadd.s32 s4, s19  }
0x9c: {  	s7 =	simm.s32 $0x0;
	s20 =	sshll.u32 s5, $0x1;
	s5 =	sadd.s32 s21, s3  }
0x9d: {  	[timem:s7], [sflag:s22] =	dma.local [hbm:s5], s20  }
0x9e: {  	_ =	swait.ge [sflag:s22], s20  }
0x9f: {  	s4 =	ssub.s32 $0x0, s20;
	[sflag:s22] =	ssyncset.done $0x0  }
0xa0: {  	[sflag:s22] =	ssyncadd.s32 s4;
	_ =	sdelay $0x1  }
0xa1: {  	s23 =	simm.s32 $0x1B8B  }
0xa2: {  	_ =	swait.ge [sflag:s23], $0x1  }
0xa3: {  	[sflag:s23] =	ssyncset.done $0x0  }
0xa4: {  	s25 =	simm.s32 $0x1B8E;
	s24 =	sld [smem:$0x3FFE];
	[sflag:s23] =	ssyncadd.s32 $0xFFFFFFFF  }
0xa5: {  	s26 =	simm.s32 $execute0_lowered;
	[smem:$0x3FD2] =	sst s25  }
0xa6: {  	s5 =	sshll.u32 s26, $0x1;
	_ =	strace $0x80000046;
	[dreg:$0x1] =	wrdreg $0xFFFFFFFF  }
0xa7: {  	s28 =	simm.s32 $_size_execute0_lowered;
	s3 =	sadd.s32 s3, s5;
	[dreg:$0x0] =	wrdreg $0x0  }
0xa8: {  	s5 =	sshll.u32 s28, $0x1;
	[dreg:$0x2] =	wrdreg s3  }
0xa9: {  	[dreg:$0x3] =	wrdreg s5  }
0xaa: {  	[dreg:$0x4] =	wrdreg $0xC0  }
0xab: {  	_ =	task [dreg:s7], $0x5FFFF  }
0xac: {  	[dreg:$0x1] =	wrdreg $0xFFFFFFFF  }
0xad: {  	[dreg:$0x0] =	wrdreg $0x60  }
0xae: {  	[dreg:$0x2] =	wrdreg s2  }
0xaf: {  	[dreg:$0x3] =	wrdreg s24  }
0xb0: {  	[dreg:$0x4] =	wrdreg $0x9  }
0xb1: {  	_ =	task.clear_ibuf [dreg:s7], $0x5FFFF;
	_ =	strace $0x90000046  }
0xb2: {  	s29 =	simm.s32 $0x9;
	_ =	strace $0x80000048  }
0xb3: {  	_ =	swait.ge [sflag:s29], $0x1  }
0xb4: {  	[sflag:s29] =	ssyncadd.s32 $0xFFFFFFFF  }
0xb5: {  	_ =	strace $0x90000048  }
0xb6: {  	_ =	sfence  }
0xb7: {  	s30 =	sld [smem:$0x0];
	_ =	sdelay $0x2  }
0xb8: {  	s31 =	sshll.u32 s1, $0xD;
	s1 =	sshrl.u32 s1, $0x2  }
0xb9: {  	s3 =	sand.u32 $0x4000, s31;
	s1 =	sadd.s32 s1, s30  }
0xba: {  	s0 =	sor.u32 s3, s0;
	s1 =	sshll.u32 s1, $0x11  }
0xbb: {  	s0 =	sor.u32 s1, s0  }
0xbc: {  	s0 =	sadd.s32 $0x8F2B, s0  }
0xbd: {  	[sflag:s0] =	ssyncadd.remote.s32 $0x1  }
0xbe: {  	_ =	sfence.sel $0xFFFF  }
0xbf: {  	[dreg:$0x0] =	wrdreg $0xFFFFFFFF;
	(pc) =	sbr.abs _section_cstart, $3  }
0xc0: {  	[dreg:$0x1] =	wrdreg $0xFFFFFFFF  }
0xc1: {  	_ =	task.clear_ibuf [dreg:s7], $0x2FFFF;
	_ =	strace $0x9FFFFFFF  }
0xc2: {  	(tm) =	ssettm $0x7FFFFFFF  }
0xc3: {  	_ =	shalt  }
tec
execute0_lowered:
.L_overlay_start_1:
0x0: {  	(tag) =	ssettag $0x1  }
0x1: {  	s2 =	rddreg [dreg:$0x0]  }
0x2: {  	s1 =	srdreg.scid;
	s6 =	rddreg [dreg:$0x1]  }
0x3: {  	s3 =	simm.s32 $0x0;
	s5 =	sand.u32 $0x1, s1;
	s1 =	rddreg [dreg:$0x2]  }
0x4: {  	s24 =	simm.s32 $0x480;
	[smem:$0x7FF] =	sst s3  }
0x5: {  	s25 =	simm.s32 $0x880;
	_ =	strace $0x80000047;
	[dreg:$0x5] =	wrdreg s24  }
0x6: {  	s26 =	simm.s32 $0xC80;
	[dreg:$0x6] =	wrdreg s25  }
0x7: {  	s28 =	simm.s32 $0x1080;
	[dreg:$0x7] =	wrdreg s26  }
0x8: {  	s29 =	simm.s32 $0x1480;
	[dreg:$0x8] =	wrdreg s28  }
0x9: {  	s30 =	simm.s32 $0x1880;
	[dreg:$0x9] =	wrdreg s29  }
0xa: {  	s31 =	simm.s32 $0x1C80;
	[dreg:$0xa] =	wrdreg s30  }
0xb: {  	s9 =	simm.s32 $0x2880;
	[dreg:$0xb] =	wrdreg s31  }
0xc: {  	s10 =	simm.s32 $0x2C80;
	[dreg:$0xe] =	wrdreg s9  }
0xd: {  	s11 =	simm.s32 $0x3080;
	[dreg:$0xf] =	wrdreg s10  }
0xe: {  	s12 =	simm.s32 $0x3480;
	[dreg:$0x10] =	wrdreg s11  }
0xf: {  	s13 =	simm.s32 $0x3880;
	[dreg:$0x11] =	wrdreg s12  }
0x10: {  	s14 =	simm.s32 $0x3C80;
	[dreg:$0x12] =	wrdreg s13  }
0x11: {  	s15 =	simm.s32 $0x4080;
	[dreg:$0x13] =	wrdreg s14  }
0x12: {  	s16 =	simm.s32 $0x4480;
	[dreg:$0x14] =	wrdreg s15  }
0x13: {  	s17 =	simm.s32 $0x4880;
	[dreg:$0x15] =	wrdreg s16  }
0x14: {  	s18 =	simm.s32 $0x4C80;
	[dreg:$0x16] =	wrdreg s17  }
0x15: {  	s19 =	simm.s32 $0x5080;
	[dreg:$0x17] =	wrdreg s18  }
0x16: {  	s20 =	simm.s32 $0x5480;
	[dreg:$0x18] =	wrdreg s19  }
0x17: {  	s0 =	stileid.u32;
	s21 =	simm.s32 $0x5880;
	[dreg:$0x19] =	wrdreg s20  }
0x18: {  	s22 =	simm.s32 $0x5C80;
	s23 =	sshll.u32 s0, $0x1;
	[dreg:$0x1a] =	wrdreg s21  }
0x19: {  	s4 =	sor.u32 s5, s23;
	[dreg:$0x1b] =	wrdreg s22;
	s23 =	simm.s32 $0x6080  }
0x1a: {  	s25 =	simm.s32 $0x6480;
	[dreg:$0x1c] =	wrdreg s23  }
0x1b: {  	s26 =	simm.s32 $0x6880;
	[dreg:$0x1d] =	wrdreg s25  }
0x1c: {  	s5 =	ssub.s32 $0x2, s5;
	s29 =	simm.s32 $0x6C80;
	[dreg:$0x1e] =	wrdreg s26  }
0x1d: {  	v0 =	vimm.s32 $0x1;
	s30 =	simm.s32 $0x7080;
	s9 =	simm.s32 $0x7480;
	[dreg:$0x1f] =	wrdreg s29  }
0x1e: {  	v1 =	vimm.s32 $0x2;
	v2 =	vimm.s32 $0x3;
	v3 =	vimm.s32 $0x4;
	s31 =	simm.s32 $0x7880;
	s10 =	simm.s32 $0x7C80;
	[smem:$0x7F9] =	sst s30  }
0x1f: {  	v4 =	vimm.s32 $0x5;
	v5 =	vimm.s32 $0x6;
	v6 =	vimm.s32 $0x7;
	s12 =	simm.s32 $0x8080;
	s11 =	simm.s32 $0x80;
	[smem:$0x7FA] =	sst s9  }
0x20: {  	v7 =	vimm.s32 $0x8;
	v8 =	vimm.s32 $0x9;
	v9 =	vimm.s32 $0xA;
	s7 =	sshll.u32 s4, $0x2;
	s8 =	sshll.u32 s4, $0x6;
	[smem:$0x7FB] =	sst s31  }
0x21: {  	v10 =	vimm.s32 $0xB;
	v11 =	vimm.s32 $0xC;
	v12 =	vimm.s32 $0xD;
	s24 =	sshrl.u32 s5, $0x1;
	s4 =	smul.u32 $0x30E000, s4;
	[smem:$0x7FC] =	sst s10  }
0x22: {  	v13 =	vimm.s32 $0xE;
	v14 =	vimm.s32 $0xF;
	v15 =	vimm.s32 $0x10;
	s9 =	simm.s32 $0x2;
	s10 =	simm.s32 $0x1;
	[smem:$0x7FD] =	sst s12  }
0x23: {  	v16 =	vimm.s32 $0x11;
	v17 =	vimm.s32 $0x12;
	v18 =	vimm.s32 $0x13;
	s7 =	sadd.s32 s7, s6;
	s6 =	sadd.s32 s8, s6;
	s8 =	simm.s32 $0x2480  }
0x24: {  	v19 =	vimm.s32 $0x14;
	v20 =	vimm.s32 $0x15;
	v21 =	vimm.s32 $0x16;
	s28 =	ssub.s32 s5, s24;
	s7 =	sadd.s32 $0x600, s7;
	[dreg:$0xd] =	wrdreg s8  }
0x25: {  	v22 =	vimm.s32 $0x17;
	v23 =	vimm.s32 $0x18;
	v24 =	vimm.s32 $0x19;
	s6 =	sadd.s32 $0x800, s6;
	s5 =	sadd.s32 $0xC3800, s4;
	[dreg:$0x3] =	wrdreg s7  }
0x26: {  	v25 =	vimm.s32 $0x1A;
	v26 =	vimm.s32 $0x1B;
	v27 =	vimm.s32 $0x1C;
	s8 =	smax.u32 s28, $0x1;
	[dreg:$0x4] =	wrdreg s6;
	s7 =	simm.s32 $0x2080  }
0x27: {  	v28 =	vimm.s32 $0x1D;
	v29 =	vimm.s32 $0x1E;
	v30 =	vimm.s32 $0x1F;
	s6 =	sadd.s32 $0x187000, s4;
	[dreg:$0xc] =	wrdreg s7;
	s7 =	sadd.s32 $0x24A800, s4  }
.LBB2_1:
0x28: {  	s12 =	rddreg [dreg:$0x3]  }
0x29: {  	[tilespmem:s3], [sflag:$0x2] =	stream.linear.gather [hbm4b:s12+s3], $0x20, $0x38;
	[tilespmem:$0x8280] =	vst v63  }
0x2a: {  	_ =	swait.ge [sflag:s9], $0x20  }
0x2b: {  	[sflag:s9] =	ssyncset.done $0x0  }
0x2c: {  	[sflag:s9] =	ssyncadd.s32 $0xFFFFFFE0  }
0x2d: {  	v31 =	vld [tilespmem:$0x0];
	_ =	sdelay $0x4  }
0x2e: {  	(v2sf) =	vpush v31, $0x0;
	_ =	sdelay $0xe  }
0x2f: {  	s12 =	spop (v2sf)  }
0x30: {  	p0 =	sgt.s32 s12, $0x0  }
0x31: {  	p1 =	slt.s32 s12, $0x1;
	s12 =	simm.s32 @!p0 $0x0  }
0x32: {  	s12 =	smin.u32 s12, $0x1869F  }
0x33: {  	s13 =	sand.u32 $0x7F, s12  }
0x34: {  	p4 =	sne.s32 s13, $0x0  }
0x35: {  	p0 =	por !p1, !p4  }
0x36: {  	s13 =	simm.s32 $0x1;
	p0 =	por !p0, !p0  }
0x37: {  	s12 =	sshrl.u32 s12, $0x7;
	s13 =	simm.s32 @!p0 $0x0  }
0x38: {  	s12 =	ssub.s32 s12, s13  }
0x39: {  	s12 =	sshll.u32 s12, $0xA  }
0x3a: {  	s12 =	sadd.s32 s4, s12  }
0x3b: {  	s12 =	sshrl.u32 s12, $0x3  }
0x3c: {  	s12 =	sadd.s32 s2, s12  }
0x3d: {  	[tilespmem:s11], [sflag:$0x1] =	stream.linear.gather [hbm4b:s12+s3], $0x400, $0x38;
	[tilespmem:$0x8280] =	vst v63  }
0x3e: {  	v31 =	vld [tilespmem:$0x0];
	_ =	sdelay $0x4  }
0x3f: {  	(v2sf) =	vpush v31, $0x1;
	_ =	sdelay $0xe  }
0x40: {  	s12 =	spop (v2sf)  }
0x41: {  	p0 =	sgt.s32 s12, $0x0  }
0x42: {  	p5 =	slt.s32 s12, $0x1;
	s12 =	simm.s32 @!p0 $0x0  }
0x43: {  	s12 =	smin.u32 s12, $0x1869F  }
0x44: {  	s18 =	sand.u32 $0x7F, s12  }
0x45: {  	p6 =	sne.s32 s18, $0x0  }
0x46: {  	p0 =	por !p5, !p6  }
0x47: {  	s13 =	simm.s32 $0x1;
	p0 =	por !p0, !p0  }
0x48: {  	s12 =	sshrl.u32 s12, $0x7;
	s13 =	simm.s32 @!p0 $0x0  }
0x49: {  	s12 =	ssub.s32 s12, s13  }
0x4a: {  	s12 =	sshll.u32 s12, $0xA  }
0x4b: {  	s12 =	sadd.s32 s4, s12  }
0x4c: {  	s12 =	sshrl.u32 s12, $0x3  }
0x4d: {  	s19 =	rddreg [dreg:$0x5];
	s12 =	sadd.s32 s2, s12  }
0x4e: {  	[tilespmem:s19], [sflag:$0x1] =	stream.linear.gather [hbm4b:s12+s3], $0x400, $0x38;
	[tilespmem:$0x8280] =	vst v63  }
0x4f: {  	v31 =	vld [tilespmem:$0x0];
	_ =	sdelay $0x4  }
0x50: {  	(v2sf) =	vpush v31, $0x2;
	_ =	sdelay $0xe  }
0x51: {  	s12 =	spop (v2sf)  }
0x52: {  	p0 =	sgt.s32 s12, $0x0  }
0x53: {  	p2 =	slt.s32 s12, $0x1;
	s12 =	simm.s32 @!p0 $0x0  }
0x54: {  	s12 =	smin.u32 s12, $0x1869F  }
0x55: {  	s20 =	sand.u32 $0x7F, s12  }
0x56: {  	p3 =	sne.s32 s20, $0x0  }
0x57: {  	p0 =	por !p2, !p3  }
0x58: {  	s13 =	simm.s32 $0x1;
	p0 =	por !p0, !p0  }
0x59: {  	s12 =	sshrl.u32 s12, $0x7;
	s13 =	simm.s32 @!p0 $0x0  }
0x5a: {  	s12 =	ssub.s32 s12, s13  }
0x5b: {  	s12 =	sshll.u32 s12, $0xA  }
0x5c: {  	s12 =	sadd.s32 s4, s12  }
0x5d: {  	s12 =	sshrl.u32 s12, $0x3  }
0x5e: {  	s21 =	rddreg [dreg:$0x6];
	s12 =	sadd.s32 s2, s12  }
0x5f: {  	[tilespmem:s21], [sflag:$0x1] =	stream.linear.gather [hbm4b:s12+s3], $0x400, $0x38;
	[tilespmem:$0x8280] =	vst v63  }
0x60: {  	v31 =	vld [tilespmem:$0x0];
	_ =	sdelay $0x4  }
0x61: {  	(v2sf) =	vpush v31, $0x3;
	_ =	sdelay $0xe  }
0x62: {  	s12 =	spop (v2sf)  }
0x63: {  	p0 =	sgt.s32 s12, $0x0  }
0x64: {  	p4 =	slt.s32 s12, $0x1;
	s12 =	simm.s32 @!p0 $0x0  }
0x65: {  	s12 =	smin.u32 s12, $0x1869F  }
0x66: {  	s22 =	sand.u32 $0x7F, s12  }
0x67: {  	p5 =	sne.s32 s22, $0x0  }
0x68: {  	p0 =	por !p4, !p5  }
0x69: {  	s13 =	simm.s32 $0x1;
	p0 =	por !p0, !p0  }
0x6a: {  	s12 =	sshrl.u32 s12, $0x7;
	s13 =	simm.s32 @!p0 $0x0  }
0x6b: {  	s12 =	ssub.s32 s12, s13  }
0x6c: {  	s12 =	sshll.u32 s12, $0xA  }
0x6d: {  	s12 =	sadd.s32 s4, s12  }
0x6e: {  	s12 =	sshrl.u32 s12, $0x3  }
0x6f: {  	s23 =	rddreg [dreg:$0x7];
	s12 =	sadd.s32 s2, s12  }
0x70: {  	[tilespmem:s23], [sflag:$0x1] =	stream.linear.gather [hbm4b:s12+s3], $0x400, $0x38;
	[tilespmem:$0x8280] =	vst v63  }
0x71: {  	v31 =	vld [tilespmem:$0x0];
	_ =	sdelay $0x4  }
0x72: {  	(v2sf) =	vpush v31, $0x4;
	_ =	sdelay $0xe  }
0x73: {  	s12 =	spop (v2sf)  }
0x74: {  	p0 =	sgt.s32 s12, $0x0  }
0x75: {  	p6 =	slt.s32 s12, $0x1;
	s12 =	simm.s32 @!p0 $0x0  }
0x76: {  	s12 =	smin.u32 s12, $0x1869F  }
0x77: {  	s24 =	sand.u32 $0x7F, s12  }
0x78: {  	p2 =	sne.s32 s24, $0x0  }
0x79: {  	p0 =	por !p6, !p2  }
0x7a: {  	s13 =	simm.s32 $0x1;
	p0 =	por !p0, !p0  }
0x7b: {  	s12 =	sshrl.u32 s12, $0x7;
	s13 =	simm.s32 @!p0 $0x0  }
0x7c: {  	s12 =	ssub.s32 s12, s13  }
0x7d: {  	s12 =	sshll.u32 s12, $0xA  }
0x7e: {  	s12 =	sadd.s32 s4, s12  }
0x7f: {  	s12 =	sshrl.u32 s12, $0x3  }
0x80: {  	s25 =	rddreg [dreg:$0x8];
	s12 =	sadd.s32 s2, s12  }
0x81: {  	[tilespmem:s25], [sflag:$0x1] =	stream.linear.gather [hbm4b:s12+s3], $0x400, $0x38;
	[tilespmem:$0x8280] =	vst v63  }
0x82: {  	v31 =	vld [tilespmem:$0x0];
	_ =	sdelay $0x4  }
0x83: {  	(v2sf) =	vpush v31, $0x5;
	_ =	sdelay $0xe  }
0x84: {  	s12 =	spop (v2sf)  }
0x85: {  	p0 =	sgt.s32 s12, $0x0  }
0x86: {  	p3 =	slt.s32 s12, $0x1;
	s12 =	simm.s32 @!p0 $0x0  }
0x87: {  	s12 =	smin.u32 s12, $0x1869F  }
0x88: {  	s26 =	sand.u32 $0x7F, s12  }
0x89: {  	p4 =	sne.s32 s26, $0x0  }
0x8a: {  	p0 =	por !p3, !p4  }
0x8b: {  	s13 =	simm.s32 $0x1;
	p0 =	por !p0, !p0  }
0x8c: {  	s12 =	sshrl.u32 s12, $0x7;
	s13 =	simm.s32 @!p0 $0x0  }
0x8d: {  	s12 =	ssub.s32 s12, s13  }
0x8e: {  	s12 =	sshll.u32 s12, $0xA  }
0x8f: {  	s12 =	sadd.s32 s4, s12  }
0x90: {  	s12 =	sshrl.u32 s12, $0x3  }
0x91: {  	s28 =	rddreg [dreg:$0x9];
	s12 =	sadd.s32 s2, s12  }
0x92: {  	[tilespmem:s28], [sflag:$0x1] =	stream.linear.gather [hbm4b:s12+s3], $0x400, $0x38;
	[tilespmem:$0x8280] =	vst v63  }
0x93: {  	v31 =	vld [tilespmem:$0x0];
	_ =	sdelay $0x4  }
0x94: {  	(v2sf) =	vpush v31, $0x6;
	_ =	sdelay $0xe  }
0x95: {  	s12 =	spop (v2sf)  }
0x96: {  	p0 =	sgt.s32 s12, $0x0  }
0x97: {  	p5 =	slt.s32 s12, $0x1;
	s12 =	simm.s32 @!p0 $0x0  }
0x98: {  	s12 =	smin.u32 s12, $0x1869F  }
0x99: {  	s29 =	sand.u32 $0x7F, s12  }
0x9a: {  	p6 =	sne.s32 s29, $0x0  }
0x9b: {  	p0 =	por !p5, !p6  }
0x9c: {  	s13 =	simm.s32 $0x1;
	p0 =	por !p0, !p0  }
0x9d: {  	s12 =	sshrl.u32 s12, $0x7;
	s13 =	simm.s32 @!p0 $0x0  }
0x9e: {  	s12 =	ssub.s32 s12, s13  }
0x9f: {  	s12 =	sshll.u32 s12, $0xA  }
0xa0: {  	s12 =	sadd.s32 s4, s12  }
0xa1: {  	s12 =	sshrl.u32 s12, $0x3  }
0xa2: {  	s30 =	rddreg [dreg:$0xa];
	s12 =	sadd.s32 s2, s12  }
0xa3: {  	[tilespmem:s30], [sflag:$0x1] =	stream.linear.gather [hbm4b:s12+s3], $0x400, $0x38;
	[tilespmem:$0x8280] =	vst v63  }
0xa4: {  	v31 =	vld [tilespmem:$0x0];
	_ =	sdelay $0x4  }
0xa5: {  	(v2sf) =	vpush v31, $0x7;
	_ =	sdelay $0xe  }
0xa6: {  	s12 =	spop (v2sf)  }
0xa7: {  	p0 =	sgt.s32 s12, $0x0  }
0xa8: {  	p2 =	slt.s32 s12, $0x1;
	s12 =	simm.s32 @!p0 $0x0  }
0xa9: {  	s12 =	smin.u32 s12, $0x1869F  }
0xaa: {  	s31 =	sand.u32 $0x7F, s12  }
0xab: {  	p3 =	sne.s32 s31, $0x0  }
0xac: {  	p0 =	por !p2, !p3  }
0xad: {  	s13 =	simm.s32 $0x1;
	p0 =	por !p0, !p0  }
0xae: {  	s12 =	sshrl.u32 s12, $0x7;
	s13 =	simm.s32 @!p0 $0x0  }
0xaf: {  	s12 =	ssub.s32 s12, s13  }
0xb0: {  	s12 =	sshll.u32 s12, $0xA  }
0xb1: {  	s12 =	sadd.s32 s4, s12  }
0xb2: {  	s12 =	sshrl.u32 s12, $0x3  }
0xb3: {  	s14 =	rddreg [dreg:$0xb];
	s12 =	sadd.s32 s2, s12  }
0xb4: {  	[tilespmem:s14], [sflag:$0x1] =	stream.linear.gather [hbm4b:s12+s3], $0x400, $0x38;
	[tilespmem:$0x8280] =	vst v63  }
0xb5: {  	v31 =	vld [tilespmem:$0x0];
	_ =	sdelay $0x4  }
0xb6: {  	(v2sf) =	vpush v31, $0x8;
	_ =	sdelay $0xe  }
0xb7: {  	s12 =	spop (v2sf)  }
0xb8: {  	p0 =	sgt.s32 s12, $0x0  }
0xb9: {  	p4 =	slt.s32 s12, $0x1;
	s12 =	simm.s32 @!p0 $0x0  }
0xba: {  	s12 =	smin.u32 s12, $0x1869F  }
0xbb: {  	s15 =	sand.u32 $0x7F, s12  }
0xbc: {  	p5 =	sne.s32 s15, $0x0  }
0xbd: {  	p0 =	por !p4, !p5  }
0xbe: {  	s13 =	simm.s32 $0x1;
	p0 =	por !p0, !p0  }
0xbf: {  	s12 =	sshrl.u32 s12, $0x7;
	s13 =	simm.s32 @!p0 $0x0  }
0xc0: {  	s12 =	ssub.s32 s12, s13  }
0xc1: {  	s12 =	sshll.u32 s12, $0xA  }
0xc2: {  	s12 =	sadd.s32 s5, s12  }
0xc3: {  	s12 =	sshrl.u32 s12, $0x3  }
0xc4: {  	s16 =	rddreg [dreg:$0xc];
	s12 =	sadd.s32 s2, s12  }
0xc5: {  	[tilespmem:s16], [sflag:$0x1] =	stream.linear.gather [hbm4b:s12+s3], $0x400, $0x38;
	[tilespmem:$0x8280] =	vst v63  }
0xc6: {  	v31 =	vld [tilespmem:$0x0];
	_ =	sdelay $0x4  }
0xc7: {  	(v2sf) =	vpush v31, $0x9;
	_ =	sdelay $0xe  }
0xc8: {  	s12 =	spop (v2sf)  }
0xc9: {  	p0 =	sgt.s32 s12, $0x0  }
0xca: {  	p6 =	slt.s32 s12, $0x1;
	s12 =	simm.s32 @!p0 $0x0  }
0xcb: {  	s12 =	smin.u32 s12, $0x1869F  }
0xcc: {  	s17 =	sand.u32 $0x7F, s12  }
0xcd: {  	p2 =	sne.s32 s17, $0x0  }
0xce: {  	p0 =	por !p6, !p2  }
0xcf: {  	s13 =	simm.s32 $0x1;
	p0 =	por !p0, !p0  }
0xd0: {  	s12 =	sshrl.u32 s12, $0x7;
	s13 =	simm.s32 @!p0 $0x0  }
0xd1: {  	s12 =	ssub.s32 s12, s13  }
0xd2: {  	s12 =	sshll.u32 s12, $0xA  }
0xd3: {  	s12 =	sadd.s32 s5, s12  }
0xd4: {  	s12 =	sshrl.u32 s12, $0x3  }
0xd5: {  	s18 =	rddreg [dreg:$0xd];
	s12 =	sadd.s32 s2, s12  }
0xd6: {  	[tilespmem:s18], [sflag:$0x1] =	stream.linear.gather [hbm4b:s12+s3], $0x400, $0x38;
	[tilespmem:$0x8280] =	vst v63  }
0xd7: {  	v31 =	vld [tilespmem:$0x0];
	_ =	sdelay $0x4  }
0xd8: {  	(v2sf) =	vpush v31, $0xA;
	_ =	sdelay $0xe  }
0xd9: {  	s12 =	spop (v2sf)  }
0xda: {  	p0 =	sgt.s32 s12, $0x0  }
0xdb: {  	p3 =	slt.s32 s12, $0x1;
	s12 =	simm.s32 @!p0 $0x0  }
0xdc: {  	s12 =	smin.u32 s12, $0x1869F  }
0xdd: {  	s19 =	sand.u32 $0x7F, s12  }
0xde: {  	p4 =	sne.s32 s19, $0x0  }
0xdf: {  	p0 =	por !p3, !p4  }
0xe0: {  	s13 =	simm.s32 $0x1;
	p0 =	por !p0, !p0  }
0xe1: {  	s12 =	sshrl.u32 s12, $0x7;
	s13 =	simm.s32 @!p0 $0x0  }
0xe2: {  	s12 =	ssub.s32 s12, s13  }
0xe3: {  	s12 =	sshll.u32 s12, $0xA  }
0xe4: {  	s12 =	sadd.s32 s5, s12  }
0xe5: {  	s12 =	sshrl.u32 s12, $0x3  }
0xe6: {  	s20 =	rddreg [dreg:$0xe];
	s12 =	sadd.s32 s2, s12  }
0xe7: {  	[tilespmem:s20], [sflag:$0x1] =	stream.linear.gather [hbm4b:s12+s3], $0x400, $0x38;
	[tilespmem:$0x8280] =	vst v63  }
0xe8: {  	v31 =	vld [tilespmem:$0x0];
	_ =	sdelay $0x4  }
0xe9: {  	(v2sf) =	vpush v31, $0xB;
	_ =	sdelay $0xe  }
0xea: {  	s12 =	spop (v2sf)  }
0xeb: {  	p0 =	sgt.s32 s12, $0x0  }
0xec: {  	p5 =	slt.s32 s12, $0x1;
	s12 =	simm.s32 @!p0 $0x0  }
0xed: {  	s12 =	smin.u32 s12, $0x1869F  }
0xee: {  	s21 =	sand.u32 $0x7F, s12  }
0xef: {  	p6 =	sne.s32 s21, $0x0  }
0xf0: {  	p0 =	por !p5, !p6  }
0xf1: {  	s13 =	simm.s32 $0x1;
	p0 =	por !p0, !p0  }
0xf2: {  	s12 =	sshrl.u32 s12, $0x7;
	s13 =	simm.s32 @!p0 $0x0  }
0xf3: {  	s12 =	ssub.s32 s12, s13  }
0xf4: {  	s12 =	sshll.u32 s12, $0xA  }
0xf5: {  	s12 =	sadd.s32 s5, s12  }
0xf6: {  	s12 =	sshrl.u32 s12, $0x3  }
0xf7: {  	s22 =	rddreg [dreg:$0xf];
	s12 =	sadd.s32 s2, s12  }
0xf8: {  	[tilespmem:s22], [sflag:$0x1] =	stream.linear.gather [hbm4b:s12+s3], $0x400, $0x38;
	[tilespmem:$0x8280] =	vst v63  }
0xf9: {  	v31 =	vld [tilespmem:$0x0];
	_ =	sdelay $0x4  }
0xfa: {  	(v2sf) =	vpush v31, $0xC;
	_ =	sdelay $0xe  }
0xfb: {  	s12 =	spop (v2sf)  }
0xfc: {  	p0 =	sgt.s32 s12, $0x0  }
0xfd: {  	p2 =	slt.s32 s12, $0x1;
	s12 =	simm.s32 @!p0 $0x0  }
0xfe: {  	s12 =	smin.u32 s12, $0x1869F  }
0xff: {  	s23 =	sand.u32 $0x7F, s12  }
0x100: {  	p3 =	sne.s32 s23, $0x0  }
0x101: {  	p0 =	por !p2, !p3  }
0x102: {  	s13 =	simm.s32 $0x1;
	p0 =	por !p0, !p0  }
0x103: {  	s12 =	sshrl.u32 s12, $0x7;
	s13 =	simm.s32 @!p0 $0x0  }
0x104: {  	s12 =	ssub.s32 s12, s13  }
0x105: {  	s12 =	sshll.u32 s12, $0xA  }
0x106: {  	s12 =	sadd.s32 s5, s12  }
0x107: {  	s12 =	sshrl.u32 s12, $0x3  }
0x108: {  	s24 =	rddreg [dreg:$0x10];
	s12 =	sadd.s32 s2, s12  }
0x109: {  	[tilespmem:s24], [sflag:$0x1] =	stream.linear.gather [hbm4b:s12+s3], $0x400, $0x38;
	[tilespmem:$0x8280] =	vst v63  }
0x10a: {  	v31 =	vld [tilespmem:$0x0];
	_ =	sdelay $0x4  }
0x10b: {  	(v2sf) =	vpush v31, $0xD;
	_ =	sdelay $0xe  }
0x10c: {  	s12 =	spop (v2sf)  }
0x10d: {  	p0 =	sgt.s32 s12, $0x0  }
0x10e: {  	p4 =	slt.s32 s12, $0x1;
	s12 =	simm.s32 @!p0 $0x0  }
0x10f: {  	s12 =	smin.u32 s12, $0x1869F  }
0x110: {  	s25 =	sand.u32 $0x7F, s12  }
0x111: {  	p5 =	sne.s32 s25, $0x0  }
0x112: {  	p0 =	por !p4, !p5  }
0x113: {  	s13 =	simm.s32 $0x1;
	p0 =	por !p0, !p0  }
0x114: {  	s12 =	sshrl.u32 s12, $0x7;
	s13 =	simm.s32 @!p0 $0x0  }
0x115: {  	s12 =	ssub.s32 s12, s13  }
0x116: {  	s12 =	sshll.u32 s12, $0xA  }
0x117: {  	s12 =	sadd.s32 s5, s12  }
0x118: {  	s12 =	sshrl.u32 s12, $0x3  }
0x119: {  	s26 =	rddreg [dreg:$0x11];
	s12 =	sadd.s32 s2, s12  }
0x11a: {  	[tilespmem:s26], [sflag:$0x1] =	stream.linear.gather [hbm4b:s12+s3], $0x400, $0x38;
	[tilespmem:$0x8280] =	vst v63  }
0x11b: {  	v31 =	vld [tilespmem:$0x0];
	_ =	sdelay $0x4  }
0x11c: {  	(v2sf) =	vpush v31, $0xE;
	_ =	sdelay $0xe  }
0x11d: {  	s12 =	spop (v2sf)  }
0x11e: {  	p0 =	sgt.s32 s12, $0x0  }
0x11f: {  	p6 =	slt.s32 s12, $0x1;
	s12 =	simm.s32 @!p0 $0x0  }
0x120: {  	s12 =	smin.u32 s12, $0x1869F  }
0x121: {  	s28 =	sand.u32 $0x7F, s12  }
0x122: {  	p2 =	sne.s32 s28, $0x0  }
0x123: {  	p0 =	por !p6, !p2  }
0x124: {  	s13 =	simm.s32 $0x1;
	p0 =	por !p0, !p0  }
0x125: {  	s12 =	sshrl.u32 s12, $0x7;
	s13 =	simm.s32 @!p0 $0x0  }
0x126: {  	s12 =	ssub.s32 s12, s13  }
0x127: {  	s12 =	sshll.u32 s12, $0xA  }
0x128: {  	s12 =	sadd.s32 s5, s12  }
0x129: {  	s12 =	sshrl.u32 s12, $0x3  }
0x12a: {  	s29 =	rddreg [dreg:$0x12];
	s12 =	sadd.s32 s2, s12  }
0x12b: {  	[tilespmem:s29], [sflag:$0x1] =	stream.linear.gather [hbm4b:s12+s3], $0x400, $0x38;
	[tilespmem:$0x8280] =	vst v63  }
0x12c: {  	v31 =	vld [tilespmem:$0x0];
	_ =	sdelay $0x4  }
0x12d: {  	(v2sf) =	vpush v31, $0xF;
	_ =	sdelay $0xe  }
0x12e: {  	s12 =	spop (v2sf)  }
0x12f: {  	p0 =	sgt.s32 s12, $0x0  }
0x130: {  	p3 =	slt.s32 s12, $0x1;
	s12 =	simm.s32 @!p0 $0x0  }
0x131: {  	s12 =	smin.u32 s12, $0x1869F  }
0x132: {  	s30 =	sand.u32 $0x7F, s12  }
0x133: {  	p4 =	sne.s32 s30, $0x0  }
0x134: {  	p0 =	por !p3, !p4  }
0x135: {  	s13 =	simm.s32 $0x1;
	p0 =	por !p0, !p0  }
0x136: {  	s12 =	sshrl.u32 s12, $0x7;
	s13 =	simm.s32 @!p0 $0x0  }
0x137: {  	s12 =	ssub.s32 s12, s13  }
0x138: {  	s12 =	sshll.u32 s12, $0xA  }
0x139: {  	s12 =	sadd.s32 s5, s12  }
0x13a: {  	s12 =	sshrl.u32 s12, $0x3  }
0x13b: {  	s31 =	rddreg [dreg:$0x13];
	s12 =	sadd.s32 s2, s12  }
0x13c: {  	[tilespmem:s31], [sflag:$0x1] =	stream.linear.gather [hbm4b:s12+s3], $0x400, $0x38;
	[tilespmem:$0x8280] =	vst v63  }
0x13d: {  	v31 =	vld [tilespmem:$0x10];
	_ =	sdelay $0x4  }
0x13e: {  	(v2sf) =	vpush v31, $0x0;
	_ =	sdelay $0xe  }
0x13f: {  	s12 =	spop (v2sf)  }
0x140: {  	p0 =	sgt.s32 s12, $0x0  }
0x141: {  	p5 =	slt.s32 s12, $0x1;
	s12 =	simm.s32 @!p0 $0x0  }
0x142: {  	s12 =	smin.u32 s12, $0x1869F  }
0x143: {  	s14 =	sand.u32 $0x7F, s12  }
0x144: {  	p6 =	sne.s32 s14, $0x0  }
0x145: {  	p0 =	por !p5, !p6  }
0x146: {  	s13 =	simm.s32 $0x1;
	p0 =	por !p0, !p0  }
0x147: {  	s12 =	sshrl.u32 s12, $0x7;
	s13 =	simm.s32 @!p0 $0x0  }
0x148: {  	s12 =	ssub.s32 s12, s13  }
0x149: {  	s12 =	sshll.u32 s12, $0xA  }
0x14a: {  	s12 =	sadd.s32 s6, s12  }
0x14b: {  	s12 =	sshrl.u32 s12, $0x3  }
0x14c: {  	s15 =	rddreg [dreg:$0x14];
	s12 =	sadd.s32 s2, s12  }
0x14d: {  	[tilespmem:s15], [sflag:$0x1] =	stream.linear.gather [hbm4b:s12+s3], $0x400, $0x38;
	[tilespmem:$0x8280] =	vst v63  }
0x14e: {  	v31 =	vld [tilespmem:$0x10];
	_ =	sdelay $0x4  }
0x14f: {  	(v2sf) =	vpush v31, $0x1;
	_ =	sdelay $0xe  }
0x150: {  	s12 =	spop (v2sf)  }
0x151: {  	p0 =	sgt.s32 s12, $0x0  }
0x152: {  	p2 =	slt.s32 s12, $0x1;
	s12 =	simm.s32 @!p0 $0x0  }
0x153: {  	s12 =	smin.u32 s12, $0x1869F  }
0x154: {  	s16 =	sand.u32 $0x7F, s12  }
0x155: {  	p3 =	sne.s32 s16, $0x0  }
0x156: {  	p0 =	por !p2, !p3  }
0x157: {  	s13 =	simm.s32 $0x1;
	p0 =	por !p0, !p0  }
0x158: {  	s12 =	sshrl.u32 s12, $0x7;
	s13 =	simm.s32 @!p0 $0x0  }
0x159: {  	s12 =	ssub.s32 s12, s13  }
0x15a: {  	s12 =	sshll.u32 s12, $0xA  }
0x15b: {  	s12 =	sadd.s32 s6, s12  }
0x15c: {  	s12 =	sshrl.u32 s12, $0x3  }
0x15d: {  	s17 =	rddreg [dreg:$0x15];
	s12 =	sadd.s32 s2, s12  }
0x15e: {  	[tilespmem:s17], [sflag:$0x1] =	stream.linear.gather [hbm4b:s12+s3], $0x400, $0x38;
	[tilespmem:$0x8280] =	vst v63  }
0x15f: {  	v31 =	vld [tilespmem:$0x10];
	_ =	sdelay $0x4  }
0x160: {  	(v2sf) =	vpush v31, $0x2;
	_ =	sdelay $0xe  }
0x161: {  	s12 =	spop (v2sf)  }
0x162: {  	p0 =	sgt.s32 s12, $0x0  }
0x163: {  	p4 =	slt.s32 s12, $0x1;
	s12 =	simm.s32 @!p0 $0x0  }
0x164: {  	s12 =	smin.u32 s12, $0x1869F  }
0x165: {  	s18 =	sand.u32 $0x7F, s12  }
0x166: {  	p5 =	sne.s32 s18, $0x0  }
0x167: {  	p0 =	por !p4, !p5  }
0x168: {  	s13 =	simm.s32 $0x1;
	p0 =	por !p0, !p0  }
0x169: {  	s12 =	sshrl.u32 s12, $0x7;
	s13 =	simm.s32 @!p0 $0x0  }
0x16a: {  	s12 =	ssub.s32 s12, s13  }
0x16b: {  	s12 =	sshll.u32 s12, $0xA  }
0x16c: {  	s12 =	sadd.s32 s6, s12  }
0x16d: {  	s12 =	sshrl.u32 s12, $0x3  }
0x16e: {  	s19 =	rddreg [dreg:$0x16];
	s12 =	sadd.s32 s2, s12  }
0x16f: {  	[tilespmem:s19], [sflag:$0x1] =	stream.linear.gather [hbm4b:s12+s3], $0x400, $0x38;
	[tilespmem:$0x8280] =	vst v63  }
0x170: {  	v31 =	vld [tilespmem:$0x10];
	_ =	sdelay $0x4  }
0x171: {  	(v2sf) =	vpush v31, $0x3;
	_ =	sdelay $0xe  }
0x172: {  	s12 =	spop (v2sf)  }
0x173: {  	p0 =	sgt.s32 s12, $0x0  }
0x174: {  	p6 =	slt.s32 s12, $0x1;
	s12 =	simm.s32 @!p0 $0x0  }
0x175: {  	s12 =	smin.u32 s12, $0x1869F  }
0x176: {  	s20 =	sand.u32 $0x7F, s12  }
0x177: {  	p2 =	sne.s32 s20, $0x0  }
0x178: {  	p0 =	por !p6, !p2  }
0x179: {  	s13 =	simm.s32 $0x1;
	p0 =	por !p0, !p0  }
0x17a: {  	s12 =	sshrl.u32 s12, $0x7;
	s13 =	simm.s32 @!p0 $0x0  }
0x17b: {  	s12 =	ssub.s32 s12, s13  }
0x17c: {  	s12 =	sshll.u32 s12, $0xA  }
0x17d: {  	s12 =	sadd.s32 s6, s12  }
0x17e: {  	s12 =	sshrl.u32 s12, $0x3  }
0x17f: {  	s21 =	rddreg [dreg:$0x17];
	s12 =	sadd.s32 s2, s12  }
0x180: {  	[tilespmem:s21], [sflag:$0x1] =	stream.linear.gather [hbm4b:s12+s3], $0x400, $0x38;
	[tilespmem:$0x8280] =	vst v63  }
0x181: {  	v31 =	vld [tilespmem:$0x10];
	_ =	sdelay $0x4  }
0x182: {  	(v2sf) =	vpush v31, $0x4;
	_ =	sdelay $0xe  }
0x183: {  	s12 =	spop (v2sf)  }
0x184: {  	p0 =	sgt.s32 s12, $0x0  }
0x185: {  	p3 =	slt.s32 s12, $0x1;
	s12 =	simm.s32 @!p0 $0x0  }
0x186: {  	s12 =	smin.u32 s12, $0x1869F  }
0x187: {  	s22 =	sand.u32 $0x7F, s12  }
0x188: {  	p4 =	sne.s32 s22, $0x0  }
0x189: {  	p0 =	por !p3, !p4  }
0x18a: {  	s13 =	simm.s32 $0x1;
	p0 =	por !p0, !p0  }
0x18b: {  	s12 =	sshrl.u32 s12, $0x7;
	s13 =	simm.s32 @!p0 $0x0  }
0x18c: {  	s12 =	ssub.s32 s12, s13  }
0x18d: {  	s12 =	sshll.u32 s12, $0xA  }
0x18e: {  	s12 =	sadd.s32 s6, s12  }
0x18f: {  	s12 =	sshrl.u32 s12, $0x3  }
0x190: {  	s23 =	rddreg [dreg:$0x18];
	s12 =	sadd.s32 s2, s12  }
0x191: {  	[tilespmem:s23], [sflag:$0x1] =	stream.linear.gather [hbm4b:s12+s3], $0x400, $0x38;
	[tilespmem:$0x8280] =	vst v63  }
0x192: {  	v31 =	vld [tilespmem:$0x10];
	_ =	sdelay $0x4  }
0x193: {  	(v2sf) =	vpush v31, $0x5;
	_ =	sdelay $0xe  }
0x194: {  	s12 =	spop (v2sf)  }
0x195: {  	p0 =	sgt.s32 s12, $0x0  }
0x196: {  	p5 =	slt.s32 s12, $0x1;
	s12 =	simm.s32 @!p0 $0x0  }
0x197: {  	s12 =	smin.u32 s12, $0x1869F  }
0x198: {  	s24 =	sand.u32 $0x7F, s12  }
0x199: {  	p6 =	sne.s32 s24, $0x0  }
0x19a: {  	p0 =	por !p5, !p6  }
0x19b: {  	s13 =	simm.s32 $0x1;
	p0 =	por !p0, !p0  }
0x19c: {  	s12 =	sshrl.u32 s12, $0x7;
	s13 =	simm.s32 @!p0 $0x0  }
0x19d: {  	s12 =	ssub.s32 s12, s13  }
0x19e: {  	s12 =	sshll.u32 s12, $0xA  }
0x19f: {  	s12 =	sadd.s32 s6, s12  }
0x1a0: {  	s12 =	sshrl.u32 s12, $0x3  }
0x1a1: {  	s25 =	rddreg [dreg:$0x19];
	s12 =	sadd.s32 s2, s12  }
0x1a2: {  	[tilespmem:s25], [sflag:$0x1] =	stream.linear.gather [hbm4b:s12+s3], $0x400, $0x38;
	[tilespmem:$0x8280] =	vst v63  }
0x1a3: {  	v31 =	vld [tilespmem:$0x10];
	_ =	sdelay $0x4  }
0x1a4: {  	(v2sf) =	vpush v31, $0x6;
	_ =	sdelay $0xe  }
0x1a5: {  	s12 =	spop (v2sf)  }
0x1a6: {  	p0 =	sgt.s32 s12, $0x0  }
0x1a7: {  	p2 =	slt.s32 s12, $0x1;
	s12 =	simm.s32 @!p0 $0x0  }
0x1a8: {  	s12 =	smin.u32 s12, $0x1869F  }
0x1a9: {  	s26 =	sand.u32 $0x7F, s12  }
0x1aa: {  	p3 =	sne.s32 s26, $0x0  }
0x1ab: {  	p0 =	por !p2, !p3  }
0x1ac: {  	s13 =	simm.s32 $0x1;
	p0 =	por !p0, !p0  }
0x1ad: {  	s12 =	sshrl.u32 s12, $0x7;
	s13 =	simm.s32 @!p0 $0x0  }
0x1ae: {  	s12 =	ssub.s32 s12, s13  }
0x1af: {  	s12 =	sshll.u32 s12, $0xA  }
0x1b0: {  	s12 =	sadd.s32 s6, s12  }
0x1b1: {  	s12 =	sshrl.u32 s12, $0x3  }
0x1b2: {  	s28 =	rddreg [dreg:$0x1a];
	s12 =	sadd.s32 s2, s12  }
0x1b3: {  	[tilespmem:s28], [sflag:$0x1] =	stream.linear.gather [hbm4b:s12+s3], $0x400, $0x38;
	[tilespmem:$0x8280] =	vst v63  }
0x1b4: {  	v31 =	vld [tilespmem:$0x10];
	_ =	sdelay $0x4  }
0x1b5: {  	(v2sf) =	vpush v31, $0x7;
	_ =	sdelay $0xe  }
0x1b6: {  	s12 =	spop (v2sf)  }
0x1b7: {  	p0 =	sgt.s32 s12, $0x0  }
0x1b8: {  	p4 =	slt.s32 s12, $0x1;
	s12 =	simm.s32 @!p0 $0x0  }
0x1b9: {  	s12 =	smin.u32 s12, $0x1869F  }
0x1ba: {  	s29 =	sand.u32 $0x7F, s12  }
0x1bb: {  	p5 =	sne.s32 s29, $0x0  }
0x1bc: {  	p0 =	por !p4, !p5  }
0x1bd: {  	s13 =	simm.s32 $0x1;
	p0 =	por !p0, !p0  }
0x1be: {  	s12 =	sshrl.u32 s12, $0x7;
	s13 =	simm.s32 @!p0 $0x0  }
0x1bf: {  	s12 =	ssub.s32 s12, s13  }
0x1c0: {  	s12 =	sshll.u32 s12, $0xA  }
0x1c1: {  	s12 =	sadd.s32 s6, s12  }
0x1c2: {  	s12 =	sshrl.u32 s12, $0x3  }
0x1c3: {  	s30 =	rddreg [dreg:$0x1b];
	s12 =	sadd.s32 s2, s12  }
0x1c4: {  	[tilespmem:s30], [sflag:$0x1] =	stream.linear.gather [hbm4b:s12+s3], $0x400, $0x38;
	[tilespmem:$0x8280] =	vst v63  }
0x1c5: {  	v31 =	vld [tilespmem:$0x10];
	_ =	sdelay $0x4  }
0x1c6: {  	(v2sf) =	vpush v31, $0x8;
	_ =	sdelay $0xe  }
0x1c7: {  	s12 =	spop (v2sf)  }
0x1c8: {  	p0 =	sgt.s32 s12, $0x0  }
0x1c9: {  	p6 =	slt.s32 s12, $0x1;
	s12 =	simm.s32 @!p0 $0x0  }
0x1ca: {  	s12 =	smin.u32 s12, $0x1869F  }
0x1cb: {  	s31 =	sand.u32 $0x7F, s12  }
0x1cc: {  	p2 =	sne.s32 s31, $0x0  }
0x1cd: {  	p0 =	por !p6, !p2  }
0x1ce: {  	s13 =	simm.s32 $0x1;
	p0 =	por !p0, !p0  }
0x1cf: {  	s12 =	sshrl.u32 s12, $0x7;
	s13 =	simm.s32 @!p0 $0x0  }
0x1d0: {  	s12 =	ssub.s32 s12, s13  }
0x1d1: {  	s12 =	sshll.u32 s12, $0xA  }
0x1d2: {  	s12 =	sadd.s32 s7, s12  }
0x1d3: {  	s12 =	sshrl.u32 s12, $0x3  }
0x1d4: {  	s14 =	rddreg [dreg:$0x1c];
	s12 =	sadd.s32 s2, s12  }
0x1d5: {  	[tilespmem:s14], [sflag:$0x1] =	stream.linear.gather [hbm4b:s12+s3], $0x400, $0x38;
	[tilespmem:$0x8280] =	vst v63  }
0x1d6: {  	v31 =	vld [tilespmem:$0x10];
	_ =	sdelay $0x4  }
0x1d7: {  	(v2sf) =	vpush v31, $0x9;
	_ =	sdelay $0xe  }
0x1d8: {  	s12 =	spop (v2sf)  }
0x1d9: {  	p0 =	sgt.s32 s12, $0x0  }
0x1da: {  	p3 =	slt.s32 s12, $0x1;
	s12 =	simm.s32 @!p0 $0x0  }
0x1db: {  	s12 =	smin.u32 s12, $0x1869F  }
0x1dc: {  	s15 =	sand.u32 $0x7F, s12  }
0x1dd: {  	p4 =	sne.s32 s15, $0x0  }
0x1de: {  	p0 =	por !p3, !p4  }
0x1df: {  	s13 =	simm.s32 $0x1;
	p0 =	por !p0, !p0  }
0x1e0: {  	s12 =	sshrl.u32 s12, $0x7;
	s13 =	simm.s32 @!p0 $0x0  }
0x1e1: {  	s12 =	ssub.s32 s12, s13  }
0x1e2: {  	s12 =	sshll.u32 s12, $0xA  }
0x1e3: {  	s12 =	sadd.s32 s7, s12  }
0x1e4: {  	s12 =	sshrl.u32 s12, $0x3  }
0x1e5: {  	s16 =	rddreg [dreg:$0x1d];
	s12 =	sadd.s32 s2, s12  }
0x1e6: {  	[tilespmem:s16], [sflag:$0x1] =	stream.linear.gather [hbm4b:s12+s3], $0x400, $0x38;
	[tilespmem:$0x8280] =	vst v63  }
0x1e7: {  	v31 =	vld [tilespmem:$0x10];
	_ =	sdelay $0x4  }
0x1e8: {  	(v2sf) =	vpush v31, $0xA;
	_ =	sdelay $0xe  }
0x1e9: {  	s12 =	spop (v2sf)  }
0x1ea: {  	p0 =	sgt.s32 s12, $0x0  }
0x1eb: {  	p5 =	slt.s32 s12, $0x1;
	s12 =	simm.s32 @!p0 $0x0  }
0x1ec: {  	s12 =	smin.u32 s12, $0x1869F  }
0x1ed: {  	s17 =	sand.u32 $0x7F, s12  }
0x1ee: {  	p6 =	sne.s32 s17, $0x0  }
0x1ef: {  	p0 =	por !p5, !p6  }
0x1f0: {  	s13 =	simm.s32 $0x1;
	p0 =	por !p0, !p0  }
0x1f1: {  	s12 =	sshrl.u32 s12, $0x7;
	s13 =	simm.s32 @!p0 $0x0  }
0x1f2: {  	s12 =	ssub.s32 s12, s13  }
0x1f3: {  	s12 =	sshll.u32 s12, $0xA  }
0x1f4: {  	s12 =	sadd.s32 s7, s12  }
0x1f5: {  	s12 =	sshrl.u32 s12, $0x3  }
0x1f6: {  	s18 =	rddreg [dreg:$0x1e];
	s12 =	sadd.s32 s2, s12  }
0x1f7: {  	[tilespmem:s18], [sflag:$0x1] =	stream.linear.gather [hbm4b:s12+s3], $0x400, $0x38;
	[tilespmem:$0x8280] =	vst v63  }
0x1f8: {  	v31 =	vld [tilespmem:$0x10];
	_ =	sdelay $0x4  }
0x1f9: {  	(v2sf) =	vpush v31, $0xB;
	_ =	sdelay $0xe  }
0x1fa: {  	s12 =	spop (v2sf)  }
0x1fb: {  	p0 =	sgt.s32 s12, $0x0  }
0x1fc: {  	p2 =	slt.s32 s12, $0x1;
	s12 =	simm.s32 @!p0 $0x0  }
0x1fd: {  	s12 =	smin.u32 s12, $0x1869F  }
0x1fe: {  	s19 =	sand.u32 $0x7F, s12  }
0x1ff: {  	p3 =	sne.s32 s19, $0x0  }
0x200: {  	p0 =	por !p2, !p3  }
0x201: {  	s13 =	simm.s32 $0x1;
	p0 =	por !p0, !p0  }
0x202: {  	s12 =	sshrl.u32 s12, $0x7;
	s13 =	simm.s32 @!p0 $0x0  }
0x203: {  	s12 =	ssub.s32 s12, s13  }
0x204: {  	s12 =	sshll.u32 s12, $0xA  }
0x205: {  	s12 =	sadd.s32 s7, s12  }
0x206: {  	s12 =	sshrl.u32 s12, $0x3  }
0x207: {  	s20 =	rddreg [dreg:$0x1f];
	s12 =	sadd.s32 s2, s12  }
0x208: {  	[tilespmem:s20], [sflag:$0x1] =	stream.linear.gather [hbm4b:s12+s3], $0x400, $0x38;
	[tilespmem:$0x8280] =	vst v63  }
0x209: {  	v31 =	vld [tilespmem:$0x10];
	_ =	sdelay $0x4  }
0x20a: {  	(v2sf) =	vpush v31, $0xC;
	_ =	sdelay $0xe  }
0x20b: {  	s12 =	spop (v2sf)  }
0x20c: {  	p0 =	sgt.s32 s12, $0x0  }
0x20d: {  	p4 =	slt.s32 s12, $0x1;
	s12 =	simm.s32 @!p0 $0x0  }
0x20e: {  	s12 =	smin.u32 s12, $0x1869F  }
0x20f: {  	s21 =	sand.u32 $0x7F, s12  }
0x210: {  	p5 =	sne.s32 s21, $0x0  }
0x211: {  	p0 =	por !p4, !p5  }
0x212: {  	s13 =	simm.s32 $0x1;
	p0 =	por !p0, !p0  }
0x213: {  	s12 =	sshrl.u32 s12, $0x7;
	s13 =	simm.s32 @!p0 $0x0  }
0x214: {  	s12 =	ssub.s32 s12, s13  }
0x215: {  	s12 =	sshll.u32 s12, $0xA  }
0x216: {  	s22 =	sld [smem:$0x7F9];
	s12 =	sadd.s32 s7, s12  }
0x217: {  	s12 =	sshrl.u32 s12, $0x3  }
0x218: {  	s12 =	sadd.s32 s2, s12  }
0x219: {  	[tilespmem:s22], [sflag:$0x1] =	stream.linear.gather [hbm4b:s12+s3], $0x400, $0x38;
	[tilespmem:$0x8280] =	vst v63  }
0x21a: {  	v31 =	vld [tilespmem:$0x10];
	_ =	sdelay $0x4  }
0x21b: {  	(v2sf) =	vpush v31, $0xD;
	_ =	sdelay $0xe  }
0x21c: {  	s12 =	spop (v2sf)  }
0x21d: {  	p0 =	sgt.s32 s12, $0x0  }
0x21e: {  	p6 =	slt.s32 s12, $0x1;
	s12 =	simm.s32 @!p0 $0x0  }
0x21f: {  	s12 =	smin.u32 s12, $0x1869F  }
0x220: {  	s23 =	sand.u32 $0x7F, s12  }
0x221: {  	p2 =	sne.s32 s23, $0x0  }
0x222: {  	p0 =	por !p6, !p2  }
0x223: {  	s13 =	simm.s32 $0x1;
	p0 =	por !p0, !p0  }
0x224: {  	s12 =	sshrl.u32 s12, $0x7;
	s13 =	simm.s32 @!p0 $0x0  }
0x225: {  	s12 =	ssub.s32 s12, s13  }
0x226: {  	s12 =	sshll.u32 s12, $0xA  }
0x227: {  	s24 =	sld [smem:$0x7FA];
	s12 =	sadd.s32 s7, s12  }
0x228: {  	s12 =	sshrl.u32 s12, $0x3  }
0x229: {  	s12 =	sadd.s32 s2, s12  }
0x22a: {  	[tilespmem:s24], [sflag:$0x1] =	stream.linear.gather [hbm4b:s12+s3], $0x400, $0x38;
	[tilespmem:$0x8280] =	vst v63  }
0x22b: {  	v31 =	vld [tilespmem:$0x10];
	_ =	sdelay $0x4  }
0x22c: {  	(v2sf) =	vpush v31, $0xE;
	_ =	sdelay $0xe  }
0x22d: {  	s12 =	spop (v2sf)  }
0x22e: {  	p0 =	sgt.s32 s12, $0x0  }
0x22f: {  	p3 =	slt.s32 s12, $0x1;
	s12 =	simm.s32 @!p0 $0x0  }
0x230: {  	s12 =	smin.u32 s12, $0x1869F  }
0x231: {  	s25 =	sand.u32 $0x7F, s12  }
0x232: {  	p4 =	sne.s32 s25, $0x0  }
0x233: {  	p0 =	por !p3, !p4  }
0x234: {  	s13 =	simm.s32 $0x1;
	p0 =	por !p0, !p0  }
0x235: {  	s12 =	sshrl.u32 s12, $0x7;
	s13 =	simm.s32 @!p0 $0x0  }
0x236: {  	s12 =	ssub.s32 s12, s13  }
0x237: {  	s12 =	sshll.u32 s12, $0xA  }
0x238: {  	s26 =	sld [smem:$0x7FB];
	s12 =	sadd.s32 s7, s12  }
0x239: {  	s12 =	sshrl.u32 s12, $0x3  }
0x23a: {  	s12 =	sadd.s32 s2, s12  }
0x23b: {  	[tilespmem:s26], [sflag:$0x1] =	stream.linear.gather [hbm4b:s12+s3], $0x400, $0x38;
	[tilespmem:$0x8280] =	vst v63  }
0x23c: {  	v31 =	vld [tilespmem:$0x10];
	_ =	sdelay $0x4  }
0x23d: {  	(v2sf) =	vpush v31, $0xF;
	_ =	sdelay $0xe  }
0x23e: {  	s12 =	spop (v2sf)  }
0x23f: {  	p0 =	sgt.s32 s12, $0x0  }
0x240: {  	p5 =	slt.s32 s12, $0x1;
	s12 =	simm.s32 @!p0 $0x0  }
0x241: {  	s12 =	smin.u32 s12, $0x1869F  }
0x242: {  	s28 =	sand.u32 $0x7F, s12  }
0x243: {  	p6 =	sne.s32 s28, $0x0  }
0x244: {  	p0 =	por !p5, !p6  }
0x245: {  	s13 =	simm.s32 $0x1;
	p0 =	por !p0, !p0  }
0x246: {  	s12 =	sshrl.u32 s12, $0x7;
	s13 =	simm.s32 @!p0 $0x0  }
0x247: {  	s12 =	ssub.s32 s12, s13  }
0x248: {  	s12 =	sshll.u32 s12, $0xA  }
0x249: {  	s29 =	sld [smem:$0x7FC];
	s12 =	sadd.s32 s7, s12  }
0x24a: {  	s12 =	sshrl.u32 s12, $0x3  }
0x24b: {  	s12 =	sadd.s32 s2, s12  }
0x24c: {  	[tilespmem:s29], [sflag:$0x1] =	stream.linear.gather [hbm4b:s12+s3], $0x400, $0x38;
	[tilespmem:$0x8280] =	vst v63  }
0x24d: {  	_ =	swait.ge [sflag:s10], $0x400  }
0x24e: {  	[sflag:s10] =	ssyncset.done $0x0  }
0x24f: {  	[sflag:s10] =	ssyncadd.s32 $0xFFFFFC00  }
0x250: {  	_ =	swait.ge [sflag:s10], $0x400  }
0x251: {  	[sflag:s10] =	ssyncset.done $0x0  }
0x252: {  	[sflag:s10] =	ssyncadd.s32 $0xFFFFFC00  }
0x253: {  	_ =	swait.ge [sflag:s10], $0x400  }
0x254: {  	[sflag:s10] =	ssyncset.done $0x0  }
0x255: {  	[sflag:s10] =	ssyncadd.s32 $0xFFFFFC00  }
0x256: {  	_ =	swait.ge [sflag:s10], $0x400  }
0x257: {  	[sflag:s10] =	ssyncset.done $0x0  }
0x258: {  	[sflag:s10] =	ssyncadd.s32 $0xFFFFFC00  }
0x259: {  	_ =	swait.ge [sflag:s10], $0x400  }
0x25a: {  	[sflag:s10] =	ssyncset.done $0x0  }
0x25b: {  	[sflag:s10] =	ssyncadd.s32 $0xFFFFFC00  }
0x25c: {  	_ =	swait.ge [sflag:s10], $0x400  }
0x25d: {  	[sflag:s10] =	ssyncset.done $0x0  }
0x25e: {  	[sflag:s10] =	ssyncadd.s32 $0xFFFFFC00  }
0x25f: {  	_ =	swait.ge [sflag:s10], $0x400  }
0x260: {  	[sflag:s10] =	ssyncset.done $0x0  }
0x261: {  	[sflag:s10] =	ssyncadd.s32 $0xFFFFFC00  }
0x262: {  	_ =	swait.ge [sflag:s10], $0x400  }
0x263: {  	[sflag:s10] =	ssyncset.done $0x0  }
0x264: {  	[sflag:s10] =	ssyncadd.s32 $0xFFFFFC00  }
0x265: {  	_ =	swait.ge [sflag:s10], $0x400  }
0x266: {  	[sflag:s10] =	ssyncset.done $0x0  }
0x267: {  	[sflag:s10] =	ssyncadd.s32 $0xFFFFFC00  }
0x268: {  	_ =	swait.ge [sflag:s10], $0x400  }
0x269: {  	[sflag:s10] =	ssyncset.done $0x0  }
0x26a: {  	[sflag:s10] =	ssyncadd.s32 $0xFFFFFC00  }
0x26b: {  	_ =	swait.ge [sflag:s10], $0x400  }
0x26c: {  	[sflag:s10] =	ssyncset.done $0x0  }
0x26d: {  	[sflag:s10] =	ssyncadd.s32 $0xFFFFFC00  }
0x26e: {  	_ =	swait.ge [sflag:s10], $0x400  }
0x26f: {  	[sflag:s10] =	ssyncset.done $0x0  }
0x270: {  	[sflag:s10] =	ssyncadd.s32 $0xFFFFFC00  }
0x271: {  	_ =	swait.ge [sflag:s10], $0x400  }
0x272: {  	[sflag:s10] =	ssyncset.done $0x0  }
0x273: {  	[sflag:s10] =	ssyncadd.s32 $0xFFFFFC00  }
0x274: {  	_ =	swait.ge [sflag:s10], $0x400  }
0x275: {  	[sflag:s10] =	ssyncset.done $0x0  }
0x276: {  	[sflag:s10] =	ssyncadd.s32 $0xFFFFFC00  }
0x277: {  	_ =	swait.ge [sflag:s10], $0x400  }
0x278: {  	[sflag:s10] =	ssyncset.done $0x0  }
0x279: {  	[sflag:s10] =	ssyncadd.s32 $0xFFFFFC00  }
0x27a: {  	_ =	swait.ge [sflag:s10], $0x400  }
0x27b: {  	[sflag:s10] =	ssyncset.done $0x0  }
0x27c: {  	[sflag:s10] =	ssyncadd.s32 $0xFFFFFC00  }
0x27d: {  	_ =	swait.ge [sflag:s10], $0x400  }
0x27e: {  	[sflag:s10] =	ssyncset.done $0x0  }
0x27f: {  	[sflag:s10] =	ssyncadd.s32 $0xFFFFFC00  }
0x280: {  	_ =	swait.ge [sflag:s10], $0x400  }
0x281: {  	[sflag:s10] =	ssyncset.done $0x0  }
0x282: {  	[sflag:s10] =	ssyncadd.s32 $0xFFFFFC00  }
0x283: {  	_ =	swait.ge [sflag:s10], $0x400  }
0x284: {  	[sflag:s10] =	ssyncset.done $0x0  }
0x285: {  	[sflag:s10] =	ssyncadd.s32 $0xFFFFFC00  }
0x286: {  	_ =	swait.ge [sflag:s10], $0x400  }
0x287: {  	[sflag:s10] =	ssyncset.done $0x0  }
0x288: {  	[sflag:s10] =	ssyncadd.s32 $0xFFFFFC00  }
0x289: {  	_ =	swait.ge [sflag:s10], $0x400  }
0x28a: {  	[sflag:s10] =	ssyncset.done $0x0  }
0x28b: {  	[sflag:s10] =	ssyncadd.s32 $0xFFFFFC00  }
0x28c: {  	_ =	swait.ge [sflag:s10], $0x400  }
0x28d: {  	[sflag:s10] =	ssyncset.done $0x0  }
0x28e: {  	[sflag:s10] =	ssyncadd.s32 $0xFFFFFC00  }
0x28f: {  	_ =	swait.ge [sflag:s10], $0x400  }
0x290: {  	[sflag:s10] =	ssyncset.done $0x0  }
0x291: {  	[sflag:s10] =	ssyncadd.s32 $0xFFFFFC00  }
0x292: {  	_ =	swait.ge [sflag:s10], $0x400  }
0x293: {  	[sflag:s10] =	ssyncset.done $0x0  }
0x294: {  	[sflag:s10] =	ssyncadd.s32 $0xFFFFFC00  }
0x295: {  	_ =	swait.ge [sflag:s10], $0x400  }
0x296: {  	[sflag:s10] =	ssyncset.done $0x0  }
0x297: {  	[sflag:s10] =	ssyncadd.s32 $0xFFFFFC00  }
0x298: {  	_ =	swait.ge [sflag:s10], $0x400  }
0x299: {  	[sflag:s10] =	ssyncset.done $0x0  }
0x29a: {  	[sflag:s10] =	ssyncadd.s32 $0xFFFFFC00  }
0x29b: {  	_ =	swait.ge [sflag:s10], $0x400  }
0x29c: {  	[sflag:s10] =	ssyncset.done $0x0  }
0x29d: {  	[sflag:s10] =	ssyncadd.s32 $0xFFFFFC00  }
0x29e: {  	_ =	swait.ge [sflag:s10], $0x400  }
0x29f: {  	[sflag:s10] =	ssyncset.done $0x0  }
0x2a0: {  	[sflag:s10] =	ssyncadd.s32 $0xFFFFFC00  }
0x2a1: {  	_ =	swait.ge [sflag:s10], $0x400  }
0x2a2: {  	[sflag:s10] =	ssyncset.done $0x0  }
0x2a3: {  	[sflag:s10] =	ssyncadd.s32 $0xFFFFFC00  }
0x2a4: {  	_ =	swait.ge [sflag:s10], $0x400  }
0x2a5: {  	[sflag:s10] =	ssyncset.done $0x0  }
0x2a6: {  	[sflag:s10] =	ssyncadd.s32 $0xFFFFFC00  }
0x2a7: {  	_ =	swait.ge [sflag:s10], $0x400  }
0x2a8: {  	[sflag:s10] =	ssyncset.done $0x0  }
0x2a9: {  	[sflag:s10] =	ssyncadd.s32 $0xFFFFFC00  }
0x2aa: {  	_ =	swait.ge [sflag:s10], $0x400  }
0x2ab: {  	[sflag:s10] =	ssyncset.done $0x0  }
0x2ac: {  	[sflag:s10] =	ssyncadd.s32 $0xFFFFFC00  }
0x2ad: {  	v31 =	vld.msk [tilespmem:s3+$0x0], $0xffff;
	_ =	sdelay $0x4  }
0x2ae: {  	vm0 =	vgt.s32 v31, $0x0  }
0x2af: {  	v31 =	vnsel vm0, $0x0, v31  }
0x2b0: {  	v31 =	vmin.u32 v31, $0x1869F  }
0x2b1: {  	v31 =	vand.u32 $0x7F, v31;
	_ =	sdelay $0x4  }
0x2b2: {  	v31 =	vld.idx.msk [tilespmem:v31+s11+$0x0], $0xffff;
	_ =	sdelay $0x4  }
0x2b3: {  	[tilespmem:$0x8080] =	vst v31  }
0x2b4: {  	v31 =	vld.idx.msk [tilespmem:v0+s3+$0x0], $0xffff;
	_ =	sdelay $0x4  }
0x2b5: {  	vm9 =	vgt.s32 v31, $0x0  }
0x2b6: {  	v31 =	vnsel vm9, $0x0, v31  }
0x2b7: {  	v31 =	vmin.u32 v31, $0x1869F  }
0x2b8: {  	v31 =	vand.u32 $0x7F, v31  }
0x2b9: {  	v31 =	vor.u32 $0x480, v31;
	_ =	sdelay $0x4  }
0x2ba: {  	v31 =	vld.idx.msk [tilespmem:v31+s11+$0x0], $0xffff;
	_ =	sdelay $0x4  }
0x2bb: {  	[tilespmem:$0x8090] =	vst v31  }
0x2bc: {  	v31 =	vld.idx.msk [tilespmem:v1+s3+$0x0], $0xffff;
	_ =	sdelay $0x4  }
0x2bd: {  	vm10 =	vgt.s32 v31, $0x0  }
0x2be: {  	v31 =	vnsel vm10, $0x0, v31  }
0x2bf: {  	v31 =	vmin.u32 v31, $0x1869F  }
0x2c0: {  	v31 =	vand.u32 $0x7F, v31  }
0x2c1: {  	v31 =	vor.u32 $0x900, v31;
	_ =	sdelay $0x4  }
0x2c2: {  	v31 =	vld.idx.msk [tilespmem:v31+s11+$0x0], $0xffff;
	_ =	sdelay $0x4  }
0x2c3: {  	[tilespmem:$0x80A0] =	vst v31  }
0x2c4: {  	v31 =	vld.idx.msk [tilespmem:v2+s3+$0x0], $0xffff;
	_ =	sdelay $0x4  }
0x2c5: {  	vm11 =	vgt.s32 v31, $0x0  }
0x2c6: {  	v31 =	vnsel vm11, $0x0, v31  }
0x2c7: {  	v31 =	vmin.u32 v31, $0x1869F  }
0x2c8: {  	v31 =	vand.u32 $0x7F, v31  }
0x2c9: {  	v31 =	vor.u32 $0xD80, v31;
	_ =	sdelay $0x4  }
0x2ca: {  	v31 =	vld.idx.msk [tilespmem:v31+s11+$0x0], $0xffff;
	_ =	sdelay $0x4  }
0x2cb: {  	[tilespmem:$0x80B0] =	vst v31  }
0x2cc: {  	v31 =	vld.idx.msk [tilespmem:v3+s3+$0x0], $0xffff;
	_ =	sdelay $0x4  }
0x2cd: {  	vm12 =	vgt.s32 v31, $0x0  }
0x2ce: {  	v31 =	vnsel vm12, $0x0, v31  }
0x2cf: {  	v31 =	vmin.u32 v31, $0x1869F  }
0x2d0: {  	v31 =	vand.u32 $0x7F, v31  }
0x2d1: {  	v31 =	vor.u32 $0x1200, v31;
	_ =	sdelay $0x4  }
0x2d2: {  	v31 =	vld.idx.msk [tilespmem:v31+s11+$0x0], $0xffff;
	_ =	sdelay $0x4  }
0x2d3: {  	[tilespmem:$0x80C0] =	vst v31  }
0x2d4: {  	v31 =	vld.idx.msk [tilespmem:v4+s3+$0x0], $0xffff;
	_ =	sdelay $0x4  }
0x2d5: {  	vm13 =	vgt.s32 v31, $0x0  }
0x2d6: {  	v31 =	vnsel vm13, $0x0, v31  }
0x2d7: {  	v31 =	vmin.u32 v31, $0x1869F  }
0x2d8: {  	v31 =	vand.u32 $0x7F, v31  }
0x2d9: {  	v31 =	vor.u32 $0x1680, v31;
	_ =	sdelay $0x4  }
0x2da: {  	v31 =	vld.idx.msk [tilespmem:v31+s11+$0x0], $0xffff;
	_ =	sdelay $0x4  }
0x2db: {  	[tilespmem:$0x80D0] =	vst v31  }
0x2dc: {  	v31 =	vld.idx.msk [tilespmem:v5+s3+$0x0], $0xffff;
	_ =	sdelay $0x4  }
0x2dd: {  	vm14 =	vgt.s32 v31, $0x0  }
0x2de: {  	v31 =	vnsel vm14, $0x0, v31  }
0x2df: {  	v31 =	vmin.u32 v31, $0x1869F  }
0x2e0: {  	v31 =	vand.u32 $0x7F, v31  }
0x2e1: {  	v31 =	vor.u32 $0x1B00, v31;
	_ =	sdelay $0x4  }
0x2e2: {  	v31 =	vld.idx.msk [tilespmem:v31+s11+$0x0], $0xffff;
	_ =	sdelay $0x4  }
0x2e3: {  	[tilespmem:$0x80E0] =	vst v31  }
0x2e4: {  	v31 =	vld.idx.msk [tilespmem:v6+s3+$0x0], $0xffff;
	_ =	sdelay $0x4  }
0x2e5: {  	vm15 =	vgt.s32 v31, $0x0  }
0x2e6: {  	v31 =	vnsel vm15, $0x0, v31  }
0x2e7: {  	v31 =	vmin.u32 v31, $0x1869F  }
0x2e8: {  	v31 =	vand.u32 $0x7F, v31  }
0x2e9: {  	v31 =	vor.u32 $0x1F80, v31;
	_ =	sdelay $0x4  }
0x2ea: {  	v31 =	vld.idx.msk [tilespmem:v31+s11+$0x0], $0xffff;
	_ =	sdelay $0x4  }
0x2eb: {  	[tilespmem:$0x80F0] =	vst v31  }
0x2ec: {  	v31 =	vld.idx.msk [tilespmem:v7+s3+$0x0], $0xffff;
	_ =	sdelay $0x4  }
0x2ed: {  	vm4 =	vgt.s32 v31, $0x0  }
0x2ee: {  	v31 =	vnsel vm4, $0x0, v31  }
0x2ef: {  	v31 =	vmin.u32 v31, $0x1869F  }
0x2f0: {  	v31 =	vand.u32 $0x7F, v31  }
0x2f1: {  	v31 =	vor.u32 $0x2000, v31;
	_ =	sdelay $0x4  }
0x2f2: {  	v31 =	vld.idx.msk [tilespmem:v31+s11+$0x0], $0xffff;
	_ =	sdelay $0x4  }
0x2f3: {  	[tilespmem:$0x8100] =	vst v31  }
0x2f4: {  	v31 =	vld.idx.msk [tilespmem:v8+s3+$0x0], $0xffff;
	_ =	sdelay $0x4  }
0x2f5: {  	vm5 =	vgt.s32 v31, $0x0  }
0x2f6: {  	v31 =	vnsel vm5, $0x0, v31  }
0x2f7: {  	v31 =	vmin.u32 v31, $0x1869F  }
0x2f8: {  	v31 =	vand.u32 $0x7F, v31  }
0x2f9: {  	v31 =	vor.u32 $0x2480, v31;
	_ =	sdelay $0x4  }
0x2fa: {  	v31 =	vld.idx.msk [tilespmem:v31+s11+$0x0], $0xffff;
	_ =	sdelay $0x4  }
0x2fb: {  	[tilespmem:$0x8110] =	vst v31  }
0x2fc: {  	v31 =	vld.idx.msk [tilespmem:v9+s3+$0x0], $0xffff;
	_ =	sdelay $0x4  }
0x2fd: {  	vm6 =	vgt.s32 v31, $0x0  }
0x2fe: {  	v31 =	vnsel vm6, $0x0, v31  }
0x2ff: {  	v31 =	vmin.u32 v31, $0x1869F  }
0x300: {  	v31 =	vand.u32 $0x7F, v31  }
0x301: {  	v31 =	vor.u32 $0x2900, v31;
	_ =	sdelay $0x4  }
0x302: {  	v31 =	vld.idx.msk [tilespmem:v31+s11+$0x0], $0xffff;
	_ =	sdelay $0x4  }
0x303: {  	[tilespmem:$0x8120] =	vst v31  }
0x304: {  	v31 =	vld.idx.msk [tilespmem:v10+s3+$0x0], $0xffff;
	_ =	sdelay $0x4  }
0x305: {  	vm7 =	vgt.s32 v31, $0x0  }
0x306: {  	v31 =	vnsel vm7, $0x0, v31  }
0x307: {  	v31 =	vmin.u32 v31, $0x1869F  }
0x308: {  	v31 =	vand.u32 $0x7F, v31  }
0x309: {  	v31 =	vor.u32 $0x2D80, v31;
	_ =	sdelay $0x4  }
0x30a: {  	v31 =	vld.idx.msk [tilespmem:v31+s11+$0x0], $0xffff;
	_ =	sdelay $0x4  }
0x30b: {  	[tilespmem:$0x8130] =	vst v31  }
0x30c: {  	v31 =	vld.idx.msk [tilespmem:v11+s3+$0x0], $0xffff;
	_ =	sdelay $0x4  }
0x30d: {  	vm8 =	vgt.s32 v31, $0x0  }
0x30e: {  	v31 =	vnsel vm8, $0x0, v31  }
0x30f: {  	v31 =	vmin.u32 v31, $0x1869F  }
0x310: {  	v31 =	vand.u32 $0x7F, v31  }
0x311: {  	v31 =	vor.u32 $0x3200, v31;
	_ =	sdelay $0x4  }
0x312: {  	v31 =	vld.idx.msk [tilespmem:v31+s11+$0x0], $0xffff;
	_ =	sdelay $0x4  }
0x313: {  	[tilespmem:$0x8140] =	vst v31  }
0x314: {  	v31 =	vld.idx.msk [tilespmem:v12+s3+$0x0], $0xffff;
	_ =	sdelay $0x4  }
0x315: {  	vm9 =	vgt.s32 v31, $0x0  }
0x316: {  	v31 =	vnsel vm9, $0x0, v31  }
0x317: {  	v31 =	vmin.u32 v31, $0x1869F  }
0x318: {  	v31 =	vand.u32 $0x7F, v31  }
0x319: {  	v31 =	vor.u32 $0x3680, v31;
	_ =	sdelay $0x4  }
0x31a: {  	v31 =	vld.idx.msk [tilespmem:v31+s11+$0x0], $0xffff;
	_ =	sdelay $0x4  }
0x31b: {  	[tilespmem:$0x8150] =	vst v31  }
0x31c: {  	v31 =	vld.idx.msk [tilespmem:v13+s3+$0x0], $0xffff;
	_ =	sdelay $0x4  }
0x31d: {  	vm10 =	vgt.s32 v31, $0x0  }
0x31e: {  	v31 =	vnsel vm10, $0x0, v31  }
0x31f: {  	v31 =	vmin.u32 v31, $0x1869F  }
0x320: {  	v31 =	vand.u32 $0x7F, v31  }
0x321: {  	v31 =	vor.u32 $0x3B00, v31;
	_ =	sdelay $0x4  }
0x322: {  	v31 =	vld.idx.msk [tilespmem:v31+s11+$0x0], $0xffff;
	_ =	sdelay $0x4  }
0x323: {  	[tilespmem:$0x8160] =	vst v31  }
0x324: {  	v31 =	vld.idx.msk [tilespmem:v14+s3+$0x0], $0xffff;
	_ =	sdelay $0x4  }
0x325: {  	vm11 =	vgt.s32 v31, $0x0  }
0x326: {  	v31 =	vnsel vm11, $0x0, v31  }
0x327: {  	v31 =	vmin.u32 v31, $0x1869F  }
0x328: {  	v31 =	vand.u32 $0x7F, v31  }
0x329: {  	v31 =	vor.u32 $0x3F80, v31;
	_ =	sdelay $0x4  }
0x32a: {  	v31 =	vld.idx.msk [tilespmem:v31+s11+$0x0], $0xffff;
	_ =	sdelay $0x4  }
0x32b: {  	[tilespmem:$0x8170] =	vst v31  }
0x32c: {  	v31 =	vld.idx.msk [tilespmem:v15+s3+$0x0], $0xffff;
	_ =	sdelay $0x4  }
0x32d: {  	vm12 =	vgt.s32 v31, $0x0  }
0x32e: {  	v31 =	vnsel vm12, $0x0, v31  }
0x32f: {  	v31 =	vmin.u32 v31, $0x1869F  }
0x330: {  	v31 =	vand.u32 $0x7F, v31  }
0x331: {  	v31 =	vor.u32 $0x4000, v31;
	_ =	sdelay $0x4  }
0x332: {  	v31 =	vld.idx.msk [tilespmem:v31+s11+$0x0], $0xffff;
	_ =	sdelay $0x4  }
0x333: {  	[tilespmem:$0x8180] =	vst v31  }
0x334: {  	v31 =	vld.idx.msk [tilespmem:v16+s3+$0x0], $0xffff;
	_ =	sdelay $0x4  }
0x335: {  	vm13 =	vgt.s32 v31, $0x0  }
0x336: {  	v31 =	vnsel vm13, $0x0, v31  }
0x337: {  	v31 =	vmin.u32 v31, $0x1869F  }
0x338: {  	v31 =	vand.u32 $0x7F, v31  }
0x339: {  	v31 =	vor.u32 $0x4480, v31;
	_ =	sdelay $0x4  }
0x33a: {  	v31 =	vld.idx.msk [tilespmem:v31+s11+$0x0], $0xffff;
	_ =	sdelay $0x4  }
0x33b: {  	[tilespmem:$0x8190] =	vst v31  }
0x33c: {  	v31 =	vld.idx.msk [tilespmem:v17+s3+$0x0], $0xffff;
	_ =	sdelay $0x4  }
0x33d: {  	vm14 =	vgt.s32 v31, $0x0  }
0x33e: {  	v31 =	vnsel vm14, $0x0, v31  }
0x33f: {  	v31 =	vmin.u32 v31, $0x1869F  }
0x340: {  	v31 =	vand.u32 $0x7F, v31  }
0x341: {  	v31 =	vor.u32 $0x4900, v31;
	_ =	sdelay $0x4  }
0x342: {  	v31 =	vld.idx.msk [tilespmem:v31+s11+$0x0], $0xffff;
	_ =	sdelay $0x4  }
0x343: {  	[tilespmem:$0x81A0] =	vst v31  }
0x344: {  	v31 =	vld.idx.msk [tilespmem:v18+s3+$0x0], $0xffff;
	_ =	sdelay $0x4  }
0x345: {  	vm15 =	vgt.s32 v31, $0x0  }
0x346: {  	v31 =	vnsel vm15, $0x0, v31  }
0x347: {  	v31 =	vmin.u32 v31, $0x1869F  }
0x348: {  	v31 =	vand.u32 $0x7F, v31  }
0x349: {  	v31 =	vor.u32 $0x4D80, v31;
	_ =	sdelay $0x4  }
0x34a: {  	v31 =	vld.idx.msk [tilespmem:v31+s11+$0x0], $0xffff;
	_ =	sdelay $0x4  }
0x34b: {  	[tilespmem:$0x81B0] =	vst v31  }
0x34c: {  	v31 =	vld.idx.msk [tilespmem:v19+s3+$0x0], $0xffff;
	_ =	sdelay $0x4  }
0x34d: {  	vm4 =	vgt.s32 v31, $0x0  }
0x34e: {  	v31 =	vnsel vm4, $0x0, v31  }
0x34f: {  	v31 =	vmin.u32 v31, $0x1869F  }
0x350: {  	v31 =	vand.u32 $0x7F, v31  }
0x351: {  	v31 =	vor.u32 $0x5200, v31;
	_ =	sdelay $0x4  }
0x352: {  	v31 =	vld.idx.msk [tilespmem:v31+s11+$0x0], $0xffff;
	_ =	sdelay $0x4  }
0x353: {  	[tilespmem:$0x81C0] =	vst v31  }
0x354: {  	v31 =	vld.idx.msk [tilespmem:v20+s3+$0x0], $0xffff;
	_ =	sdelay $0x4  }
0x355: {  	vm5 =	vgt.s32 v31, $0x0  }
0x356: {  	v31 =	vnsel vm5, $0x0, v31  }
0x357: {  	v31 =	vmin.u32 v31, $0x1869F  }
0x358: {  	v31 =	vand.u32 $0x7F, v31  }
0x359: {  	v31 =	vor.u32 $0x5680, v31;
	_ =	sdelay $0x4  }
0x35a: {  	v31 =	vld.idx.msk [tilespmem:v31+s11+$0x0], $0xffff;
	_ =	sdelay $0x4  }
0x35b: {  	[tilespmem:$0x81D0] =	vst v31  }
0x35c: {  	v31 =	vld.idx.msk [tilespmem:v21+s3+$0x0], $0xffff;
	_ =	sdelay $0x4  }
0x35d: {  	vm6 =	vgt.s32 v31, $0x0  }
0x35e: {  	v31 =	vnsel vm6, $0x0, v31  }
0x35f: {  	v31 =	vmin.u32 v31, $0x1869F  }
0x360: {  	v31 =	vand.u32 $0x7F, v31  }
0x361: {  	v31 =	vor.u32 $0x5B00, v31;
	_ =	sdelay $0x4  }
0x362: {  	v31 =	vld.idx.msk [tilespmem:v31+s11+$0x0], $0xffff;
	_ =	sdelay $0x4  }
0x363: {  	[tilespmem:$0x81E0] =	vst v31  }
0x364: {  	v31 =	vld.idx.msk [tilespmem:v22+s3+$0x0], $0xffff;
	_ =	sdelay $0x4  }
0x365: {  	vm7 =	vgt.s32 v31, $0x0  }
0x366: {  	v31 =	vnsel vm7, $0x0, v31  }
0x367: {  	v31 =	vmin.u32 v31, $0x1869F  }
0x368: {  	v31 =	vand.u32 $0x7F, v31  }
0x369: {  	v31 =	vor.u32 $0x5F80, v31;
	_ =	sdelay $0x4  }
0x36a: {  	v31 =	vld.idx.msk [tilespmem:v31+s11+$0x0], $0xffff;
	_ =	sdelay $0x4  }
0x36b: {  	[tilespmem:$0x81F0] =	vst v31  }
0x36c: {  	v31 =	vld.idx.msk [tilespmem:v23+s3+$0x0], $0xffff;
	_ =	sdelay $0x4  }
0x36d: {  	vm8 =	vgt.s32 v31, $0x0  }
0x36e: {  	v31 =	vnsel vm8, $0x0, v31  }
0x36f: {  	v31 =	vmin.u32 v31, $0x1869F  }
0x370: {  	v31 =	vand.u32 $0x7F, v31  }
0x371: {  	v31 =	vor.u32 $0x6000, v31;
	_ =	sdelay $0x4  }
0x372: {  	v31 =	vld.idx.msk [tilespmem:v31+s11+$0x0], $0xffff;
	_ =	sdelay $0x4  }
0x373: {  	[tilespmem:$0x8200] =	vst v31  }
0x374: {  	v31 =	vld.idx.msk [tilespmem:v24+s3+$0x0], $0xffff;
	_ =	sdelay $0x4  }
0x375: {  	vm9 =	vgt.s32 v31, $0x0  }
0x376: {  	v31 =	vnsel vm9, $0x0, v31  }
0x377: {  	v31 =	vmin.u32 v31, $0x1869F  }
0x378: {  	v31 =	vand.u32 $0x7F, v31  }
0x379: {  	v31 =	vor.u32 $0x6480, v31;
	_ =	sdelay $0x4  }
0x37a: {  	v31 =	vld.idx.msk [tilespmem:v31+s11+$0x0], $0xffff;
	_ =	sdelay $0x4  }
0x37b: {  	[tilespmem:$0x8210] =	vst v31  }
0x37c: {  	v31 =	vld.idx.msk [tilespmem:v25+s3+$0x0], $0xffff;
	_ =	sdelay $0x4  }
0x37d: {  	vm10 =	vgt.s32 v31, $0x0  }
0x37e: {  	v31 =	vnsel vm10, $0x0, v31  }
0x37f: {  	v31 =	vmin.u32 v31, $0x1869F  }
0x380: {  	v31 =	vand.u32 $0x7F, v31  }
0x381: {  	v31 =	vor.u32 $0x6900, v31;
	_ =	sdelay $0x4  }
0x382: {  	v31 =	vld.idx.msk [tilespmem:v31+s11+$0x0], $0xffff;
	_ =	sdelay $0x4  }
0x383: {  	[tilespmem:$0x8220] =	vst v31  }
0x384: {  	v31 =	vld.idx.msk [tilespmem:v26+s3+$0x0], $0xffff;
	_ =	sdelay $0x4  }
0x385: {  	vm11 =	vgt.s32 v31, $0x0  }
0x386: {  	v31 =	vnsel vm11, $0x0, v31  }
0x387: {  	v31 =	vmin.u32 v31, $0x1869F  }
0x388: {  	v31 =	vand.u32 $0x7F, v31  }
0x389: {  	v31 =	vor.u32 $0x6D80, v31;
	_ =	sdelay $0x4  }
0x38a: {  	v31 =	vld.idx.msk [tilespmem:v31+s11+$0x0], $0xffff;
	_ =	sdelay $0x4  }
0x38b: {  	[tilespmem:$0x8230] =	vst v31  }
0x38c: {  	v31 =	vld.idx.msk [tilespmem:v27+s3+$0x0], $0xffff;
	_ =	sdelay $0x4  }
0x38d: {  	vm12 =	vgt.s32 v31, $0x0  }
0x38e: {  	v31 =	vnsel vm12, $0x0, v31  }
0x38f: {  	v31 =	vmin.u32 v31, $0x1869F  }
0x390: {  	v31 =	vand.u32 $0x7F, v31  }
0x391: {  	v31 =	vor.u32 $0x7200, v31;
	_ =	sdelay $0x4  }
0x392: {  	v31 =	vld.idx.msk [tilespmem:v31+s11+$0x0], $0xffff;
	_ =	sdelay $0x4  }
0x393: {  	[tilespmem:$0x8240] =	vst v31  }
0x394: {  	v31 =	vld.idx.msk [tilespmem:v28+s3+$0x0], $0xffff;
	_ =	sdelay $0x4  }
0x395: {  	vm13 =	vgt.s32 v31, $0x0  }
0x396: {  	v31 =	vnsel vm13, $0x0, v31  }
0x397: {  	v31 =	vmin.u32 v31, $0x1869F  }
0x398: {  	v31 =	vand.u32 $0x7F, v31  }
0x399: {  	v31 =	vor.u32 $0x7680, v31;
	_ =	sdelay $0x4  }
0x39a: {  	v31 =	vld.idx.msk [tilespmem:v31+s11+$0x0], $0xffff;
	_ =	sdelay $0x4  }
0x39b: {  	[tilespmem:$0x8250] =	vst v31  }
0x39c: {  	v31 =	vld.idx.msk [tilespmem:v29+s3+$0x0], $0xffff;
	_ =	sdelay $0x4  }
0x39d: {  	vm14 =	vgt.s32 v31, $0x0  }
0x39e: {  	v31 =	vnsel vm14, $0x0, v31  }
0x39f: {  	v31 =	vmin.u32 v31, $0x1869F  }
0x3a0: {  	v31 =	vand.u32 $0x7F, v31  }
0x3a1: {  	v31 =	vor.u32 $0x7B00, v31;
	_ =	sdelay $0x4  }
0x3a2: {  	v31 =	vld.idx.msk [tilespmem:v31+s11+$0x0], $0xffff;
	_ =	sdelay $0x4  }
0x3a3: {  	[tilespmem:$0x8260] =	vst v31  }
0x3a4: {  	v31 =	vld.idx.msk [tilespmem:v30+s3+$0x0], $0xffff;
	_ =	sdelay $0x4  }
0x3a5: {  	vm15 =	vgt.s32 v31, $0x0  }
0x3a6: {  	v31 =	vnsel vm15, $0x0, v31  }
0x3a7: {  	v31 =	vmin.u32 v31, $0x1869F  }
0x3a8: {  	v31 =	vand.u32 $0x7F, v31  }
0x3a9: {  	v31 =	vor.u32 $0x7F80, v31;
	_ =	sdelay $0x4  }
0x3aa: {  	v31 =	vld.idx.msk [tilespmem:v31+s11+$0x0], $0xffff;
	_ =	sdelay $0x2  }
0x3ab: {  	s31 =	sld [smem:$0x7FD]  }
0x3ac: {  	p0 =	sne.s32 s8, $0x1  }
.Ltmp0:
0x3ad: {  	s30 =	rddreg [dreg:$0x4];
	[tilespmem:$0x8270] =	vst v31;
	(pc) =	sbr.rel @p0 .LBB2_1-.Ltmp0, $4  }
0x3ae: {  	[hbm4b:s30+s3] =	stream.linear.scatter [tilespmem:s31], [sflag:$0x2], $0x200, $0x38;
	[tilespmem:$0x8280] =	vst v63  }
0x3af: {  	_ =	swait.ge [sflag:s9], $0x200  }
0x3b0: {  	[sflag:s9] =	ssyncset.done $0x0  }
0x3b1: {  	s8 =	sadd.s32 $0xFFFFFFFF, s8;
	[sflag:s9] =	ssyncadd.s32 $0xFFFFFE00  }
0x3b2: {  	_ =	sfence.sel $0x180000  }
0x3b3: {  	[bflag:$0x0] =	sbarrier.arrive $0xFFFF  }
0x3b4: {  	p0 =	sne.s32 s0, $0x0;
	_ =	strace $0x90000047  }
0x3b5: {  	s0 =	sadd.s32 @!p0 $0x100000, s1;
	[bflag:$0x2] =	sbarrier.arrive $0xFFFF  }
0x3b6: {  	[sflag:s0] =	ssyncadd.tile.s32 @!p0 $0x1;
	_ =	shalt  }
.Lfunc_end2:
_tile_overlayer_lowered:
.L_overlay_start_2:
0x3b7: {  	(tag) =	ssettag $0x2  }
0x3b8: {  	s0 =	rddreg [dreg:$0x0];
	s2 =	stileid.u32  }
0x3b9: {  	s1 =	rddreg [dreg:$0x1];
	p0 =	sne.s32 s2, $0x0  }
0x3ba: {  	s3 =	rddreg [dreg:$0x2];
	[bflag:$0x3] =	sbarrier.arrive $0xFFFF;
	s2 =	simm.s32 @!p0 $0x1C02  }
0x3bb: {  	[timem:s3], [sflag:s2] =	dma.local @!p0 [hbm:s0], s1  }
0x3bc: {  	s0 =	simm.s32 @!p0 $0x2  }
0x3bd: {  	_ =	swait.ge @!p0 [sflag:s0], s1  }
0x3be: {  	s1 =	ssub.s32 @!p0 $0x0, s1;
	[sflag:s0] =	ssyncset.done @!p0 $0x0  }
0x3bf: {  	[sflag:s0] =	ssyncadd.s32 @!p0 s1  }
0x3c0: {  	[bflag:$0x3] =	sbarrier.arrive $0xFFFF  }
0x3c1: {  	_ =	shalt  }

// kernel: kernel.8.cloned.1.call-start
scs
__scs_entry_jumppad:
0x0: {  	(pc) =	sbr.rel $0x88, $3  }
0x1: {  	(tag) =	ssettag $0x0;
	lr =	simm.s32 $0x1  }
0x2: {  	[smem:$0x3F9F] =	sst lr;
	_ =	strace $0xD0000000  }
0x3: {  	_ = 	snop  }
0x4: {  	_ = 	snop  }
0x5: {  	_ = 	snop  }
0x6: {  	_ = 	snop  }
0x7: {  	_ = 	snop  }
__scs_overlays_trampoline_lowered:
0x8: {  	[smem:$0x3FAE] =	sst s0  }
0x9: {  	[smem:$0x3FAF] =	sst s1  }
0xa: {  	[smem:$0x3FB0] =	sst s2  }
0xb: {  	[smem:$0x3FB1] =	sst s3  }
0xc: {  	[smem:$0x3FB2] =	sst s4  }
0xd: {  	[smem:$0x3FB3] =	sst s5  }
0xe: {  	[smem:$0x3FB4] =	sst s6  }
0xf: {  	[smem:$0x3FB5] =	sst s7  }
0x10: {  	[smem:$0x3FB6] =	sst s8  }
0x11: {  	[smem:$0x3FB7] =	sst s9;
	s0 =	simm.s32 @!p0 $0x0  }
0x12: {  	s1 =	sld [smem:$0x3F9D];
	s0 =	simm.s32 @p0 $0x1  }
0x13: {  	[smem:$0x3FB8] =	sst s0;
	s0 =	simm.s32 @!p1 $0x0  }
0x14: {  	s2 =	sld [smem:$0x3F9C];
	s0 =	simm.s32 @p1 $0x1  }
0x15: {  	[smem:$0x3FB9] =	sst s0;
	s0 =	simm.s32 @!p2 $0x0  }
0x16: {  	s3 =	sld [smem:$0x3FDB];
	s0 =	simm.s32 @p2 $0x1  }
0x17: {  	s4 =	simm.s32 $0x1BF5;
	[smem:$0x3FBB] =	sst s0  }
0x18: {  	s0 =	sld [smem:$0x3F9E];
	_ =	swait.ge [sflag:s4], $0x0  }
0x19: {  	s7 =	sld [smem:$0x3F9F]  }
0x1a: {  	s8 =	sadd.s32 $0xFFFFE003, lr  }
0x1b: {  	s9 =	sadd.s32 $0xFFFFFEF7, lr;
	s5 =	simm.s32 $0xFFFFFFFF;
	p2 =	slt.u32 s8, $0xFFFFF086  }
0x1c: {  	p1 =	slt.u32 s9, $0xF7A;
	s5 =	simm.s32 @!p2 $0x0  }
0x1d: {  	s5 =	simm.s32 @p1 $0x1;
	p0 =	seq.s32 s7, s2  }
0x1e: {  	s7 =	smul.u32 @!p0 $0xF7A, s2;
	p2 =	seq.s32 @!p0 s5, $0x0  }
0x1f: {  	s9 =	smul.u32 $0xF7A, s1;
	s8 =	simm.s32 @!p0 $0x1BF5;
	p2 =	por !p2, p0  }
0x20: {  	[sflag:s8] =	ssyncset.s32 @!p0 $0xFFFFF086;
	s6 =	sadd.s32 @!p0 s3, s7;
	s7 =	simm.s32 @!p0 $0x108  }
0x21: {  	s3 =	sadd.s32 s3, s9;
	s6 =	sadd.s32 @!p0 $0x88, s6;
	s7 =	simm.s32 @p2 $0x1082  }
0x22: {  	[simem:s7], [sflag:s8] =	dma.local @!p0 [hbm:s6], $0xF7A  }
0x23: {  	s9 =	sor.u32 $0xD0000000, s2;
	s6 =	simm.s32 $0x108;
	_ =	swait.ge @!p0 [sflag:s8], $0x0  }
0x24: {  	s3 =	sadd.s32 $0x88, s3;
	s6 =	simm.s32 @!p1 $0x1082;
	[sflag:s4] =	ssyncset.s32 $0xFFFFF086  }
0x25: {  	[simem:s6], [sflag:s4] =	dma.local [hbm:s3], $0xF7A  }
0x26: {  	[smem:$0x3F9F] =	sst s1;
	(tag) =	ssettag s2;
	_ =	strace s9  }
0x27: {  	s1 =	sld [smem:$0x3FAF]  }
0x28: {  	s2 =	sld [smem:$0x3FB0]  }
0x29: {  	s4 =	sld [smem:$0x3FB2]  }
0x2a: {  	p0 =	seq.s32 s5, $0x0;
	s5 =	sld [smem:$0x3FB3]  }
0x2b: {  	s6 =	sld [smem:$0x3FB4]  }
0x2c: {  	s7 =	sld [smem:$0x3FB5]  }
0x2d: {  	s3 =	simm.s32 $0x108;
	s8 =	sld [smem:$0x3FB6]  }
0x2e: {  	s3 =	simm.s32 @!p0 $0x1082;
	s9 =	sld [smem:$0x3FB7]  }
0x2f: {  	lr =	sadd.s32 s0, s3;
	s0 =	sld [smem:$0x3FAE]  }
0x30: {  	s3 =	sld [smem:$0x3FB1]  }
0x31: {  	[smem:$0x3FBA] =	sst s10  }
0x32: {  	s10 =	sld [smem:$0x3FB8];
	_ =	sdelay $0x3  }
0x33: {  	p0 =	seq.s32 s10, $0x1;
	s10 =	sld [smem:$0x3FBA];
	_ =	sdelay $0x3  }
0x34: {  	[smem:$0x3FBA] =	sst s10  }
0x35: {  	s10 =	sld [smem:$0x3FB9];
	_ =	sdelay $0x3  }
0x36: {  	p1 =	seq.s32 s10, $0x1;
	s10 =	sld [smem:$0x3FBA];
	_ =	sdelay $0x3  }
0x37: {  	[smem:$0x3FBA] =	sst s10  }
0x38: {  	s10 =	sld [smem:$0x3FBB]  }
0x39: {  	_ = 	snop;
	(pc) =	sbr.ind lr, $3  }
0x3a: {  	_ = 	snop  }
0x3b: {  	_ = 	snop  }
0x3c: {  	p2 =	seq.s32 s10, $0x1;
	s10 =	sld [smem:$0x3FBA]  }
0x3d: {  	_ =	shalt  }
0x3e: {  	_ =	shalt  }
0x3f: {  	_ =	shalt  }
0x40: {  	_ =	shalt  }
0x41: {  	_ =	shalt  }
0x42: {  	_ =	shalt  }
0x43: {  	_ =	shalt  }
0x44: {  	_ =	shalt  }
0x45: {  	_ =	shalt  }
0x46: {  	_ =	shalt  }
0x47: {  	_ =	shalt  }
0x48: {  	_ =	shalt  }
0x49: {  	_ =	shalt  }
0x4a: {  	_ =	shalt  }
0x4b: {  	_ =	shalt  }
0x4c: {  	_ =	shalt  }
0x4d: {  	_ =	shalt  }
0x4e: {  	_ =	shalt  }
0x4f: {  	_ =	shalt  }
0x50: {  	_ =	shalt  }
0x51: {  	_ =	shalt  }
0x52: {  	_ =	shalt  }
0x53: {  	_ =	shalt  }
0x54: {  	_ =	shalt  }
0x55: {  	_ =	shalt  }
0x56: {  	_ =	shalt  }
0x57: {  	_ =	shalt  }
0x58: {  	_ =	shalt  }
0x59: {  	_ =	shalt  }
0x5a: {  	_ =	shalt  }
0x5b: {  	_ =	shalt  }
0x5c: {  	_ =	shalt  }
0x5d: {  	_ =	shalt  }
0x5e: {  	_ =	shalt  }
0x5f: {  	_ =	shalt  }
0x60: {  	_ =	shalt  }
0x61: {  	_ =	shalt  }
0x62: {  	_ =	shalt  }
0x63: {  	_ =	shalt  }
0x64: {  	_ =	shalt  }
0x65: {  	_ =	shalt  }
0x66: {  	_ =	shalt  }
0x67: {  	_ =	shalt  }
0x68: {  	_ =	shalt  }
0x69: {  	_ =	shalt  }
0x6a: {  	_ =	shalt  }
0x6b: {  	_ =	shalt  }
0x6c: {  	_ =	shalt  }
0x6d: {  	_ =	shalt  }
0x6e: {  	_ =	shalt  }
0x6f: {  	_ =	shalt  }
0x70: {  	_ =	shalt  }
0x71: {  	_ =	shalt  }
0x72: {  	_ =	shalt  }
0x73: {  	_ =	shalt  }
0x74: {  	_ =	shalt  }
0x75: {  	_ =	shalt  }
0x76: {  	_ =	shalt  }
0x77: {  	_ =	shalt  }
0x78: {  	_ =	shalt  }
0x79: {  	_ =	shalt  }
0x7a: {  	_ =	shalt  }
0x7b: {  	_ =	shalt  }
0x7c: {  	_ =	shalt  }
0x7d: {  	_ =	shalt  }
0x7e: {  	_ =	shalt  }
0x7f: {  	_ =	shalt  }
0x80: {  	_ =	shalt  }
0x81: {  	_ =	shalt  }
0x82: {  	_ =	shalt  }
0x83: {  	_ =	shalt  }
0x84: {  	_ =	shalt  }
0x85: {  	_ =	shalt  }
0x86: {  	_ =	shalt  }
0x87: {  	_ =	shalt  }
.Lfunc_end0:
.L_simem_size_0:
called_computation.1_lowered:
.L_overlay_start_0:
0x88: {  	s2 =	sld [smem:$0x3FD9]  }
0x89: {  	s3 =	sld [smem:$0x3FFE];
	_ =	sdelay $0x1  }
0x8a: {  	s1 =	srdreg.scid  }
0x8b: {  	s0 =	sand.u32 $0x1, s1  }
0x8c: {  	s17 =	sshll.u32 s0, $0xA;
	s2 =	sadd.s32 s3, s2  }
0x8d: {  	s2 =	sadd.s32 s2, s17  }
0x8e: {  	[smem:$0x3FC6] =	sst s2  }
0x8f: {  	_ = 	snop  }
0x90: {  	s2 =	sld [smem:$0x3FC9];
	(tm) =	ssettm $0x1  }
0x91: {  	s18 =	sld [smem:$0x3FFB];
	_ =	sdelay $0x3  }
0x92: {  	_ =	strace s18  }
0x93: {  	s3 =	sld [smem:$0x3FFC];
	_ =	sdelay $0x3  }
0x94: {  	_ =	strace s3  }
0x95: {  	s3 =	sld [smem:$0x3FFD];
	_ =	sdelay $0x3  }
0x96: {  	_ =	strace s3  }
0x97: {  	_ =	strace $0x8FFFFFFF  }
0x98: {  	s19 =	sld [smem:$0x3FDB];
	_ =	sdelay $0x1  }
0x99: {  	s4 =	simm.s32 $_scs_section_size  }
0x9a: {  	s5 =	simm.s32 $_size__tile_overlayer_lowered;
	s6 =	simm.s32 $_tile_overlayer_lowered  }
0x9b: {  	s22 =	simm.s32 $0x1BFF;
	s21 =	sshll.u32 s6, $0x1;
	s3 =	sadd.s32 s4, s19  }
0x9c: {  	s7 =	simm.s32 $0x0;
	s20 =	sshll.u32 s5, $0x1;
	s5 =	sadd.s32 s21, s3  }
0x9d: {  	[timem:s7], [sflag:s22] =	dma.local [hbm:s5], s20  }
0x9e: {  	_ =	swait.ge [sflag:s22], s20  }
0x9f: {  	s4 =	ssub.s32 $0x0, s20;
	[sflag:s22] =	ssyncset.done $0x0  }
0xa0: {  	[sflag:s22] =	ssyncadd.s32 s4;
	_ =	sdelay $0x1  }
0xa1: {  	s23 =	simm.s32 $0x1B8B  }
0xa2: {  	_ =	swait.ge [sflag:s23], $0x1  }
0xa3: {  	[sflag:s23] =	ssyncset.done $0x0  }
0xa4: {  	s25 =	simm.s32 $0x1B8E;
	s24 =	sld [smem:$0x3FFE];
	[sflag:s23] =	ssyncadd.s32 $0xFFFFFFFF  }
0xa5: {  	s26 =	simm.s32 $execute0_lowered;
	[smem:$0x3FD2] =	sst s25  }
0xa6: {  	s5 =	sshll.u32 s26, $0x1;
	_ =	strace $0x80000049;
	[dreg:$0x1] =	wrdreg $0xFFFFFFFF  }
0xa7: {  	s28 =	simm.s32 $_size_execute0_lowered;
	s3 =	sadd.s32 s3, s5;
	[dreg:$0x0] =	wrdreg $0x0  }
0xa8: {  	s5 =	sshll.u32 s28, $0x1;
	[dreg:$0x2] =	wrdreg s3  }
0xa9: {  	[dreg:$0x3] =	wrdreg s5  }
0xaa: {  	[dreg:$0x4] =	wrdreg $0xC0  }
0xab: {  	_ =	task [dreg:s7], $0x5FFFF  }
0xac: {  	[dreg:$0x1] =	wrdreg $0xFFFFFFFF  }
0xad: {  	[dreg:$0x0] =	wrdreg $0x60  }
0xae: {  	[dreg:$0x2] =	wrdreg s2  }
0xaf: {  	[dreg:$0x3] =	wrdreg s24  }
0xb0: {  	[dreg:$0x4] =	wrdreg $0x9  }
0xb1: {  	_ =	task.clear_ibuf [dreg:s7], $0x5FFFF;
	_ =	strace $0x90000049  }
0xb2: {  	s29 =	simm.s32 $0x9;
	_ =	strace $0x8000004B  }
0xb3: {  	_ =	swait.ge [sflag:s29], $0x1  }
0xb4: {  	[sflag:s29] =	ssyncadd.s32 $0xFFFFFFFF  }
0xb5: {  	_ =	strace $0x9000004B  }
0xb6: {  	_ =	sfence  }
0xb7: {  	s30 =	sld [smem:$0x0];
	_ =	sdelay $0x2  }
0xb8: {  	s31 =	sshll.u32 s1, $0xD;
	s1 =	sshrl.u32 s1, $0x2  }
0xb9: {  	s3 =	sand.u32 $0x4000, s31;
	s1 =	sadd.s32 s1, s30  }
0xba: {  	s0 =	sor.u32 s3, s0;
	s1 =	sshll.u32 s1, $0x11  }
0xbb: {  	s0 =	sor.u32 s1, s0  }
0xbc: {  	s0 =	sadd.s32 $0x8F2B, s0  }
0xbd: {  	[sflag:s0] =	ssyncadd.remote.s32 $0x1  }
0xbe: {  	_ =	sfence.sel $0xFFFF  }
0xbf: {  	[dreg:$0x0] =	wrdreg $0xFFFFFFFF;
	(pc) =	sbr.abs _section_cstart, $3  }
0xc0: {  	[dreg:$0x1] =	wrdreg $0xFFFFFFFF  }
0xc1: {  	_ =	task.clear_ibuf [dreg:s7], $0x2FFFF;
	_ =	strace $0x9FFFFFFF  }
0xc2: {  	(tm) =	ssettm $0x7FFFFFFF  }
0xc3: {  	_ =	shalt  }
tec
execute0_lowered:
.L_overlay_start_1:
0x0: {  	(tag) =	ssettag $0x1  }
0x1: {  	s9 =	rddreg [dreg:$0x0]  }
0x2: {  	s0 =	rddreg [dreg:$0x1]  }
0x3: {  	s1 =	srdreg.scid;
	s2 =	stileid.u32;
	s3 =	simm.s32 $0x0  }
0x4: {  	s1 =	sand.u32 $0x1, s1;
	s4 =	sshll.u32 s2, $0x1;
	[smem:$0x7FF] =	sst s3  }
0x5: {  	s4 =	sor.u32 s1, s4;
	_ =	strace $0x8000004A;
	s1 =	ssub.s32 $0x2, s1  }
0x6: {  	s23 =	sshll.u32 s4, $0x2;
	s6 =	sshll.u32 s4, $0x6;
	s7 =	smul.u32 $0x30E000, s4  }
0x7: {  	s8 =	sshll.u32 s4, $0x9;
	s24 =	sshrl.u32 s1, $0x1;
	s25 =	sshll.u32 s4, $0x5  }
0x8: {  	[dreg:$0x3] =	wrdreg s23;
	s5 =	sadd.s32 s23, s0;
	s6 =	sadd.s32 s6, s0  }
0x9: {  	s0 =	sadd.s32 s8, s0;
	[dreg:$0x4] =	wrdreg s25;
	s28 =	sadd.s32 $0x600, s5  }
0xa: {  	s1 =	ssub.s32 s1, s24;
	s29 =	sadd.s32 $0x800, s6;
	[dreg:$0x5] =	wrdreg s28  }
0xb: {  	s7 =	sshrl.u32 s7, $0x3;
	s0 =	sadd.s32 $0x1000, s0;
	[dreg:$0x6] =	wrdreg s29  }
0xc: {  	s31 =	smax.u32 s1, $0x1;
	s26 =	sadd.s32 s9, s7;
	[dreg:$0x8] =	wrdreg s0  }
0xd: {  	s14 =	simm.s32 $0x1;
	[dreg:$0x9] =	wrdreg s31;
	s30 =	sadd.s32 $0xCD00, s26  }
0xe: {  	v0 =	vimm.s32 $0x0;
	v1 =	vlaneseq.u32;
	vm0 =	vmxor vm0, vm0;
	s2 =	simm.s32 $0x0;
	s1 =	simm.s32 $0x2;
	[dreg:$0x7] =	wrdreg s30  }
.LBB2_1:
0xf: {  	[dreg:$0xa] =	wrdreg s2  }
0x10: {  	s0 =	rddreg [dreg:$0x5]  }
0x11: {  	[tilespmem:s3], [sflag:$0x2] =	stream.linear.gather [hbm4b:s0+s3], $0x20, $0x38;
	[tilespmem:$0x19680] =	vst v63  }
0x12: {  	_ =	swait.ge [sflag:s1], $0x20  }
0x13: {  	[sflag:s1] =	ssyncset.done $0x0  }
0x14: {  	s29 =	simm.s32 $0x80;
	s28 =	rddreg [dreg:$0x6];
	[sflag:s1] =	ssyncadd.s32 $0xFFFFFFE0  }
0x15: {  	[tilespmem:s29], [sflag:$0x2] =	stream.linear.gather [hbm4b:s28+s3], $0x200, $0x38;
	[tilespmem:$0x19680] =	vst v63  }
0x16: {  	_ =	swait.ge [sflag:s1], $0x200  }
0x17: {  	[sflag:s1] =	ssyncset.done $0x0  }
0x18: {  	[sflag:s1] =	ssyncadd.s32 $0xFFFFFE00  }
0x19: {  	[tilespmem:$0x280] =	vst v0  }
0x1a: {  	[tilespmem:$0x480] =	vst v0  }
0x1b: {  	[tilespmem:$0x290] =	vst v0  }
0x1c: {  	[tilespmem:$0x490] =	vst v0  }
0x1d: {  	[tilespmem:$0x2A0] =	vst v0  }
0x1e: {  	[tilespmem:$0x4A0] =	vst v0  }
0x1f: {  	[tilespmem:$0x2B0] =	vst v0  }
0x20: {  	[tilespmem:$0x4B0] =	vst v0  }
0x21: {  	[tilespmem:$0x2C0] =	vst v0  }
0x22: {  	[tilespmem:$0x4C0] =	vst v0  }
0x23: {  	[tilespmem:$0x2D0] =	vst v0  }
0x24: {  	[tilespmem:$0x4D0] =	vst v0  }
0x25: {  	[tilespmem:$0x2E0] =	vst v0  }
0x26: {  	[tilespmem:$0x4E0] =	vst v0  }
0x27: {  	[tilespmem:$0x2F0] =	vst v0  }
0x28: {  	[tilespmem:$0x4F0] =	vst v0  }
0x29: {  	[tilespmem:$0x300] =	vst v0  }
0x2a: {  	[tilespmem:$0x500] =	vst v0  }
0x2b: {  	[tilespmem:$0x310] =	vst v0  }
0x2c: {  	[tilespmem:$0x510] =	vst v0  }
0x2d: {  	[tilespmem:$0x320] =	vst v0  }
0x2e: {  	[tilespmem:$0x520] =	vst v0  }
0x2f: {  	[tilespmem:$0x330] =	vst v0  }
0x30: {  	[tilespmem:$0x530] =	vst v0  }
0x31: {  	[tilespmem:$0x340] =	vst v0  }
0x32: {  	[tilespmem:$0x540] =	vst v0  }
0x33: {  	[tilespmem:$0x350] =	vst v0  }
0x34: {  	[tilespmem:$0x550] =	vst v0  }
0x35: {  	[tilespmem:$0x360] =	vst v0  }
0x36: {  	[tilespmem:$0x560] =	vst v0  }
0x37: {  	[tilespmem:$0x370] =	vst v0  }
0x38: {  	[tilespmem:$0x570] =	vst v0  }
0x39: {  	[tilespmem:$0x380] =	vst v0  }
0x3a: {  	[tilespmem:$0x580] =	vst v0  }
0x3b: {  	[tilespmem:$0x390] =	vst v0  }
0x3c: {  	[tilespmem:$0x590] =	vst v0  }
0x3d: {  	[tilespmem:$0x3A0] =	vst v0  }
0x3e: {  	[tilespmem:$0x5A0] =	vst v0  }
0x3f: {  	[tilespmem:$0x3B0] =	vst v0  }
0x40: {  	[tilespmem:$0x5B0] =	vst v0  }
0x41: {  	[tilespmem:$0x3C0] =	vst v0  }
0x42: {  	[tilespmem:$0x5C0] =	vst v0  }
0x43: {  	[tilespmem:$0x3D0] =	vst v0  }
0x44: {  	[tilespmem:$0x5D0] =	vst v0  }
0x45: {  	[tilespmem:$0x3E0] =	vst v0  }
0x46: {  	[tilespmem:$0x5E0] =	vst v0  }
0x47: {  	[tilespmem:$0x3F0] =	vst v0  }
0x48: {  	[tilespmem:$0x5F0] =	vst v0  }
0x49: {  	[tilespmem:$0x400] =	vst v0  }
0x4a: {  	[tilespmem:$0x600] =	vst v0  }
0x4b: {  	[tilespmem:$0x410] =	vst v0  }
0x4c: {  	[tilespmem:$0x610] =	vst v0  }
0x4d: {  	[tilespmem:$0x420] =	vst v0  }
0x4e: {  	[tilespmem:$0x620] =	vst v0  }
0x4f: {  	[tilespmem:$0x430] =	vst v0  }
0x50: {  	[tilespmem:$0x630] =	vst v0  }
0x51: {  	[tilespmem:$0x440] =	vst v0  }
0x52: {  	[tilespmem:$0x640] =	vst v0  }
0x53: {  	[tilespmem:$0x450] =	vst v0  }
0x54: {  	[tilespmem:$0x650] =	vst v0  }
0x55: {  	[tilespmem:$0x460] =	vst v0  }
0x56: {  	[tilespmem:$0x660] =	vst v0  }
0x57: {  	s31 =	simm.s32 $0x680;
	s5 =	simm.s32 $0x280;
	s6 =	simm.s32 $0x480;
	[tilespmem:$0x470] =	vst v0  }
0x58: {  	s7 =	simm.s32 $0x18680;
	s20 =	simm.s32 $0x0;
	s30 =	rddreg [dreg:$0x7];
	[tilespmem:$0x670] =	vst v0  }
0x59: {  	[tilespmem:s31], [sflag:$0x1] =	stream.linear.gather [hbm4b:s30+s3], $0xB800, $0x38;
	[tilespmem:$0x19680] =	vst v63  }
.LBB2_3:
0x5a: {  	[dreg:$0xd] =	wrdreg s7  }
0x5b: {  	s0 =	rddreg [dreg:$0x3]  }
0x5c: {  	[dreg:$0xc] =	wrdreg s6;
	s0 =	sadd.s32 s0, s20  }
0x5d: {  	[dreg:$0xb] =	wrdreg s5;
	s1 =	smul.u32 $0xC3800, s0  }
0x5e: {  	[dreg:$0xe] =	wrdreg s20;
	s0 =	smul.u32 $0x18700, s0  }
0x5f: {  	s2 =	rddreg [dreg:$0x0]  }
.Ltmp0:
0x60: {  	s4 =	sshrl.u32 s1, $0x3;
	s0 =	sadd.s32 s2, s0;
	(pc) =	sbr.rel .LBB2_4-.Ltmp0, $4  }
0x61: {  	s25 =	sadd.s32 $0x7D800, s1;
	[dreg:$0xf] =	wrdreg s0;
	s26 =	sadd.s32 s2, s4  }
0x62: {  	s22 =	sshll.u32 s20, $0x3;
	[dreg:$0x10] =	wrdreg s25;
	s28 =	sadd.s32 $0x18500, s26  }
0x63: {  	s29 =	simm.s32 $0x7FFF3300;
	s0 =	sadd.s32 $0x18680, s26;
	[dreg:$0x11] =	wrdreg s28  }
0x64: {  	s30 =	simm.s32 $0x7FFF1C00;
	s31 =	simm.s32 $0x0;
	[dreg:$0x12] =	wrdreg s0  }
.LBB2_37:
0x65: {  	s31 =	sadd.s32 $0x1, s31  }
0x66: {  	p0 =	sne.s32 s31, $0x4  }
.Ltmp1:
0x67: {  	_ = 	snop;
	(pc) =	sbr.rel @!p0 .LBB2_38-.Ltmp1, $2  }
0x68: {  	_ =	sdelay $0x2  }
0x69: {  	s29 =	sadd.s32 $0xFFFFD200, s29;
	s30 =	sadd.s32 $0xFFFFD200, s30  }
.LBB2_4:
0x6a: {  	s1 =	sshllo.u32 s31, $0x1;
	s5 =	smul.u32 $0x2E00, s31  }
0x6b: {  	_ =	swait.ge [sflag:s14], $0xB800;
	s0 =	smul.u32 $0x1700, s1  }
.Ltmp2:
0x6c: {  	s28 =	simm.s32 $0xBE80;
	s6 =	simm.s32 $0x0;
	(pc) =	sbr.rel .LBB2_5-.Ltmp2, $4  }
0x6d: {  	[sflag:s14] =	ssyncset.done $0x0;
	s2 =	rddreg [dreg:$0xf];
	s0 =	sadd.s32 $0xCD00, s0  }
0x6e: {  	s16 =	simm.s32 $0x6C0;
	[sflag:s14] =	ssyncadd.s32 $0xFFFF4800;
	s4 =	sadd.s32 s0, s2  }
0x6f: {  	[tilespmem:s28], [sflag:$0x1] =	stream.linear.gather [hbm4b:s4+s6], $0xB800, $0x38;
	[tilespmem:$0x19680] =	vst v63  }
0x70: {  	s7 =	simm.s32 $0x0;
	s12 =	sadd.s32 $0xCD00, s5;
	s6 =	simm.s32 $0x680  }
.LBB2_18:
0x71: {  	s2 =	sadd.s32 s12, s11  }
0x72: {  	v7 =	vor.u32 s2, v1  }
0x73: {  	vm1 =	veq.f32 v6, v4;
	vm2 =	vlt.s32 v7, v2  }
0x74: {  	p0 =	slt.s32 s9, $0x170;
	s7 =	sadd.s32 $0x1, s7;
	vm1 =	vmand vm2, vm1;
	vm2 =	vmmov vm0  }
0x75: {  	vm3 =	vgt.f32 v6, v4;
	vm2 =	vmneg @p0 vm2;
	p0 =	sne.s32 s7, $0x8  }
.Ltmp3:
0x76: {  	vm1 =	vmor vm3, vm1;
	(pc) =	sbr.rel @!p0 .LBB2_19-.Ltmp3, $4  }
0x77: {  	vm1 =	vmand vm2, vm1  }
0x78: {  	v2 =	vsel vm1, $0x1, v0  }
0x79: {  	[tilespmem:s8+$0x480] =	vst v5;
	v2 =	vadd.s32 v2, v3  }
0x7a: {  	s16 =	sadd.s32 $0x80, s16;
	s6 =	sadd.s32 $0x80, s6;
	[tilespmem:s8+$0x280] =	vst v2  }
.LBB2_5:
0x7b: {  	s4 =	sor.u32 s22, s7  }
0x7c: {  	v2 =	vmov s4;
	_ =	sdelay $0x4  }
0x7d: {  	v2 =	vld.idx.msk [tilespmem:v2+s3+$0x0], $0xffff;
	_ =	sdelay $0x4  }
0x7e: {  	vm1 =	vgt.s32 v2, $0x0  }
0x7f: {  	v3 =	vnsel vm1, $0x0, v2  }
0x80: {  	v3 =	vmin.u32 v3, $0x1869F  }
0x81: {  	v3 =	vor.u32 $0x80000000, v3  }
0x82: {  	(xrf0) =	vmax.scan.msk.u32 $0xffff, v3;
	_ =	sdelay $0x5  }
0x83: {  	v3, _, _ =	vpop (xrf0)  }
0x84: {  	(v2sf) =	vpush v3, $0xF;
	_ =	sdelay $0xe  }
0x85: {  	s10 =	spop (v2sf)  }
0x86: {  	s5 =	sxor.u32 $0x80000000, s10  }
0x87: {  	s5 =	ssub.s32 s5, s12  }
0x88: {  	p0 =	sgt.s32 s5, $0x0  }
0x89: {  	p1 =	slt.s32 s5, $0x1;
	s5 =	simm.s32 @!p0 $0x0  }
0x8a: {  	s8 =	smin.u32 s5, $0x1700  }
0x8b: {  	s5 =	sand.u32 $0xF, s8  }
0x8c: {  	p6 =	sne.s32 s5, $0x0  }
0x8d: {  	p0 =	por !p1, !p6  }
0x8e: {  	s5 =	simm.s32 $0x1;
	p0 =	por !p0, !p0  }
0x8f: {  	s8 =	sshrl.u32 s8, $0x4;
	s5 =	simm.s32 @!p0 $0x0  }
0x90: {  	s9 =	ssub.s32 s8, s5  }
0x91: {  	s8 =	sand.u32 $0xE000, s9  }
0x92: {  	s11 =	sshrl.u32 s8, $0xD  }
0x93: {  	s28 =	sadd.s32 s11, s9  }
0x94: {  	s8 =	sshll.u32 s4, $0x4;
	s4 =	sand.u32 $0xFFFFFFF8, s28  }
0x95: {  	v4 =	vld [tilespmem:s8+$0x80];
	p1 =	slt.s32 s4, $0x1  }
.Ltmp4:
0x96: {  	v5 =	vld [tilespmem:s8+$0x480];
	(pc) =	sbr.rel @p1 .LBB2_6-.Ltmp4, $2  }
0x97: {  	_ =	sdelay $0x2  }
0x98: {  	v3 =	vld [tilespmem:s8+$0x280]  }
0x99: {  	v8 =	vld [tilespmem:s16+$0xFFFFFFC0]  }
0x9a: {  	v10 =	vld [tilespmem:s16+$0xFFFFFFD0]  }
0x9b: {  	v13 =	vld [tilespmem:s16+$0xFFFFFFE0];
	p1 =	sgt.s32 s4, $0x8  }
.Ltmp5:
0x9c: {  	v9 =	vld [tilespmem:s16+$0xFFFFFFF0];
	(pc) =	sbr.rel @!p1 .LBB2_14-.Ltmp5, $4  }
0x9d: {  	v7 =	vld [tilespmem:s16+$0x0]  }
0x9e: {  	v6 =	vld [tilespmem:s16+$0x10];
	vm1 =	vge.f32 v8, v4  }
0x9f: {  	vm2 =	vge.f32 v10, v4;
	v8 =	vld [tilespmem:s16+$0x20];
	v12 =	vmpcnt.ones.xlane vm1  }
0xa0: {  	s11 =	simm.s32 $0x8;
	s13 =	sadd.s32 $0x400, s16;
	v10 =	vld [tilespmem:s16+$0x30];
	v11 =	vmpcnt.ones.xlane vm2;
	vm1 =	vge.f32 v13, v4  }
.LBB2_13:
0xa1: {  	v13 =	vld [tilespmem:s13+$0xFFFFFFC0];
	s11 =	sadd.s32 $0x8, s11;
	v5 =	vadd.s32 v5, v12;
	v12 =	vmpcnt.ones.xlane vm1;
	vm1 =	vge.f32 v9, v4  }
0xa2: {  	v14 =	vld [tilespmem:s13+$0xFFFFFFD0];
	p1 =	slt.s32 s11, s4;
	v5 =	vadd.s32 v11, v5;
	v11 =	vmpcnt.ones.xlane vm1;
	vm1 =	vge.f32 v7, v4  }
0xa3: {  	v15 =	vld [tilespmem:s13+$0xFFFFFFE0];
	v5 =	vadd.s32 v12, v5;
	v12 =	vmpcnt.ones.xlane vm1;
	vm1 =	vge.f32 v6, v4  }
.Ltmp6:
0xa4: {  	v9 =	vld [tilespmem:s13+$0xFFFFFFF0];
	v5 =	vadd.s32 v11, v5;
	v11 =	vmpcnt.ones.xlane vm1;
	vm1 =	vge.f32 v8, v4;
	(pc) =	sbr.rel @p1 .LBB2_13-.Ltmp6, $4  }
0xa5: {  	v7 =	vld [tilespmem:s13+$0x0];
	v5 =	vadd.s32 v12, v5;
	v16 =	vmpcnt.ones.xlane vm1;
	vm1 =	vge.f32 v10, v4  }
0xa6: {  	vm2 =	vge.f32 v13, v4;
	v6 =	vld [tilespmem:s13+$0x10];
	v5 =	vadd.s32 v11, v5;
	v13 =	vmpcnt.ones.xlane vm1  }
0xa7: {  	v12 =	vmpcnt.ones.xlane vm2;
	vm1 =	vge.f32 v14, v4;
	v8 =	vld [tilespmem:s13+$0x20];
	v5 =	vadd.s32 v16, v5  }
0xa8: {  	v11 =	vmpcnt.ones.xlane vm1;
	vm1 =	vge.f32 v15, v4;
	v10 =	vld [tilespmem:s13+$0x30];
	s13 =	sadd.s32 $0x400, s13;
	v5 =	vadd.s32 v13, v5  }
.LBB2_14:
0xa9: {  	v5 =	vadd.s32 v5, v12;
	v63 =	vmpcnt.ones.xlane vm1;
	vm1 =	vge.f32 v9, v4  }
0xaa: {  	v5 =	vadd.s32 v11, v5;
	v9 =	vmpcnt.ones.xlane vm1;
	vm1 =	vge.f32 v7, v4  }
0xab: {  	v5 =	vadd.s32 v63, v5;
	v7 =	vmpcnt.ones.xlane vm1;
	vm1 =	vge.f32 v6, v4  }
0xac: {  	v5 =	vadd.s32 v9, v5;
	v6 =	vmpcnt.ones.xlane vm1;
	vm1 =	vge.f32 v8, v4  }
0xad: {  	v5 =	vadd.s32 v7, v5;
	v7 =	vmpcnt.ones.xlane vm1;
	vm1 =	vge.f32 v10, v4  }
0xae: {  	v5 =	vadd.s32 v6, v5;
	v6 =	vmpcnt.ones.xlane vm1  }
0xaf: {  	v5 =	vadd.s32 v7, v5  }
0xb0: {  	v5 =	vadd.s32 v6, v5  }
.LBB2_6:
0xb1: {  	s11 =	ssub.s32 s9, s4  }
0xb2: {  	p1 =	slt.s32 s11, $0x1  }
.Ltmp7:
0xb3: {  	_ = 	snop;
	(pc) =	sbr.rel @p1 .LBB2_9-.Ltmp7, $3  }
0xb4: {  	_ =	sdelay $0x1  }
0xb5: {  	s18 =	simm.s32 $0xFFFFFFFF;
	s19 =	sadd.s32 s10, s29  }
0xb6: {  	s10 =	sshll.u32 s7, $0x7;
	s18 =	simm.s32 @!p0 $0x0;
	p0 =	sgt.s32 s19, $0x0  }
0xb7: {  	s13 =	smov.u32 s19  }
0xb8: {  	s13 =	simm.s32 @!p0 $0x0  }
0xb9: {  	s13 =	smin.u32 s13, $0x1700  }
0xba: {  	s13 =	sshrl.u32 s13, $0x4  }
0xbb: {  	s13 =	sadd.s32 s18, s13  }
0xbc: {  	s17 =	sand.u32 $0x3FFFFF80, s10;
	s21 =	ssub.s32 s13, s11  }
0xbd: {  	s11 =	sadd.s32 $0x680, s17;
	s13 =	sshll.u32 s21, $0x7;
	s17 =	sshll.u32 s21, $0x4  }
.LBB2_8:
0xbe: {  	s21 =	sand.u32 $0xFFFFFC00, s13  }
0xbf: {  	s20 =	sand.u32 $0x70, s17;
	s21 =	sadd.s32 s21, s11  }
0xc0: {  	s20 =	sadd.s32 s20, s21  }
0xc1: {  	v6 =	vld [tilespmem:s20+$0x0];
	_ =	sdelay $0x1  }
0xc2: {  	s4 =	sadd.s32 $0x1, s4  }
0xc3: {  	p1 =	slt.s32 s4, s9  }
.Ltmp8:
0xc4: {  	_ = 	snop;
	(pc) =	sbr.rel @p1 .LBB2_8-.Ltmp8, $3  }
0xc5: {  	vm1 =	vge.f32 v6, v4  }
0xc6: {  	v6 =	vmpcnt.ones.xlane vm1;
	_ =	sdelay $0x1  }
0xc7: {  	s13 =	sadd.s32 $0x80, s13;
	s17 =	sadd.s32 $0x10, s17;
	v5 =	vadd.s32 v5, v6  }
.LBB2_9:
0xc8: {  	s17 =	ssub.s32 $0x16F, s9  }
0xc9: {  	s13 =	sand.u32 $0xE000, s17  }
0xca: {  	s13 =	sshrl.u32 s13, $0xD  }
0xcb: {  	s13 =	sadd.s32 s13, s17  }
0xcc: {  	p1 =	slt.s32 s9, $0x16F;
	s4 =	smov.u32 s9;
	s13 =	sand.u32 $0xFFFFFFF8, s13  }
0xcd: {  	s4 =	simm.s32 @!p1 $0x16F;
	p1 =	slt.s32 s13, $0x1  }
.Ltmp9:
0xce: {  	s11 =	sshll.u32 s4, $0x4;
	s4 =	sshll.u32 s4, $0x7;
	(pc) =	sbr.rel @p1 .LBB2_15-.Ltmp9, $4  }
0xcf: {  	s20 =	sand.u32 $0x70, s11;
	s4 =	sand.u32 $0xFFFFFC00, s4  }
0xd0: {  	s4 =	sor.u32 s20, s4  }
0xd1: {  	s21 =	sadd.s32 $0x1, s9;
	s4 =	sadd.s32 s10, s4  }
0xd2: {  	v6 =	vld [tilespmem:s4+$0x680];
	s4 =	sadd.s32 s21, s13  }
0xd3: {  	s19 =	simm.s32 @!p0 $0x0  }
0xd4: {  	s19 =	smin.u32 s19, $0x1700  }
0xd5: {  	s19 =	sshrl.u32 s19, $0x4  }
0xd6: {  	s18 =	sadd.s32 s18, s19;
	s5 =	ssub.s32 s19, s5  }
0xd7: {  	s20 =	sshll.u32 s18, $0x9;
	s5 =	sadd.s32 $0x1, s5;
	s18 =	sshll.u32 s18, $0x6  }
0xd8: {  	s23 =	sadd.s32 $0x200, s20;
	s5 =	sand.u32 $0x7, s5;
	s15 =	sadd.s32 $0x1000, s20  }
0xd9: {  	s2 =	sadd.s32 $0x200, s18;
	s28 =	sadd.s32 $0xFFC, s20;
	s24 =	sadd.s32 $0xC00, s20  }
0xda: {  	s25 =	sadd.s32 $0x180, s18;
	s26 =	sadd.s32 $0xA00, s20;
	s19 =	sand.u32 $0xFFFFF000, s23  }
0xdb: {  	s5 =	sshll.u32 s5, $0x6;
	s15 =	sand.u32 $0xFFFFF000, s15;
	s23 =	sadd.s32 $0x1C0, s18  }
0xdc: {  	s2 =	sand.u32 $0x1C0, s2;
	s28 =	sand.u32 $0xFFFFF000, s28;
	s23 =	sand.u32 $0x1C0, s23  }
0xdd: {  	s5 =	sor.u32 s5, s19;
	s2 =	sor.u32 s2, s15;
	s19 =	sand.u32 $0xFFFFF000, s24  }
0xde: {  	s24 =	sadd.s32 $0x140, s18;
	s15 =	sor.u32 s23, s28;
	s23 =	sand.u32 $0x1C0, s25  }
0xdf: {  	s28 =	sand.u32 $0xFFFFF000, s26;
	s25 =	sadd.s32 $0x800, s20;
	s26 =	sadd.s32 $0x100, s18  }
0xe0: {  	s24 =	sand.u32 $0x1C0, s24;
	s25 =	sand.u32 $0xFFFFF000, s25;
	s26 =	sand.u32 $0x1C0, s26  }
0xe1: {  	s19 =	sor.u32 s23, s19;
	s23 =	sor.u32 s24, s28;
	s28 =	sadd.s32 $0x80, s18  }
0xe2: {  	s24 =	sor.u32 s26, s25;
	s25 =	sadd.s32 $0x600, s20;
	s20 =	sadd.s32 $0x400, s20  }
0xe3: {  	s5 =	sshra.s32 s5, $0x2;
	s26 =	sand.u32 $0x1C0, s28;
	s20 =	sand.u32 $0xFFFFF000, s20  }
0xe4: {  	v7 =	vmov s5;
	s23 =	sshra.s32 s23, $0x2;
	s20 =	sor.u32 s26, s20  }
0xe5: {  	s18 =	sadd.s32 $0xC0, s18;
	v11 =	vmov s23;
	s20 =	sshra.s32 s20, $0x2  }
0xe6: {  	s18 =	sand.u32 $0x1C0, s18;
	s28 =	sshra.s32 s19, $0x2;
	s25 =	sand.u32 $0xFFFFF000, s25;
	v8 =	vmov s20  }
0xe7: {  	s24 =	sshra.s32 s24, $0x2;
	v12 =	vmov s28;
	s18 =	sor.u32 s18, s25  }
0xe8: {  	v10 =	vmov s24;
	s18 =	sshra.s32 s18, $0x2  }
0xe9: {  	s15 =	sshra.s32 s15, $0x2;
	v9 =	vmov s18;
	v18 =	vld.idx.msk [tilespmem:v7+s6+$0x0 ss:$0x1], $0xffff  }
0xea: {  	s2 =	sshra.s32 s2, $0x2;
	s5 =	sadd.s32 $0x8, s21;
	v13 =	vmov s15;
	v15 =	vld.idx.msk [tilespmem:v11+s6+$0x0 ss:$0x1], $0xffff  }
0xeb: {  	v14 =	vmov s2;
	p1 =	slt.u32 s5, s4;
	v19 =	vld.idx.msk [tilespmem:v8+s6+$0x0 ss:$0x1], $0xffff  }
.Ltmp10:
0xec: {  	v16 =	vld.idx.msk [tilespmem:v12+s6+$0x0 ss:$0x1], $0xffff;
	(pc) =	sbr.rel @!p1 .LBB2_11-.Ltmp10, $4  }
0xed: {  	v17 =	vld.idx.msk [tilespmem:v10+s6+$0x0 ss:$0x1], $0xffff  }
0xee: {  	v20 =	vld.idx.msk [tilespmem:v9+s6+$0x0 ss:$0x1], $0xffff  }
0xef: {  	vm1 =	vgt.f32 v18, v4;
	v18 =	vld.idx.msk [tilespmem:v13+s6+$0x0 ss:$0x1], $0xffff  }
0xf0: {  	p0 =	por $0x0, $0x0;
	s18 =	sadd.s32 $0x400, s6;
	v21 =	vmpcnt.ones.xlane vm1;
	vm1 =	vgt.f32 v19, v4;
	v19 =	vld.idx.msk [tilespmem:v14+s6+$0x0 ss:$0x1], $0xffff  }
0xf1: {  	_ =	sdelay $0x3  }
0xf2: {  	v22 =	vld.idx.msk [tilespmem:v7+s18+$0x0 ss:$0x1], $0xffff;
	v23 =	vmpcnt.ones.xlane vm1;
	vm1 =	vgt.f32 v20, v4  }
0xf3: {  	v24 =	vld.idx.msk [tilespmem:v8+s18+$0x0 ss:$0x1], $0xffff;
	s5 =	sadd.s32 $0x8, s5;
	v21 =	vadd.s32 v5, v21;
	v25 =	vmpcnt.ones.xlane vm1;
	vm1 =	vgt.f32 v17, v4  }
0xf4: {  	p1 =	slt.u32 s5, s4;
	v20 =	vld.idx.msk [tilespmem:v9+s18+$0x0 ss:$0x1], $0xffff;
	v21 =	vadd.s32 v23, v21;
	v23 =	vmpcnt.ones.xlane vm1;
	vm1 =	vgt.f32 v15, v4  }
.Ltmp11:
0xf5: {  	v17 =	vld.idx.msk [tilespmem:v10+s18+$0x0 ss:$0x1], $0xffff;
	v21 =	vadd.s32 v25, v21;
	v62 =	vmpcnt.ones.xlane vm1;
	vm1 =	vgt.f32 v16, v4;
	(pc) =	sbr.rel @!p1 .LBB2_29-.Ltmp11, $4  }
0xf6: {  	v15 =	vld.idx.msk [tilespmem:v11+s18+$0x0 ss:$0x1], $0xffff;
	v21 =	vadd.s32 v23, v21;
	v23 =	vmpcnt.ones.xlane vm1;
	vm1 =	vgt.f32 v18, v4  }
0xf7: {  	v16 =	vld.idx.msk [tilespmem:v12+s18+$0x0 ss:$0x1], $0xffff;
	v21 =	vadd.s32 v62, v21;
	v63 =	vmpcnt.ones.xlane vm1;
	vm1 =	vgt.f32 v19, v4  }
0xf8: {  	vm2 =	vgt.f32 v22, v4;
	v18 =	vld.idx.msk [tilespmem:v13+s18+$0x0 ss:$0x1], $0xffff;
	v23 =	vadd.s32 v23, v21;
	v22 =	vmpcnt.ones.xlane vm1  }
0xf9: {  	p0 =	por $0x1, $0x1;
	v19 =	vld.idx.msk [tilespmem:v14+s18+$0x0 ss:$0x1], $0xffff;
	s18 =	sadd.s32 $0x400, s18;
	v21 =	vmpcnt.ones.xlane vm2;
	vm1 =	vgt.f32 v24, v4;
	v23 =	vadd.s32 v63, v23  }
.LBB2_28:
0xfa: {  	v24 =	vld.idx.msk [tilespmem:v7+s18+$0x0 ss:$0x1], $0xffff;
	s5 =	sadd.s32 $0x8, s5;
	v25 =	vmpcnt.ones.xlane vm1;
	vm1 =	vgt.f32 v20, v4;
	v20 =	vadd.s32 v22, v23  }
0xfb: {  	v23 =	vld.idx.msk [tilespmem:v8+s18+$0x0 ss:$0x1], $0xffff;
	p1 =	slt.u32 s5, s4;
	v21 =	vadd.s32 v20, v21;
	v22 =	vmpcnt.ones.xlane vm1;
	vm1 =	vgt.f32 v17, v4  }
0xfc: {  	v20 =	vld.idx.msk [tilespmem:v9+s18+$0x0 ss:$0x1], $0xffff;
	v21 =	vadd.s32 v25, v21;
	v25 =	vmpcnt.ones.xlane vm1;
	vm1 =	vgt.f32 v15, v4  }
.Ltmp12:
0xfd: {  	v17 =	vld.idx.msk [tilespmem:v10+s18+$0x0 ss:$0x1], $0xffff;
	v21 =	vadd.s32 v22, v21;
	v22 =	vmpcnt.ones.xlane vm1;
	vm1 =	vgt.f32 v16, v4;
	(pc) =	sbr.rel @p1 .LBB2_28-.Ltmp12, $4  }
0xfe: {  	v15 =	vld.idx.msk [tilespmem:v11+s18+$0x0 ss:$0x1], $0xffff;
	v21 =	vadd.s32 v25, v21;
	v25 =	vmpcnt.ones.xlane vm1;
	vm1 =	vgt.f32 v18, v4  }
0xff: {  	v16 =	vld.idx.msk [tilespmem:v12+s18+$0x0 ss:$0x1], $0xffff;
	v21 =	vadd.s32 v22, v21;
	v26 =	vmpcnt.ones.xlane vm1;
	vm1 =	vgt.f32 v19, v4  }
0x100: {  	vm2 =	vgt.f32 v24, v4;
	v18 =	vld.idx.msk [tilespmem:v13+s18+$0x0 ss:$0x1], $0xffff;
	v24 =	vadd.s32 v25, v21;
	v22 =	vmpcnt.ones.xlane vm1  }
0x101: {  	v21 =	vmpcnt.ones.xlane vm2;
	vm1 =	vgt.f32 v23, v4;
	v19 =	vld.idx.msk [tilespmem:v14+s18+$0x0 ss:$0x1], $0xffff;
	s18 =	sadd.s32 $0x400, s18;
	v23 =	vadd.s32 v26, v24  }
.LBB2_29:
0x102: {  	v7 =	vadd.s32 @p0 v22, v23  }
0x103: {  	v8 =	vmpcnt.ones.xlane vm1;
	vm1 =	vgt.f32 v20, v4;
	v5 =	vpsel p0, v7, v5  }
0x104: {  	v7 =	vmpcnt.ones.xlane vm1;
	vm1 =	vgt.f32 v17, v4;
	v5 =	vadd.s32 v5, v21  }
0x105: {  	v5 =	vadd.s32 v8, v5;
	v8 =	vmpcnt.ones.xlane vm1;
	vm1 =	vgt.f32 v15, v4  }
0x106: {  	v5 =	vadd.s32 v7, v5;
	v7 =	vmpcnt.ones.xlane vm1;
	vm1 =	vgt.f32 v16, v4  }
0x107: {  	v5 =	vadd.s32 v8, v5;
	v8 =	vmpcnt.ones.xlane vm1;
	vm1 =	vgt.f32 v18, v4  }
0x108: {  	v5 =	vadd.s32 v7, v5;
	v7 =	vmpcnt.ones.xlane vm1;
	vm1 =	vgt.f32 v19, v4  }
0x109: {  	v5 =	vadd.s32 v8, v5;
	v8 =	vmpcnt.ones.xlane vm1  }
0x10a: {  	v5 =	vadd.s32 v7, v5  }
0x10b: {  	v5 =	vadd.s32 v8, v5  }
.LBB2_15:
0x10c: {  	p0 =	sgt.s32 s4, $0x16F  }
.Ltmp13:
0x10d: {  	_ = 	snop;
	(pc) =	sbr.rel @p0 .LBB2_18-.Ltmp13, $1  }
0x10e: {  	_ =	sdelay $0x3  }
0x10f: {  	s4 =	ssub.s32 s17, s13;
	v7 =	vmov s10  }
0x110: {  	s2 =	sshll.u32 s4, $0x7;
	s13 =	sshll.u32 s4, $0x4  }
0x111: {  	s5 =	ssub.s32 $0xB800, s2;
	s13 =	ssub.s32 $0x1700, s13  }
.LBB2_17:
0x112: {  	s2 =	sand.u32 $0x70, s13;
	s10 =	sand.u32 $0xFFFFFC00, s5  }
0x113: {  	s2 =	sor.u32 s2, s10  }
0x114: {  	v8 =	vld.idx.msk [tilespmem:v7+s2+$0x680 ss:$0x1], $0xffff;
	_ =	sdelay $0x2  }
0x115: {  	p0 =	sne.s32 s4, $0x1  }
.Ltmp14:
0x116: {  	_ = 	snop;
	(pc) =	sbr.rel @p0 .LBB2_17-.Ltmp14, $3  }
0x117: {  	vm1 =	vgt.f32 v8, v4  }
0x118: {  	v8 =	vmpcnt.ones.xlane vm1;
	_ =	sdelay $0x1  }
0x119: {  	s5 =	sadd.s32 $0x80, s5;
	s13 =	sadd.s32 $0x10, s13;
	s4 =	sadd.s32 $0xFFFFFFFF, s4;
	v5 =	vadd.s32 v5, v8  }
.Ltmp15:
0x11a: {  	_ = 	snop;
	(pc) =	sbr.rel .LBB2_18-.Ltmp15, $1  }
0x11b: {  	_ =	sdelay $0x3  }
.LBB2_11:
.Ltmp16:
0x11c: {  	(pc) =	sbr.rel .LBB2_29-.Ltmp16, $2  }
0x11d: {  	_ =	sdelay $0x2  }
0x11e: {  	_ = 	snop  }
.LBB2_19:
0x11f: {  	p0 =	sgt.u32 s1, $0x6  }
0x120: {  	_ =	swait.ge [sflag:s14], $0xB800;
	s1 =	smul.u32 @!p0 $0x17000, s31  }
0x121: {  	[sflag:s14] =	ssyncset.done $0x0;
	s2 =	rddreg [dreg:$0x10]  }
0x122: {  	[sflag:s14] =	ssyncadd.s32 $0xFFFF4800;
	s1 =	sadd.s32 @!p0 s1, s2  }
0x123: {  	s2 =	rddreg [dreg:$0x0];
	s1 =	sshrl.u32 @!p0 s1, $0x3  }
0x124: {  	s4 =	simm.s32 @!p0 $0x680;
	s1 =	sadd.s32 @!p0 s2, s1;
	s2 =	simm.s32 @!p0 $0x0  }
0x125: {  	[tilespmem:s4], [sflag:$0x1] =	stream.linear.gather @!p0 [hbm4b:s1+s2], $0xB800, $0x38;
	[tilespmem:$0x19680] =	vst v63  }
0x126: {  	p0 =	sne.s32 s31, $0x3;
	s4 =	rddreg [dreg:$0x11]  }
.Ltmp17:
0x127: {  	s1 =	simm.s32 @!p0 $0x0;
	s2 =	simm.s32 @!p0 $0x17680;
	(pc) =	sbr.rel .LBB2_20-.Ltmp17, $4  }
0x128: {  	[tilespmem:s2], [sflag:$0x1] =	stream.linear.gather @!p0 [hbm4b:s4+s1], $0xC00, $0x38;
	[tilespmem:$0x19680] =	vst v63  }
0x129: {  	s2 =	simm.s32 @!p0 $0x18280;
	s4 =	rddreg [dreg:$0x12]  }
0x12a: {  	[tilespmem:s2], [sflag:$0x1] =	stream.linear.gather @!p0 [hbm4b:s4+s1], $0x400, $0x38;
	[tilespmem:$0x19680] =	vst v63  }
0x12b: {  	s6 =	simm.s32 $0xBEC0;
	s7 =	simm.s32 $0xBE80;
	s1 =	simm.s32 $0x0  }
.LBB2_36:
0x12c: {  	s2 =	sadd.s32 s0, s10  }
0x12d: {  	v7 =	vor.u32 s2, v1  }
0x12e: {  	vm1 =	veq.f32 v6, v4;
	vm2 =	vlt.s32 v7, v2  }
0x12f: {  	p0 =	slt.s32 s9, $0x170;
	s1 =	sadd.s32 $0x1, s1;
	vm1 =	vmand vm2, vm1;
	vm2 =	vmmov vm0  }
0x130: {  	vm3 =	vgt.f32 v6, v4;
	vm2 =	vmneg @p0 vm2;
	p0 =	sne.s32 s1, $0x8  }
.Ltmp18:
0x131: {  	vm1 =	vmor vm3, vm1;
	(pc) =	sbr.rel @!p0 .LBB2_37-.Ltmp18, $4  }
0x132: {  	vm1 =	vmand vm2, vm1  }
0x133: {  	v2 =	vsel vm1, $0x1, v0  }
0x134: {  	[tilespmem:s8+$0x480] =	vst v5;
	v2 =	vadd.s32 v2, v3  }
0x135: {  	s6 =	sadd.s32 $0x80, s6;
	s7 =	sadd.s32 $0x80, s7;
	[tilespmem:s8+$0x280] =	vst v2  }
.LBB2_20:
0x136: {  	s2 =	sor.u32 s22, s1  }
0x137: {  	v2 =	vmov s2;
	_ =	sdelay $0x4  }
0x138: {  	v2 =	vld.idx.msk [tilespmem:v2+s3+$0x0], $0xffff;
	_ =	sdelay $0x4  }
0x139: {  	vm1 =	vgt.s32 v2, $0x0  }
0x13a: {  	v3 =	vnsel vm1, $0x0, v2  }
0x13b: {  	v3 =	vmin.u32 v3, $0x1869F  }
0x13c: {  	v3 =	vor.u32 $0x80000000, v3  }
0x13d: {  	(xrf0) =	vmax.scan.msk.u32 $0xffff, v3;
	_ =	sdelay $0x5  }
0x13e: {  	v3, _, _ =	vpop (xrf0)  }
0x13f: {  	(v2sf) =	vpush v3, $0xF;
	_ =	sdelay $0xe  }
0x140: {  	s10 =	spop (v2sf)  }
0x141: {  	s4 =	sxor.u32 $0x80000000, s10  }
0x142: {  	s4 =	ssub.s32 s4, s0  }
0x143: {  	p0 =	sgt.s32 s4, $0x0  }
0x144: {  	p1 =	slt.s32 s4, $0x1;
	s4 =	simm.s32 @!p0 $0x0  }
0x145: {  	s4 =	smin.u32 s4, $0x1700  }
0x146: {  	s5 =	sand.u32 $0xF, s4  }
0x147: {  	p6 =	sne.s32 s5, $0x0  }
0x148: {  	p0 =	por !p1, !p6  }
0x149: {  	s5 =	simm.s32 $0x1;
	p0 =	por !p0, !p0  }
0x14a: {  	s4 =	sshrl.u32 s4, $0x4;
	s5 =	simm.s32 @!p0 $0x0  }
0x14b: {  	s9 =	ssub.s32 s4, s5  }
0x14c: {  	s4 =	sand.u32 $0xE000, s9  }
0x14d: {  	s4 =	sshrl.u32 s4, $0xD  }
0x14e: {  	s28 =	sadd.s32 s4, s9  }
0x14f: {  	s8 =	sshll.u32 s2, $0x4;
	s4 =	sand.u32 $0xFFFFFFF8, s28  }
0x150: {  	v4 =	vld [tilespmem:s8+$0x80];
	p1 =	slt.s32 s4, $0x1  }
.Ltmp19:
0x151: {  	v5 =	vld [tilespmem:s8+$0x480];
	(pc) =	sbr.rel @p1 .LBB2_21-.Ltmp19, $2  }
0x152: {  	_ =	sdelay $0x2  }
0x153: {  	v3 =	vld [tilespmem:s8+$0x280]  }
0x154: {  	v8 =	vld [tilespmem:s6+$0xFFFFFFC0]  }
0x155: {  	v10 =	vld [tilespmem:s6+$0xFFFFFFD0]  }
0x156: {  	v13 =	vld [tilespmem:s6+$0xFFFFFFE0];
	p1 =	sgt.s32 s4, $0x8  }
.Ltmp20:
0x157: {  	v9 =	vld [tilespmem:s6+$0xFFFFFFF0];
	(pc) =	sbr.rel @!p1 .LBB2_32-.Ltmp20, $4  }
0x158: {  	v7 =	vld [tilespmem:s6+$0x0]  }
0x159: {  	v6 =	vld [tilespmem:s6+$0x10];
	vm1 =	vge.f32 v8, v4  }
0x15a: {  	vm2 =	vge.f32 v10, v4;
	v8 =	vld [tilespmem:s6+$0x20];
	v12 =	vmpcnt.ones.xlane vm1  }
0x15b: {  	s11 =	simm.s32 $0x8;
	s12 =	sadd.s32 $0x400, s6;
	v10 =	vld [tilespmem:s6+$0x30];
	v11 =	vmpcnt.ones.xlane vm2;
	vm1 =	vge.f32 v13, v4  }
.LBB2_31:
0x15c: {  	v13 =	vld [tilespmem:s12+$0xFFFFFFC0];
	s11 =	sadd.s32 $0x8, s11;
	v5 =	vadd.s32 v5, v12;
	v12 =	vmpcnt.ones.xlane vm1;
	vm1 =	vge.f32 v9, v4  }
0x15d: {  	v14 =	vld [tilespmem:s12+$0xFFFFFFD0];
	p1 =	slt.s32 s11, s4;
	v5 =	vadd.s32 v11, v5;
	v11 =	vmpcnt.ones.xlane vm1;
	vm1 =	vge.f32 v7, v4  }
0x15e: {  	v15 =	vld [tilespmem:s12+$0xFFFFFFE0];
	v5 =	vadd.s32 v12, v5;
	v12 =	vmpcnt.ones.xlane vm1;
	vm1 =	vge.f32 v6, v4  }
.Ltmp21:
0x15f: {  	v9 =	vld [tilespmem:s12+$0xFFFFFFF0];
	v5 =	vadd.s32 v11, v5;
	v11 =	vmpcnt.ones.xlane vm1;
	vm1 =	vge.f32 v8, v4;
	(pc) =	sbr.rel @p1 .LBB2_31-.Ltmp21, $4  }
0x160: {  	v7 =	vld [tilespmem:s12+$0x0];
	v5 =	vadd.s32 v12, v5;
	v16 =	vmpcnt.ones.xlane vm1;
	vm1 =	vge.f32 v10, v4  }
0x161: {  	vm2 =	vge.f32 v13, v4;
	v6 =	vld [tilespmem:s12+$0x10];
	v5 =	vadd.s32 v11, v5;
	v13 =	vmpcnt.ones.xlane vm1  }
0x162: {  	v12 =	vmpcnt.ones.xlane vm2;
	vm1 =	vge.f32 v14, v4;
	v8 =	vld [tilespmem:s12+$0x20];
	v5 =	vadd.s32 v16, v5  }
0x163: {  	v11 =	vmpcnt.ones.xlane vm1;
	vm1 =	vge.f32 v15, v4;
	v10 =	vld [tilespmem:s12+$0x30];
	s12 =	sadd.s32 $0x400, s12;
	v5 =	vadd.s32 v13, v5  }
.LBB2_32:
0x164: {  	v5 =	vadd.s32 v5, v12;
	v63 =	vmpcnt.ones.xlane vm1;
	vm1 =	vge.f32 v9, v4  }
0x165: {  	v5 =	vadd.s32 v11, v5;
	v9 =	vmpcnt.ones.xlane vm1;
	vm1 =	vge.f32 v7, v4  }
0x166: {  	v5 =	vadd.s32 v63, v5;
	v7 =	vmpcnt.ones.xlane vm1;
	vm1 =	vge.f32 v6, v4  }
0x167: {  	v5 =	vadd.s32 v9, v5;
	v6 =	vmpcnt.ones.xlane vm1;
	vm1 =	vge.f32 v8, v4  }
0x168: {  	v5 =	vadd.s32 v7, v5;
	v7 =	vmpcnt.ones.xlane vm1;
	vm1 =	vge.f32 v10, v4  }
0x169: {  	v5 =	vadd.s32 v6, v5;
	v6 =	vmpcnt.ones.xlane vm1  }
0x16a: {  	v5 =	vadd.s32 v7, v5  }
0x16b: {  	v5 =	vadd.s32 v6, v5  }
.LBB2_21:
0x16c: {  	s11 =	ssub.s32 s9, s4  }
0x16d: {  	p1 =	slt.s32 s11, $0x1  }
.Ltmp22:
0x16e: {  	_ = 	snop;
	(pc) =	sbr.rel @p1 .LBB2_24-.Ltmp22, $3  }
0x16f: {  	_ =	sdelay $0x1  }
0x170: {  	s17 =	simm.s32 $0xFFFFFFFF;
	s18 =	sadd.s32 s10, s30  }
0x171: {  	s12 =	sshll.u32 s1, $0x7;
	s17 =	simm.s32 @!p0 $0x0;
	p0 =	sgt.s32 s18, $0x0  }
0x172: {  	s2 =	smov.u32 s18  }
0x173: {  	s2 =	simm.s32 @!p0 $0x0  }
0x174: {  	s2 =	smin.u32 s2, $0x1700  }
0x175: {  	s2 =	sshrl.u32 s2, $0x4  }
0x176: {  	s2 =	sadd.s32 s17, s2  }
0x177: {  	s10 =	sand.u32 $0x3FFFFF80, s12;
	s2 =	ssub.s32 s2, s11  }
0x178: {  	s10 =	sadd.s32 $0xBE80, s10;
	s11 =	sshll.u32 s2, $0x7;
	s13 =	sshll.u32 s2, $0x4  }
.LBB2_23:
0x179: {  	s2 =	sand.u32 $0xFFFFFC00, s11  }
0x17a: {  	s15 =	sand.u32 $0x70, s13;
	s2 =	sadd.s32 s2, s10  }
0x17b: {  	s2 =	sadd.s32 s15, s2  }
0x17c: {  	v6 =	vld [tilespmem:s2+$0x0];
	_ =	sdelay $0x1  }
0x17d: {  	s4 =	sadd.s32 $0x1, s4  }
0x17e: {  	p1 =	slt.s32 s4, s9  }
.Ltmp23:
0x17f: {  	_ = 	snop;
	(pc) =	sbr.rel @p1 .LBB2_23-.Ltmp23, $3  }
0x180: {  	vm1 =	vge.f32 v6, v4  }
0x181: {  	v6 =	vmpcnt.ones.xlane vm1;
	_ =	sdelay $0x1  }
0x182: {  	s11 =	sadd.s32 $0x80, s11;
	s13 =	sadd.s32 $0x10, s13;
	v5 =	vadd.s32 v5, v6  }
.LBB2_24:
0x183: {  	p1 =	slt.s32 s9, $0x16F;
	s2 =	smov.u32 s9;
	s11 =	ssub.s32 $0x16F, s9  }
0x184: {  	s2 =	simm.s32 @!p1 $0x16F;
	s4 =	sand.u32 $0xE000, s11  }
0x185: {  	s10 =	sshll.u32 s2, $0x4;
	s2 =	sshll.u32 s2, $0x7;
	s4 =	sshrl.u32 s4, $0xD  }
0x186: {  	s13 =	sand.u32 $0x70, s10;
	s2 =	sand.u32 $0xFFFFFC00, s2;
	s4 =	sadd.s32 s4, s11  }
0x187: {  	s2 =	sor.u32 s13, s2;
	s13 =	sand.u32 $0xFFFFFFF8, s4  }
0x188: {  	p1 =	slt.s32 s13, $0x1  }
.Ltmp24:
0x189: {  	_ = 	snop;
	(pc) =	sbr.rel @p1 .LBB2_33-.Ltmp24, $3  }
0x18a: {  	_ =	sdelay $0x1  }
0x18b: {  	s16 =	sadd.s32 $0x1, s9;
	s2 =	sadd.s32 s12, s2  }
0x18c: {  	s4 =	sadd.s32 s16, s13;
	v6 =	vld [tilespmem:s2+$0xBE80]  }
0x18d: {  	s18 =	simm.s32 @!p0 $0x0  }
0x18e: {  	s2 =	smin.u32 s18, $0x1700  }
0x18f: {  	s2 =	sshrl.u32 s2, $0x4  }
0x190: {  	s15 =	sadd.s32 s17, s2;
	s2 =	ssub.s32 s2, s5  }
0x191: {  	s17 =	sshll.u32 s15, $0x9;
	s2 =	sadd.s32 $0x1, s2;
	s15 =	sshll.u32 s15, $0x6  }
0x192: {  	s20 =	sadd.s32 $0x200, s17;
	s2 =	sand.u32 $0x7, s2;
	s21 =	sadd.s32 $0x1000, s17  }
0x193: {  	s19 =	sadd.s32 $0x200, s15;
	s23 =	sadd.s32 $0xC00, s17;
	s24 =	sadd.s32 $0x180, s15  }
0x194: {  	s25 =	sadd.s32 $0xA00, s17;
	s28 =	sadd.s32 $0x600, s17;
	s5 =	sand.u32 $0xFFFFF000, s20  }
0x195: {  	s2 =	sshll.u32 s2, $0x6;
	s18 =	sand.u32 $0xFFFFF000, s21;
	s20 =	sadd.s32 $0xFFC, s17  }
0x196: {  	s21 =	sadd.s32 $0x1C0, s15;
	s19 =	sand.u32 $0x1C0, s19;
	s20 =	sand.u32 $0xFFFFF000, s20  }
0x197: {  	s21 =	sand.u32 $0x1C0, s21;
	s2 =	sor.u32 s2, s5;
	s5 =	sor.u32 s19, s18  }
0x198: {  	s19 =	sand.u32 $0xFFFFF000, s23;
	s23 =	sadd.s32 $0x140, s15;
	s18 =	sor.u32 s21, s20  }
0x199: {  	s20 =	sand.u32 $0x1C0, s24;
	s21 =	sand.u32 $0xFFFFF000, s25;
	s24 =	sadd.s32 $0x800, s17  }
0x19a: {  	s25 =	sadd.s32 $0x100, s15;
	s23 =	sand.u32 $0x1C0, s23;
	s17 =	sadd.s32 $0x400, s17  }
0x19b: {  	s2 =	sshra.s32 s2, $0x2;
	s24 =	sand.u32 $0xFFFFF000, s24;
	s25 =	sand.u32 $0x1C0, s25  }
0x19c: {  	s19 =	sor.u32 s20, s19;
	s26 =	sor.u32 s25, s24;
	s25 =	sadd.s32 $0x80, s15  }
0x19d: {  	s20 =	sor.u32 s23, s21;
	s17 =	sand.u32 $0xFFFFF000, s17;
	s24 =	sand.u32 $0x1C0, s25  }
0x19e: {  	v7 =	vmov s2;
	s20 =	sshra.s32 s20, $0x2;
	s17 =	sor.u32 s24, s17  }
0x19f: {  	s15 =	sadd.s32 $0xC0, s15;
	v11 =	vmov s20;
	s17 =	sshra.s32 s17, $0x2  }
0x1a0: {  	s23 =	sand.u32 $0xFFFFF000, s28;
	s15 =	sand.u32 $0x1C0, s15;
	s21 =	sshra.s32 s26, $0x2;
	v8 =	vmov s17  }
0x1a1: {  	s26 =	sshra.s32 s19, $0x2;
	s15 =	sor.u32 s15, s23;
	v10 =	vmov s21  }
0x1a2: {  	v12 =	vmov s26;
	s15 =	sshra.s32 s15, $0x2  }
0x1a3: {  	s5 =	sshra.s32 s5, $0x2;
	s28 =	sshra.s32 s18, $0x2;
	v9 =	vmov s15;
	v18 =	vld.idx.msk [tilespmem:v7+s7+$0x0 ss:$0x1], $0xffff  }
0x1a4: {  	v14 =	vmov s5;
	s5 =	sadd.s32 $0x8, s16;
	v13 =	vmov s28;
	v15 =	vld.idx.msk [tilespmem:v11+s7+$0x0 ss:$0x1], $0xffff  }
0x1a5: {  	p1 =	slt.u32 s5, s4;
	v19 =	vld.idx.msk [tilespmem:v8+s7+$0x0 ss:$0x1], $0xffff  }
.Ltmp25:
0x1a6: {  	v17 =	vld.idx.msk [tilespmem:v10+s7+$0x0 ss:$0x1], $0xffff;
	(pc) =	sbr.rel @!p1 .LBB2_26-.Ltmp25, $4  }
0x1a7: {  	v16 =	vld.idx.msk [tilespmem:v12+s7+$0x0 ss:$0x1], $0xffff  }
0x1a8: {  	v20 =	vld.idx.msk [tilespmem:v9+s7+$0x0 ss:$0x1], $0xffff  }
0x1a9: {  	vm1 =	vgt.f32 v18, v4;
	v18 =	vld.idx.msk [tilespmem:v13+s7+$0x0 ss:$0x1], $0xffff  }
0x1aa: {  	p0 =	por $0x0, $0x0;
	s16 =	sadd.s32 $0x400, s7;
	v21 =	vmpcnt.ones.xlane vm1;
	vm1 =	vgt.f32 v19, v4;
	v19 =	vld.idx.msk [tilespmem:v14+s7+$0x0 ss:$0x1], $0xffff  }
0x1ab: {  	_ =	sdelay $0x3  }
0x1ac: {  	v22 =	vld.idx.msk [tilespmem:v7+s16+$0x0 ss:$0x1], $0xffff;
	v23 =	vmpcnt.ones.xlane vm1;
	vm1 =	vgt.f32 v20, v4  }
0x1ad: {  	v24 =	vld.idx.msk [tilespmem:v8+s16+$0x0 ss:$0x1], $0xffff;
	s5 =	sadd.s32 $0x8, s5;
	v21 =	vadd.s32 v5, v21;
	v25 =	vmpcnt.ones.xlane vm1;
	vm1 =	vgt.f32 v17, v4  }
0x1ae: {  	p1 =	slt.u32 s5, s4;
	v20 =	vld.idx.msk [tilespmem:v9+s16+$0x0 ss:$0x1], $0xffff;
	v21 =	vadd.s32 v23, v21;
	v23 =	vmpcnt.ones.xlane vm1;
	vm1 =	vgt.f32 v15, v4  }
.Ltmp26:
0x1af: {  	v17 =	vld.idx.msk [tilespmem:v10+s16+$0x0 ss:$0x1], $0xffff;
	v21 =	vadd.s32 v25, v21;
	v62 =	vmpcnt.ones.xlane vm1;
	vm1 =	vgt.f32 v16, v4;
	(pc) =	sbr.rel @!p1 .LBB2_48-.Ltmp26, $4  }
0x1b0: {  	v15 =	vld.idx.msk [tilespmem:v11+s16+$0x0 ss:$0x1], $0xffff;
	v21 =	vadd.s32 v23, v21;
	v23 =	vmpcnt.ones.xlane vm1;
	vm1 =	vgt.f32 v18, v4  }
0x1b1: {  	v16 =	vld.idx.msk [tilespmem:v12+s16+$0x0 ss:$0x1], $0xffff;
	v21 =	vadd.s32 v62, v21;
	v63 =	vmpcnt.ones.xlane vm1;
	vm1 =	vgt.f32 v19, v4  }
0x1b2: {  	vm2 =	vgt.f32 v22, v4;
	v18 =	vld.idx.msk [tilespmem:v13+s16+$0x0 ss:$0x1], $0xffff;
	v23 =	vadd.s32 v23, v21;
	v22 =	vmpcnt.ones.xlane vm1  }
0x1b3: {  	p0 =	por $0x1, $0x1;
	v19 =	vld.idx.msk [tilespmem:v14+s16+$0x0 ss:$0x1], $0xffff;
	s16 =	sadd.s32 $0x400, s16;
	v21 =	vmpcnt.ones.xlane vm2;
	vm1 =	vgt.f32 v24, v4;
	v23 =	vadd.s32 v63, v23  }
.LBB2_47:
0x1b4: {  	v24 =	vld.idx.msk [tilespmem:v7+s16+$0x0 ss:$0x1], $0xffff;
	s5 =	sadd.s32 $0x8, s5;
	v25 =	vmpcnt.ones.xlane vm1;
	vm1 =	vgt.f32 v20, v4;
	v20 =	vadd.s32 v22, v23  }
0x1b5: {  	v23 =	vld.idx.msk [tilespmem:v8+s16+$0x0 ss:$0x1], $0xffff;
	p1 =	slt.u32 s5, s4;
	v21 =	vadd.s32 v20, v21;
	v22 =	vmpcnt.ones.xlane vm1;
	vm1 =	vgt.f32 v17, v4  }
0x1b6: {  	v20 =	vld.idx.msk [tilespmem:v9+s16+$0x0 ss:$0x1], $0xffff;
	v21 =	vadd.s32 v25, v21;
	v25 =	vmpcnt.ones.xlane vm1;
	vm1 =	vgt.f32 v15, v4  }
.Ltmp27:
0x1b7: {  	v17 =	vld.idx.msk [tilespmem:v10+s16+$0x0 ss:$0x1], $0xffff;
	v21 =	vadd.s32 v22, v21;
	v22 =	vmpcnt.ones.xlane vm1;
	vm1 =	vgt.f32 v16, v4;
	(pc) =	sbr.rel @p1 .LBB2_47-.Ltmp27, $4  }
0x1b8: {  	v15 =	vld.idx.msk [tilespmem:v11+s16+$0x0 ss:$0x1], $0xffff;
	v21 =	vadd.s32 v25, v21;
	v25 =	vmpcnt.ones.xlane vm1;
	vm1 =	vgt.f32 v18, v4  }
0x1b9: {  	v16 =	vld.idx.msk [tilespmem:v12+s16+$0x0 ss:$0x1], $0xffff;
	v21 =	vadd.s32 v22, v21;
	v26 =	vmpcnt.ones.xlane vm1;
	vm1 =	vgt.f32 v19, v4  }
0x1ba: {  	vm2 =	vgt.f32 v24, v4;
	v18 =	vld.idx.msk [tilespmem:v13+s16+$0x0 ss:$0x1], $0xffff;
	v24 =	vadd.s32 v25, v21;
	v22 =	vmpcnt.ones.xlane vm1  }
0x1bb: {  	v21 =	vmpcnt.ones.xlane vm2;
	vm1 =	vgt.f32 v23, v4;
	v19 =	vld.idx.msk [tilespmem:v14+s16+$0x0 ss:$0x1], $0xffff;
	s16 =	sadd.s32 $0x400, s16;
	v23 =	vadd.s32 v26, v24  }
.LBB2_48:
0x1bc: {  	v7 =	vadd.s32 @p0 v22, v23  }
0x1bd: {  	v8 =	vmpcnt.ones.xlane vm1;
	vm1 =	vgt.f32 v20, v4;
	v5 =	vpsel p0, v7, v5  }
0x1be: {  	v7 =	vmpcnt.ones.xlane vm1;
	vm1 =	vgt.f32 v17, v4;
	v5 =	vadd.s32 v5, v21  }
0x1bf: {  	v5 =	vadd.s32 v8, v5;
	v8 =	vmpcnt.ones.xlane vm1;
	vm1 =	vgt.f32 v15, v4  }
0x1c0: {  	v5 =	vadd.s32 v7, v5;
	v7 =	vmpcnt.ones.xlane vm1;
	vm1 =	vgt.f32 v16, v4  }
0x1c1: {  	v5 =	vadd.s32 v8, v5;
	v8 =	vmpcnt.ones.xlane vm1;
	vm1 =	vgt.f32 v18, v4  }
0x1c2: {  	v5 =	vadd.s32 v7, v5;
	v7 =	vmpcnt.ones.xlane vm1;
	vm1 =	vgt.f32 v19, v4  }
0x1c3: {  	v5 =	vadd.s32 v8, v5;
	v8 =	vmpcnt.ones.xlane vm1  }
0x1c4: {  	v5 =	vadd.s32 v7, v5  }
0x1c5: {  	v5 =	vadd.s32 v8, v5  }
.LBB2_33:
0x1c6: {  	p0 =	sgt.s32 s4, $0x16F  }
.Ltmp28:
0x1c7: {  	_ = 	snop;
	(pc) =	sbr.rel @p0 .LBB2_36-.Ltmp28, $1  }
0x1c8: {  	_ =	sdelay $0x3  }
0x1c9: {  	s4 =	ssub.s32 s11, s13;
	v7 =	vmov s12  }
0x1ca: {  	s2 =	sshll.u32 s4, $0x7;
	s11 =	sshll.u32 s4, $0x4  }
0x1cb: {  	s5 =	ssub.s32 $0xB800, s2;
	s11 =	ssub.s32 $0x1700, s11  }
.LBB2_35:
0x1cc: {  	s2 =	sand.u32 $0x70, s11;
	s12 =	sand.u32 $0xFFFFFC00, s5  }
0x1cd: {  	s2 =	sor.u32 s2, s12  }
0x1ce: {  	v8 =	vld.idx.msk [tilespmem:v7+s2+$0xBE80 ss:$0x1], $0xffff;
	_ =	sdelay $0x2  }
0x1cf: {  	p0 =	sne.s32 s4, $0x1  }
.Ltmp29:
0x1d0: {  	_ = 	snop;
	(pc) =	sbr.rel @p0 .LBB2_35-.Ltmp29, $3  }
0x1d1: {  	vm1 =	vgt.f32 v8, v4  }
0x1d2: {  	v8 =	vmpcnt.ones.xlane vm1;
	_ =	sdelay $0x1  }
0x1d3: {  	s5 =	sadd.s32 $0x80, s5;
	s11 =	sadd.s32 $0x10, s11;
	s4 =	sadd.s32 $0xFFFFFFFF, s4;
	v5 =	vadd.s32 v5, v8  }
.Ltmp30:
0x1d4: {  	_ = 	snop;
	(pc) =	sbr.rel .LBB2_36-.Ltmp30, $1  }
0x1d5: {  	_ =	sdelay $0x3  }
.LBB2_26:
.Ltmp31:
0x1d6: {  	(pc) =	sbr.rel .LBB2_48-.Ltmp31, $2  }
0x1d7: {  	_ =	sdelay $0x2  }
0x1d8: {  	_ = 	snop  }
.LBB2_38:
0x1d9: {  	s20 =	rddreg [dreg:$0xe]  }
0x1da: {  	s20 =	sadd.s32 $0x1, s20  }
0x1db: {  	s1 =	rddreg [dreg:$0x4];
	s0 =	sshll.u32 s20, $0x3  }
0x1dc: {  	_ =	swait.ge [sflag:s14], $0xC00;
	s0 =	sadd.s32 s1, s0  }
0x1dd: {  	[sflag:s14] =	ssyncset.done $0x0;
	s0 =	smin.u32 s0, $0x3F8  }
0x1de: {  	[sflag:s14] =	ssyncadd.s32 $0xFFFFF400;
	s0 =	sshrl.u32 s0, $0x3  }
0x1df: {  	_ =	swait.ge [sflag:s14], $0x400;
	s0 =	smul.u32 $0xC3800, s0  }
.Ltmp32:
0x1e0: {  	s2 =	simm.s32 $0x680;
	[sflag:s14] =	ssyncset.done $0x0;
	(pc) =	sbr.rel .LBB2_39-.Ltmp32, $4  }
0x1e1: {  	s23 =	simm.s32 $0x176C0;
	s31 =	rddreg [dreg:$0x0];
	s0 =	sshrl.u32 s0, $0x3  }
0x1e2: {  	s24 =	simm.s32 $0x17680;
	s25 =	simm.s32 $0x18280;
	s0 =	sadd.s32 s31, s0  }
0x1e3: {  	[sflag:s14] =	ssyncadd.s32 $0xFFFFFC00;
	s1 =	sadd.s32 $0xCD00, s0;
	s0 =	simm.s32 $0x0  }
0x1e4: {  	[tilespmem:s2], [sflag:$0x1] =	stream.linear.gather [hbm4b:s1+s0], $0xB800, $0x38;
	[tilespmem:$0x19680] =	vst v63  }
.LBB2_61:
0x1e5: {  	s2 =	sadd.s32 $0x18680, s5  }
0x1e6: {  	v7 =	vor.u32 s2, v1  }
0x1e7: {  	vm1 =	veq.f32 v6, v5;
	vm2 =	vlt.s32 v7, v2  }
0x1e8: {  	p0 =	slt.s32 s1, $0x2;
	s0 =	sadd.s32 $0x1, s0;
	vm1 =	vmand vm2, vm1;
	vm2 =	vmmov vm0  }
0x1e9: {  	vm3 =	vgt.f32 v6, v5;
	vm2 =	vmneg @p0 vm2;
	p0 =	sne.s32 s0, $0x8  }
.Ltmp33:
0x1ea: {  	vm1 =	vmor vm3, vm1;
	(pc) =	sbr.rel @!p0 .LBB2_62-.Ltmp33, $4  }
0x1eb: {  	vm1 =	vmand vm2, vm1  }
0x1ec: {  	v2 =	vsel vm1, $0x1, v0  }
0x1ed: {  	[tilespmem:s26+$0x480] =	vst v4;
	v2 =	vadd.s32 v2, v3  }
0x1ee: {  	s23 =	sadd.s32 $0x80, s23;
	s24 =	sadd.s32 $0x80, s24;
	s25 =	sadd.s32 $0x80, s25;
	[tilespmem:s26+$0x280] =	vst v2  }
.LBB2_39:
0x1ef: {  	s2 =	sor.u32 s22, s0  }
0x1f0: {  	v2 =	vmov s2;
	_ =	sdelay $0x4  }
0x1f1: {  	v3 =	vld.idx.msk [tilespmem:v2+s3+$0x0], $0xffff;
	_ =	sdelay $0x4  }
0x1f2: {  	vm1 =	vgt.s32 v3, $0x0  }
0x1f3: {  	v4 =	vnsel vm1, $0x0, v3  }
0x1f4: {  	v4 =	vmin.u32 v4, $0x1869F  }
0x1f5: {  	v4 =	vor.u32 $0x80000000, v4  }
0x1f6: {  	(xrf0) =	vmax.scan.msk.u32 $0xffff, v4;
	_ =	sdelay $0x5  }
0x1f7: {  	v4, _, _ =	vpop (xrf0)  }
0x1f8: {  	(v2sf) =	vpush v4, $0xF;
	_ =	sdelay $0xe  }
0x1f9: {  	s1 =	spop (v2sf)  }
0x1fa: {  	s1 =	sadd.s32 $0x7FFE7B00, s1  }
0x1fb: {  	p0 =	sgt.s32 s1, $0x0  }
0x1fc: {  	p1 =	slt.s32 s1, $0x1;
	s1 =	simm.s32 @!p0 $0x0  }
0x1fd: {  	s1 =	smin.u32 s1, $0x180  }
0x1fe: {  	s4 =	sand.u32 $0xF, s1  }
0x1ff: {  	p6 =	sne.s32 s4, $0x0  }
0x200: {  	p0 =	por !p1, !p6  }
0x201: {  	s4 =	simm.s32 $0x1;
	p0 =	por !p0, !p0  }
0x202: {  	s1 =	sshrl.u32 s1, $0x4;
	s4 =	simm.s32 @!p0 $0x0  }
0x203: {  	s1 =	ssub.s32 s1, s4  }
0x204: {  	s4 =	sshrl.u32 s1, $0xC  }
0x205: {  	s4 =	sand.u32 $0x7, s4  }
0x206: {  	s4 =	sadd.s32 s4, s1  }
0x207: {  	s4 =	sand.u32 $0xF8, s4  }
0x208: {  	s4 =	ssub.s32 s1, s4  }
0x209: {  	s4 =	sshll.u32 s4, $0x18  }
0x20a: {  	s5 =	sshra.s32 s4, $0x18  }
0x20b: {  	s26 =	sshll.u32 s2, $0x4;
	s4 =	ssub.s32 s1, s5  }
0x20c: {  	v5 =	vld [tilespmem:s26+$0x80];
	p0 =	slt.s32 s4, $0x1  }
.Ltmp34:
0x20d: {  	v6 =	vld [tilespmem:s26+$0x480];
	(pc) =	sbr.rel @p0 .LBB2_40-.Ltmp34, $2  }
0x20e: {  	_ =	sdelay $0x2  }
0x20f: {  	v4 =	vld [tilespmem:s26+$0x280]  }
0x210: {  	v9 =	vld [tilespmem:s23+$0xFFFFFFC0]  }
0x211: {  	v11 =	vld [tilespmem:s23+$0xFFFFFFD0]  }
0x212: {  	v14 =	vld [tilespmem:s23+$0xFFFFFFE0];
	p0 =	sgt.s32 s4, $0x8  }
.Ltmp35:
0x213: {  	v10 =	vld [tilespmem:s23+$0xFFFFFFF0];
	(pc) =	sbr.rel @!p0 .LBB2_51-.Ltmp35, $4  }
0x214: {  	v8 =	vld [tilespmem:s23+$0x0]  }
0x215: {  	v7 =	vld [tilespmem:s23+$0x10];
	vm1 =	vge.f32 v9, v5  }
0x216: {  	vm2 =	vge.f32 v11, v5;
	v9 =	vld [tilespmem:s23+$0x20];
	v13 =	vmpcnt.ones.xlane vm1  }
0x217: {  	s6 =	simm.s32 $0x8;
	s7 =	sadd.s32 $0x400, s23;
	v11 =	vld [tilespmem:s23+$0x30];
	v12 =	vmpcnt.ones.xlane vm2;
	vm1 =	vge.f32 v14, v5  }
.LBB2_50:
0x218: {  	v14 =	vld [tilespmem:s7+$0xFFFFFFC0];
	s6 =	sadd.s32 $0x8, s6;
	v6 =	vadd.s32 v6, v13;
	v13 =	vmpcnt.ones.xlane vm1;
	vm1 =	vge.f32 v10, v5  }
0x219: {  	v15 =	vld [tilespmem:s7+$0xFFFFFFD0];
	p0 =	slt.s32 s6, s4;
	v6 =	vadd.s32 v12, v6;
	v12 =	vmpcnt.ones.xlane vm1;
	vm1 =	vge.f32 v8, v5  }
0x21a: {  	v16 =	vld [tilespmem:s7+$0xFFFFFFE0];
	v6 =	vadd.s32 v13, v6;
	v13 =	vmpcnt.ones.xlane vm1;
	vm1 =	vge.f32 v7, v5  }
.Ltmp36:
0x21b: {  	v10 =	vld [tilespmem:s7+$0xFFFFFFF0];
	v6 =	vadd.s32 v12, v6;
	v12 =	vmpcnt.ones.xlane vm1;
	vm1 =	vge.f32 v9, v5;
	(pc) =	sbr.rel @p0 .LBB2_50-.Ltmp36, $4  }
0x21c: {  	v8 =	vld [tilespmem:s7+$0x0];
	v6 =	vadd.s32 v13, v6;
	v17 =	vmpcnt.ones.xlane vm1;
	vm1 =	vge.f32 v11, v5  }
0x21d: {  	vm2 =	vge.f32 v14, v5;
	v7 =	vld [tilespmem:s7+$0x10];
	v6 =	vadd.s32 v12, v6;
	v14 =	vmpcnt.ones.xlane vm1  }
0x21e: {  	v13 =	vmpcnt.ones.xlane vm2;
	vm1 =	vge.f32 v15, v5;
	v9 =	vld [tilespmem:s7+$0x20];
	v6 =	vadd.s32 v17, v6  }
0x21f: {  	v12 =	vmpcnt.ones.xlane vm1;
	vm1 =	vge.f32 v16, v5;
	v11 =	vld [tilespmem:s7+$0x30];
	s7 =	sadd.s32 $0x400, s7;
	v6 =	vadd.s32 v14, v6  }
.LBB2_51:
0x220: {  	v6 =	vadd.s32 v6, v13;
	v63 =	vmpcnt.ones.xlane vm1;
	vm1 =	vge.f32 v10, v5  }
0x221: {  	v6 =	vadd.s32 v12, v6;
	v10 =	vmpcnt.ones.xlane vm1;
	vm1 =	vge.f32 v8, v5  }
0x222: {  	v6 =	vadd.s32 v63, v6;
	v8 =	vmpcnt.ones.xlane vm1;
	vm1 =	vge.f32 v7, v5  }
0x223: {  	v6 =	vadd.s32 v10, v6;
	v7 =	vmpcnt.ones.xlane vm1;
	vm1 =	vge.f32 v9, v5  }
0x224: {  	v6 =	vadd.s32 v8, v6;
	v8 =	vmpcnt.ones.xlane vm1;
	vm1 =	vge.f32 v11, v5  }
0x225: {  	v6 =	vadd.s32 v7, v6;
	v7 =	vmpcnt.ones.xlane vm1  }
0x226: {  	v6 =	vadd.s32 v8, v6  }
0x227: {  	v6 =	vadd.s32 v7, v6  }
.LBB2_40:
0x228: {  	p0 =	slt.s32 s5, $0x1  }
.Ltmp37:
0x229: {  	_ = 	snop;
	(pc) =	sbr.rel @p0 .LBB2_43-.Ltmp37, $2  }
0x22a: {  	_ =	sdelay $0x2  }
0x22b: {  	s6 =	sshll.u32 s0, $0x7  }
0x22c: {  	s2 =	sand.u32 $0x3FFFFF80, s6  }
0x22d: {  	s7 =	sshll.u32 s4, $0x7;
	s8 =	sshll.u32 s4, $0x4;
	s5 =	sadd.s32 $0x17680, s2  }
.LBB2_42:
0x22e: {  	s2 =	sand.u32 $0xFFFFFC00, s7  }
0x22f: {  	s9 =	sand.u32 $0x70, s8;
	s2 =	sadd.s32 s2, s5  }
0x230: {  	s2 =	sadd.s32 s9, s2  }
0x231: {  	v7 =	vld [tilespmem:s2+$0x0];
	_ =	sdelay $0x1  }
0x232: {  	s4 =	sadd.s32 $0x1, s4  }
0x233: {  	p0 =	slt.s32 s4, s1  }
.Ltmp38:
0x234: {  	_ = 	snop;
	(pc) =	sbr.rel @p0 .LBB2_42-.Ltmp38, $3  }
0x235: {  	vm1 =	vge.f32 v7, v5  }
0x236: {  	v7 =	vmpcnt.ones.xlane vm1;
	_ =	sdelay $0x1  }
0x237: {  	s7 =	sadd.s32 $0x80, s7;
	s8 =	sadd.s32 $0x10, s8;
	v6 =	vadd.s32 v6, v7  }
.LBB2_43:
0x238: {  	s2 =	ssub.s32 $0x17, s1  }
0x239: {  	s4 =	sshrl.u32 s2, $0xC  }
0x23a: {  	s4 =	sand.u32 $0x7, s4  }
0x23b: {  	s4 =	sadd.s32 s4, s2  }
0x23c: {  	s4 =	sand.u32 $0xF8, s4  }
0x23d: {  	s4 =	ssub.s32 s2, s4  }
0x23e: {  	s4 =	sshll.u32 s4, $0x18  }
0x23f: {  	s8 =	sshra.s32 s4, $0x18  }
0x240: {  	p0 =	slt.s32 s1, $0x17;
	s5 =	smov.u32 s1;
	s2 =	ssub.s32 s2, s8  }
0x241: {  	s5 =	simm.s32 @!p0 $0x17;
	p0 =	slt.s32 s2, $0x1  }
.Ltmp39:
0x242: {  	s7 =	sshll.u32 s5, $0x4;
	s5 =	sshll.u32 s5, $0x7;
	(pc) =	sbr.rel @p0 .LBB2_52-.Ltmp39, $4  }
0x243: {  	s9 =	sand.u32 $0x70, s7;
	s5 =	sand.u32 $0xFFFFFC00, s5  }
0x244: {  	s31 =	sor.u32 s9, s5  }
0x245: {  	s5 =	sadd.s32 $0x1, s1;
	s4 =	sadd.s32 s6, s31  }
0x246: {  	v7 =	vld [tilespmem:s4+$0x17680];
	s4 =	sadd.s32 s5, s2  }
0x247: {  	s2 =	sshll.u32 s5, $0x9;
	s9 =	sshll.u32 s1, $0x9;
	s10 =	sand.u32 $0x7, s5  }
0x248: {  	s12 =	sshll.u32 s1, $0x6;
	s2 =	sand.u32 $0xFFFFF000, s2;
	s11 =	sadd.s32 $0x1000, s9  }
0x249: {  	s10 =	sshll.u32 s10, $0x6;
	s13 =	sadd.s32 $0x200, s12;
	s15 =	sadd.s32 $0xFFC, s9  }
0x24a: {  	s16 =	sadd.s32 $0x1C0, s12;
	s28 =	sadd.s32 $0xC00, s9;
	s29 =	sadd.s32 $0x180, s12  }
0x24b: {  	s30 =	sadd.s32 $0xA00, s9;
	s17 =	sadd.s32 $0x140, s12;
	s18 =	sadd.s32 $0x800, s9  }
0x24c: {  	s19 =	sadd.s32 $0x100, s12;
	s11 =	sand.u32 $0xFFFFF000, s11;
	s13 =	sand.u32 $0x1C0, s13  }
0x24d: {  	s15 =	sand.u32 $0xFFFFF000, s15;
	s16 =	sand.u32 $0x1C0, s16;
	s2 =	sor.u32 s10, s2  }
0x24e: {  	s17 =	sand.u32 $0x1C0, s17;
	s18 =	sand.u32 $0xFFFFF000, s18;
	s19 =	sand.u32 $0x1C0, s19  }
0x24f: {  	s10 =	sor.u32 s13, s11;
	s11 =	sor.u32 s16, s15;
	s13 =	sand.u32 $0xFFFFF000, s28  }
0x250: {  	s15 =	sand.u32 $0x1C0, s29;
	s16 =	sand.u32 $0xFFFFF000, s30;
	s21 =	sor.u32 s19, s18  }
0x251: {  	s28 =	sadd.s32 $0x600, s9;
	s9 =	sadd.s32 $0x400, s9;
	s29 =	sadd.s32 $0x80, s12  }
0x252: {  	s2 =	sshra.s32 s2, $0x2;
	s9 =	sand.u32 $0xFFFFF000, s9;
	s18 =	sand.u32 $0x1C0, s29  }
0x253: {  	s31 =	sor.u32 s17, s16;
	s16 =	sshra.s32 s21, $0x2;
	v8 =	vmov s2;
	s9 =	sor.u32 s18, s9  }
0x254: {  	s12 =	sadd.s32 $0xC0, s12;
	s13 =	sor.u32 s15, s13;
	v11 =	vmov s16;
	s9 =	sshra.s32 s9, $0x2  }
0x255: {  	s17 =	sand.u32 $0xFFFFF000, s28;
	s12 =	sand.u32 $0x1C0, s12;
	s15 =	sshra.s32 s31, $0x2;
	v9 =	vmov s9  }
0x256: {  	s12 =	sor.u32 s12, s17;
	s30 =	sshra.s32 s13, $0x2;
	v12 =	vmov s15  }
0x257: {  	s12 =	sshra.s32 s12, $0x2;
	v13 =	vmov s30  }
0x258: {  	s31 =	sshra.s32 s11, $0x2;
	v10 =	vmov s12;
	v19 =	vld.idx.msk [tilespmem:v8+s24+$0x0 ss:$0x1], $0xffff  }
0x259: {  	s5 =	sadd.s32 $0x8, s5;
	s10 =	sshra.s32 s10, $0x2;
	v14 =	vmov s31;
	v18 =	vld.idx.msk [tilespmem:v11+s24+$0x0 ss:$0x1], $0xffff  }
0x25a: {  	p1 =	slt.u32 s5, s4;
	v15 =	vmov s10;
	v20 =	vld.idx.msk [tilespmem:v9+s24+$0x0 ss:$0x1], $0xffff  }
.Ltmp40:
0x25b: {  	v16 =	vld.idx.msk [tilespmem:v12+s24+$0x0 ss:$0x1], $0xffff;
	(pc) =	sbr.rel @!p1 .LBB2_45-.Ltmp40, $4  }
0x25c: {  	v17 =	vld.idx.msk [tilespmem:v13+s24+$0x0 ss:$0x1], $0xffff  }
0x25d: {  	v21 =	vld.idx.msk [tilespmem:v10+s24+$0x0 ss:$0x1], $0xffff  }
0x25e: {  	vm1 =	vgt.f32 v19, v5;
	v19 =	vld.idx.msk [tilespmem:v14+s24+$0x0 ss:$0x1], $0xffff  }
0x25f: {  	p0 =	por $0x0, $0x0;
	s9 =	sadd.s32 $0x400, s24;
	v22 =	vmpcnt.ones.xlane vm1;
	vm1 =	vgt.f32 v20, v5;
	v20 =	vld.idx.msk [tilespmem:v15+s24+$0x0 ss:$0x1], $0xffff  }
0x260: {  	_ =	sdelay $0x3  }
0x261: {  	v23 =	vld.idx.msk [tilespmem:v8+s9+$0x0 ss:$0x1], $0xffff;
	v24 =	vmpcnt.ones.xlane vm1;
	vm1 =	vgt.f32 v21, v5  }
0x262: {  	v25 =	vld.idx.msk [tilespmem:v9+s9+$0x0 ss:$0x1], $0xffff;
	s5 =	sadd.s32 $0x8, s5;
	v22 =	vadd.s32 v6, v22;
	v26 =	vmpcnt.ones.xlane vm1;
	vm1 =	vgt.f32 v18, v5  }
0x263: {  	p1 =	slt.u32 s5, s4;
	v21 =	vld.idx.msk [tilespmem:v10+s9+$0x0 ss:$0x1], $0xffff;
	v22 =	vadd.s32 v24, v22;
	v24 =	vmpcnt.ones.xlane vm1;
	vm1 =	vgt.f32 v16, v5  }
.Ltmp41:
0x264: {  	v18 =	vld.idx.msk [tilespmem:v11+s9+$0x0 ss:$0x1], $0xffff;
	v22 =	vadd.s32 v26, v22;
	v26 =	vmpcnt.ones.xlane vm1;
	vm1 =	vgt.f32 v17, v5;
	(pc) =	sbr.rel @!p1 .LBB2_67-.Ltmp41, $4  }
0x265: {  	v16 =	vld.idx.msk [tilespmem:v12+s9+$0x0 ss:$0x1], $0xffff;
	v22 =	vadd.s32 v24, v22;
	v24 =	vmpcnt.ones.xlane vm1;
	vm1 =	vgt.f32 v19, v5  }
0x266: {  	v17 =	vld.idx.msk [tilespmem:v13+s9+$0x0 ss:$0x1], $0xffff;
	v22 =	vadd.s32 v26, v22;
	v26 =	vmpcnt.ones.xlane vm1;
	vm1 =	vgt.f32 v20, v5  }
0x267: {  	vm2 =	vgt.f32 v23, v5;
	v19 =	vld.idx.msk [tilespmem:v14+s9+$0x0 ss:$0x1], $0xffff;
	v24 =	vadd.s32 v24, v22;
	v23 =	vmpcnt.ones.xlane vm1  }
0x268: {  	p0 =	por $0x1, $0x1;
	v20 =	vld.idx.msk [tilespmem:v15+s9+$0x0 ss:$0x1], $0xffff;
	s9 =	sadd.s32 $0x400, s9;
	v22 =	vmpcnt.ones.xlane vm2;
	vm1 =	vgt.f32 v25, v5;
	v24 =	vadd.s32 v26, v24  }
.LBB2_66:
0x269: {  	v25 =	vld.idx.msk [tilespmem:v8+s9+$0x0 ss:$0x1], $0xffff;
	s5 =	sadd.s32 $0x8, s5;
	v26 =	vmpcnt.ones.xlane vm1;
	vm1 =	vgt.f32 v21, v5;
	v21 =	vadd.s32 v23, v24  }
0x26a: {  	v24 =	vld.idx.msk [tilespmem:v9+s9+$0x0 ss:$0x1], $0xffff;
	p1 =	slt.u32 s5, s4;
	v22 =	vadd.s32 v21, v22;
	v23 =	vmpcnt.ones.xlane vm1;
	vm1 =	vgt.f32 v18, v5  }
0x26b: {  	v21 =	vld.idx.msk [tilespmem:v10+s9+$0x0 ss:$0x1], $0xffff;
	v22 =	vadd.s32 v26, v22;
	v26 =	vmpcnt.ones.xlane vm1;
	vm1 =	vgt.f32 v16, v5  }
.Ltmp42:
0x26c: {  	v18 =	vld.idx.msk [tilespmem:v11+s9+$0x0 ss:$0x1], $0xffff;
	v22 =	vadd.s32 v23, v22;
	v23 =	vmpcnt.ones.xlane vm1;
	vm1 =	vgt.f32 v17, v5;
	(pc) =	sbr.rel @p1 .LBB2_66-.Ltmp42, $4  }
0x26d: {  	v16 =	vld.idx.msk [tilespmem:v12+s9+$0x0 ss:$0x1], $0xffff;
	v22 =	vadd.s32 v26, v22;
	v26 =	vmpcnt.ones.xlane vm1;
	vm1 =	vgt.f32 v19, v5  }
0x26e: {  	v17 =	vld.idx.msk [tilespmem:v13+s9+$0x0 ss:$0x1], $0xffff;
	v22 =	vadd.s32 v23, v22;
	v27 =	vmpcnt.ones.xlane vm1;
	vm1 =	vgt.f32 v20, v5  }
0x26f: {  	vm2 =	vgt.f32 v25, v5;
	v19 =	vld.idx.msk [tilespmem:v14+s9+$0x0 ss:$0x1], $0xffff;
	v25 =	vadd.s32 v26, v22;
	v23 =	vmpcnt.ones.xlane vm1  }
0x270: {  	v22 =	vmpcnt.ones.xlane vm2;
	vm1 =	vgt.f32 v24, v5;
	v20 =	vld.idx.msk [tilespmem:v15+s9+$0x0 ss:$0x1], $0xffff;
	s9 =	sadd.s32 $0x400, s9;
	v24 =	vadd.s32 v27, v25  }
.LBB2_67:
0x271: {  	v8 =	vadd.s32 @p0 v23, v24  }
0x272: {  	v9 =	vmpcnt.ones.xlane vm1;
	vm1 =	vgt.f32 v21, v5;
	v6 =	vpsel p0, v8, v6  }
0x273: {  	v8 =	vmpcnt.ones.xlane vm1;
	vm1 =	vgt.f32 v18, v5;
	v6 =	vadd.s32 v6, v22  }
0x274: {  	v61 =	vmpcnt.ones.xlane vm1;
	vm1 =	vgt.f32 v16, v5;
	v6 =	vadd.s32 v9, v6  }
0x275: {  	v6 =	vadd.s32 v8, v6;
	v8 =	vmpcnt.ones.xlane vm1;
	vm1 =	vgt.f32 v17, v5  }
0x276: {  	v6 =	vadd.s32 v61, v6;
	v62 =	vmpcnt.ones.xlane vm1;
	vm1 =	vgt.f32 v19, v5  }
0x277: {  	v6 =	vadd.s32 v8, v6;
	v8 =	vmpcnt.ones.xlane vm1;
	vm1 =	vgt.f32 v20, v5  }
0x278: {  	v6 =	vadd.s32 v62, v6;
	v63 =	vmpcnt.ones.xlane vm1  }
0x279: {  	v6 =	vadd.s32 v8, v6  }
0x27a: {  	v6 =	vadd.s32 v63, v6  }
.LBB2_52:
0x27b: {  	p0 =	sgt.s32 s4, $0x17  }
.Ltmp43:
0x27c: {  	_ = 	snop;
	(pc) =	sbr.rel @p0 .LBB2_55-.Ltmp43, $1  }
0x27d: {  	_ =	sdelay $0x3  }
0x27e: {  	v8 =	vmov s6  }
0x27f: {  	s2 =	sshll.u32 s8, $0x7;
	s5 =	sshll.u32 s8, $0x4  }
0x280: {  	s4 =	ssub.s32 $0xC00, s2;
	s5 =	ssub.s32 $0x180, s5  }
.LBB2_54:
0x281: {  	s2 =	sand.u32 $0x70, s5;
	s9 =	sand.u32 $0xFFFFFC00, s4  }
0x282: {  	s2 =	sor.u32 s2, s9  }
0x283: {  	v9 =	vld.idx.msk [tilespmem:v8+s2+$0x17680 ss:$0x1], $0xffff;
	_ =	sdelay $0x2  }
0x284: {  	p0 =	sne.s32 s8, $0x1  }
.Ltmp44:
0x285: {  	_ = 	snop;
	(pc) =	sbr.rel @p0 .LBB2_54-.Ltmp44, $3  }
0x286: {  	vm1 =	vgt.f32 v9, v5  }
0x287: {  	v9 =	vmpcnt.ones.xlane vm1;
	_ =	sdelay $0x1  }
0x288: {  	s4 =	sadd.s32 $0x80, s4;
	s5 =	sadd.s32 $0x10, s5;
	s8 =	sadd.s32 $0xFFFFFFFF, s8;
	v6 =	vadd.s32 v6, v9  }
.LBB2_55:
0x289: {  	s2 =	sadd.s32 $0x18500, s7  }
0x28a: {  	v8 =	vor.u32 s2, v1  }
0x28b: {  	vm1 =	veq.f32 v7, v5;
	vm2 =	vlt.s32 v8, v3  }
0x28c: {  	vm3 =	vgt.f32 v7, v5;
	p0 =	slt.s32 s1, $0x18;
	vm1 =	vmand vm2, vm1;
	vm2 =	vmmov vm0  }
0x28d: {  	vm1 =	vmor vm3, vm1;
	vm2 =	vmneg @p0 vm2  }
0x28e: {  	vm1 =	vmand vm2, vm1  }
0x28f: {  	v3 =	vsel vm1, $0x1, v0  }
0x290: {  	[tilespmem:s26+$0x480] =	vst v6;
	v3 =	vadd.s32 v3, v4  }
0x291: {  	[tilespmem:s26+$0x280] =	vst v3  }
0x292: {  	v2 =	vld.idx.msk [tilespmem:v2+s3+$0x0], $0xffff;
	_ =	sdelay $0x4  }
0x293: {  	vm1 =	vgt.s32 v2, $0x0  }
0x294: {  	v4 =	vnsel vm1, $0x0, v2  }
0x295: {  	v4 =	vmin.u32 v4, $0x1869F  }
0x296: {  	v4 =	vor.u32 $0x80000000, v4  }
0x297: {  	(xrf0) =	vmax.scan.msk.u32 $0xffff, v4;
	_ =	sdelay $0x5  }
0x298: {  	v4, _, _ =	vpop (xrf0)  }
0x299: {  	(v2sf) =	vpush v4, $0xF;
	_ =	sdelay $0xe  }
0x29a: {  	s30 =	spop (v2sf)  }
0x29b: {  	s1 =	sadd.s32 $0x7FFE7980, s30  }
0x29c: {  	p0 =	sgt.s32 s1, $0x0  }
0x29d: {  	p1 =	slt.s32 s1, $0x1;
	s1 =	simm.s32 @!p0 $0x0  }
0x29e: {  	s1 =	smin.u32 s1, $0x20  }
0x29f: {  	s31 =	sand.u32 $0xF, s1  }
0x2a0: {  	p6 =	sne.s32 s31, $0x0  }
0x2a1: {  	p0 =	por !p1, !p6  }
0x2a2: {  	s2 =	simm.s32 $0x1;
	p0 =	por !p0, !p0  }
0x2a3: {  	s4 =	sshrl.u32 s1, $0x4;
	s2 =	simm.s32 @!p0 $0x0  }
0x2a4: {  	s1 =	ssub.s32 s4, s2  }
0x2a5: {  	p1 =	slt.s32 s1, $0x1  }
.Ltmp45:
0x2a6: {  	_ = 	snop;
	(pc) =	sbr.rel @p1 .LBB2_58-.Ltmp45, $3  }
0x2a7: {  	_ =	sdelay $0x1  }
0x2a8: {  	v5 =	vld [tilespmem:s26+$0x80]  }
0x2a9: {  	v4 =	vld [tilespmem:s26+$0x480]  }
0x2aa: {  	s5 =	simm.s32 $0x0;
	s7 =	smov.u32 s25;
	s8 =	smov.u32 s1  }
.LBB2_57:
0x2ab: {  	s2 =	sand.u32 $0x3FFFFF80, s5  }
0x2ac: {  	s2 =	sadd.s32 s2, s7  }
0x2ad: {  	v6 =	vld [tilespmem:s2+$0x0];
	_ =	sdelay $0x2  }
0x2ae: {  	p2 =	sne.s32 s8, $0x1  }
.Ltmp46:
0x2af: {  	_ = 	snop;
	(pc) =	sbr.rel @p2 .LBB2_57-.Ltmp46, $3  }
0x2b0: {  	vm1 =	vge.f32 v6, v5  }
0x2b1: {  	v6 =	vmpcnt.ones.xlane vm1;
	_ =	sdelay $0x1  }
0x2b2: {  	s5 =	sadd.s32 $0x10, s5;
	s8 =	sadd.s32 $0xFFFFFFFF, s8;
	s7 =	sadd.s32 $0x10, s7;
	v4 =	vadd.s32 v4, v6  }
.LBB2_58:
0x2b3: {  	s2 =	smov.u32 s1  }
0x2b4: {  	s2 =	simm.s32 @!p1 $0x1  }
0x2b5: {  	s5 =	sshll.u32 s2, $0x4  }
0x2b6: {  	s6 =	sadd.s32 $0x18280, s6;
	p1 =	sgt.s32 s1, $0x0;
	s2 =	sand.u32 $0xFFFFFF80, s5  }
.Ltmp47:
0x2b7: {  	s7 =	sand.u32 $0x70, s5;
	s2 =	sadd.s32 s2, s6;
	(pc) =	sbr.rel @p1 .LBB2_61-.Ltmp47, $2  }
0x2b8: {  	s2 =	sadd.s32 s7, s2  }
0x2b9: {  	v6 =	vld [tilespmem:s2+$0x0];
	_ =	sdelay $0x2  }
0x2ba: {  	s2 =	simm.s32 $0xFFFFFFFF  }
0x2bb: {  	s2 =	simm.s32 @!p0 $0x0  }
0x2bc: {  	s7 =	sshll.u32 s1, $0x4;
	s2 =	sadd.s32 s2, s4  }
0x2bd: {  	s7 =	sadd.s32 $0x10, s7;
	s4 =	ssub.s32 $0x1, s2  }
.LBB2_60:
0x2be: {  	s2 =	sand.u32 $0xFFFFFF80, s7  }
0x2bf: {  	s8 =	sand.u32 $0x70, s7;
	s2 =	sadd.s32 s2, s6  }
0x2c0: {  	s2 =	sadd.s32 s8, s2  }
0x2c1: {  	v7 =	vld [tilespmem:s2+$0x0];
	_ =	sdelay $0x2  }
0x2c2: {  	p0 =	sne.s32 s4, $0x1  }
.Ltmp48:
0x2c3: {  	_ = 	snop;
	(pc) =	sbr.rel @p0 .LBB2_60-.Ltmp48, $3  }
0x2c4: {  	vm1 =	vgt.f32 v7, v5  }
0x2c5: {  	v7 =	vmpcnt.ones.xlane vm1;
	_ =	sdelay $0x1  }
0x2c6: {  	s7 =	sadd.s32 $0x10, s7;
	s4 =	sadd.s32 $0xFFFFFFFF, s4;
	v4 =	vadd.s32 v4, v7  }
.Ltmp49:
0x2c7: {  	_ = 	snop;
	(pc) =	sbr.rel .LBB2_61-.Ltmp49, $1  }
0x2c8: {  	_ =	sdelay $0x3  }
.LBB2_45:
.Ltmp50:
0x2c9: {  	(pc) =	sbr.rel .LBB2_67-.Ltmp50, $2  }
0x2ca: {  	_ =	sdelay $0x2  }
0x2cb: {  	_ = 	snop  }
.LBB2_62:
0x2cc: {  	s5 =	rddreg [dreg:$0xb]  }
0x2cd: {  	s6 =	rddreg [dreg:$0xc];
	v3 =	vmov s5  }
0x2ce: {  	v2 =	vmov s6;
	_ =	sdelay $0x2  }
0x2cf: {  	s0 =	simm.s32 $0x0  }
0x2d0: {  	v4 =	vld.idx.msk [tilespmem:v3+s0+$0x0 ss:$0x1], $0xffff  }
0x2d1: {  	v5 =	vld.idx.msk [tilespmem:v2+s0+$0x0 ss:$0x1], $0xffff;
	_ =	sdelay $0x4  }
0x2d2: {  	v5 =	vxor.u32 $0x80000000, v5;
	(xrf0) =	vadd.scan.msk.s32 $0xffff, v4  }
0x2d3: {  	(xrf0) =	vmax.scan.msk.u32 $0xffff, v5;
	_ =	sdelay $0x4  }
0x2d4: {  	v4, _, _ =	vpop (xrf0)  }
0x2d5: {  	(v2sf) =	vpush v4, $0xF;
	v4, _, _ =	vpop (xrf0)  }
0x2d6: {  	(v2sf) =	vpush v4, $0xF;
	_ =	sdelay $0xd  }
0x2d7: {  	s31 =	spop (v2sf)  }
0x2d8: {  	s1 =	spop (v2sf)  }
0x2d9: {  	s0 =	sadd.s32 s1, s31  }
0x2da: {  	s0 =	sadd.s32 $0x80000000, s0  }
0x2db: {  	s7 =	rddreg [dreg:$0xd];
	v4 =	vmov s0  }
0x2dc: {  	s4 =	simm.s32 $0x10;
	[tilespmem:s7+$0x0] =	vst v4  }
0x2dd: {  	s1 =	simm.s32 $0x80;
	s0 =	smov.u32 s7;
	v4 =	vld.idx.msk [tilespmem:v3+s4+$0x0 ss:$0x1], $0xffff  }
.LBB2_63:
0x2de: {  	p0 =	seq.s32 s1, $0x1C0;
	v5 =	vld.idx.msk [tilespmem:v2+s4+$0x0 ss:$0x1], $0xffff;
	_ =	sdelay $0x5  }
0x2df: {  	v5 =	vxor.u32 $0x80000000, v5;
	(xrf0) =	vadd.scan.msk.s32 $0xffff, v4  }
0x2e0: {  	(xrf0) =	vmax.scan.msk.u32 $0xffff, v5;
	_ =	sdelay $0x4  }
0x2e1: {  	v4, _, _ =	vpop (xrf0)  }
0x2e2: {  	(v2sf) =	vpush v4, $0xF;
	v4, _, _ =	vpop (xrf0)  }
0x2e3: {  	(v2sf) =	vpush v4, $0xF;
	_ =	sdelay $0xd  }
0x2e4: {  	s2 =	spop (v2sf)  }
0x2e5: {  	s4 =	spop (v2sf)  }
.Ltmp51:
0x2e6: {  	s2 =	sadd.s32 s4, s2;
	(pc) =	sbr.rel @!p0 .LBB2_63-.Ltmp51, $4  }
0x2e7: {  	s2 =	sadd.s32 $0x80000000, s2  }
0x2e8: {  	s0 =	sadd.s32 $0x80, s0;
	v4 =	vmov s2  }
0x2e9: {  	s4 =	sshra.s32 s1, $0x2;
	[tilespmem:s0+$0x0] =	vst v4  }
0x2ea: {  	s1 =	sadd.s32 $0x40, s1;
	v4 =	vld.idx.msk [tilespmem:v3+s4+$0x0 ss:$0x1], $0xffff  }
0x2eb: {  	_ =	sdelay $0x3  }
0x2ec: {  	v2 =	vld.idx.msk [tilespmem:v2+s4+$0x0 ss:$0x1], $0xffff;
	_ =	sdelay $0x4  }
0x2ed: {  	(xrf0) =	vadd.scan.msk.s32 $0xffff, v4;
	v2 =	vxor.u32 $0x80000000, v2  }
0x2ee: {  	(xrf0) =	vmax.scan.msk.u32 $0xffff, v2;
	_ =	sdelay $0x4  }
0x2ef: {  	v2, _, _ =	vpop (xrf0)  }
0x2f0: {  	(v2sf) =	vpush v2, $0xF;
	v2, _, _ =	vpop (xrf0)  }
0x2f1: {  	(v2sf) =	vpush v2, $0xF;
	_ =	sdelay $0xd  }
0x2f2: {  	s1 =	spop (v2sf)  }
0x2f3: {  	s2 =	spop (v2sf)  }
0x2f4: {  	s1 =	sadd.s32 s2, s1  }
0x2f5: {  	s1 =	sadd.s32 $0x80000000, s1  }
0x2f6: {  	s0 =	sadd.s32 $0x80, s0;
	v2 =	vmov s1  }
0x2f7: {  	[tilespmem:s0+$0x0] =	vst v2  }
0x2f8: {  	p0 =	seq.s32 s20, $0x4  }
.Ltmp52:
0x2f9: {  	_ = 	snop;
	(pc) =	sbr.rel @!p0 .LBB2_3-.Ltmp52, $2  }
0x2fa: {  	_ =	sdelay $0x2  }
0x2fb: {  	s5 =	sadd.s32 $0x80, s5;
	s6 =	sadd.s32 $0x80, s6;
	s7 =	sadd.s32 $0x400, s7  }
0x2fc: {  	_ =	swait.ge [sflag:s14], $0xB800  }
0x2fd: {  	[sflag:s14] =	ssyncset.done $0x0  }
0x2fe: {  	s1 =	simm.s32 $0x18680;
	s0 =	rddreg [dreg:$0x8];
	[sflag:s14] =	ssyncadd.s32 $0xFFFF4800  }
0x2ff: {  	[hbm4b:s0+s3] =	stream.linear.scatter [tilespmem:s1], [sflag:$0x2], $0x1000, $0x38;
	[tilespmem:$0x19680] =	vst v63  }
0x300: {  	s1 =	simm.s32 $0x2  }
0x301: {  	_ =	swait.ge [sflag:s1], $0x1000  }
0x302: {  	s2 =	rddreg [dreg:$0xa]  }
0x303: {  	s31 =	rddreg [dreg:$0x9];
	s2 =	sadd.s32 $0x1, s2  }
0x304: {  	p0 =	sne.s32 s2, s31  }
.Ltmp53:
0x305: {  	_ = 	snop;
	(pc) =	sbr.rel @p0 .LBB2_1-.Ltmp53, $3  }
0x306: {  	_ =	sdelay $0x1  }
0x307: {  	[sflag:s1] =	ssyncset.done $0x0  }
0x308: {  	[sflag:s1] =	ssyncadd.s32 $0xFFFFF000  }
0x309: {  	_ =	sfence.sel $0x180000  }
0x30a: {  	[bflag:$0x0] =	sbarrier.arrive $0xFFFF  }
0x30b: {  	_ =	strace $0x9000004A  }
0x30c: {  	s0 =	stileid.u32;
	[bflag:$0x2] =	sbarrier.arrive $0xFFFF  }
0x30d: {  	p0 =	sne.s32 s0, $0x0;
	s0 =	rddreg [dreg:$0x2]  }
0x30e: {  	s0 =	sadd.s32 @!p0 $0x100000, s0  }
0x30f: {  	[sflag:s0] =	ssyncadd.tile.s32 @!p0 $0x1;
	_ =	shalt  }
.Lfunc_end2:
_tile_overlayer_lowered:
.L_overlay_start_2:
0x310: {  	(tag) =	ssettag $0x2  }
0x311: {  	s0 =	rddreg [dreg:$0x0];
	s2 =	stileid.u32  }
0x312: {  	s1 =	rddreg [dreg:$0x1];
	p0 =	sne.s32 s2, $0x0  }
0x313: {  	s3 =	rddreg [dreg:$0x2];
	[bflag:$0x3] =	sbarrier.arrive $0xFFFF;
	s2 =	simm.s32 @!p0 $0x1C02  }
0x314: {  	[timem:s3], [sflag:s2] =	dma.local @!p0 [hbm:s0], s1  }
0x315: {  	s0 =	simm.s32 @!p0 $0x2  }
0x316: {  	_ =	swait.ge @!p0 [sflag:s0], s1  }
0x317: {  	s1 =	ssub.s32 @!p0 $0x0, s1;
	[sflag:s0] =	ssyncset.done @!p0 $0x0  }
0x318: {  	[sflag:s0] =	ssyncadd.s32 @!p0 s1  }
0x319: {  	[bflag:$0x3] =	sbarrier.arrive $0xFFFF  }
0x31a: {  	_ =	shalt  }

</sc_bundles>
